<compile_context>
chip_gen: v7x
topology: tpu7x:2x2x1
jax: 0.10.2.dev20260603
libtpu: 0.0.44.dev20260713+nightly
codegen_flags: <defaults>
</compile_context>

<pallas_src>
import functools

import jax
import jax.numpy as jnp
from jax import lax
from jax.experimental import pallas as pl
from jax.experimental.pallas import tpu as pltpu
from jax.experimental.pallas import tpu_sc as plsc

N_GRAPH, N_NODE, N_FEAT = 1024, 128, 9
HIDDEN = 64
NUM_WORKERS = 32
GRAPHS_PER_WORKER = N_GRAPH // NUM_WORKERS
LANES = 16
VPR = HIDDEN // LANES
HALF = N_NODE // 2
ROWS_PER_HALF = HALF * N_FEAT


def _sc_kernel():
    mesh = plsc.VectorSubcoreMesh(core_axis_name="c", subcore_axis_name="s")

    @functools.partial(
        pl.kernel,
        mesh=mesh,
        out_type=jax.ShapeDtypeStruct((N_GRAPH, N_NODE + 1, HIDDEN), jnp.float32),
        scratch_types=[
            pltpu.VMEM((2, N_FEAT, HALF), jnp.int32),
            pltpu.VMEM((2, 2, HALF), jnp.int32),
            pltpu.VMEM((2, ROWS_PER_HALF, HIDDEN), jnp.float32),
            pltpu.VMEM((2, 2, HALF, HIDDEN), jnp.float32),
            pltpu.VMEM((N_NODE + 1, HIDDEN), jnp.float32),
            pltpu.SemaphoreType.DMA,
            pltpu.SemaphoreType.DMA,
            pltpu.SemaphoreType.DMA,
            pltpu.SemaphoreType.DMA,
            pltpu.SemaphoreType.DMA,
        ],
        compiler_params=pltpu.CompilerParams(use_tc_tiling_on_sc=False),
    )
    def k(x_p, in_deg, out_deg, atom_t, in_t, out_t, token,
          out, idxa, idxd, rows, drows, obuf, sem0, sem1, semw, semi0, semi1):
        wid = lax.axis_index("s") * 2 + lax.axis_index("c")
        sems = (sem0, sem1)
        semis = (semi0, semi1)

        def load_idx(g, s, h):
            semi = semis[s]
            for j in range(N_FEAT):
                pltpu.async_copy(x_p.at[j, g, pl.ds(h * HALF, HALF)],
                                 idxa.at[s, j], semi)
            pltpu.async_copy(in_deg.at[g, pl.ds(h * HALF, HALF)],
                             idxd.at[s, 0], semi)
            pltpu.async_copy(out_deg.at[g, pl.ds(h * HALF, HALF)],
                             idxd.at[s, 1], semi)
            for j in range(N_FEAT):
                pltpu.make_async_copy(x_p.at[j, g, pl.ds(h * HALF, HALF)],
                                      idxa.at[s, j], semi).wait()
            pltpu.make_async_copy(in_deg.at[g, pl.ds(h * HALF, HALF)],
                                  idxd.at[s, 0], semi).wait()
            pltpu.make_async_copy(out_deg.at[g, pl.ds(h * HALF, HALF)],
                                  idxd.at[s, 1], semi).wait()

        def fire(s):
            sem = sems[s]
            for j in range(N_FEAT):
                pltpu.async_copy(atom_t.at[idxa.at[s, j]],
                                 rows.at[s, pl.ds(j * HALF, HALF)], sem)
            pltpu.async_copy(in_t.at[idxd.at[s, 0]], drows.at[s, 0], sem)
            pltpu.async_copy(out_t.at[idxd.at[s, 1]], drows.at[s, 1], sem)

        def drain(s):
            sem = sems[s]
            for j in range(N_FEAT):
                pltpu.make_async_copy(atom_t.at[idxa.at[s, j]],
                                      rows.at[s, pl.ds(j * HALF, HALF)], sem).wait()
            pltpu.make_async_copy(in_t.at[idxd.at[s, 0]], drows.at[s, 0], sem).wait()
            pltpu.make_async_copy(out_t.at[idxd.at[s, 1]], drows.at[s, 1], sem).wait()

        def sum_half(s, h):
            base = h * HALF + 1

            def per_node(n, nc):
                cols = []
                for v in range(VPR):
                    sl = pl.ds(v * LANES, LANES)
                    vals = [rows[s, j * HALF + n, sl] for j in range(N_FEAT)]
                    vals.append(drows[s, 0, n, sl])
                    vals.append(drows[s, 1, n, sl])
                    cols.append(vals)
                outs = []
                for vals in cols:
                    while len(vals) > 1:
                        nxt = [vals[i] + vals[i + 1]
                               for i in range(0, len(vals) - 1, 2)]
                        if len(vals) % 2:
                            nxt.append(vals[-1])
                        vals = nxt
                    outs.append(vals[0])
                for v in range(VPR):
                    obuf[base + n, pl.ds(v * LANES, LANES)] = outs[v]
                return nc

            lax.fori_loop(0, HALF, per_node, 0, unroll=2)

        pltpu.sync_copy(token, obuf.at[pl.ds(0, 1)])
        g0 = wid * GRAPHS_PER_WORKER
        load_idx(g0, 0, 0)
        fire(0)

        def per_graph(t, carry):
            g = g0 + t
            load_idx(g, 1, 1)
            fire(1)
            drain(0)

            @pl.when(t > 0)
            def _():
                pltpu.make_async_copy(obuf, out.at[g - 1], semw).wait()

            sum_half(0, 0)

            @pl.when(t < GRAPHS_PER_WORKER - 1)
            def _():
                load_idx(g + 1, 0, 0)
                fire(0)

            drain(1)
            sum_half(1, 1)
            pltpu.async_copy(obuf, out.at[g], semw)
            return carry

        lax.fori_loop(0, GRAPHS_PER_WORKER, per_graph, 0)
        pltpu.make_async_copy(
            obuf, out.at[g0 + GRAPHS_PER_WORKER - 1], semw).wait()

    return k


def kernel(x, in_degree, out_degree, atom_table, in_table, out_table, graph_token_w):
    x_p = jnp.transpose(x.astype(jnp.int32), (2, 0, 1))
    return _sc_kernel()(
        x_p,
        in_degree.astype(jnp.int32),
        out_degree.astype(jnp.int32),
        atom_table,
        in_table,
        out_table,
        graph_token_w,
    )

# --- scband reference (transcript-rebuilt; emitter-appended) ---
"""Pipeline reference for scband-graph-node-feature-48232482735003 (READ-ONLY COPY).

The authoritative reference and input builder live on the scoring server;
editing this copy changes nothing except your own understanding.
"""

import jax, jax.numpy as jnp
import numpy as np

N_GRAPH, N_NODE, N_FEAT = 1024, 128, 9
NUM_ATOMS, NUM_IN_DEG, NUM_OUT_DEG, HIDDEN = 100000, 512, 512, 64


def setup_inputs(seed: int = 0) -> dict:
    key = jax.random.key(seed)
    ks = jax.random.split(key, 8)
    x = jax.random.randint(ks[0], (N_GRAPH, N_NODE, N_FEAT), 0, NUM_ATOMS + 1)
    in_degree = jax.random.randint(ks[1], (N_GRAPH, N_NODE), 0, NUM_IN_DEG)
    out_degree = jax.random.randint(ks[2], (N_GRAPH, N_NODE), 0, NUM_OUT_DEG)
    # learned parameters, init like torch: normal(0, 0.02), padding_idx=0 row zeroed
    atom_table = (jax.random.normal(ks[3], (NUM_ATOMS + 1, HIDDEN), dtype=jnp.float32) * 0.02).at[0].set(0.0)
    in_table = (jax.random.normal(ks[4], (NUM_IN_DEG, HIDDEN), dtype=jnp.float32) * 0.02).at[0].set(0.0)
    out_table = (jax.random.normal(ks[5], (NUM_OUT_DEG, HIDDEN), dtype=jnp.float32) * 0.02).at[0].set(0.0)
    graph_token_w = jax.random.normal(ks[6], (1, HIDDEN), dtype=jnp.float32) * 0.02
    return {
        "x": x,
        "in_degree": in_degree,
        "out_degree": out_degree,
        "atom_table": atom_table,
        "in_table": in_table,
        "out_table": out_table,
        "graph_token_w": graph_token_w,
    }


def reference(x, in_degree, out_degree, atom_table, in_table, out_table, graph_token_w):
    n_graph = x.shape[0]
    # atom_encoder(x).sum(dim=-2)
    node_feature = jnp.take(atom_table, x, axis=0).sum(axis=-2)
    # + degree encoders
    node_feature = node_feature + jnp.take(in_table, in_degree, axis=0) + jnp.take(out_table, out_degree, axis=0)
    # graph token prepended
    graph_token_feature = jnp.broadcast_to(graph_token_w[None, :, :], (n_graph, 1, graph_token_w.shape[-1]))
    graph_node_feature = jnp.concatenate([graph_token_feature, node_feature], axis=1)
    return graph_node_feature

if __name__ == "__main__":
    import jax
    _d = setup_inputs()
    print(jax.jit(kernel)(*tuple(_d.values())))

</pallas_src>

<mosaic_0001>
#map = affine_map<(d0, d1) -> (0, 0, 0)>
#map1 = affine_map<(d0, d1) -> (0, 0)>
module attributes {stable_mosaic.version = 14 : i64} {
  func.func @k(%arg0: i32, %arg1: i32, %arg2: memref<9x1024x128xi32, #tpu.memory_space<hbm>>, %arg3: memref<1024x128xi32, #tpu.memory_space<hbm>>, %arg4: memref<1024x128xi32, #tpu.memory_space<hbm>>, %arg5: memref<100001x64xf32, #tpu.memory_space<hbm>>, %arg6: memref<512x64xf32, #tpu.memory_space<hbm>>, %arg7: memref<512x64xf32, #tpu.memory_space<hbm>>, %arg8: memref<1x64xf32, #tpu.memory_space<hbm>>, %arg9: memref<1024x129x64xf32, #tpu.memory_space<hbm>>, %arg10: memref<2x9x64xi32, #tpu.memory_space<vmem>>, %arg11: memref<2x2x64xi32, #tpu.memory_space<vmem>>, %arg12: memref<2x576x64xf32, #tpu.memory_space<vmem>>, %arg13: memref<2x2x64x64xf32, #tpu.memory_space<vmem>>, %arg14: memref<129x64xf32, #tpu.memory_space<vmem>>, %arg15: memref<!tpu.dma_semaphore, #tpu.memory_space<semaphore_mem>>, %arg16: memref<!tpu.dma_semaphore, #tpu.memory_space<semaphore_mem>>, %arg17: memref<!tpu.dma_semaphore, #tpu.memory_space<semaphore_mem>>, %arg18: memref<!tpu.dma_semaphore, #tpu.memory_space<semaphore_mem>>, %arg19: memref<!tpu.dma_semaphore, #tpu.memory_space<semaphore_mem>>) attributes {dimension_semantics = [#tpu.dimension_semantics<core_parallel>, #tpu.dimension_semantics<subcore_parallel>], iteration_bounds = array<i64: 2, 16>, scalar_prefetch = 0 : i64, scratch_operands = 10 : i64, tpu.core_type = #tpu.core_type<sc_vector_subcore>, window_params = [{transform_indices = #map}, {transform_indices = #map1}, {transform_indices = #map1}, {transform_indices = #map1}, {transform_indices = #map1}, {transform_indices = #map1}, {transform_indices = #map1}, {transform_indices = #map}]} {
    %mul3A = arith.constant 2 : i32
    %mul3A_0 = arith.muli %arg1, %mul3A : i32
    %add3A = arith.addi %mul3A_0, %arg0 : i32
    "tpu.region"() ({
      %run_scoped3A = tpu.sem_alloc : memref<!tpu.dma_semaphore, #tpu.memory_space<semaphore_mem>>
      %dma_start3A_488 = arith.constant 0 : i32
      %dma_start3A_489 = arith.constant 0 : i32
      %dma_start3A_490 = tpu.memref_slice %arg14[%dma_start3A_488, %dma_start3A_489] : memref<129x64xf32, #tpu.memory_space<vmem>> -> memref<1x64xf32, #tpu.memory_space<vmem>>
      %dma_start3A_491 = arith.constant 0 : i32
      %dma_start3A_492 = arith.constant 0 : i32
      %dma_start3A_493 = tpu.memref_slice %arg14[%dma_start3A_491, %dma_start3A_492] : memref<129x64xf32, #tpu.memory_space<vmem>> -> memref<1x64xf32, #tpu.memory_space<vmem>>
      tpu.enqueue_dma source(%arg8 : memref<1x64xf32, #tpu.memory_space<hbm>>) target(%dma_start3A_493 : memref<1x64xf32, #tpu.memory_space<vmem>>) target_semaphore(%run_scoped3A : memref<!tpu.dma_semaphore, #tpu.memory_space<semaphore_mem>>)
      %dma_wait3A_494 = arith.constant 0 : i32
      %dma_wait3A_495 = arith.constant 0 : i32
      %dma_wait3A_496 = tpu.memref_slice %arg14[%dma_wait3A_494, %dma_wait3A_495] : memref<129x64xf32, #tpu.memory_space<vmem>> -> memref<1x64xf32, #tpu.memory_space<vmem>>
      %dma_wait3A_497 = arith.constant 0 : i32
      %dma_wait3A_498 = arith.constant 0 : i32
      %dma_wait3A_499 = tpu.memref_slice %arg14[%dma_wait3A_497, %dma_wait3A_498] : memref<129x64xf32, #tpu.memory_space<vmem>> -> memref<1x64xf32, #tpu.memory_space<vmem>>
      tpu.wait_dma2 semaphore(%run_scoped3A : memref<!tpu.dma_semaphore, #tpu.memory_space<semaphore_mem>>) src(%arg8 : memref<1x64xf32, #tpu.memory_space<hbm>>) dst(%dma_wait3A_499 : memref<1x64xf32, #tpu.memory_space<vmem>>)
      tpu.yield
    }) : () -> ()
    %mul3A_1 = arith.constant 32 : i32
    %mul3A_2 = arith.muli %add3A, %mul3A_1 : i32
    %dma_start3A = arith.constant 0 : i32
    %dma_start3A_3 = arith.constant 0 : i32
    %dma_start3A_4 = arith.constant 0 : i32
    %dma_start3A_5 = arith.constant 0 : i32
    %dma_start3A_6 = tpu.memref_slice %arg10[%dma_start3A_3, %dma_start3A_4, %dma_start3A_5] : memref<2x9x64xi32, #tpu.memory_space<vmem>> -> memref<1x1x64xi32, #tpu.memory_space<vmem>>
    %dma_start3A_7 = tpu.memref_squeeze %dma_start3A_6 : memref<1x1x64xi32, #tpu.memory_space<vmem>> -> memref<64xi32, #tpu.memory_space<vmem>>
    %dma_start3A_8 = arith.constant 0 : i32
    %dma_start3A_9 = tpu.memref_slice %arg2[%dma_start3A, %mul3A_2, %dma_start3A_8] : memref<9x1024x128xi32, #tpu.memory_space<hbm>> -> memref<1x1x64xi32, #tpu.memory_space<hbm>>
    %dma_start3A_10 = tpu.memref_squeeze %dma_start3A_9 : memref<1x1x64xi32, #tpu.memory_space<hbm>> -> memref<64xi32, #tpu.memory_space<hbm>>
    %dma_start3A_11 = arith.constant 0 : i32
    %dma_start3A_12 = tpu.memref_slice %arg10[%dma_start3A_3, %dma_start3A_4, %dma_start3A_11] : memref<2x9x64xi32, #tpu.memory_space<vmem>> -> memref<1x1x64xi32, #tpu.memory_space<vmem>>
    %dma_start3A_13 = tpu.memref_squeeze %dma_start3A_12 : memref<1x1x64xi32, #tpu.memory_space<vmem>> -> memref<64xi32, #tpu.memory_space<vmem>>
    %dma_start3A_14 = arith.constant 0 : i32
    %dma_start3A_15 = tpu.memref_slice %arg2[%dma_start3A, %mul3A_2, %dma_start3A_14] : memref<9x1024x128xi32, #tpu.memory_space<hbm>> -> memref<1x1x64xi32, #tpu.memory_space<hbm>>
    %dma_start3A_16 = tpu.memref_squeeze %dma_start3A_15 : memref<1x1x64xi32, #tpu.memory_space<hbm>> -> memref<64xi32, #tpu.memory_space<hbm>>
    tpu.enqueue_dma source(%dma_start3A_16 : memref<64xi32, #tpu.memory_space<hbm>>) target(%dma_start3A_13 : memref<64xi32, #tpu.memory_space<vmem>>) target_semaphore(%arg18 : memref<!tpu.dma_semaphore, #tpu.memory_space<semaphore_mem>>)
    %dma_start3A_17 = arith.constant 1 : i32
    %dma_start3A_18 = arith.constant 0 : i32
    %dma_start3A_19 = arith.constant 1 : i32
    %dma_start3A_20 = arith.constant 0 : i32
    %dma_start3A_21 = tpu.memref_slice %arg10[%dma_start3A_18, %dma_start3A_19, %dma_start3A_20] : memref<2x9x64xi32, #tpu.memory_space<vmem>> -> memref<1x1x64xi32, #tpu.memory_space<vmem>>
    %dma_start3A_22 = tpu.memref_squeeze %dma_start3A_21 : memref<1x1x64xi32, #tpu.memory_space<vmem>> -> memref<64xi32, #tpu.memory_space<vmem>>
    %dma_start3A_23 = arith.constant 0 : i32
    %dma_start3A_24 = tpu.memref_slice %arg2[%dma_start3A_17, %mul3A_2, %dma_start3A_23] : memref<9x1024x128xi32, #tpu.memory_space<hbm>> -> memref<1x1x64xi32, #tpu.memory_space<hbm>>
    %dma_start3A_25 = tpu.memref_squeeze %dma_start3A_24 : memref<1x1x64xi32, #tpu.memory_space<hbm>> -> memref<64xi32, #tpu.memory_space<hbm>>
    %dma_start3A_26 = arith.constant 0 : i32
    %dma_start3A_27 = tpu.memref_slice %arg10[%dma_start3A_18, %dma_start3A_19, %dma_start3A_26] : memref<2x9x64xi32, #tpu.memory_space<vmem>> -> memref<1x1x64xi32, #tpu.memory_space<vmem>>
    %dma_start3A_28 = tpu.memref_squeeze %dma_start3A_27 : memref<1x1x64xi32, #tpu.memory_space<vmem>> -> memref<64xi32, #tpu.memory_space<vmem>>
    %dma_start3A_29 = arith.constant 0 : i32
    %dma_start3A_30 = tpu.memref_slice %arg2[%dma_start3A_17, %mul3A_2, %dma_start3A_29] : memref<9x1024x128xi32, #tpu.memory_space<hbm>> -> memref<1x1x64xi32, #tpu.memory_space<hbm>>
    %dma_start3A_31 = tpu.memref_squeeze %dma_start3A_30 : memref<1x1x64xi32, #tpu.memory_space<hbm>> -> memref<64xi32, #tpu.memory_space<hbm>>
    tpu.enqueue_dma source(%dma_start3A_31 : memref<64xi32, #tpu.memory_space<hbm>>) target(%dma_start3A_28 : memref<64xi32, #tpu.memory_space<vmem>>) target_semaphore(%arg18 : memref<!tpu.dma_semaphore, #tpu.memory_space<semaphore_mem>>)
    %dma_start3A_32 = arith.constant 2 : i32
    %dma_start3A_33 = arith.constant 0 : i32
    %dma_start3A_34 = arith.constant 2 : i32
    %dma_start3A_35 = arith.constant 0 : i32
    %dma_start3A_36 = tpu.memref_slice %arg10[%dma_start3A_33, %dma_start3A_34, %dma_start3A_35] : memref<2x9x64xi32, #tpu.memory_space<vmem>> -> memref<1x1x64xi32, #tpu.memory_space<vmem>>
    %dma_start3A_37 = tpu.memref_squeeze %dma_start3A_36 : memref<1x1x64xi32, #tpu.memory_space<vmem>> -> memref<64xi32, #tpu.memory_space<vmem>>
    %dma_start3A_38 = arith.constant 0 : i32
    %dma_start3A_39 = tpu.memref_slice %arg2[%dma_start3A_32, %mul3A_2, %dma_start3A_38] : memref<9x1024x128xi32, #tpu.memory_space<hbm>> -> memref<1x1x64xi32, #tpu.memory_space<hbm>>
    %dma_start3A_40 = tpu.memref_squeeze %dma_start3A_39 : memref<1x1x64xi32, #tpu.memory_space<hbm>> -> memref<64xi32, #tpu.memory_space<hbm>>
    %dma_start3A_41 = arith.constant 0 : i32
    %dma_start3A_42 = tpu.memref_slice %arg10[%dma_start3A_33, %dma_start3A_34, %dma_start3A_41] : memref<2x9x64xi32, #tpu.memory_space<vmem>> -> memref<1x1x64xi32, #tpu.memory_space<vmem>>
    %dma_start3A_43 = tpu.memref_squeeze %dma_start3A_42 : memref<1x1x64xi32, #tpu.memory_space<vmem>> -> memref<64xi32, #tpu.memory_space<vmem>>
    %dma_start3A_44 = arith.constant 0 : i32
    %dma_start3A_45 = tpu.memref_slice %arg2[%dma_start3A_32, %mul3A_2, %dma_start3A_44] : memref<9x1024x128xi32, #tpu.memory_space<hbm>> -> memref<1x1x64xi32, #tpu.memory_space<hbm>>
    %dma_start3A_46 = tpu.memref_squeeze %dma_start3A_45 : memref<1x1x64xi32, #tpu.memory_space<hbm>> -> memref<64xi32, #tpu.memory_space<hbm>>
    tpu.enqueue_dma source(%dma_start3A_46 : memref<64xi32, #tpu.memory_space<hbm>>) target(%dma_start3A_43 : memref<64xi32, #tpu.memory_space<vmem>>) target_semaphore(%arg18 : memref<!tpu.dma_semaphore, #tpu.memory_space<semaphore_mem>>)
    %dma_start3A_47 = arith.constant 3 : i32
    %dma_start3A_48 = arith.constant 0 : i32
    %dma_start3A_49 = arith.constant 3 : i32
    %dma_start3A_50 = arith.constant 0 : i32
    %dma_start3A_51 = tpu.memref_slice %arg10[%dma_start3A_48, %dma_start3A_49, %dma_start3A_50] : memref<2x9x64xi32, #tpu.memory_space<vmem>> -> memref<1x1x64xi32, #tpu.memory_space<vmem>>
    %dma_start3A_52 = tpu.memref_squeeze %dma_start3A_51 : memref<1x1x64xi32, #tpu.memory_space<vmem>> -> memref<64xi32, #tpu.memory_space<vmem>>
    %dma_start3A_53 = arith.constant 0 : i32
    %dma_start3A_54 = tpu.memref_slice %arg2[%dma_start3A_47, %mul3A_2, %dma_start3A_53] : memref<9x1024x128xi32, #tpu.memory_space<hbm>> -> memref<1x1x64xi32, #tpu.memory_space<hbm>>
    %dma_start3A_55 = tpu.memref_squeeze %dma_start3A_54 : memref<1x1x64xi32, #tpu.memory_space<hbm>> -> memref<64xi32, #tpu.memory_space<hbm>>
    %dma_start3A_56 = arith.constant 0 : i32
    %dma_start3A_57 = tpu.memref_slice %arg10[%dma_start3A_48, %dma_start3A_49, %dma_start3A_56] : memref<2x9x64xi32, #tpu.memory_space<vmem>> -> memref<1x1x64xi32, #tpu.memory_space<vmem>>
    %dma_start3A_58 = tpu.memref_squeeze %dma_start3A_57 : memref<1x1x64xi32, #tpu.memory_space<vmem>> -> memref<64xi32, #tpu.memory_space<vmem>>
    %dma_start3A_59 = arith.constant 0 : i32
    %dma_start3A_60 = tpu.memref_slice %arg2[%dma_start3A_47, %mul3A_2, %dma_start3A_59] : memref<9x1024x128xi32, #tpu.memory_space<hbm>> -> memref<1x1x64xi32, #tpu.memory_space<hbm>>
    %dma_start3A_61 = tpu.memref_squeeze %dma_start3A_60 : memref<1x1x64xi32, #tpu.memory_space<hbm>> -> memref<64xi32, #tpu.memory_space<hbm>>
    tpu.enqueue_dma source(%dma_start3A_61 : memref<64xi32, #tpu.memory_space<hbm>>) target(%dma_start3A_58 : memref<64xi32, #tpu.memory_space<vmem>>) target_semaphore(%arg18 : memref<!tpu.dma_semaphore, #tpu.memory_space<semaphore_mem>>)
    %dma_start3A_62 = arith.constant 4 : i32
    %dma_start3A_63 = arith.constant 0 : i32
    %dma_start3A_64 = arith.constant 4 : i32
    %dma_start3A_65 = arith.constant 0 : i32
    %dma_start3A_66 = tpu.memref_slice %arg10[%dma_start3A_63, %dma_start3A_64, %dma_start3A_65] : memref<2x9x64xi32, #tpu.memory_space<vmem>> -> memref<1x1x64xi32, #tpu.memory_space<vmem>>
    %dma_start3A_67 = tpu.memref_squeeze %dma_start3A_66 : memref<1x1x64xi32, #tpu.memory_space<vmem>> -> memref<64xi32, #tpu.memory_space<vmem>>
    %dma_start3A_68 = arith.constant 0 : i32
    %dma_start3A_69 = tpu.memref_slice %arg2[%dma_start3A_62, %mul3A_2, %dma_start3A_68] : memref<9x1024x128xi32, #tpu.memory_space<hbm>> -> memref<1x1x64xi32, #tpu.memory_space<hbm>>
    %dma_start3A_70 = tpu.memref_squeeze %dma_start3A_69 : memref<1x1x64xi32, #tpu.memory_space<hbm>> -> memref<64xi32, #tpu.memory_space<hbm>>
    %dma_start3A_71 = arith.constant 0 : i32
    %dma_start3A_72 = tpu.memref_slice %arg10[%dma_start3A_63, %dma_start3A_64, %dma_start3A_71] : memref<2x9x64xi32, #tpu.memory_space<vmem>> -> memref<1x1x64xi32, #tpu.memory_space<vmem>>
    %dma_start3A_73 = tpu.memref_squeeze %dma_start3A_72 : memref<1x1x64xi32, #tpu.memory_space<vmem>> -> memref<64xi32, #tpu.memory_space<vmem>>
    %dma_start3A_74 = arith.constant 0 : i32
    %dma_start3A_75 = tpu.memref_slice %arg2[%dma_start3A_62, %mul3A_2, %dma_start3A_74] : memref<9x1024x128xi32, #tpu.memory_space<hbm>> -> memref<1x1x64xi32, #tpu.memory_space<hbm>>
    %dma_start3A_76 = tpu.memref_squeeze %dma_start3A_75 : memref<1x1x64xi32, #tpu.memory_space<hbm>> -> memref<64xi32, #tpu.memory_space<hbm>>
    tpu.enqueue_dma source(%dma_start3A_76 : memref<64xi32, #tpu.memory_space<hbm>>) target(%dma_start3A_73 : memref<64xi32, #tpu.memory_space<vmem>>) target_semaphore(%arg18 : memref<!tpu.dma_semaphore, #tpu.memory_space<semaphore_mem>>)
    %dma_start3A_77 = arith.constant 5 : i32
    %dma_start3A_78 = arith.constant 0 : i32
    %dma_start3A_79 = arith.constant 5 : i32
    %dma_start3A_80 = arith.constant 0 : i32
    %dma_start3A_81 = tpu.memref_slice %arg10[%dma_start3A_78, %dma_start3A_79, %dma_start3A_80] : memref<2x9x64xi32, #tpu.memory_space<vmem>> -> memref<1x1x64xi32, #tpu.memory_space<vmem>>
    %dma_start3A_82 = tpu.memref_squeeze %dma_start3A_81 : memref<1x1x64xi32, #tpu.memory_space<vmem>> -> memref<64xi32, #tpu.memory_space<vmem>>
    %dma_start3A_83 = arith.constant 0 : i32
    %dma_start3A_84 = tpu.memref_slice %arg2[%dma_start3A_77, %mul3A_2, %dma_start3A_83] : memref<9x1024x128xi32, #tpu.memory_space<hbm>> -> memref<1x1x64xi32, #tpu.memory_space<hbm>>
    %dma_start3A_85 = tpu.memref_squeeze %dma_start3A_84 : memref<1x1x64xi32, #tpu.memory_space<hbm>> -> memref<64xi32, #tpu.memory_space<hbm>>
    %dma_start3A_86 = arith.constant 0 : i32
    %dma_start3A_87 = tpu.memref_slice %arg10[%dma_start3A_78, %dma_start3A_79, %dma_start3A_86] : memref<2x9x64xi32, #tpu.memory_space<vmem>> -> memref<1x1x64xi32, #tpu.memory_space<vmem>>
    %dma_start3A_88 = tpu.memref_squeeze %dma_start3A_87 : memref<1x1x64xi32, #tpu.memory_space<vmem>> -> memref<64xi32, #tpu.memory_space<vmem>>
    %dma_start3A_89 = arith.constant 0 : i32
    %dma_start3A_90 = tpu.memref_slice %arg2[%dma_start3A_77, %mul3A_2, %dma_start3A_89] : memref<9x1024x128xi32, #tpu.memory_space<hbm>> -> memref<1x1x64xi32, #tpu.memory_space<hbm>>
    %dma_start3A_91 = tpu.memref_squeeze %dma_start3A_90 : memref<1x1x64xi32, #tpu.memory_space<hbm>> -> memref<64xi32, #tpu.memory_space<hbm>>
    tpu.enqueue_dma source(%dma_start3A_91 : memref<64xi32, #tpu.memory_space<hbm>>) target(%dma_start3A_88 : memref<64xi32, #tpu.memory_space<vmem>>) target_semaphore(%arg18 : memref<!tpu.dma_semaphore, #tpu.memory_space<semaphore_mem>>)
    %dma_start3A_92 = arith.constant 6 : i32
    %dma_start3A_93 = arith.constant 0 : i32
    %dma_start3A_94 = arith.constant 6 : i32
    %dma_start3A_95 = arith.constant 0 : i32
    %dma_start3A_96 = tpu.memref_slice %arg10[%dma_start3A_93, %dma_start3A_94, %dma_start3A_95] : memref<2x9x64xi32, #tpu.memory_space<vmem>> -> memref<1x1x64xi32, #tpu.memory_space<vmem>>
    %dma_start3A_97 = tpu.memref_squeeze %dma_start3A_96 : memref<1x1x64xi32, #tpu.memory_space<vmem>> -> memref<64xi32, #tpu.memory_space<vmem>>
    %dma_start3A_98 = arith.constant 0 : i32
    %dma_start3A_99 = tpu.memref_slice %arg2[%dma_start3A_92, %mul3A_2, %dma_start3A_98] : memref<9x1024x128xi32, #tpu.memory_space<hbm>> -> memref<1x1x64xi32, #tpu.memory_space<hbm>>
    %dma_start3A_100 = tpu.memref_squeeze %dma_start3A_99 : memref<1x1x64xi32, #tpu.memory_space<hbm>> -> memref<64xi32, #tpu.memory_space<hbm>>
    %dma_start3A_101 = arith.constant 0 : i32
    %dma_start3A_102 = tpu.memref_slice %arg10[%dma_start3A_93, %dma_start3A_94, %dma_start3A_101] : memref<2x9x64xi32, #tpu.memory_space<vmem>> -> memref<1x1x64xi32, #tpu.memory_space<vmem>>
    %dma_start3A_103 = tpu.memref_squeeze %dma_start3A_102 : memref<1x1x64xi32, #tpu.memory_space<vmem>> -> memref<64xi32, #tpu.memory_space<vmem>>
    %dma_start3A_104 = arith.constant 0 : i32
    %dma_start3A_105 = tpu.memref_slice %arg2[%dma_start3A_92, %mul3A_2, %dma_start3A_104] : memref<9x1024x128xi32, #tpu.memory_space<hbm>> -> memref<1x1x64xi32, #tpu.memory_space<hbm>>
    %dma_start3A_106 = tpu.memref_squeeze %dma_start3A_105 : memref<1x1x64xi32, #tpu.memory_space<hbm>> -> memref<64xi32, #tpu.memory_space<hbm>>
    tpu.enqueue_dma source(%dma_start3A_106 : memref<64xi32, #tpu.memory_space<hbm>>) target(%dma_start3A_103 : memref<64xi32, #tpu.memory_space<vmem>>) target_semaphore(%arg18 : memref<!tpu.dma_semaphore, #tpu.memory_space<semaphore_mem>>)
    %dma_start3A_107 = arith.constant 7 : i32
    %dma_start3A_108 = arith.constant 0 : i32
    %dma_start3A_109 = arith.constant 7 : i32
    %dma_start3A_110 = arith.constant 0 : i32
    %dma_start3A_111 = tpu.memref_slice %arg10[%dma_start3A_108, %dma_start3A_109, %dma_start3A_110] : memref<2x9x64xi32, #tpu.memory_space<vmem>> -> memref<1x1x64xi32, #tpu.memory_space<vmem>>
    %dma_start3A_112 = tpu.memref_squeeze %dma_start3A_111 : memref<1x1x64xi32, #tpu.memory_space<vmem>> -> memref<64xi32, #tpu.memory_space<vmem>>
    %dma_start3A_113 = arith.constant 0 : i32
    %dma_start3A_114 = tpu.memref_slice %arg2[%dma_start3A_107, %mul3A_2, %dma_start3A_113] : memref<9x1024x128xi32, #tpu.memory_space<hbm>> -> memref<1x1x64xi32, #tpu.memory_space<hbm>>
    %dma_start3A_115 = tpu.memref_squeeze %dma_start3A_114 : memref<1x1x64xi32, #tpu.memory_space<hbm>> -> memref<64xi32, #tpu.memory_space<hbm>>
    %dma_start3A_116 = arith.constant 0 : i32
    %dma_start3A_117 = tpu.memref_slice %arg10[%dma_start3A_108, %dma_start3A_109, %dma_start3A_116] : memref<2x9x64xi32, #tpu.memory_space<vmem>> -> memref<1x1x64xi32, #tpu.memory_space<vmem>>
    %dma_start3A_118 = tpu.memref_squeeze %dma_start3A_117 : memref<1x1x64xi32, #tpu.memory_space<vmem>> -> memref<64xi32, #tpu.memory_space<vmem>>
    %dma_start3A_119 = arith.constant 0 : i32
    %dma_start3A_120 = tpu.memref_slice %arg2[%dma_start3A_107, %mul3A_2, %dma_start3A_119] : memref<9x1024x128xi32, #tpu.memory_space<hbm>> -> memref<1x1x64xi32, #tpu.memory_space<hbm>>
    %dma_start3A_121 = tpu.memref_squeeze %dma_start3A_120 : memref<1x1x64xi32, #tpu.memory_space<hbm>> -> memref<64xi32, #tpu.memory_space<hbm>>
    tpu.enqueue_dma source(%dma_start3A_121 : memref<64xi32, #tpu.memory_space<hbm>>) target(%dma_start3A_118 : memref<64xi32, #tpu.memory_space<vmem>>) target_semaphore(%arg18 : memref<!tpu.dma_semaphore, #tpu.memory_space<semaphore_mem>>)
    %dma_start3A_122 = arith.constant 8 : i32
    %dma_start3A_123 = arith.constant 0 : i32
    %dma_start3A_124 = arith.constant 8 : i32
    %dma_start3A_125 = arith.constant 0 : i32
    %dma_start3A_126 = tpu.memref_slice %arg10[%dma_start3A_123, %dma_start3A_124, %dma_start3A_125] : memref<2x9x64xi32, #tpu.memory_space<vmem>> -> memref<1x1x64xi32, #tpu.memory_space<vmem>>
    %dma_start3A_127 = tpu.memref_squeeze %dma_start3A_126 : memref<1x1x64xi32, #tpu.memory_space<vmem>> -> memref<64xi32, #tpu.memory_space<vmem>>
    %dma_start3A_128 = arith.constant 0 : i32
    %dma_start3A_129 = tpu.memref_slice %arg2[%dma_start3A_122, %mul3A_2, %dma_start3A_128] : memref<9x1024x128xi32, #tpu.memory_space<hbm>> -> memref<1x1x64xi32, #tpu.memory_space<hbm>>
    %dma_start3A_130 = tpu.memref_squeeze %dma_start3A_129 : memref<1x1x64xi32, #tpu.memory_space<hbm>> -> memref<64xi32, #tpu.memory_space<hbm>>
    %dma_start3A_131 = arith.constant 0 : i32
    %dma_start3A_132 = tpu.memref_slice %arg10[%dma_start3A_123, %dma_start3A_124, %dma_start3A_131] : memref<2x9x64xi32, #tpu.memory_space<vmem>> -> memref<1x1x64xi32, #tpu.memory_space<vmem>>
    %dma_start3A_133 = tpu.memref_squeeze %dma_start3A_132 : memref<1x1x64xi32, #tpu.memory_space<vmem>> -> memref<64xi32, #tpu.memory_space<vmem>>
    %dma_start3A_134 = arith.constant 0 : i32
    %dma_start3A_135 = tpu.memref_slice %arg2[%dma_start3A_122, %mul3A_2, %dma_start3A_134] : memref<9x1024x128xi32, #tpu.memory_space<hbm>> -> memref<1x1x64xi32, #tpu.memory_space<hbm>>
    %dma_start3A_136 = tpu.memref_squeeze %dma_start3A_135 : memref<1x1x64xi32, #tpu.memory_space<hbm>> -> memref<64xi32, #tpu.memory_space<hbm>>
    tpu.enqueue_dma source(%dma_start3A_136 : memref<64xi32, #tpu.memory_space<hbm>>) target(%dma_start3A_133 : memref<64xi32, #tpu.memory_space<vmem>>) target_semaphore(%arg18 : memref<!tpu.dma_semaphore, #tpu.memory_space<semaphore_mem>>)
    %dma_start3A_137 = arith.constant 0 : i32
    %dma_start3A_138 = arith.constant 0 : i32
    %dma_start3A_139 = arith.constant 0 : i32
    %dma_start3A_140 = tpu.memref_slice %arg11[%dma_start3A_137, %dma_start3A_138, %dma_start3A_139] : memref<2x2x64xi32, #tpu.memory_space<vmem>> -> memref<1x1x64xi32, #tpu.memory_space<vmem>>
    %dma_start3A_141 = tpu.memref_squeeze %dma_start3A_140 : memref<1x1x64xi32, #tpu.memory_space<vmem>> -> memref<64xi32, #tpu.memory_space<vmem>>
    %dma_start3A_142 = arith.constant 0 : i32
    %dma_start3A_143 = tpu.memref_slice %arg3[%mul3A_2, %dma_start3A_142] : memref<1024x128xi32, #tpu.memory_space<hbm>> -> memref<1x64xi32, #tpu.memory_space<hbm>>
    %dma_start3A_144 = tpu.memref_squeeze %dma_start3A_143 : memref<1x64xi32, #tpu.memory_space<hbm>> -> memref<64xi32, #tpu.memory_space<hbm>>
    %dma_start3A_145 = arith.constant 0 : i32
    %dma_start3A_146 = tpu.memref_slice %arg11[%dma_start3A_137, %dma_start3A_138, %dma_start3A_145] : memref<2x2x64xi32, #tpu.memory_space<vmem>> -> memref<1x1x64xi32, #tpu.memory_space<vmem>>
    %dma_start3A_147 = tpu.memref_squeeze %dma_start3A_146 : memref<1x1x64xi32, #tpu.memory_space<vmem>> -> memref<64xi32, #tpu.memory_space<vmem>>
    %dma_start3A_148 = arith.constant 0 : i32
    %dma_start3A_149 = tpu.memref_slice %arg3[%mul3A_2, %dma_start3A_148] : memref<1024x128xi32, #tpu.memory_space<hbm>> -> memref<1x64xi32, #tpu.memory_space<hbm>>
    %dma_start3A_150 = tpu.memref_squeeze %dma_start3A_149 : memref<1x64xi32, #tpu.memory_space<hbm>> -> memref<64xi32, #tpu.memory_space<hbm>>
    tpu.enqueue_dma source(%dma_start3A_150 : memref<64xi32, #tpu.memory_space<hbm>>) target(%dma_start3A_147 : memref<64xi32, #tpu.memory_space<vmem>>) target_semaphore(%arg18 : memref<!tpu.dma_semaphore, #tpu.memory_space<semaphore_mem>>)
    %dma_start3A_151 = arith.constant 0 : i32
    %dma_start3A_152 = arith.constant 1 : i32
    %dma_start3A_153 = arith.constant 0 : i32
    %dma_start3A_154 = tpu.memref_slice %arg11[%dma_start3A_151, %dma_start3A_152, %dma_start3A_153] : memref<2x2x64xi32, #tpu.memory_space<vmem>> -> memref<1x1x64xi32, #tpu.memory_space<vmem>>
    %dma_start3A_155 = tpu.memref_squeeze %dma_start3A_154 : memref<1x1x64xi32, #tpu.memory_space<vmem>> -> memref<64xi32, #tpu.memory_space<vmem>>
    %dma_start3A_156 = arith.constant 0 : i32
    %dma_start3A_157 = tpu.memref_slice %arg4[%mul3A_2, %dma_start3A_156] : memref<1024x128xi32, #tpu.memory_space<hbm>> -> memref<1x64xi32, #tpu.memory_space<hbm>>
    %dma_start3A_158 = tpu.memref_squeeze %dma_start3A_157 : memref<1x64xi32, #tpu.memory_space<hbm>> -> memref<64xi32, #tpu.memory_space<hbm>>
    %dma_start3A_159 = arith.constant 0 : i32
    %dma_start3A_160 = tpu.memref_slice %arg11[%dma_start3A_151, %dma_start3A_152, %dma_start3A_159] : memref<2x2x64xi32, #tpu.memory_space<vmem>> -> memref<1x1x64xi32, #tpu.memory_space<vmem>>
    %dma_start3A_161 = tpu.memref_squeeze %dma_start3A_160 : memref<1x1x64xi32, #tpu.memory_space<vmem>> -> memref<64xi32, #tpu.memory_space<vmem>>
    %dma_start3A_162 = arith.constant 0 : i32
    %dma_start3A_163 = tpu.memref_slice %arg4[%mul3A_2, %dma_start3A_162] : memref<1024x128xi32, #tpu.memory_space<hbm>> -> memref<1x64xi32, #tpu.memory_space<hbm>>
    %dma_start3A_164 = tpu.memref_squeeze %dma_start3A_163 : memref<1x64xi32, #tpu.memory_space<hbm>> -> memref<64xi32, #tpu.memory_space<hbm>>
    tpu.enqueue_dma source(%dma_start3A_164 : memref<64xi32, #tpu.memory_space<hbm>>) target(%dma_start3A_161 : memref<64xi32, #tpu.memory_space<vmem>>) target_semaphore(%arg18 : memref<!tpu.dma_semaphore, #tpu.memory_space<semaphore_mem>>)
    %dma_wait3A = arith.constant 0 : i32
    %dma_wait3A_165 = arith.constant 0 : i32
    %dma_wait3A_166 = arith.constant 0 : i32
    %dma_wait3A_167 = arith.constant 0 : i32
    %dma_wait3A_168 = tpu.memref_slice %arg10[%dma_wait3A_165, %dma_wait3A_166, %dma_wait3A_167] : memref<2x9x64xi32, #tpu.memory_space<vmem>> -> memref<1x1x64xi32, #tpu.memory_space<vmem>>
    %dma_wait3A_169 = tpu.memref_squeeze %dma_wait3A_168 : memref<1x1x64xi32, #tpu.memory_space<vmem>> -> memref<64xi32, #tpu.memory_space<vmem>>
    %dma_wait3A_170 = arith.constant 0 : i32
    %dma_wait3A_171 = tpu.memref_slice %arg2[%dma_wait3A, %mul3A_2, %dma_wait3A_170] : memref<9x1024x128xi32, #tpu.memory_space<hbm>> -> memref<1x1x64xi32, #tpu.memory_space<hbm>>
    %dma_wait3A_172 = tpu.memref_squeeze %dma_wait3A_171 : memref<1x1x64xi32, #tpu.memory_space<hbm>> -> memref<64xi32, #tpu.memory_space<hbm>>
    %dma_wait3A_173 = arith.constant 0 : i32
    %dma_wait3A_174 = tpu.memref_slice %arg10[%dma_wait3A_165, %dma_wait3A_166, %dma_wait3A_173] : memref<2x9x64xi32, #tpu.memory_space<vmem>> -> memref<1x1x64xi32, #tpu.memory_space<vmem>>
    %dma_wait3A_175 = tpu.memref_squeeze %dma_wait3A_174 : memref<1x1x64xi32, #tpu.memory_space<vmem>> -> memref<64xi32, #tpu.memory_space<vmem>>
    %dma_wait3A_176 = arith.constant 0 : i32
    %dma_wait3A_177 = tpu.memref_slice %arg2[%dma_wait3A, %mul3A_2, %dma_wait3A_176] : memref<9x1024x128xi32, #tpu.memory_space<hbm>> -> memref<1x1x64xi32, #tpu.memory_space<hbm>>
    %dma_wait3A_178 = tpu.memref_squeeze %dma_wait3A_177 : memref<1x1x64xi32, #tpu.memory_space<hbm>> -> memref<64xi32, #tpu.memory_space<hbm>>
    tpu.wait_dma2 semaphore(%arg18 : memref<!tpu.dma_semaphore, #tpu.memory_space<semaphore_mem>>) src(%dma_wait3A_178 : memref<64xi32, #tpu.memory_space<hbm>>) dst(%dma_wait3A_175 : memref<64xi32, #tpu.memory_space<vmem>>)
    %dma_wait3A_179 = arith.constant 1 : i32
    %dma_wait3A_180 = arith.constant 0 : i32
    %dma_wait3A_181 = arith.constant 1 : i32
    %dma_wait3A_182 = arith.constant 0 : i32
    %dma_wait3A_183 = tpu.memref_slice %arg10[%dma_wait3A_180, %dma_wait3A_181, %dma_wait3A_182] : memref<2x9x64xi32, #tpu.memory_space<vmem>> -> memref<1x1x64xi32, #tpu.memory_space<vmem>>
    %dma_wait3A_184 = tpu.memref_squeeze %dma_wait3A_183 : memref<1x1x64xi32, #tpu.memory_space<vmem>> -> memref<64xi32, #tpu.memory_space<vmem>>
    %dma_wait3A_185 = arith.constant 0 : i32
    %dma_wait3A_186 = tpu.memref_slice %arg2[%dma_wait3A_179, %mul3A_2, %dma_wait3A_185] : memref<9x1024x128xi32, #tpu.memory_space<hbm>> -> memref<1x1x64xi32, #tpu.memory_space<hbm>>
    %dma_wait3A_187 = tpu.memref_squeeze %dma_wait3A_186 : memref<1x1x64xi32, #tpu.memory_space<hbm>> -> memref<64xi32, #tpu.memory_space<hbm>>
    %dma_wait3A_188 = arith.constant 0 : i32
    %dma_wait3A_189 = tpu.memref_slice %arg10[%dma_wait3A_180, %dma_wait3A_181, %dma_wait3A_188] : memref<2x9x64xi32, #tpu.memory_space<vmem>> -> memref<1x1x64xi32, #tpu.memory_space<vmem>>
    %dma_wait3A_190 = tpu.memref_squeeze %dma_wait3A_189 : memref<1x1x64xi32, #tpu.memory_space<vmem>> -> memref<64xi32, #tpu.memory_space<vmem>>
    %dma_wait3A_191 = arith.constant 0 : i32
    %dma_wait3A_192 = tpu.memref_slice %arg2[%dma_wait3A_179, %mul3A_2, %dma_wait3A_191] : memref<9x1024x128xi32, #tpu.memory_space<hbm>> -> memref<1x1x64xi32, #tpu.memory_space<hbm>>
    %dma_wait3A_193 = tpu.memref_squeeze %dma_wait3A_192 : memref<1x1x64xi32, #tpu.memory_space<hbm>> -> memref<64xi32, #tpu.memory_space<hbm>>
    tpu.wait_dma2 semaphore(%arg18 : memref<!tpu.dma_semaphore, #tpu.memory_space<semaphore_mem>>) src(%dma_wait3A_193 : memref<64xi32, #tpu.memory_space<hbm>>) dst(%dma_wait3A_190 : memref<64xi32, #tpu.memory_space<vmem>>)
    %dma_wait3A_194 = arith.constant 2 : i32
    %dma_wait3A_195 = arith.constant 0 : i32
    %dma_wait3A_196 = arith.constant 2 : i32
    %dma_wait3A_197 = arith.constant 0 : i32
    %dma_wait3A_198 = tpu.memref_slice %arg10[%dma_wait3A_195, %dma_wait3A_196, %dma_wait3A_197] : memref<2x9x64xi32, #tpu.memory_space<vmem>> -> memref<1x1x64xi32, #tpu.memory_space<vmem>>
    %dma_wait3A_199 = tpu.memref_squeeze %dma_wait3A_198 : memref<1x1x64xi32, #tpu.memory_space<vmem>> -> memref<64xi32, #tpu.memory_space<vmem>>
    %dma_wait3A_200 = arith.constant 0 : i32
    %dma_wait3A_201 = tpu.memref_slice %arg2[%dma_wait3A_194, %mul3A_2, %dma_wait3A_200] : memref<9x1024x128xi32, #tpu.memory_space<hbm>> -> memref<1x1x64xi32, #tpu.memory_space<hbm>>
    %dma_wait3A_202 = tpu.memref_squeeze %dma_wait3A_201 : memref<1x1x64xi32, #tpu.memory_space<hbm>> -> memref<64xi32, #tpu.memory_space<hbm>>
    %dma_wait3A_203 = arith.constant 0 : i32
    %dma_wait3A_204 = tpu.memref_slice %arg10[%dma_wait3A_195, %dma_wait3A_196, %dma_wait3A_203] : memref<2x9x64xi32, #tpu.memory_space<vmem>> -> memref<1x1x64xi32, #tpu.memory_space<vmem>>
    %dma_wait3A_205 = tpu.memref_squeeze %dma_wait3A_204 : memref<1x1x64xi32, #tpu.memory_space<vmem>> -> memref<64xi32, #tpu.memory_space<vmem>>
    %dma_wait3A_206 = arith.constant 0 : i32
    %dma_wait3A_207 = tpu.memref_slice %arg2[%dma_wait3A_194, %mul3A_2, %dma_wait3A_206] : memref<9x1024x128xi32, #tpu.memory_space<hbm>> -> memref<1x1x64xi32, #tpu.memory_space<hbm>>
    %dma_wait3A_208 = tpu.memref_squeeze %dma_wait3A_207 : memref<1x1x64xi32, #tpu.memory_space<hbm>> -> memref<64xi32, #tpu.memory_space<hbm>>
    tpu.wait_dma2 semaphore(%arg18 : memref<!tpu.dma_semaphore, #tpu.memory_space<semaphore_mem>>) src(%dma_wait3A_208 : memref<64xi32, #tpu.memory_space<hbm>>) dst(%dma_wait3A_205 : memref<64xi32, #tpu.memory_space<vmem>>)
    %dma_wait3A_209 = arith.constant 3 : i32
    %dma_wait3A_210 = arith.constant 0 : i32
    %dma_wait3A_211 = arith.constant 3 : i32
    %dma_wait3A_212 = arith.constant 0 : i32
    %dma_wait3A_213 = tpu.memref_slice %arg10[%dma_wait3A_210, %dma_wait3A_211, %dma_wait3A_212] : memref<2x9x64xi32, #tpu.memory_space<vmem>> -> memref<1x1x64xi32, #tpu.memory_space<vmem>>
    %dma_wait3A_214 = tpu.memref_squeeze %dma_wait3A_213 : memref<1x1x64xi32, #tpu.memory_space<vmem>> -> memref<64xi32, #tpu.memory_space<vmem>>
    %dma_wait3A_215 = arith.constant 0 : i32
    %dma_wait3A_216 = tpu.memref_slice %arg2[%dma_wait3A_209, %mul3A_2, %dma_wait3A_215] : memref<9x1024x128xi32, #tpu.memory_space<hbm>> -> memref<1x1x64xi32, #tpu.memory_space<hbm>>
    %dma_wait3A_217 = tpu.memref_squeeze %dma_wait3A_216 : memref<1x1x64xi32, #tpu.memory_space<hbm>> -> memref<64xi32, #tpu.memory_space<hbm>>
    %dma_wait3A_218 = arith.constant 0 : i32
    %dma_wait3A_219 = tpu.memref_slice %arg10[%dma_wait3A_210, %dma_wait3A_211, %dma_wait3A_218] : memref<2x9x64xi32, #tpu.memory_space<vmem>> -> memref<1x1x64xi32, #tpu.memory_space<vmem>>
    %dma_wait3A_220 = tpu.memref_squeeze %dma_wait3A_219 : memref<1x1x64xi32, #tpu.memory_space<vmem>> -> memref<64xi32, #tpu.memory_space<vmem>>
    %dma_wait3A_221 = arith.constant 0 : i32
    %dma_wait3A_222 = tpu.memref_slice %arg2[%dma_wait3A_209, %mul3A_2, %dma_wait3A_221] : memref<9x1024x128xi32, #tpu.memory_space<hbm>> -> memref<1x1x64xi32, #tpu.memory_space<hbm>>
    %dma_wait3A_223 = tpu.memref_squeeze %dma_wait3A_222 : memref<1x1x64xi32, #tpu.memory_space<hbm>> -> memref<64xi32, #tpu.memory_space<hbm>>
    tpu.wait_dma2 semaphore(%arg18 : memref<!tpu.dma_semaphore, #tpu.memory_space<semaphore_mem>>) src(%dma_wait3A_223 : memref<64xi32, #tpu.memory_space<hbm>>) dst(%dma_wait3A_220 : memref<64xi32, #tpu.memory_space<vmem>>)
    %dma_wait3A_224 = arith.constant 4 : i32
    %dma_wait3A_225 = arith.constant 0 : i32
    %dma_wait3A_226 = arith.constant 4 : i32
    %dma_wait3A_227 = arith.constant 0 : i32
    %dma_wait3A_228 = tpu.memref_slice %arg10[%dma_wait3A_225, %dma_wait3A_226, %dma_wait3A_227] : memref<2x9x64xi32, #tpu.memory_space<vmem>> -> memref<1x1x64xi32, #tpu.memory_space<vmem>>
    %dma_wait3A_229 = tpu.memref_squeeze %dma_wait3A_228 : memref<1x1x64xi32, #tpu.memory_space<vmem>> -> memref<64xi32, #tpu.memory_space<vmem>>
    %dma_wait3A_230 = arith.constant 0 : i32
    %dma_wait3A_231 = tpu.memref_slice %arg2[%dma_wait3A_224, %mul3A_2, %dma_wait3A_230] : memref<9x1024x128xi32, #tpu.memory_space<hbm>> -> memref<1x1x64xi32, #tpu.memory_space<hbm>>
    %dma_wait3A_232 = tpu.memref_squeeze %dma_wait3A_231 : memref<1x1x64xi32, #tpu.memory_space<hbm>> -> memref<64xi32, #tpu.memory_space<hbm>>
    %dma_wait3A_233 = arith.constant 0 : i32
    %dma_wait3A_234 = tpu.memref_slice %arg10[%dma_wait3A_225, %dma_wait3A_226, %dma_wait3A_233] : memref<2x9x64xi32, #tpu.memory_space<vmem>> -> memref<1x1x64xi32, #tpu.memory_space<vmem>>
    %dma_wait3A_235 = tpu.memref_squeeze %dma_wait3A_234 : memref<1x1x64xi32, #tpu.memory_space<vmem>> -> memref<64xi32, #tpu.memory_space<vmem>>
    %dma_wait3A_236 = arith.constant 0 : i32
    %dma_wait3A_237 = tpu.memref_slice %arg2[%dma_wait3A_224, %mul3A_2, %dma_wait3A_236] : memref<9x1024x128xi32, #tpu.memory_space<hbm>> -> memref<1x1x64xi32, #tpu.memory_space<hbm>>
    %dma_wait3A_238 = tpu.memref_squeeze %dma_wait3A_237 : memref<1x1x64xi32, #tpu.memory_space<hbm>> -> memref<64xi32, #tpu.memory_space<hbm>>
    tpu.wait_dma2 semaphore(%arg18 : memref<!tpu.dma_semaphore, #tpu.memory_space<semaphore_mem>>) src(%dma_wait3A_238 : memref<64xi32, #tpu.memory_space<hbm>>) dst(%dma_wait3A_235 : memref<64xi32, #tpu.memory_space<vmem>>)
    %dma_wait3A_239 = arith.constant 5 : i32
    %dma_wait3A_240 = arith.constant 0 : i32
    %dma_wait3A_241 = arith.constant 5 : i32
    %dma_wait3A_242 = arith.constant 0 : i32
    %dma_wait3A_243 = tpu.memref_slice %arg10[%dma_wait3A_240, %dma_wait3A_241, %dma_wait3A_242] : memref<2x9x64xi32, #tpu.memory_space<vmem>> -> memref<1x1x64xi32, #tpu.memory_space<vmem>>
    %dma_wait3A_244 = tpu.memref_squeeze %dma_wait3A_243 : memref<1x1x64xi32, #tpu.memory_space<vmem>> -> memref<64xi32, #tpu.memory_space<vmem>>
    %dma_wait3A_245 = arith.constant 0 : i32
    %dma_wait3A_246 = tpu.memref_slice %arg2[%dma_wait3A_239, %mul3A_2, %dma_wait3A_245] : memref<9x1024x128xi32, #tpu.memory_space<hbm>> -> memref<1x1x64xi32, #tpu.memory_space<hbm>>
    %dma_wait3A_247 = tpu.memref_squeeze %dma_wait3A_246 : memref<1x1x64xi32, #tpu.memory_space<hbm>> -> memref<64xi32, #tpu.memory_space<hbm>>
    %dma_wait3A_248 = arith.constant 0 : i32
    %dma_wait3A_249 = tpu.memref_slice %arg10[%dma_wait3A_240, %dma_wait3A_241, %dma_wait3A_248] : memref<2x9x64xi32, #tpu.memory_space<vmem>> -> memref<1x1x64xi32, #tpu.memory_space<vmem>>
    %dma_wait3A_250 = tpu.memref_squeeze %dma_wait3A_249 : memref<1x1x64xi32, #tpu.memory_space<vmem>> -> memref<64xi32, #tpu.memory_space<vmem>>
    %dma_wait3A_251 = arith.constant 0 : i32
    %dma_wait3A_252 = tpu.memref_slice %arg2[%dma_wait3A_239, %mul3A_2, %dma_wait3A_251] : memref<9x1024x128xi32, #tpu.memory_space<hbm>> -> memref<1x1x64xi32, #tpu.memory_space<hbm>>
    %dma_wait3A_253 = tpu.memref_squeeze %dma_wait3A_252 : memref<1x1x64xi32, #tpu.memory_space<hbm>> -> memref<64xi32, #tpu.memory_space<hbm>>
    tpu.wait_dma2 semaphore(%arg18 : memref<!tpu.dma_semaphore, #tpu.memory_space<semaphore_mem>>) src(%dma_wait3A_253 : memref<64xi32, #tpu.memory_space<hbm>>) dst(%dma_wait3A_250 : memref<64xi32, #tpu.memory_space<vmem>>)
    %dma_wait3A_254 = arith.constant 6 : i32
    %dma_wait3A_255 = arith.constant 0 : i32
    %dma_wait3A_256 = arith.constant 6 : i32
    %dma_wait3A_257 = arith.constant 0 : i32
    %dma_wait3A_258 = tpu.memref_slice %arg10[%dma_wait3A_255, %dma_wait3A_256, %dma_wait3A_257] : memref<2x9x64xi32, #tpu.memory_space<vmem>> -> memref<1x1x64xi32, #tpu.memory_space<vmem>>
    %dma_wait3A_259 = tpu.memref_squeeze %dma_wait3A_258 : memref<1x1x64xi32, #tpu.memory_space<vmem>> -> memref<64xi32, #tpu.memory_space<vmem>>
    %dma_wait3A_260 = arith.constant 0 : i32
    %dma_wait3A_261 = tpu.memref_slice %arg2[%dma_wait3A_254, %mul3A_2, %dma_wait3A_260] : memref<9x1024x128xi32, #tpu.memory_space<hbm>> -> memref<1x1x64xi32, #tpu.memory_space<hbm>>
    %dma_wait3A_262 = tpu.memref_squeeze %dma_wait3A_261 : memref<1x1x64xi32, #tpu.memory_space<hbm>> -> memref<64xi32, #tpu.memory_space<hbm>>
    %dma_wait3A_263 = arith.constant 0 : i32
    %dma_wait3A_264 = tpu.memref_slice %arg10[%dma_wait3A_255, %dma_wait3A_256, %dma_wait3A_263] : memref<2x9x64xi32, #tpu.memory_space<vmem>> -> memref<1x1x64xi32, #tpu.memory_space<vmem>>
    %dma_wait3A_265 = tpu.memref_squeeze %dma_wait3A_264 : memref<1x1x64xi32, #tpu.memory_space<vmem>> -> memref<64xi32, #tpu.memory_space<vmem>>
    %dma_wait3A_266 = arith.constant 0 : i32
    %dma_wait3A_267 = tpu.memref_slice %arg2[%dma_wait3A_254, %mul3A_2, %dma_wait3A_266] : memref<9x1024x128xi32, #tpu.memory_space<hbm>> -> memref<1x1x64xi32, #tpu.memory_space<hbm>>
    %dma_wait3A_268 = tpu.memref_squeeze %dma_wait3A_267 : memref<1x1x64xi32, #tpu.memory_space<hbm>> -> memref<64xi32, #tpu.memory_space<hbm>>
    tpu.wait_dma2 semaphore(%arg18 : memref<!tpu.dma_semaphore, #tpu.memory_space<semaphore_mem>>) src(%dma_wait3A_268 : memref<64xi32, #tpu.memory_space<hbm>>) dst(%dma_wait3A_265 : memref<64xi32, #tpu.memory_space<vmem>>)
    %dma_wait3A_269 = arith.constant 7 : i32
    %dma_wait3A_270 = arith.constant 0 : i32
    %dma_wait3A_271 = arith.constant 7 : i32
    %dma_wait3A_272 = arith.constant 0 : i32
    %dma_wait3A_273 = tpu.memref_slice %arg10[%dma_wait3A_270, %dma_wait3A_271, %dma_wait3A_272] : memref<2x9x64xi32, #tpu.memory_space<vmem>> -> memref<1x1x64xi32, #tpu.memory_space<vmem>>
    %dma_wait3A_274 = tpu.memref_squeeze %dma_wait3A_273 : memref<1x1x64xi32, #tpu.memory_space<vmem>> -> memref<64xi32, #tpu.memory_space<vmem>>
    %dma_wait3A_275 = arith.constant 0 : i32
    %dma_wait3A_276 = tpu.memref_slice %arg2[%dma_wait3A_269, %mul3A_2, %dma_wait3A_275] : memref<9x1024x128xi32, #tpu.memory_space<hbm>> -> memref<1x1x64xi32, #tpu.memory_space<hbm>>
    %dma_wait3A_277 = tpu.memref_squeeze %dma_wait3A_276 : memref<1x1x64xi32, #tpu.memory_space<hbm>> -> memref<64xi32, #tpu.memory_space<hbm>>
    %dma_wait3A_278 = arith.constant 0 : i32
    %dma_wait3A_279 = tpu.memref_slice %arg10[%dma_wait3A_270, %dma_wait3A_271, %dma_wait3A_278] : memref<2x9x64xi32, #tpu.memory_space<vmem>> -> memref<1x1x64xi32, #tpu.memory_space<vmem>>
    %dma_wait3A_280 = tpu.memref_squeeze %dma_wait3A_279 : memref<1x1x64xi32, #tpu.memory_space<vmem>> -> memref<64xi32, #tpu.memory_space<vmem>>
    %dma_wait3A_281 = arith.constant 0 : i32
    %dma_wait3A_282 = tpu.memref_slice %arg2[%dma_wait3A_269, %mul3A_2, %dma_wait3A_281] : memref<9x1024x128xi32, #tpu.memory_space<hbm>> -> memref<1x1x64xi32, #tpu.memory_space<hbm>>
    %dma_wait3A_283 = tpu.memref_squeeze %dma_wait3A_282 : memref<1x1x64xi32, #tpu.memory_space<hbm>> -> memref<64xi32, #tpu.memory_space<hbm>>
    tpu.wait_dma2 semaphore(%arg18 : memref<!tpu.dma_semaphore, #tpu.memory_space<semaphore_mem>>) src(%dma_wait3A_283 : memref<64xi32, #tpu.memory_space<hbm>>) dst(%dma_wait3A_280 : memref<64xi32, #tpu.memory_space<vmem>>)
    %dma_wait3A_284 = arith.constant 8 : i32
    %dma_wait3A_285 = arith.constant 0 : i32
    %dma_wait3A_286 = arith.constant 8 : i32
    %dma_wait3A_287 = arith.constant 0 : i32
    %dma_wait3A_288 = tpu.memref_slice %arg10[%dma_wait3A_285, %dma_wait3A_286, %dma_wait3A_287] : memref<2x9x64xi32, #tpu.memory_space<vmem>> -> memref<1x1x64xi32, #tpu.memory_space<vmem>>
    %dma_wait3A_289 = tpu.memref_squeeze %dma_wait3A_288 : memref<1x1x64xi32, #tpu.memory_space<vmem>> -> memref<64xi32, #tpu.memory_space<vmem>>
    %dma_wait3A_290 = arith.constant 0 : i32
    %dma_wait3A_291 = tpu.memref_slice %arg2[%dma_wait3A_284, %mul3A_2, %dma_wait3A_290] : memref<9x1024x128xi32, #tpu.memory_space<hbm>> -> memref<1x1x64xi32, #tpu.memory_space<hbm>>
    %dma_wait3A_292 = tpu.memref_squeeze %dma_wait3A_291 : memref<1x1x64xi32, #tpu.memory_space<hbm>> -> memref<64xi32, #tpu.memory_space<hbm>>
    %dma_wait3A_293 = arith.constant 0 : i32
    %dma_wait3A_294 = tpu.memref_slice %arg10[%dma_wait3A_285, %dma_wait3A_286, %dma_wait3A_293] : memref<2x9x64xi32, #tpu.memory_space<vmem>> -> memref<1x1x64xi32, #tpu.memory_space<vmem>>
    %dma_wait3A_295 = tpu.memref_squeeze %dma_wait3A_294 : memref<1x1x64xi32, #tpu.memory_space<vmem>> -> memref<64xi32, #tpu.memory_space<vmem>>
    %dma_wait3A_296 = arith.constant 0 : i32
    %dma_wait3A_297 = tpu.memref_slice %arg2[%dma_wait3A_284, %mul3A_2, %dma_wait3A_296] : memref<9x1024x128xi32, #tpu.memory_space<hbm>> -> memref<1x1x64xi32, #tpu.memory_space<hbm>>
    %dma_wait3A_298 = tpu.memref_squeeze %dma_wait3A_297 : memref<1x1x64xi32, #tpu.memory_space<hbm>> -> memref<64xi32, #tpu.memory_space<hbm>>
    tpu.wait_dma2 semaphore(%arg18 : memref<!tpu.dma_semaphore, #tpu.memory_space<semaphore_mem>>) src(%dma_wait3A_298 : memref<64xi32, #tpu.memory_space<hbm>>) dst(%dma_wait3A_295 : memref<64xi32, #tpu.memory_space<vmem>>)
    %dma_wait3A_299 = arith.constant 0 : i32
    %dma_wait3A_300 = arith.constant 0 : i32
    %dma_wait3A_301 = arith.constant 0 : i32
    %dma_wait3A_302 = tpu.memref_slice %arg11[%dma_wait3A_299, %dma_wait3A_300, %dma_wait3A_301] : memref<2x2x64xi32, #tpu.memory_space<vmem>> -> memref<1x1x64xi32, #tpu.memory_space<vmem>>
    %dma_wait3A_303 = tpu.memref_squeeze %dma_wait3A_302 : memref<1x1x64xi32, #tpu.memory_space<vmem>> -> memref<64xi32, #tpu.memory_space<vmem>>
    %dma_wait3A_304 = arith.constant 0 : i32
    %dma_wait3A_305 = tpu.memref_slice %arg3[%mul3A_2, %dma_wait3A_304] : memref<1024x128xi32, #tpu.memory_space<hbm>> -> memref<1x64xi32, #tpu.memory_space<hbm>>
    %dma_wait3A_306 = tpu.memref_squeeze %dma_wait3A_305 : memref<1x64xi32, #tpu.memory_space<hbm>> -> memref<64xi32, #tpu.memory_space<hbm>>
    %dma_wait3A_307 = arith.constant 0 : i32
    %dma_wait3A_308 = tpu.memref_slice %arg11[%dma_wait3A_299, %dma_wait3A_300, %dma_wait3A_307] : memref<2x2x64xi32, #tpu.memory_space<vmem>> -> memref<1x1x64xi32, #tpu.memory_space<vmem>>
    %dma_wait3A_309 = tpu.memref_squeeze %dma_wait3A_308 : memref<1x1x64xi32, #tpu.memory_space<vmem>> -> memref<64xi32, #tpu.memory_space<vmem>>
    %dma_wait3A_310 = arith.constant 0 : i32
    %dma_wait3A_311 = tpu.memref_slice %arg3[%mul3A_2, %dma_wait3A_310] : memref<1024x128xi32, #tpu.memory_space<hbm>> -> memref<1x64xi32, #tpu.memory_space<hbm>>
    %dma_wait3A_312 = tpu.memref_squeeze %dma_wait3A_311 : memref<1x64xi32, #tpu.memory_space<hbm>> -> memref<64xi32, #tpu.memory_space<hbm>>
    tpu.wait_dma2 semaphore(%arg18 : memref<!tpu.dma_semaphore, #tpu.memory_space<semaphore_mem>>) src(%dma_wait3A_312 : memref<64xi32, #tpu.memory_space<hbm>>) dst(%dma_wait3A_309 : memref<64xi32, #tpu.memory_space<vmem>>)
    %dma_wait3A_313 = arith.constant 0 : i32
    %dma_wait3A_314 = arith.constant 1 : i32
    %dma_wait3A_315 = arith.constant 0 : i32
    %dma_wait3A_316 = tpu.memref_slice %arg11[%dma_wait3A_313, %dma_wait3A_314, %dma_wait3A_315] : memref<2x2x64xi32, #tpu.memory_space<vmem>> -> memref<1x1x64xi32, #tpu.memory_space<vmem>>
    %dma_wait3A_317 = tpu.memref_squeeze %dma_wait3A_316 : memref<1x1x64xi32, #tpu.memory_space<vmem>> -> memref<64xi32, #tpu.memory_space<vmem>>
    %dma_wait3A_318 = arith.constant 0 : i32
    %dma_wait3A_319 = tpu.memref_slice %arg4[%mul3A_2, %dma_wait3A_318] : memref<1024x128xi32, #tpu.memory_space<hbm>> -> memref<1x64xi32, #tpu.memory_space<hbm>>
    %dma_wait3A_320 = tpu.memref_squeeze %dma_wait3A_319 : memref<1x64xi32, #tpu.memory_space<hbm>> -> memref<64xi32, #tpu.memory_space<hbm>>
    %dma_wait3A_321 = arith.constant 0 : i32
    %dma_wait3A_322 = tpu.memref_slice %arg11[%dma_wait3A_313, %dma_wait3A_314, %dma_wait3A_321] : memref<2x2x64xi32, #tpu.memory_space<vmem>> -> memref<1x1x64xi32, #tpu.memory_space<vmem>>
    %dma_wait3A_323 = tpu.memref_squeeze %dma_wait3A_322 : memref<1x1x64xi32, #tpu.memory_space<vmem>> -> memref<64xi32, #tpu.memory_space<vmem>>
    %dma_wait3A_324 = arith.constant 0 : i32
    %dma_wait3A_325 = tpu.memref_slice %arg4[%mul3A_2, %dma_wait3A_324] : memref<1024x128xi32, #tpu.memory_space<hbm>> -> memref<1x64xi32, #tpu.memory_space<hbm>>
    %dma_wait3A_326 = tpu.memref_squeeze %dma_wait3A_325 : memref<1x64xi32, #tpu.memory_space<hbm>> -> memref<64xi32, #tpu.memory_space<hbm>>
    tpu.wait_dma2 semaphore(%arg18 : memref<!tpu.dma_semaphore, #tpu.memory_space<semaphore_mem>>) src(%dma_wait3A_326 : memref<64xi32, #tpu.memory_space<hbm>>) dst(%dma_wait3A_323 : memref<64xi32, #tpu.memory_space<vmem>>)
    %dma_start3A_327 = arith.constant 0 : i32
    %dma_start3A_328 = arith.constant 0 : i32
    %dma_start3A_329 = arith.constant 0 : i32
    %dma_start3A_330 = arith.constant 0 : i32
    %dma_start3A_331 = arith.constant 0 : i32
    %dma_start3A_332 = tpu.memref_slice %arg12[%dma_start3A_329, %dma_start3A_330, %dma_start3A_331] : memref<2x576x64xf32, #tpu.memory_space<vmem>> -> memref<1x64x64xf32, #tpu.memory_space<vmem>>
    %dma_start3A_333 = tpu.memref_squeeze %dma_start3A_332 : memref<1x64x64xf32, #tpu.memory_space<vmem>> -> memref<64x64xf32, #tpu.memory_space<vmem>>
    %dma_start3A_334 = arith.constant 0 : i32
    %dma_start3A_335 = tpu.memref_slice %arg10[%dma_start3A_327, %dma_start3A_328, %dma_start3A_334] : memref<2x9x64xi32, #tpu.memory_space<vmem>> -> memref<1x1x64xi32, #tpu.memory_space<vmem>>
    %dma_start3A_336 = tpu.memref_squeeze %dma_start3A_335 : memref<1x1x64xi32, #tpu.memory_space<vmem>> -> memref<64xi32, #tpu.memory_space<vmem>>
    %dma_start3A_337 = arith.constant 0 : i32
    %dma_start3A_338 = arith.constant 0 : i32
    %dma_start3A_339 = tpu.memref_slice %arg5[%dma_start3A_337, %dma_start3A_338] : memref<100001x64xf32, #tpu.memory_space<hbm>> -> memref<100001x64xf32, #tpu.memory_space<hbm>>
    tpu.enqueue_indirect_dma source(%dma_start3A_339 : memref<100001x64xf32, #tpu.memory_space<hbm>>) target(%dma_start3A_333 : memref<64x64xf32, #tpu.memory_space<vmem>>) offsets(%dma_start3A_336 : memref<64xi32, #tpu.memory_space<vmem>>) semaphore(%arg15 : memref<!tpu.dma_semaphore, #tpu.memory_space<semaphore_mem>>)
    %dma_start3A_340 = arith.constant 0 : i32
    %dma_start3A_341 = arith.constant 1 : i32
    %dma_start3A_342 = arith.constant 0 : i32
    %dma_start3A_343 = arith.constant 64 : i32
    %dma_start3A_344 = arith.constant 0 : i32
    %dma_start3A_345 = tpu.memref_slice %arg12[%dma_start3A_342, %dma_start3A_343, %dma_start3A_344] : memref<2x576x64xf32, #tpu.memory_space<vmem>> -> memref<1x64x64xf32, #tpu.memory_space<vmem>>
    %dma_start3A_346 = tpu.memref_squeeze %dma_start3A_345 : memref<1x64x64xf32, #tpu.memory_space<vmem>> -> memref<64x64xf32, #tpu.memory_space<vmem>>
    %dma_start3A_347 = arith.constant 0 : i32
    %dma_start3A_348 = tpu.memref_slice %arg10[%dma_start3A_340, %dma_start3A_341, %dma_start3A_347] : memref<2x9x64xi32, #tpu.memory_space<vmem>> -> memref<1x1x64xi32, #tpu.memory_space<vmem>>
    %dma_start3A_349 = tpu.memref_squeeze %dma_start3A_348 : memref<1x1x64xi32, #tpu.memory_space<vmem>> -> memref<64xi32, #tpu.memory_space<vmem>>
    %dma_start3A_350 = arith.constant 0 : i32
    %dma_start3A_351 = arith.constant 0 : i32
    %dma_start3A_352 = tpu.memref_slice %arg5[%dma_start3A_350, %dma_start3A_351] : memref<100001x64xf32, #tpu.memory_space<hbm>> -> memref<100001x64xf32, #tpu.memory_space<hbm>>
    tpu.enqueue_indirect_dma source(%dma_start3A_352 : memref<100001x64xf32, #tpu.memory_space<hbm>>) target(%dma_start3A_346 : memref<64x64xf32, #tpu.memory_space<vmem>>) offsets(%dma_start3A_349 : memref<64xi32, #tpu.memory_space<vmem>>) semaphore(%arg15 : memref<!tpu.dma_semaphore, #tpu.memory_space<semaphore_mem>>)
    %dma_start3A_353 = arith.constant 0 : i32
    %dma_start3A_354 = arith.constant 2 : i32
    %dma_start3A_355 = arith.constant 0 : i32
    %dma_start3A_356 = arith.constant 128 : i32
    %dma_start3A_357 = arith.constant 0 : i32
    %dma_start3A_358 = tpu.memref_slice %arg12[%dma_start3A_355, %dma_start3A_356, %dma_start3A_357] : memref<2x576x64xf32, #tpu.memory_space<vmem>> -> memref<1x64x64xf32, #tpu.memory_space<vmem>>
    %dma_start3A_359 = tpu.memref_squeeze %dma_start3A_358 : memref<1x64x64xf32, #tpu.memory_space<vmem>> -> memref<64x64xf32, #tpu.memory_space<vmem>>
    %dma_start3A_360 = arith.constant 0 : i32
    %dma_start3A_361 = tpu.memref_slice %arg10[%dma_start3A_353, %dma_start3A_354, %dma_start3A_360] : memref<2x9x64xi32, #tpu.memory_space<vmem>> -> memref<1x1x64xi32, #tpu.memory_space<vmem>>
    %dma_start3A_362 = tpu.memref_squeeze %dma_start3A_361 : memref<1x1x64xi32, #tpu.memory_space<vmem>> -> memref<64xi32, #tpu.memory_space<vmem>>
    %dma_start3A_363 = arith.constant 0 : i32
    %dma_start3A_364 = arith.constant 0 : i32
    %dma_start3A_365 = tpu.memref_slice %arg5[%dma_start3A_363, %dma_start3A_364] : memref<100001x64xf32, #tpu.memory_space<hbm>> -> memref<100001x64xf32, #tpu.memory_space<hbm>>
    tpu.enqueue_indirect_dma source(%dma_start3A_365 : memref<100001x64xf32, #tpu.memory_space<hbm>>) target(%dma_start3A_359 : memref<64x64xf32, #tpu.memory_space<vmem>>) offsets(%dma_start3A_362 : memref<64xi32, #tpu.memory_space<vmem>>) semaphore(%arg15 : memref<!tpu.dma_semaphore, #tpu.memory_space<semaphore_mem>>)
    %dma_start3A_366 = arith.constant 0 : i32
    %dma_start3A_367 = arith.constant 3 : i32
    %dma_start3A_368 = arith.constant 0 : i32
    %dma_start3A_369 = arith.constant 192 : i32
    %dma_start3A_370 = arith.constant 0 : i32
    %dma_start3A_371 = tpu.memref_slice %arg12[%dma_start3A_368, %dma_start3A_369, %dma_start3A_370] : memref<2x576x64xf32, #tpu.memory_space<vmem>> -> memref<1x64x64xf32, #tpu.memory_space<vmem>>
    %dma_start3A_372 = tpu.memref_squeeze %dma_start3A_371 : memref<1x64x64xf32, #tpu.memory_space<vmem>> -> memref<64x64xf32, #tpu.memory_space<vmem>>
    %dma_start3A_373 = arith.constant 0 : i32
    %dma_start3A_374 = tpu.memref_slice %arg10[%dma_start3A_366, %dma_start3A_367, %dma_start3A_373] : memref<2x9x64xi32, #tpu.memory_space<vmem>> -> memref<1x1x64xi32, #tpu.memory_space<vmem>>
    %dma_start3A_375 = tpu.memref_squeeze %dma_start3A_374 : memref<1x1x64xi32, #tpu.memory_space<vmem>> -> memref<64xi32, #tpu.memory_space<vmem>>
    %dma_start3A_376 = arith.constant 0 : i32
    %dma_start3A_377 = arith.constant 0 : i32
    %dma_start3A_378 = tpu.memref_slice %arg5[%dma_start3A_376, %dma_start3A_377] : memref<100001x64xf32, #tpu.memory_space<hbm>> -> memref<100001x64xf32, #tpu.memory_space<hbm>>
    tpu.enqueue_indirect_dma source(%dma_start3A_378 : memref<100001x64xf32, #tpu.memory_space<hbm>>) target(%dma_start3A_372 : memref<64x64xf32, #tpu.memory_space<vmem>>) offsets(%dma_start3A_375 : memref<64xi32, #tpu.memory_space<vmem>>) semaphore(%arg15 : memref<!tpu.dma_semaphore, #tpu.memory_space<semaphore_mem>>)
    %dma_start3A_379 = arith.constant 0 : i32
    %dma_start3A_380 = arith.constant 4 : i32
    %dma_start3A_381 = arith.constant 0 : i32
    %dma_start3A_382 = arith.constant 256 : i32
    %dma_start3A_383 = arith.constant 0 : i32
    %dma_start3A_384 = tpu.memref_slice %arg12[%dma_start3A_381, %dma_start3A_382, %dma_start3A_383] : memref<2x576x64xf32, #tpu.memory_space<vmem>> -> memref<1x64x64xf32, #tpu.memory_space<vmem>>
    %dma_start3A_385 = tpu.memref_squeeze %dma_start3A_384 : memref<1x64x64xf32, #tpu.memory_space<vmem>> -> memref<64x64xf32, #tpu.memory_space<vmem>>
    %dma_start3A_386 = arith.constant 0 : i32
    %dma_start3A_387 = tpu.memref_slice %arg10[%dma_start3A_379, %dma_start3A_380, %dma_start3A_386] : memref<2x9x64xi32, #tpu.memory_space<vmem>> -> memref<1x1x64xi32, #tpu.memory_space<vmem>>
    %dma_start3A_388 = tpu.memref_squeeze %dma_start3A_387 : memref<1x1x64xi32, #tpu.memory_space<vmem>> -> memref<64xi32, #tpu.memory_space<vmem>>
    %dma_start3A_389 = arith.constant 0 : i32
    %dma_start3A_390 = arith.constant 0 : i32
    %dma_start3A_391 = tpu.memref_slice %arg5[%dma_start3A_389, %dma_start3A_390] : memref<100001x64xf32, #tpu.memory_space<hbm>> -> memref<100001x64xf32, #tpu.memory_space<hbm>>
    tpu.enqueue_indirect_dma source(%dma_start3A_391 : memref<100001x64xf32, #tpu.memory_space<hbm>>) target(%dma_start3A_385 : memref<64x64xf32, #tpu.memory_space<vmem>>) offsets(%dma_start3A_388 : memref<64xi32, #tpu.memory_space<vmem>>) semaphore(%arg15 : memref<!tpu.dma_semaphore, #tpu.memory_space<semaphore_mem>>)
    %dma_start3A_392 = arith.constant 0 : i32
    %dma_start3A_393 = arith.constant 5 : i32
    %dma_start3A_394 = arith.constant 0 : i32
    %dma_start3A_395 = arith.constant 320 : i32
    %dma_start3A_396 = arith.constant 0 : i32
    %dma_start3A_397 = tpu.memref_slice %arg12[%dma_start3A_394, %dma_start3A_395, %dma_start3A_396] : memref<2x576x64xf32, #tpu.memory_space<vmem>> -> memref<1x64x64xf32, #tpu.memory_space<vmem>>
    %dma_start3A_398 = tpu.memref_squeeze %dma_start3A_397 : memref<1x64x64xf32, #tpu.memory_space<vmem>> -> memref<64x64xf32, #tpu.memory_space<vmem>>
    %dma_start3A_399 = arith.constant 0 : i32
    %dma_start3A_400 = tpu.memref_slice %arg10[%dma_start3A_392, %dma_start3A_393, %dma_start3A_399] : memref<2x9x64xi32, #tpu.memory_space<vmem>> -> memref<1x1x64xi32, #tpu.memory_space<vmem>>
    %dma_start3A_401 = tpu.memref_squeeze %dma_start3A_400 : memref<1x1x64xi32, #tpu.memory_space<vmem>> -> memref<64xi32, #tpu.memory_space<vmem>>
    %dma_start3A_402 = arith.constant 0 : i32
    %dma_start3A_403 = arith.constant 0 : i32
    %dma_start3A_404 = tpu.memref_slice %arg5[%dma_start3A_402, %dma_start3A_403] : memref<100001x64xf32, #tpu.memory_space<hbm>> -> memref<100001x64xf32, #tpu.memory_space<hbm>>
    tpu.enqueue_indirect_dma source(%dma_start3A_404 : memref<100001x64xf32, #tpu.memory_space<hbm>>) target(%dma_start3A_398 : memref<64x64xf32, #tpu.memory_space<vmem>>) offsets(%dma_start3A_401 : memref<64xi32, #tpu.memory_space<vmem>>) semaphore(%arg15 : memref<!tpu.dma_semaphore, #tpu.memory_space<semaphore_mem>>)
    %dma_start3A_405 = arith.constant 0 : i32
    %dma_start3A_406 = arith.constant 6 : i32
    %dma_start3A_407 = arith.constant 0 : i32
    %dma_start3A_408 = arith.constant 384 : i32
    %dma_start3A_409 = arith.constant 0 : i32
    %dma_start3A_410 = tpu.memref_slice %arg12[%dma_start3A_407, %dma_start3A_408, %dma_start3A_409] : memref<2x576x64xf32, #tpu.memory_space<vmem>> -> memref<1x64x64xf32, #tpu.memory_space<vmem>>
    %dma_start3A_411 = tpu.memref_squeeze %dma_start3A_410 : memref<1x64x64xf32, #tpu.memory_space<vmem>> -> memref<64x64xf32, #tpu.memory_space<vmem>>
    %dma_start3A_412 = arith.constant 0 : i32
    %dma_start3A_413 = tpu.memref_slice %arg10[%dma_start3A_405, %dma_start3A_406, %dma_start3A_412] : memref<2x9x64xi32, #tpu.memory_space<vmem>> -> memref<1x1x64xi32, #tpu.memory_space<vmem>>
    %dma_start3A_414 = tpu.memref_squeeze %dma_start3A_413 : memref<1x1x64xi32, #tpu.memory_space<vmem>> -> memref<64xi32, #tpu.memory_space<vmem>>
    %dma_start3A_415 = arith.constant 0 : i32
    %dma_start3A_416 = arith.constant 0 : i32
    %dma_start3A_417 = tpu.memref_slice %arg5[%dma_start3A_415, %dma_start3A_416] : memref<100001x64xf32, #tpu.memory_space<hbm>> -> memref<100001x64xf32, #tpu.memory_space<hbm>>
    tpu.enqueue_indirect_dma source(%dma_start3A_417 : memref<100001x64xf32, #tpu.memory_space<hbm>>) target(%dma_start3A_411 : memref<64x64xf32, #tpu.memory_space<vmem>>) offsets(%dma_start3A_414 : memref<64xi32, #tpu.memory_space<vmem>>) semaphore(%arg15 : memref<!tpu.dma_semaphore, #tpu.memory_space<semaphore_mem>>)
    %dma_start3A_418 = arith.constant 0 : i32
    %dma_start3A_419 = arith.constant 7 : i32
    %dma_start3A_420 = arith.constant 0 : i32
    %dma_start3A_421 = arith.constant 448 : i32
    %dma_start3A_422 = arith.constant 0 : i32
    %dma_start3A_423 = tpu.memref_slice %arg12[%dma_start3A_420, %dma_start3A_421, %dma_start3A_422] : memref<2x576x64xf32, #tpu.memory_space<vmem>> -> memref<1x64x64xf32, #tpu.memory_space<vmem>>
    %dma_start3A_424 = tpu.memref_squeeze %dma_start3A_423 : memref<1x64x64xf32, #tpu.memory_space<vmem>> -> memref<64x64xf32, #tpu.memory_space<vmem>>
    %dma_start3A_425 = arith.constant 0 : i32
    %dma_start3A_426 = tpu.memref_slice %arg10[%dma_start3A_418, %dma_start3A_419, %dma_start3A_425] : memref<2x9x64xi32, #tpu.memory_space<vmem>> -> memref<1x1x64xi32, #tpu.memory_space<vmem>>
    %dma_start3A_427 = tpu.memref_squeeze %dma_start3A_426 : memref<1x1x64xi32, #tpu.memory_space<vmem>> -> memref<64xi32, #tpu.memory_space<vmem>>
    %dma_start3A_428 = arith.constant 0 : i32
    %dma_start3A_429 = arith.constant 0 : i32
    %dma_start3A_430 = tpu.memref_slice %arg5[%dma_start3A_428, %dma_start3A_429] : memref<100001x64xf32, #tpu.memory_space<hbm>> -> memref<100001x64xf32, #tpu.memory_space<hbm>>
    tpu.enqueue_indirect_dma source(%dma_start3A_430 : memref<100001x64xf32, #tpu.memory_space<hbm>>) target(%dma_start3A_424 : memref<64x64xf32, #tpu.memory_space<vmem>>) offsets(%dma_start3A_427 : memref<64xi32, #tpu.memory_space<vmem>>) semaphore(%arg15 : memref<!tpu.dma_semaphore, #tpu.memory_space<semaphore_mem>>)
    %dma_start3A_431 = arith.constant 0 : i32
    %dma_start3A_432 = arith.constant 8 : i32
    %dma_start3A_433 = arith.constant 0 : i32
    %dma_start3A_434 = arith.constant 512 : i32
    %dma_start3A_435 = arith.constant 0 : i32
    %dma_start3A_436 = tpu.memref_slice %arg12[%dma_start3A_433, %dma_start3A_434, %dma_start3A_435] : memref<2x576x64xf32, #tpu.memory_space<vmem>> -> memref<1x64x64xf32, #tpu.memory_space<vmem>>
    %dma_start3A_437 = tpu.memref_squeeze %dma_start3A_436 : memref<1x64x64xf32, #tpu.memory_space<vmem>> -> memref<64x64xf32, #tpu.memory_space<vmem>>
    %dma_start3A_438 = arith.constant 0 : i32
    %dma_start3A_439 = tpu.memref_slice %arg10[%dma_start3A_431, %dma_start3A_432, %dma_start3A_438] : memref<2x9x64xi32, #tpu.memory_space<vmem>> -> memref<1x1x64xi32, #tpu.memory_space<vmem>>
    %dma_start3A_440 = tpu.memref_squeeze %dma_start3A_439 : memref<1x1x64xi32, #tpu.memory_space<vmem>> -> memref<64xi32, #tpu.memory_space<vmem>>
    %dma_start3A_441 = arith.constant 0 : i32
    %dma_start3A_442 = arith.constant 0 : i32
    %dma_start3A_443 = tpu.memref_slice %arg5[%dma_start3A_441, %dma_start3A_442] : memref<100001x64xf32, #tpu.memory_space<hbm>> -> memref<100001x64xf32, #tpu.memory_space<hbm>>
    tpu.enqueue_indirect_dma source(%dma_start3A_443 : memref<100001x64xf32, #tpu.memory_space<hbm>>) target(%dma_start3A_437 : memref<64x64xf32, #tpu.memory_space<vmem>>) offsets(%dma_start3A_440 : memref<64xi32, #tpu.memory_space<vmem>>) semaphore(%arg15 : memref<!tpu.dma_semaphore, #tpu.memory_space<semaphore_mem>>)
    %dma_start3A_444 = arith.constant 0 : i32
    %dma_start3A_445 = arith.constant 0 : i32
    %dma_start3A_446 = arith.constant 0 : i32
    %dma_start3A_447 = arith.constant 0 : i32
    %dma_start3A_448 = arith.constant 0 : i32
    %dma_start3A_449 = arith.constant 0 : i32
    %dma_start3A_450 = tpu.memref_slice %arg13[%dma_start3A_446, %dma_start3A_447, %dma_start3A_448, %dma_start3A_449] : memref<2x2x64x64xf32, #tpu.memory_space<vmem>> -> memref<1x1x64x64xf32, #tpu.memory_space<vmem>>
    %dma_start3A_451 = tpu.memref_squeeze %dma_start3A_450 : memref<1x1x64x64xf32, #tpu.memory_space<vmem>> -> memref<64x64xf32, #tpu.memory_space<vmem>>
    %dma_start3A_452 = arith.constant 0 : i32
    %dma_start3A_453 = tpu.memref_slice %arg11[%dma_start3A_444, %dma_start3A_445, %dma_start3A_452] : memref<2x2x64xi32, #tpu.memory_space<vmem>> -> memref<1x1x64xi32, #tpu.memory_space<vmem>>
    %dma_start3A_454 = tpu.memref_squeeze %dma_start3A_453 : memref<1x1x64xi32, #tpu.memory_space<vmem>> -> memref<64xi32, #tpu.memory_space<vmem>>
    %dma_start3A_455 = arith.constant 0 : i32
    %dma_start3A_456 = arith.constant 0 : i32
    %dma_start3A_457 = tpu.memref_slice %arg6[%dma_start3A_455, %dma_start3A_456] : memref<512x64xf32, #tpu.memory_space<hbm>> -> memref<512x64xf32, #tpu.memory_space<hbm>>
    tpu.enqueue_indirect_dma source(%dma_start3A_457 : memref<512x64xf32, #tpu.memory_space<hbm>>) target(%dma_start3A_451 : memref<64x64xf32, #tpu.memory_space<vmem>>) offsets(%dma_start3A_454 : memref<64xi32, #tpu.memory_space<vmem>>) semaphore(%arg15 : memref<!tpu.dma_semaphore, #tpu.memory_space<semaphore_mem>>)
    %dma_start3A_458 = arith.constant 0 : i32
    %dma_start3A_459 = arith.constant 1 : i32
    %dma_start3A_460 = arith.constant 0 : i32
    %dma_start3A_461 = arith.constant 1 : i32
    %dma_start3A_462 = arith.constant 0 : i32
    %dma_start3A_463 = arith.constant 0 : i32
    %dma_start3A_464 = tpu.memref_slice %arg13[%dma_start3A_460, %dma_start3A_461, %dma_start3A_462, %dma_start3A_463] : memref<2x2x64x64xf32, #tpu.memory_space<vmem>> -> memref<1x1x64x64xf32, #tpu.memory_space<vmem>>
    %dma_start3A_465 = tpu.memref_squeeze %dma_start3A_464 : memref<1x1x64x64xf32, #tpu.memory_space<vmem>> -> memref<64x64xf32, #tpu.memory_space<vmem>>
    %dma_start3A_466 = arith.constant 0 : i32
    %dma_start3A_467 = tpu.memref_slice %arg11[%dma_start3A_458, %dma_start3A_459, %dma_start3A_466] : memref<2x2x64xi32, #tpu.memory_space<vmem>> -> memref<1x1x64xi32, #tpu.memory_space<vmem>>
    %dma_start3A_468 = tpu.memref_squeeze %dma_start3A_467 : memref<1x1x64xi32, #tpu.memory_space<vmem>> -> memref<64xi32, #tpu.memory_space<vmem>>
    %dma_start3A_469 = arith.constant 0 : i32
    %dma_start3A_470 = arith.constant 0 : i32
    %dma_start3A_471 = tpu.memref_slice %arg7[%dma_start3A_469, %dma_start3A_470] : memref<512x64xf32, #tpu.memory_space<hbm>> -> memref<512x64xf32, #tpu.memory_space<hbm>>
    tpu.enqueue_indirect_dma source(%dma_start3A_471 : memref<512x64xf32, #tpu.memory_space<hbm>>) target(%dma_start3A_465 : memref<64x64xf32, #tpu.memory_space<vmem>>) offsets(%dma_start3A_468 : memref<64xi32, #tpu.memory_space<vmem>>) semaphore(%arg15 : memref<!tpu.dma_semaphore, #tpu.memory_space<semaphore_mem>>)
    %scan3A = arith.constant 0 : i32
    %scan3A_472 = arith.constant 0 : i32
    %scan3A_473 = arith.constant 32 : i32
    %scan3A_474 = arith.addi %scan3A_472, %scan3A_473 : i32
    %scan3A_475 = arith.constant 1 : i32
    scf.for %scan3A_488 = %scan3A_472 to %scan3A_474 step %scan3A_475  : i32 {
      %add3A_489 = arith.addi %mul3A_2, %scan3A_488 : i32
      %dma_start3A_490 = arith.constant 0 : i32
      %dma_start3A_491 = arith.constant 1 : i32
      %dma_start3A_492 = arith.constant 0 : i32
      %dma_start3A_493 = arith.constant 0 : i32
      %dma_start3A_494 = tpu.memref_slice %arg10[%dma_start3A_491, %dma_start3A_492, %dma_start3A_493] : memref<2x9x64xi32, #tpu.memory_space<vmem>> -> memref<1x1x64xi32, #tpu.memory_space<vmem>>
      %dma_start3A_495 = tpu.memref_squeeze %dma_start3A_494 : memref<1x1x64xi32, #tpu.memory_space<vmem>> -> memref<64xi32, #tpu.memory_space<vmem>>
      %dma_start3A_496 = arith.constant 64 : i32
      %dma_start3A_497 = tpu.memref_slice %arg2[%dma_start3A_490, %add3A_489, %dma_start3A_496] : memref<9x1024x128xi32, #tpu.memory_space<hbm>> -> memref<1x1x64xi32, #tpu.memory_space<hbm>>
      %dma_start3A_498 = tpu.memref_squeeze %dma_start3A_497 : memref<1x1x64xi32, #tpu.memory_space<hbm>> -> memref<64xi32, #tpu.memory_space<hbm>>
      %dma_start3A_499 = arith.constant 0 : i32
      %dma_start3A_500 = tpu.memref_slice %arg10[%dma_start3A_491, %dma_start3A_492, %dma_start3A_499] : memref<2x9x64xi32, #tpu.memory_space<vmem>> -> memref<1x1x64xi32, #tpu.memory_space<vmem>>
      %dma_start3A_501 = tpu.memref_squeeze %dma_start3A_500 : memref<1x1x64xi32, #tpu.memory_space<vmem>> -> memref<64xi32, #tpu.memory_space<vmem>>
      %dma_start3A_502 = arith.constant 64 : i32
      %dma_start3A_503 = tpu.memref_slice %arg2[%dma_start3A_490, %add3A_489, %dma_start3A_502] : memref<9x1024x128xi32, #tpu.memory_space<hbm>> -> memref<1x1x64xi32, #tpu.memory_space<hbm>>
      %dma_start3A_504 = tpu.memref_squeeze %dma_start3A_503 : memref<1x1x64xi32, #tpu.memory_space<hbm>> -> memref<64xi32, #tpu.memory_space<hbm>>
      tpu.enqueue_dma source(%dma_start3A_504 : memref<64xi32, #tpu.memory_space<hbm>>) target(%dma_start3A_501 : memref<64xi32, #tpu.memory_space<vmem>>) target_semaphore(%arg19 : memref<!tpu.dma_semaphore, #tpu.memory_space<semaphore_mem>>)
      %dma_start3A_505 = arith.constant 1 : i32
      %dma_start3A_506 = arith.constant 1 : i32
      %dma_start3A_507 = arith.constant 1 : i32
      %dma_start3A_508 = arith.constant 0 : i32
      %dma_start3A_509 = tpu.memref_slice %arg10[%dma_start3A_506, %dma_start3A_507, %dma_start3A_508] : memref<2x9x64xi32, #tpu.memory_space<vmem>> -> memref<1x1x64xi32, #tpu.memory_space<vmem>>
      %dma_start3A_510 = tpu.memref_squeeze %dma_start3A_509 : memref<1x1x64xi32, #tpu.memory_space<vmem>> -> memref<64xi32, #tpu.memory_space<vmem>>
      %dma_start3A_511 = arith.constant 64 : i32
      %dma_start3A_512 = tpu.memref_slice %arg2[%dma_start3A_505, %add3A_489, %dma_start3A_511] : memref<9x1024x128xi32, #tpu.memory_space<hbm>> -> memref<1x1x64xi32, #tpu.memory_space<hbm>>
      %dma_start3A_513 = tpu.memref_squeeze %dma_start3A_512 : memref<1x1x64xi32, #tpu.memory_space<hbm>> -> memref<64xi32, #tpu.memory_space<hbm>>
      %dma_start3A_514 = arith.constant 0 : i32
      %dma_start3A_515 = tpu.memref_slice %arg10[%dma_start3A_506, %dma_start3A_507, %dma_start3A_514] : memref<2x9x64xi32, #tpu.memory_space<vmem>> -> memref<1x1x64xi32, #tpu.memory_space<vmem>>
      %dma_start3A_516 = tpu.memref_squeeze %dma_start3A_515 : memref<1x1x64xi32, #tpu.memory_space<vmem>> -> memref<64xi32, #tpu.memory_space<vmem>>
      %dma_start3A_517 = arith.constant 64 : i32
      %dma_start3A_518 = tpu.memref_slice %arg2[%dma_start3A_505, %add3A_489, %dma_start3A_517] : memref<9x1024x128xi32, #tpu.memory_space<hbm>> -> memref<1x1x64xi32, #tpu.memory_space<hbm>>
      %dma_start3A_519 = tpu.memref_squeeze %dma_start3A_518 : memref<1x1x64xi32, #tpu.memory_space<hbm>> -> memref<64xi32, #tpu.memory_space<hbm>>
      tpu.enqueue_dma source(%dma_start3A_519 : memref<64xi32, #tpu.memory_space<hbm>>) target(%dma_start3A_516 : memref<64xi32, #tpu.memory_space<vmem>>) target_semaphore(%arg19 : memref<!tpu.dma_semaphore, #tpu.memory_space<semaphore_mem>>)
      %dma_start3A_520 = arith.constant 2 : i32
      %dma_start3A_521 = arith.constant 1 : i32
      %dma_start3A_522 = arith.constant 2 : i32
      %dma_start3A_523 = arith.constant 0 : i32
      %dma_start3A_524 = tpu.memref_slice %arg10[%dma_start3A_521, %dma_start3A_522, %dma_start3A_523] : memref<2x9x64xi32, #tpu.memory_space<vmem>> -> memref<1x1x64xi32, #tpu.memory_space<vmem>>
      %dma_start3A_525 = tpu.memref_squeeze %dma_start3A_524 : memref<1x1x64xi32, #tpu.memory_space<vmem>> -> memref<64xi32, #tpu.memory_space<vmem>>
      %dma_start3A_526 = arith.constant 64 : i32
      %dma_start3A_527 = tpu.memref_slice %arg2[%dma_start3A_520, %add3A_489, %dma_start3A_526] : memref<9x1024x128xi32, #tpu.memory_space<hbm>> -> memref<1x1x64xi32, #tpu.memory_space<hbm>>
      %dma_start3A_528 = tpu.memref_squeeze %dma_start3A_527 : memref<1x1x64xi32, #tpu.memory_space<hbm>> -> memref<64xi32, #tpu.memory_space<hbm>>
      %dma_start3A_529 = arith.constant 0 : i32
      %dma_start3A_530 = tpu.memref_slice %arg10[%dma_start3A_521, %dma_start3A_522, %dma_start3A_529] : memref<2x9x64xi32, #tpu.memory_space<vmem>> -> memref<1x1x64xi32, #tpu.memory_space<vmem>>
      %dma_start3A_531 = tpu.memref_squeeze %dma_start3A_530 : memref<1x1x64xi32, #tpu.memory_space<vmem>> -> memref<64xi32, #tpu.memory_space<vmem>>
      %dma_start3A_532 = arith.constant 64 : i32
      %dma_start3A_533 = tpu.memref_slice %arg2[%dma_start3A_520, %add3A_489, %dma_start3A_532] : memref<9x1024x128xi32, #tpu.memory_space<hbm>> -> memref<1x1x64xi32, #tpu.memory_space<hbm>>
      %dma_start3A_534 = tpu.memref_squeeze %dma_start3A_533 : memref<1x1x64xi32, #tpu.memory_space<hbm>> -> memref<64xi32, #tpu.memory_space<hbm>>
      tpu.enqueue_dma source(%dma_start3A_534 : memref<64xi32, #tpu.memory_space<hbm>>) target(%dma_start3A_531 : memref<64xi32, #tpu.memory_space<vmem>>) target_semaphore(%arg19 : memref<!tpu.dma_semaphore, #tpu.memory_space<semaphore_mem>>)
      %dma_start3A_535 = arith.constant 3 : i32
      %dma_start3A_536 = arith.constant 1 : i32
      %dma_start3A_537 = arith.constant 3 : i32
      %dma_start3A_538 = arith.constant 0 : i32
      %dma_start3A_539 = tpu.memref_slice %arg10[%dma_start3A_536, %dma_start3A_537, %dma_start3A_538] : memref<2x9x64xi32, #tpu.memory_space<vmem>> -> memref<1x1x64xi32, #tpu.memory_space<vmem>>
      %dma_start3A_540 = tpu.memref_squeeze %dma_start3A_539 : memref<1x1x64xi32, #tpu.memory_space<vmem>> -> memref<64xi32, #tpu.memory_space<vmem>>
      %dma_start3A_541 = arith.constant 64 : i32
      %dma_start3A_542 = tpu.memref_slice %arg2[%dma_start3A_535, %add3A_489, %dma_start3A_541] : memref<9x1024x128xi32, #tpu.memory_space<hbm>> -> memref<1x1x64xi32, #tpu.memory_space<hbm>>
      %dma_start3A_543 = tpu.memref_squeeze %dma_start3A_542 : memref<1x1x64xi32, #tpu.memory_space<hbm>> -> memref<64xi32, #tpu.memory_space<hbm>>
      %dma_start3A_544 = arith.constant 0 : i32
      %dma_start3A_545 = tpu.memref_slice %arg10[%dma_start3A_536, %dma_start3A_537, %dma_start3A_544] : memref<2x9x64xi32, #tpu.memory_space<vmem>> -> memref<1x1x64xi32, #tpu.memory_space<vmem>>
      %dma_start3A_546 = tpu.memref_squeeze %dma_start3A_545 : memref<1x1x64xi32, #tpu.memory_space<vmem>> -> memref<64xi32, #tpu.memory_space<vmem>>
      %dma_start3A_547 = arith.constant 64 : i32
      %dma_start3A_548 = tpu.memref_slice %arg2[%dma_start3A_535, %add3A_489, %dma_start3A_547] : memref<9x1024x128xi32, #tpu.memory_space<hbm>> -> memref<1x1x64xi32, #tpu.memory_space<hbm>>
      %dma_start3A_549 = tpu.memref_squeeze %dma_start3A_548 : memref<1x1x64xi32, #tpu.memory_space<hbm>> -> memref<64xi32, #tpu.memory_space<hbm>>
      tpu.enqueue_dma source(%dma_start3A_549 : memref<64xi32, #tpu.memory_space<hbm>>) target(%dma_start3A_546 : memref<64xi32, #tpu.memory_space<vmem>>) target_semaphore(%arg19 : memref<!tpu.dma_semaphore, #tpu.memory_space<semaphore_mem>>)
      %dma_start3A_550 = arith.constant 4 : i32
      %dma_start3A_551 = arith.constant 1 : i32
      %dma_start3A_552 = arith.constant 4 : i32
      %dma_start3A_553 = arith.constant 0 : i32
      %dma_start3A_554 = tpu.memref_slice %arg10[%dma_start3A_551, %dma_start3A_552, %dma_start3A_553] : memref<2x9x64xi32, #tpu.memory_space<vmem>> -> memref<1x1x64xi32, #tpu.memory_space<vmem>>
      %dma_start3A_555 = tpu.memref_squeeze %dma_start3A_554 : memref<1x1x64xi32, #tpu.memory_space<vmem>> -> memref<64xi32, #tpu.memory_space<vmem>>
      %dma_start3A_556 = arith.constant 64 : i32
      %dma_start3A_557 = tpu.memref_slice %arg2[%dma_start3A_550, %add3A_489, %dma_start3A_556] : memref<9x1024x128xi32, #tpu.memory_space<hbm>> -> memref<1x1x64xi32, #tpu.memory_space<hbm>>
      %dma_start3A_558 = tpu.memref_squeeze %dma_start3A_557 : memref<1x1x64xi32, #tpu.memory_space<hbm>> -> memref<64xi32, #tpu.memory_space<hbm>>
      %dma_start3A_559 = arith.constant 0 : i32
      %dma_start3A_560 = tpu.memref_slice %arg10[%dma_start3A_551, %dma_start3A_552, %dma_start3A_559] : memref<2x9x64xi32, #tpu.memory_space<vmem>> -> memref<1x1x64xi32, #tpu.memory_space<vmem>>
      %dma_start3A_561 = tpu.memref_squeeze %dma_start3A_560 : memref<1x1x64xi32, #tpu.memory_space<vmem>> -> memref<64xi32, #tpu.memory_space<vmem>>
      %dma_start3A_562 = arith.constant 64 : i32
      %dma_start3A_563 = tpu.memref_slice %arg2[%dma_start3A_550, %add3A_489, %dma_start3A_562] : memref<9x1024x128xi32, #tpu.memory_space<hbm>> -> memref<1x1x64xi32, #tpu.memory_space<hbm>>
      %dma_start3A_564 = tpu.memref_squeeze %dma_start3A_563 : memref<1x1x64xi32, #tpu.memory_space<hbm>> -> memref<64xi32, #tpu.memory_space<hbm>>
      tpu.enqueue_dma source(%dma_start3A_564 : memref<64xi32, #tpu.memory_space<hbm>>) target(%dma_start3A_561 : memref<64xi32, #tpu.memory_space<vmem>>) target_semaphore(%arg19 : memref<!tpu.dma_semaphore, #tpu.memory_space<semaphore_mem>>)
      %dma_start3A_565 = arith.constant 5 : i32
      %dma_start3A_566 = arith.constant 1 : i32
      %dma_start3A_567 = arith.constant 5 : i32
      %dma_start3A_568 = arith.constant 0 : i32
      %dma_start3A_569 = tpu.memref_slice %arg10[%dma_start3A_566, %dma_start3A_567, %dma_start3A_568] : memref<2x9x64xi32, #tpu.memory_space<vmem>> -> memref<1x1x64xi32, #tpu.memory_space<vmem>>
      %dma_start3A_570 = tpu.memref_squeeze %dma_start3A_569 : memref<1x1x64xi32, #tpu.memory_space<vmem>> -> memref<64xi32, #tpu.memory_space<vmem>>
      %dma_start3A_571 = arith.constant 64 : i32
      %dma_start3A_572 = tpu.memref_slice %arg2[%dma_start3A_565, %add3A_489, %dma_start3A_571] : memref<9x1024x128xi32, #tpu.memory_space<hbm>> -> memref<1x1x64xi32, #tpu.memory_space<hbm>>
      %dma_start3A_573 = tpu.memref_squeeze %dma_start3A_572 : memref<1x1x64xi32, #tpu.memory_space<hbm>> -> memref<64xi32, #tpu.memory_space<hbm>>
      %dma_start3A_574 = arith.constant 0 : i32
      %dma_start3A_575 = tpu.memref_slice %arg10[%dma_start3A_566, %dma_start3A_567, %dma_start3A_574] : memref<2x9x64xi32, #tpu.memory_space<vmem>> -> memref<1x1x64xi32, #tpu.memory_space<vmem>>
      %dma_start3A_576 = tpu.memref_squeeze %dma_start3A_575 : memref<1x1x64xi32, #tpu.memory_space<vmem>> -> memref<64xi32, #tpu.memory_space<vmem>>
      %dma_start3A_577 = arith.constant 64 : i32
      %dma_start3A_578 = tpu.memref_slice %arg2[%dma_start3A_565, %add3A_489, %dma_start3A_577] : memref<9x1024x128xi32, #tpu.memory_space<hbm>> -> memref<1x1x64xi32, #tpu.memory_space<hbm>>
      %dma_start3A_579 = tpu.memref_squeeze %dma_start3A_578 : memref<1x1x64xi32, #tpu.memory_space<hbm>> -> memref<64xi32, #tpu.memory_space<hbm>>
      tpu.enqueue_dma source(%dma_start3A_579 : memref<64xi32, #tpu.memory_space<hbm>>) target(%dma_start3A_576 : memref<64xi32, #tpu.memory_space<vmem>>) target_semaphore(%arg19 : memref<!tpu.dma_semaphore, #tpu.memory_space<semaphore_mem>>)
      %dma_start3A_580 = arith.constant 6 : i32
      %dma_start3A_581 = arith.constant 1 : i32
      %dma_start3A_582 = arith.constant 6 : i32
      %dma_start3A_583 = arith.constant 0 : i32
      %dma_start3A_584 = tpu.memref_slice %arg10[%dma_start3A_581, %dma_start3A_582, %dma_start3A_583] : memref<2x9x64xi32, #tpu.memory_space<vmem>> -> memref<1x1x64xi32, #tpu.memory_space<vmem>>
      %dma_start3A_585 = tpu.memref_squeeze %dma_start3A_584 : memref<1x1x64xi32, #tpu.memory_space<vmem>> -> memref<64xi32, #tpu.memory_space<vmem>>
      %dma_start3A_586 = arith.constant 64 : i32
      %dma_start3A_587 = tpu.memref_slice %arg2[%dma_start3A_580, %add3A_489, %dma_start3A_586] : memref<9x1024x128xi32, #tpu.memory_space<hbm>> -> memref<1x1x64xi32, #tpu.memory_space<hbm>>
      %dma_start3A_588 = tpu.memref_squeeze %dma_start3A_587 : memref<1x1x64xi32, #tpu.memory_space<hbm>> -> memref<64xi32, #tpu.memory_space<hbm>>
      %dma_start3A_589 = arith.constant 0 : i32
      %dma_start3A_590 = tpu.memref_slice %arg10[%dma_start3A_581, %dma_start3A_582, %dma_start3A_589] : memref<2x9x64xi32, #tpu.memory_space<vmem>> -> memref<1x1x64xi32, #tpu.memory_space<vmem>>
      %dma_start3A_591 = tpu.memref_squeeze %dma_start3A_590 : memref<1x1x64xi32, #tpu.memory_space<vmem>> -> memref<64xi32, #tpu.memory_space<vmem>>
      %dma_start3A_592 = arith.constant 64 : i32
      %dma_start3A_593 = tpu.memref_slice %arg2[%dma_start3A_580, %add3A_489, %dma_start3A_592] : memref<9x1024x128xi32, #tpu.memory_space<hbm>> -> memref<1x1x64xi32, #tpu.memory_space<hbm>>
      %dma_start3A_594 = tpu.memref_squeeze %dma_start3A_593 : memref<1x1x64xi32, #tpu.memory_space<hbm>> -> memref<64xi32, #tpu.memory_space<hbm>>
      tpu.enqueue_dma source(%dma_start3A_594 : memref<64xi32, #tpu.memory_space<hbm>>) target(%dma_start3A_591 : memref<64xi32, #tpu.memory_space<vmem>>) target_semaphore(%arg19 : memref<!tpu.dma_semaphore, #tpu.memory_space<semaphore_mem>>)
      %dma_start3A_595 = arith.constant 7 : i32
      %dma_start3A_596 = arith.constant 1 : i32
      %dma_start3A_597 = arith.constant 7 : i32
      %dma_start3A_598 = arith.constant 0 : i32
      %dma_start3A_599 = tpu.memref_slice %arg10[%dma_start3A_596, %dma_start3A_597, %dma_start3A_598] : memref<2x9x64xi32, #tpu.memory_space<vmem>> -> memref<1x1x64xi32, #tpu.memory_space<vmem>>
      %dma_start3A_600 = tpu.memref_squeeze %dma_start3A_599 : memref<1x1x64xi32, #tpu.memory_space<vmem>> -> memref<64xi32, #tpu.memory_space<vmem>>
      %dma_start3A_601 = arith.constant 64 : i32
      %dma_start3A_602 = tpu.memref_slice %arg2[%dma_start3A_595, %add3A_489, %dma_start3A_601] : memref<9x1024x128xi32, #tpu.memory_space<hbm>> -> memref<1x1x64xi32, #tpu.memory_space<hbm>>
      %dma_start3A_603 = tpu.memref_squeeze %dma_start3A_602 : memref<1x1x64xi32, #tpu.memory_space<hbm>> -> memref<64xi32, #tpu.memory_space<hbm>>
      %dma_start3A_604 = arith.constant 0 : i32
      %dma_start3A_605 = tpu.memref_slice %arg10[%dma_start3A_596, %dma_start3A_597, %dma_start3A_604] : memref<2x9x64xi32, #tpu.memory_space<vmem>> -> memref<1x1x64xi32, #tpu.memory_space<vmem>>
      %dma_start3A_606 = tpu.memref_squeeze %dma_start3A_605 : memref<1x1x64xi32, #tpu.memory_space<vmem>> -> memref<64xi32, #tpu.memory_space<vmem>>
      %dma_start3A_607 = arith.constant 64 : i32
      %dma_start3A_608 = tpu.memref_slice %arg2[%dma_start3A_595, %add3A_489, %dma_start3A_607] : memref<9x1024x128xi32, #tpu.memory_space<hbm>> -> memref<1x1x64xi32, #tpu.memory_space<hbm>>
      %dma_start3A_609 = tpu.memref_squeeze %dma_start3A_608 : memref<1x1x64xi32, #tpu.memory_space<hbm>> -> memref<64xi32, #tpu.memory_space<hbm>>
      tpu.enqueue_dma source(%dma_start3A_609 : memref<64xi32, #tpu.memory_space<hbm>>) target(%dma_start3A_606 : memref<64xi32, #tpu.memory_space<vmem>>) target_semaphore(%arg19 : memref<!tpu.dma_semaphore, #tpu.memory_space<semaphore_mem>>)
      %dma_start3A_610 = arith.constant 8 : i32
      %dma_start3A_611 = arith.constant 1 : i32
      %dma_start3A_612 = arith.constant 8 : i32
      %dma_start3A_613 = arith.constant 0 : i32
      %dma_start3A_614 = tpu.memref_slice %arg10[%dma_start3A_611, %dma_start3A_612, %dma_start3A_613] : memref<2x9x64xi32, #tpu.memory_space<vmem>> -> memref<1x1x64xi32, #tpu.memory_space<vmem>>
      %dma_start3A_615 = tpu.memref_squeeze %dma_start3A_614 : memref<1x1x64xi32, #tpu.memory_space<vmem>> -> memref<64xi32, #tpu.memory_space<vmem>>
      %dma_start3A_616 = arith.constant 64 : i32
      %dma_start3A_617 = tpu.memref_slice %arg2[%dma_start3A_610, %add3A_489, %dma_start3A_616] : memref<9x1024x128xi32, #tpu.memory_space<hbm>> -> memref<1x1x64xi32, #tpu.memory_space<hbm>>
      %dma_start3A_618 = tpu.memref_squeeze %dma_start3A_617 : memref<1x1x64xi32, #tpu.memory_space<hbm>> -> memref<64xi32, #tpu.memory_space<hbm>>
      %dma_start3A_619 = arith.constant 0 : i32
      %dma_start3A_620 = tpu.memref_slice %arg10[%dma_start3A_611, %dma_start3A_612, %dma_start3A_619] : memref<2x9x64xi32, #tpu.memory_space<vmem>> -> memref<1x1x64xi32, #tpu.memory_space<vmem>>
      %dma_start3A_621 = tpu.memref_squeeze %dma_start3A_620 : memref<1x1x64xi32, #tpu.memory_space<vmem>> -> memref<64xi32, #tpu.memory_space<vmem>>
      %dma_start3A_622 = arith.constant 64 : i32
      %dma_start3A_623 = tpu.memref_slice %arg2[%dma_start3A_610, %add3A_489, %dma_start3A_622] : memref<9x1024x128xi32, #tpu.memory_space<hbm>> -> memref<1x1x64xi32, #tpu.memory_space<hbm>>
      %dma_start3A_624 = tpu.memref_squeeze %dma_start3A_623 : memref<1x1x64xi32, #tpu.memory_space<hbm>> -> memref<64xi32, #tpu.memory_space<hbm>>
      tpu.enqueue_dma source(%dma_start3A_624 : memref<64xi32, #tpu.memory_space<hbm>>) target(%dma_start3A_621 : memref<64xi32, #tpu.memory_space<vmem>>) target_semaphore(%arg19 : memref<!tpu.dma_semaphore, #tpu.memory_space<semaphore_mem>>)
      %dma_start3A_625 = arith.constant 1 : i32
      %dma_start3A_626 = arith.constant 0 : i32
      %dma_start3A_627 = arith.constant 0 : i32
      %dma_start3A_628 = tpu.memref_slice %arg11[%dma_start3A_625, %dma_start3A_626, %dma_start3A_627] : memref<2x2x64xi32, #tpu.memory_space<vmem>> -> memref<1x1x64xi32, #tpu.memory_space<vmem>>
      %dma_start3A_629 = tpu.memref_squeeze %dma_start3A_628 : memref<1x1x64xi32, #tpu.memory_space<vmem>> -> memref<64xi32, #tpu.memory_space<vmem>>
      %dma_start3A_630 = arith.constant 64 : i32
      %dma_start3A_631 = tpu.memref_slice %arg3[%add3A_489, %dma_start3A_630] : memref<1024x128xi32, #tpu.memory_space<hbm>> -> memref<1x64xi32, #tpu.memory_space<hbm>>
      %dma_start3A_632 = tpu.memref_squeeze %dma_start3A_631 : memref<1x64xi32, #tpu.memory_space<hbm>> -> memref<64xi32, #tpu.memory_space<hbm>>
      %dma_start3A_633 = arith.constant 0 : i32
      %dma_start3A_634 = tpu.memref_slice %arg11[%dma_start3A_625, %dma_start3A_626, %dma_start3A_633] : memref<2x2x64xi32, #tpu.memory_space<vmem>> -> memref<1x1x64xi32, #tpu.memory_space<vmem>>
      %dma_start3A_635 = tpu.memref_squeeze %dma_start3A_634 : memref<1x1x64xi32, #tpu.memory_space<vmem>> -> memref<64xi32, #tpu.memory_space<vmem>>
      %dma_start3A_636 = arith.constant 64 : i32
      %dma_start3A_637 = tpu.memref_slice %arg3[%add3A_489, %dma_start3A_636] : memref<1024x128xi32, #tpu.memory_space<hbm>> -> memref<1x64xi32, #tpu.memory_space<hbm>>
      %dma_start3A_638 = tpu.memref_squeeze %dma_start3A_637 : memref<1x64xi32, #tpu.memory_space<hbm>> -> memref<64xi32, #tpu.memory_space<hbm>>
      tpu.enqueue_dma source(%dma_start3A_638 : memref<64xi32, #tpu.memory_space<hbm>>) target(%dma_start3A_635 : memref<64xi32, #tpu.memory_space<vmem>>) target_semaphore(%arg19 : memref<!tpu.dma_semaphore, #tpu.memory_space<semaphore_mem>>)
      %dma_start3A_639 = arith.constant 1 : i32
      %dma_start3A_640 = arith.constant 1 : i32
      %dma_start3A_641 = arith.constant 0 : i32
      %dma_start3A_642 = tpu.memref_slice %arg11[%dma_start3A_639, %dma_start3A_640, %dma_start3A_641] : memref<2x2x64xi32, #tpu.memory_space<vmem>> -> memref<1x1x64xi32, #tpu.memory_space<vmem>>
      %dma_start3A_643 = tpu.memref_squeeze %dma_start3A_642 : memref<1x1x64xi32, #tpu.memory_space<vmem>> -> memref<64xi32, #tpu.memory_space<vmem>>
      %dma_start3A_644 = arith.constant 64 : i32
      %dma_start3A_645 = tpu.memref_slice %arg4[%add3A_489, %dma_start3A_644] : memref<1024x128xi32, #tpu.memory_space<hbm>> -> memref<1x64xi32, #tpu.memory_space<hbm>>
      %dma_start3A_646 = tpu.memref_squeeze %dma_start3A_645 : memref<1x64xi32, #tpu.memory_space<hbm>> -> memref<64xi32, #tpu.memory_space<hbm>>
      %dma_start3A_647 = arith.constant 0 : i32
      %dma_start3A_648 = tpu.memref_slice %arg11[%dma_start3A_639, %dma_start3A_640, %dma_start3A_647] : memref<2x2x64xi32, #tpu.memory_space<vmem>> -> memref<1x1x64xi32, #tpu.memory_space<vmem>>
      %dma_start3A_649 = tpu.memref_squeeze %dma_start3A_648 : memref<1x1x64xi32, #tpu.memory_space<vmem>> -> memref<64xi32, #tpu.memory_space<vmem>>
      %dma_start3A_650 = arith.constant 64 : i32
      %dma_start3A_651 = tpu.memref_slice %arg4[%add3A_489, %dma_start3A_650] : memref<1024x128xi32, #tpu.memory_space<hbm>> -> memref<1x64xi32, #tpu.memory_space<hbm>>
      %dma_start3A_652 = tpu.memref_squeeze %dma_start3A_651 : memref<1x64xi32, #tpu.memory_space<hbm>> -> memref<64xi32, #tpu.memory_space<hbm>>
      tpu.enqueue_dma source(%dma_start3A_652 : memref<64xi32, #tpu.memory_space<hbm>>) target(%dma_start3A_649 : memref<64xi32, #tpu.memory_space<vmem>>) target_semaphore(%arg19 : memref<!tpu.dma_semaphore, #tpu.memory_space<semaphore_mem>>)
      %dma_wait3A_653 = arith.constant 0 : i32
      %dma_wait3A_654 = arith.constant 1 : i32
      %dma_wait3A_655 = arith.constant 0 : i32
      %dma_wait3A_656 = arith.constant 0 : i32
      %dma_wait3A_657 = tpu.memref_slice %arg10[%dma_wait3A_654, %dma_wait3A_655, %dma_wait3A_656] : memref<2x9x64xi32, #tpu.memory_space<vmem>> -> memref<1x1x64xi32, #tpu.memory_space<vmem>>
      %dma_wait3A_658 = tpu.memref_squeeze %dma_wait3A_657 : memref<1x1x64xi32, #tpu.memory_space<vmem>> -> memref<64xi32, #tpu.memory_space<vmem>>
      %dma_wait3A_659 = arith.constant 64 : i32
      %dma_wait3A_660 = tpu.memref_slice %arg2[%dma_wait3A_653, %add3A_489, %dma_wait3A_659] : memref<9x1024x128xi32, #tpu.memory_space<hbm>> -> memref<1x1x64xi32, #tpu.memory_space<hbm>>
      %dma_wait3A_661 = tpu.memref_squeeze %dma_wait3A_660 : memref<1x1x64xi32, #tpu.memory_space<hbm>> -> memref<64xi32, #tpu.memory_space<hbm>>
      %dma_wait3A_662 = arith.constant 0 : i32
      %dma_wait3A_663 = tpu.memref_slice %arg10[%dma_wait3A_654, %dma_wait3A_655, %dma_wait3A_662] : memref<2x9x64xi32, #tpu.memory_space<vmem>> -> memref<1x1x64xi32, #tpu.memory_space<vmem>>
      %dma_wait3A_664 = tpu.memref_squeeze %dma_wait3A_663 : memref<1x1x64xi32, #tpu.memory_space<vmem>> -> memref<64xi32, #tpu.memory_space<vmem>>
      %dma_wait3A_665 = arith.constant 64 : i32
      %dma_wait3A_666 = tpu.memref_slice %arg2[%dma_wait3A_653, %add3A_489, %dma_wait3A_665] : memref<9x1024x128xi32, #tpu.memory_space<hbm>> -> memref<1x1x64xi32, #tpu.memory_space<hbm>>
      %dma_wait3A_667 = tpu.memref_squeeze %dma_wait3A_666 : memref<1x1x64xi32, #tpu.memory_space<hbm>> -> memref<64xi32, #tpu.memory_space<hbm>>
      tpu.wait_dma2 semaphore(%arg19 : memref<!tpu.dma_semaphore, #tpu.memory_space<semaphore_mem>>) src(%dma_wait3A_667 : memref<64xi32, #tpu.memory_space<hbm>>) dst(%dma_wait3A_664 : memref<64xi32, #tpu.memory_space<vmem>>)
      %dma_wait3A_668 = arith.constant 1 : i32
      %dma_wait3A_669 = arith.constant 1 : i32
      %dma_wait3A_670 = arith.constant 1 : i32
      %dma_wait3A_671 = arith.constant 0 : i32
      %dma_wait3A_672 = tpu.memref_slice %arg10[%dma_wait3A_669, %dma_wait3A_670, %dma_wait3A_671] : memref<2x9x64xi32, #tpu.memory_space<vmem>> -> memref<1x1x64xi32, #tpu.memory_space<vmem>>
      %dma_wait3A_673 = tpu.memref_squeeze %dma_wait3A_672 : memref<1x1x64xi32, #tpu.memory_space<vmem>> -> memref<64xi32, #tpu.memory_space<vmem>>
      %dma_wait3A_674 = arith.constant 64 : i32
      %dma_wait3A_675 = tpu.memref_slice %arg2[%dma_wait3A_668, %add3A_489, %dma_wait3A_674] : memref<9x1024x128xi32, #tpu.memory_space<hbm>> -> memref<1x1x64xi32, #tpu.memory_space<hbm>>
      %dma_wait3A_676 = tpu.memref_squeeze %dma_wait3A_675 : memref<1x1x64xi32, #tpu.memory_space<hbm>> -> memref<64xi32, #tpu.memory_space<hbm>>
      %dma_wait3A_677 = arith.constant 0 : i32
      %dma_wait3A_678 = tpu.memref_slice %arg10[%dma_wait3A_669, %dma_wait3A_670, %dma_wait3A_677] : memref<2x9x64xi32, #tpu.memory_space<vmem>> -> memref<1x1x64xi32, #tpu.memory_space<vmem>>
      %dma_wait3A_679 = tpu.memref_squeeze %dma_wait3A_678 : memref<1x1x64xi32, #tpu.memory_space<vmem>> -> memref<64xi32, #tpu.memory_space<vmem>>
      %dma_wait3A_680 = arith.constant 64 : i32
      %dma_wait3A_681 = tpu.memref_slice %arg2[%dma_wait3A_668, %add3A_489, %dma_wait3A_680] : memref<9x1024x128xi32, #tpu.memory_space<hbm>> -> memref<1x1x64xi32, #tpu.memory_space<hbm>>
      %dma_wait3A_682 = tpu.memref_squeeze %dma_wait3A_681 : memref<1x1x64xi32, #tpu.memory_space<hbm>> -> memref<64xi32, #tpu.memory_space<hbm>>
      tpu.wait_dma2 semaphore(%arg19 : memref<!tpu.dma_semaphore, #tpu.memory_space<semaphore_mem>>) src(%dma_wait3A_682 : memref<64xi32, #tpu.memory_space<hbm>>) dst(%dma_wait3A_679 : memref<64xi32, #tpu.memory_space<vmem>>)
      %dma_wait3A_683 = arith.constant 2 : i32
      %dma_wait3A_684 = arith.constant 1 : i32
      %dma_wait3A_685 = arith.constant 2 : i32
      %dma_wait3A_686 = arith.constant 0 : i32
      %dma_wait3A_687 = tpu.memref_slice %arg10[%dma_wait3A_684, %dma_wait3A_685, %dma_wait3A_686] : memref<2x9x64xi32, #tpu.memory_space<vmem>> -> memref<1x1x64xi32, #tpu.memory_space<vmem>>
      %dma_wait3A_688 = tpu.memref_squeeze %dma_wait3A_687 : memref<1x1x64xi32, #tpu.memory_space<vmem>> -> memref<64xi32, #tpu.memory_space<vmem>>
      %dma_wait3A_689 = arith.constant 64 : i32
      %dma_wait3A_690 = tpu.memref_slice %arg2[%dma_wait3A_683, %add3A_489, %dma_wait3A_689] : memref<9x1024x128xi32, #tpu.memory_space<hbm>> -> memref<1x1x64xi32, #tpu.memory_space<hbm>>
      %dma_wait3A_691 = tpu.memref_squeeze %dma_wait3A_690 : memref<1x1x64xi32, #tpu.memory_space<hbm>> -> memref<64xi32, #tpu.memory_space<hbm>>
      %dma_wait3A_692 = arith.constant 0 : i32
      %dma_wait3A_693 = tpu.memref_slice %arg10[%dma_wait3A_684, %dma_wait3A_685, %dma_wait3A_692] : memref<2x9x64xi32, #tpu.memory_space<vmem>> -> memref<1x1x64xi32, #tpu.memory_space<vmem>>
      %dma_wait3A_694 = tpu.memref_squeeze %dma_wait3A_693 : memref<1x1x64xi32, #tpu.memory_space<vmem>> -> memref<64xi32, #tpu.memory_space<vmem>>
      %dma_wait3A_695 = arith.constant 64 : i32
      %dma_wait3A_696 = tpu.memref_slice %arg2[%dma_wait3A_683, %add3A_489, %dma_wait3A_695] : memref<9x1024x128xi32, #tpu.memory_space<hbm>> -> memref<1x1x64xi32, #tpu.memory_space<hbm>>
      %dma_wait3A_697 = tpu.memref_squeeze %dma_wait3A_696 : memref<1x1x64xi32, #tpu.memory_space<hbm>> -> memref<64xi32, #tpu.memory_space<hbm>>
      tpu.wait_dma2 semaphore(%arg19 : memref<!tpu.dma_semaphore, #tpu.memory_space<semaphore_mem>>) src(%dma_wait3A_697 : memref<64xi32, #tpu.memory_space<hbm>>) dst(%dma_wait3A_694 : memref<64xi32, #tpu.memory_space<vmem>>)
      %dma_wait3A_698 = arith.constant 3 : i32
      %dma_wait3A_699 = arith.constant 1 : i32
      %dma_wait3A_700 = arith.constant 3 : i32
      %dma_wait3A_701 = arith.constant 0 : i32
      %dma_wait3A_702 = tpu.memref_slice %arg10[%dma_wait3A_699, %dma_wait3A_700, %dma_wait3A_701] : memref<2x9x64xi32, #tpu.memory_space<vmem>> -> memref<1x1x64xi32, #tpu.memory_space<vmem>>
      %dma_wait3A_703 = tpu.memref_squeeze %dma_wait3A_702 : memref<1x1x64xi32, #tpu.memory_space<vmem>> -> memref<64xi32, #tpu.memory_space<vmem>>
      %dma_wait3A_704 = arith.constant 64 : i32
      %dma_wait3A_705 = tpu.memref_slice %arg2[%dma_wait3A_698, %add3A_489, %dma_wait3A_704] : memref<9x1024x128xi32, #tpu.memory_space<hbm>> -> memref<1x1x64xi32, #tpu.memory_space<hbm>>
      %dma_wait3A_706 = tpu.memref_squeeze %dma_wait3A_705 : memref<1x1x64xi32, #tpu.memory_space<hbm>> -> memref<64xi32, #tpu.memory_space<hbm>>
      %dma_wait3A_707 = arith.constant 0 : i32
      %dma_wait3A_708 = tpu.memref_slice %arg10[%dma_wait3A_699, %dma_wait3A_700, %dma_wait3A_707] : memref<2x9x64xi32, #tpu.memory_space<vmem>> -> memref<1x1x64xi32, #tpu.memory_space<vmem>>
      %dma_wait3A_709 = tpu.memref_squeeze %dma_wait3A_708 : memref<1x1x64xi32, #tpu.memory_space<vmem>> -> memref<64xi32, #tpu.memory_space<vmem>>
      %dma_wait3A_710 = arith.constant 64 : i32
      %dma_wait3A_711 = tpu.memref_slice %arg2[%dma_wait3A_698, %add3A_489, %dma_wait3A_710] : memref<9x1024x128xi32, #tpu.memory_space<hbm>> -> memref<1x1x64xi32, #tpu.memory_space<hbm>>
      %dma_wait3A_712 = tpu.memref_squeeze %dma_wait3A_711 : memref<1x1x64xi32, #tpu.memory_space<hbm>> -> memref<64xi32, #tpu.memory_space<hbm>>
      tpu.wait_dma2 semaphore(%arg19 : memref<!tpu.dma_semaphore, #tpu.memory_space<semaphore_mem>>) src(%dma_wait3A_712 : memref<64xi32, #tpu.memory_space<hbm>>) dst(%dma_wait3A_709 : memref<64xi32, #tpu.memory_space<vmem>>)
      %dma_wait3A_713 = arith.constant 4 : i32
      %dma_wait3A_714 = arith.constant 1 : i32
      %dma_wait3A_715 = arith.constant 4 : i32
      %dma_wait3A_716 = arith.constant 0 : i32
      %dma_wait3A_717 = tpu.memref_slice %arg10[%dma_wait3A_714, %dma_wait3A_715, %dma_wait3A_716] : memref<2x9x64xi32, #tpu.memory_space<vmem>> -> memref<1x1x64xi32, #tpu.memory_space<vmem>>
      %dma_wait3A_718 = tpu.memref_squeeze %dma_wait3A_717 : memref<1x1x64xi32, #tpu.memory_space<vmem>> -> memref<64xi32, #tpu.memory_space<vmem>>
      %dma_wait3A_719 = arith.constant 64 : i32
      %dma_wait3A_720 = tpu.memref_slice %arg2[%dma_wait3A_713, %add3A_489, %dma_wait3A_719] : memref<9x1024x128xi32, #tpu.memory_space<hbm>> -> memref<1x1x64xi32, #tpu.memory_space<hbm>>
      %dma_wait3A_721 = tpu.memref_squeeze %dma_wait3A_720 : memref<1x1x64xi32, #tpu.memory_space<hbm>> -> memref<64xi32, #tpu.memory_space<hbm>>
      %dma_wait3A_722 = arith.constant 0 : i32
      %dma_wait3A_723 = tpu.memref_slice %arg10[%dma_wait3A_714, %dma_wait3A_715, %dma_wait3A_722] : memref<2x9x64xi32, #tpu.memory_space<vmem>> -> memref<1x1x64xi32, #tpu.memory_space<vmem>>
      %dma_wait3A_724 = tpu.memref_squeeze %dma_wait3A_723 : memref<1x1x64xi32, #tpu.memory_space<vmem>> -> memref<64xi32, #tpu.memory_space<vmem>>
      %dma_wait3A_725 = arith.constant 64 : i32
      %dma_wait3A_726 = tpu.memref_slice %arg2[%dma_wait3A_713, %add3A_489, %dma_wait3A_725] : memref<9x1024x128xi32, #tpu.memory_space<hbm>> -> memref<1x1x64xi32, #tpu.memory_space<hbm>>
      %dma_wait3A_727 = tpu.memref_squeeze %dma_wait3A_726 : memref<1x1x64xi32, #tpu.memory_space<hbm>> -> memref<64xi32, #tpu.memory_space<hbm>>
      tpu.wait_dma2 semaphore(%arg19 : memref<!tpu.dma_semaphore, #tpu.memory_space<semaphore_mem>>) src(%dma_wait3A_727 : memref<64xi32, #tpu.memory_space<hbm>>) dst(%dma_wait3A_724 : memref<64xi32, #tpu.memory_space<vmem>>)
      %dma_wait3A_728 = arith.constant 5 : i32
      %dma_wait3A_729 = arith.constant 1 : i32
      %dma_wait3A_730 = arith.constant 5 : i32
      %dma_wait3A_731 = arith.constant 0 : i32
      %dma_wait3A_732 = tpu.memref_slice %arg10[%dma_wait3A_729, %dma_wait3A_730, %dma_wait3A_731] : memref<2x9x64xi32, #tpu.memory_space<vmem>> -> memref<1x1x64xi32, #tpu.memory_space<vmem>>
      %dma_wait3A_733 = tpu.memref_squeeze %dma_wait3A_732 : memref<1x1x64xi32, #tpu.memory_space<vmem>> -> memref<64xi32, #tpu.memory_space<vmem>>
      %dma_wait3A_734 = arith.constant 64 : i32
      %dma_wait3A_735 = tpu.memref_slice %arg2[%dma_wait3A_728, %add3A_489, %dma_wait3A_734] : memref<9x1024x128xi32, #tpu.memory_space<hbm>> -> memref<1x1x64xi32, #tpu.memory_space<hbm>>
      %dma_wait3A_736 = tpu.memref_squeeze %dma_wait3A_735 : memref<1x1x64xi32, #tpu.memory_space<hbm>> -> memref<64xi32, #tpu.memory_space<hbm>>
      %dma_wait3A_737 = arith.constant 0 : i32
      %dma_wait3A_738 = tpu.memref_slice %arg10[%dma_wait3A_729, %dma_wait3A_730, %dma_wait3A_737] : memref<2x9x64xi32, #tpu.memory_space<vmem>> -> memref<1x1x64xi32, #tpu.memory_space<vmem>>
      %dma_wait3A_739 = tpu.memref_squeeze %dma_wait3A_738 : memref<1x1x64xi32, #tpu.memory_space<vmem>> -> memref<64xi32, #tpu.memory_space<vmem>>
      %dma_wait3A_740 = arith.constant 64 : i32
      %dma_wait3A_741 = tpu.memref_slice %arg2[%dma_wait3A_728, %add3A_489, %dma_wait3A_740] : memref<9x1024x128xi32, #tpu.memory_space<hbm>> -> memref<1x1x64xi32, #tpu.memory_space<hbm>>
      %dma_wait3A_742 = tpu.memref_squeeze %dma_wait3A_741 : memref<1x1x64xi32, #tpu.memory_space<hbm>> -> memref<64xi32, #tpu.memory_space<hbm>>
      tpu.wait_dma2 semaphore(%arg19 : memref<!tpu.dma_semaphore, #tpu.memory_space<semaphore_mem>>) src(%dma_wait3A_742 : memref<64xi32, #tpu.memory_space<hbm>>) dst(%dma_wait3A_739 : memref<64xi32, #tpu.memory_space<vmem>>)
      %dma_wait3A_743 = arith.constant 6 : i32
      %dma_wait3A_744 = arith.constant 1 : i32
      %dma_wait3A_745 = arith.constant 6 : i32
      %dma_wait3A_746 = arith.constant 0 : i32
      %dma_wait3A_747 = tpu.memref_slice %arg10[%dma_wait3A_744, %dma_wait3A_745, %dma_wait3A_746] : memref<2x9x64xi32, #tpu.memory_space<vmem>> -> memref<1x1x64xi32, #tpu.memory_space<vmem>>
      %dma_wait3A_748 = tpu.memref_squeeze %dma_wait3A_747 : memref<1x1x64xi32, #tpu.memory_space<vmem>> -> memref<64xi32, #tpu.memory_space<vmem>>
      %dma_wait3A_749 = arith.constant 64 : i32
      %dma_wait3A_750 = tpu.memref_slice %arg2[%dma_wait3A_743, %add3A_489, %dma_wait3A_749] : memref<9x1024x128xi32, #tpu.memory_space<hbm>> -> memref<1x1x64xi32, #tpu.memory_space<hbm>>
      %dma_wait3A_751 = tpu.memref_squeeze %dma_wait3A_750 : memref<1x1x64xi32, #tpu.memory_space<hbm>> -> memref<64xi32, #tpu.memory_space<hbm>>
      %dma_wait3A_752 = arith.constant 0 : i32
      %dma_wait3A_753 = tpu.memref_slice %arg10[%dma_wait3A_744, %dma_wait3A_745, %dma_wait3A_752] : memref<2x9x64xi32, #tpu.memory_space<vmem>> -> memref<1x1x64xi32, #tpu.memory_space<vmem>>
      %dma_wait3A_754 = tpu.memref_squeeze %dma_wait3A_753 : memref<1x1x64xi32, #tpu.memory_space<vmem>> -> memref<64xi32, #tpu.memory_space<vmem>>
      %dma_wait3A_755 = arith.constant 64 : i32
      %dma_wait3A_756 = tpu.memref_slice %arg2[%dma_wait3A_743, %add3A_489, %dma_wait3A_755] : memref<9x1024x128xi32, #tpu.memory_space<hbm>> -> memref<1x1x64xi32, #tpu.memory_space<hbm>>
      %dma_wait3A_757 = tpu.memref_squeeze %dma_wait3A_756 : memref<1x1x64xi32, #tpu.memory_space<hbm>> -> memref<64xi32, #tpu.memory_space<hbm>>
      tpu.wait_dma2 semaphore(%arg19 : memref<!tpu.dma_semaphore, #tpu.memory_space<semaphore_mem>>) src(%dma_wait3A_757 : memref<64xi32, #tpu.memory_space<hbm>>) dst(%dma_wait3A_754 : memref<64xi32, #tpu.memory_space<vmem>>)
      %dma_wait3A_758 = arith.constant 7 : i32
      %dma_wait3A_759 = arith.constant 1 : i32
      %dma_wait3A_760 = arith.constant 7 : i32
      %dma_wait3A_761 = arith.constant 0 : i32
      %dma_wait3A_762 = tpu.memref_slice %arg10[%dma_wait3A_759, %dma_wait3A_760, %dma_wait3A_761] : memref<2x9x64xi32, #tpu.memory_space<vmem>> -> memref<1x1x64xi32, #tpu.memory_space<vmem>>
      %dma_wait3A_763 = tpu.memref_squeeze %dma_wait3A_762 : memref<1x1x64xi32, #tpu.memory_space<vmem>> -> memref<64xi32, #tpu.memory_space<vmem>>
      %dma_wait3A_764 = arith.constant 64 : i32
      %dma_wait3A_765 = tpu.memref_slice %arg2[%dma_wait3A_758, %add3A_489, %dma_wait3A_764] : memref<9x1024x128xi32, #tpu.memory_space<hbm>> -> memref<1x1x64xi32, #tpu.memory_space<hbm>>
      %dma_wait3A_766 = tpu.memref_squeeze %dma_wait3A_765 : memref<1x1x64xi32, #tpu.memory_space<hbm>> -> memref<64xi32, #tpu.memory_space<hbm>>
      %dma_wait3A_767 = arith.constant 0 : i32
      %dma_wait3A_768 = tpu.memref_slice %arg10[%dma_wait3A_759, %dma_wait3A_760, %dma_wait3A_767] : memref<2x9x64xi32, #tpu.memory_space<vmem>> -> memref<1x1x64xi32, #tpu.memory_space<vmem>>
      %dma_wait3A_769 = tpu.memref_squeeze %dma_wait3A_768 : memref<1x1x64xi32, #tpu.memory_space<vmem>> -> memref<64xi32, #tpu.memory_space<vmem>>
      %dma_wait3A_770 = arith.constant 64 : i32
      %dma_wait3A_771 = tpu.memref_slice %arg2[%dma_wait3A_758, %add3A_489, %dma_wait3A_770] : memref<9x1024x128xi32, #tpu.memory_space<hbm>> -> memref<1x1x64xi32, #tpu.memory_space<hbm>>
      %dma_wait3A_772 = tpu.memref_squeeze %dma_wait3A_771 : memref<1x1x64xi32, #tpu.memory_space<hbm>> -> memref<64xi32, #tpu.memory_space<hbm>>
      tpu.wait_dma2 semaphore(%arg19 : memref<!tpu.dma_semaphore, #tpu.memory_space<semaphore_mem>>) src(%dma_wait3A_772 : memref<64xi32, #tpu.memory_space<hbm>>) dst(%dma_wait3A_769 : memref<64xi32, #tpu.memory_space<vmem>>)
      %dma_wait3A_773 = arith.constant 8 : i32
      %dma_wait3A_774 = arith.constant 1 : i32
      %dma_wait3A_775 = arith.constant 8 : i32
      %dma_wait3A_776 = arith.constant 0 : i32
      %dma_wait3A_777 = tpu.memref_slice %arg10[%dma_wait3A_774, %dma_wait3A_775, %dma_wait3A_776] : memref<2x9x64xi32, #tpu.memory_space<vmem>> -> memref<1x1x64xi32, #tpu.memory_space<vmem>>
      %dma_wait3A_778 = tpu.memref_squeeze %dma_wait3A_777 : memref<1x1x64xi32, #tpu.memory_space<vmem>> -> memref<64xi32, #tpu.memory_space<vmem>>
      %dma_wait3A_779 = arith.constant 64 : i32
      %dma_wait3A_780 = tpu.memref_slice %arg2[%dma_wait3A_773, %add3A_489, %dma_wait3A_779] : memref<9x1024x128xi32, #tpu.memory_space<hbm>> -> memref<1x1x64xi32, #tpu.memory_space<hbm>>
      %dma_wait3A_781 = tpu.memref_squeeze %dma_wait3A_780 : memref<1x1x64xi32, #tpu.memory_space<hbm>> -> memref<64xi32, #tpu.memory_space<hbm>>
      %dma_wait3A_782 = arith.constant 0 : i32
      %dma_wait3A_783 = tpu.memref_slice %arg10[%dma_wait3A_774, %dma_wait3A_775, %dma_wait3A_782] : memref<2x9x64xi32, #tpu.memory_space<vmem>> -> memref<1x1x64xi32, #tpu.memory_space<vmem>>
      %dma_wait3A_784 = tpu.memref_squeeze %dma_wait3A_783 : memref<1x1x64xi32, #tpu.memory_space<vmem>> -> memref<64xi32, #tpu.memory_space<vmem>>
      %dma_wait3A_785 = arith.constant 64 : i32
      %dma_wait3A_786 = tpu.memref_slice %arg2[%dma_wait3A_773, %add3A_489, %dma_wait3A_785] : memref<9x1024x128xi32, #tpu.memory_space<hbm>> -> memref<1x1x64xi32, #tpu.memory_space<hbm>>
      %dma_wait3A_787 = tpu.memref_squeeze %dma_wait3A_786 : memref<1x1x64xi32, #tpu.memory_space<hbm>> -> memref<64xi32, #tpu.memory_space<hbm>>
      tpu.wait_dma2 semaphore(%arg19 : memref<!tpu.dma_semaphore, #tpu.memory_space<semaphore_mem>>) src(%dma_wait3A_787 : memref<64xi32, #tpu.memory_space<hbm>>) dst(%dma_wait3A_784 : memref<64xi32, #tpu.memory_space<vmem>>)
      %dma_wait3A_788 = arith.constant 1 : i32
      %dma_wait3A_789 = arith.constant 0 : i32
      %dma_wait3A_790 = arith.constant 0 : i32
      %dma_wait3A_791 = tpu.memref_slice %arg11[%dma_wait3A_788, %dma_wait3A_789, %dma_wait3A_790] : memref<2x2x64xi32, #tpu.memory_space<vmem>> -> memref<1x1x64xi32, #tpu.memory_space<vmem>>
      %dma_wait3A_792 = tpu.memref_squeeze %dma_wait3A_791 : memref<1x1x64xi32, #tpu.memory_space<vmem>> -> memref<64xi32, #tpu.memory_space<vmem>>
      %dma_wait3A_793 = arith.constant 64 : i32
      %dma_wait3A_794 = tpu.memref_slice %arg3[%add3A_489, %dma_wait3A_793] : memref<1024x128xi32, #tpu.memory_space<hbm>> -> memref<1x64xi32, #tpu.memory_space<hbm>>
      %dma_wait3A_795 = tpu.memref_squeeze %dma_wait3A_794 : memref<1x64xi32, #tpu.memory_space<hbm>> -> memref<64xi32, #tpu.memory_space<hbm>>
      %dma_wait3A_796 = arith.constant 0 : i32
      %dma_wait3A_797 = tpu.memref_slice %arg11[%dma_wait3A_788, %dma_wait3A_789, %dma_wait3A_796] : memref<2x2x64xi32, #tpu.memory_space<vmem>> -> memref<1x1x64xi32, #tpu.memory_space<vmem>>
      %dma_wait3A_798 = tpu.memref_squeeze %dma_wait3A_797 : memref<1x1x64xi32, #tpu.memory_space<vmem>> -> memref<64xi32, #tpu.memory_space<vmem>>
      %dma_wait3A_799 = arith.constant 64 : i32
      %dma_wait3A_800 = tpu.memref_slice %arg3[%add3A_489, %dma_wait3A_799] : memref<1024x128xi32, #tpu.memory_space<hbm>> -> memref<1x64xi32, #tpu.memory_space<hbm>>
      %dma_wait3A_801 = tpu.memref_squeeze %dma_wait3A_800 : memref<1x64xi32, #tpu.memory_space<hbm>> -> memref<64xi32, #tpu.memory_space<hbm>>
      tpu.wait_dma2 semaphore(%arg19 : memref<!tpu.dma_semaphore, #tpu.memory_space<semaphore_mem>>) src(%dma_wait3A_801 : memref<64xi32, #tpu.memory_space<hbm>>) dst(%dma_wait3A_798 : memref<64xi32, #tpu.memory_space<vmem>>)
      %dma_wait3A_802 = arith.constant 1 : i32
      %dma_wait3A_803 = arith.constant 1 : i32
      %dma_wait3A_804 = arith.constant 0 : i32
      %dma_wait3A_805 = tpu.memref_slice %arg11[%dma_wait3A_802, %dma_wait3A_803, %dma_wait3A_804] : memref<2x2x64xi32, #tpu.memory_space<vmem>> -> memref<1x1x64xi32, #tpu.memory_space<vmem>>
      %dma_wait3A_806 = tpu.memref_squeeze %dma_wait3A_805 : memref<1x1x64xi32, #tpu.memory_space<vmem>> -> memref<64xi32, #tpu.memory_space<vmem>>
      %dma_wait3A_807 = arith.constant 64 : i32
      %dma_wait3A_808 = tpu.memref_slice %arg4[%add3A_489, %dma_wait3A_807] : memref<1024x128xi32, #tpu.memory_space<hbm>> -> memref<1x64xi32, #tpu.memory_space<hbm>>
      %dma_wait3A_809 = tpu.memref_squeeze %dma_wait3A_808 : memref<1x64xi32, #tpu.memory_space<hbm>> -> memref<64xi32, #tpu.memory_space<hbm>>
      %dma_wait3A_810 = arith.constant 0 : i32
      %dma_wait3A_811 = tpu.memref_slice %arg11[%dma_wait3A_802, %dma_wait3A_803, %dma_wait3A_810] : memref<2x2x64xi32, #tpu.memory_space<vmem>> -> memref<1x1x64xi32, #tpu.memory_space<vmem>>
      %dma_wait3A_812 = tpu.memref_squeeze %dma_wait3A_811 : memref<1x1x64xi32, #tpu.memory_space<vmem>> -> memref<64xi32, #tpu.memory_space<vmem>>
      %dma_wait3A_813 = arith.constant 64 : i32
      %dma_wait3A_814 = tpu.memref_slice %arg4[%add3A_489, %dma_wait3A_813] : memref<1024x128xi32, #tpu.memory_space<hbm>> -> memref<1x64xi32, #tpu.memory_space<hbm>>
      %dma_wait3A_815 = tpu.memref_squeeze %dma_wait3A_814 : memref<1x64xi32, #tpu.memory_space<hbm>> -> memref<64xi32, #tpu.memory_space<hbm>>
      tpu.wait_dma2 semaphore(%arg19 : memref<!tpu.dma_semaphore, #tpu.memory_space<semaphore_mem>>) src(%dma_wait3A_815 : memref<64xi32, #tpu.memory_space<hbm>>) dst(%dma_wait3A_812 : memref<64xi32, #tpu.memory_space<vmem>>)
      %dma_start3A_816 = arith.constant 1 : i32
      %dma_start3A_817 = arith.constant 0 : i32
      %dma_start3A_818 = arith.constant 1 : i32
      %dma_start3A_819 = arith.constant 0 : i32
      %dma_start3A_820 = arith.constant 0 : i32
      %dma_start3A_821 = tpu.memref_slice %arg12[%dma_start3A_818, %dma_start3A_819, %dma_start3A_820] : memref<2x576x64xf32, #tpu.memory_space<vmem>> -> memref<1x64x64xf32, #tpu.memory_space<vmem>>
      %dma_start3A_822 = tpu.memref_squeeze %dma_start3A_821 : memref<1x64x64xf32, #tpu.memory_space<vmem>> -> memref<64x64xf32, #tpu.memory_space<vmem>>
      %dma_start3A_823 = arith.constant 0 : i32
      %dma_start3A_824 = tpu.memref_slice %arg10[%dma_start3A_816, %dma_start3A_817, %dma_start3A_823] : memref<2x9x64xi32, #tpu.memory_space<vmem>> -> memref<1x1x64xi32, #tpu.memory_space<vmem>>
      %dma_start3A_825 = tpu.memref_squeeze %dma_start3A_824 : memref<1x1x64xi32, #tpu.memory_space<vmem>> -> memref<64xi32, #tpu.memory_space<vmem>>
      %dma_start3A_826 = arith.constant 0 : i32
      %dma_start3A_827 = arith.constant 0 : i32
      %dma_start3A_828 = tpu.memref_slice %arg5[%dma_start3A_826, %dma_start3A_827] : memref<100001x64xf32, #tpu.memory_space<hbm>> -> memref<100001x64xf32, #tpu.memory_space<hbm>>
      tpu.enqueue_indirect_dma source(%dma_start3A_828 : memref<100001x64xf32, #tpu.memory_space<hbm>>) target(%dma_start3A_822 : memref<64x64xf32, #tpu.memory_space<vmem>>) offsets(%dma_start3A_825 : memref<64xi32, #tpu.memory_space<vmem>>) semaphore(%arg16 : memref<!tpu.dma_semaphore, #tpu.memory_space<semaphore_mem>>)
      %dma_start3A_829 = arith.constant 1 : i32
      %dma_start3A_830 = arith.constant 1 : i32
      %dma_start3A_831 = arith.constant 1 : i32
      %dma_start3A_832 = arith.constant 64 : i32
      %dma_start3A_833 = arith.constant 0 : i32
      %dma_start3A_834 = tpu.memref_slice %arg12[%dma_start3A_831, %dma_start3A_832, %dma_start3A_833] : memref<2x576x64xf32, #tpu.memory_space<vmem>> -> memref<1x64x64xf32, #tpu.memory_space<vmem>>
      %dma_start3A_835 = tpu.memref_squeeze %dma_start3A_834 : memref<1x64x64xf32, #tpu.memory_space<vmem>> -> memref<64x64xf32, #tpu.memory_space<vmem>>
      %dma_start3A_836 = arith.constant 0 : i32
      %dma_start3A_837 = tpu.memref_slice %arg10[%dma_start3A_829, %dma_start3A_830, %dma_start3A_836] : memref<2x9x64xi32, #tpu.memory_space<vmem>> -> memref<1x1x64xi32, #tpu.memory_space<vmem>>
      %dma_start3A_838 = tpu.memref_squeeze %dma_start3A_837 : memref<1x1x64xi32, #tpu.memory_space<vmem>> -> memref<64xi32, #tpu.memory_space<vmem>>
      %dma_start3A_839 = arith.constant 0 : i32
      %dma_start3A_840 = arith.constant 0 : i32
      %dma_start3A_841 = tpu.memref_slice %arg5[%dma_start3A_839, %dma_start3A_840] : memref<100001x64xf32, #tpu.memory_space<hbm>> -> memref<100001x64xf32, #tpu.memory_space<hbm>>
      tpu.enqueue_indirect_dma source(%dma_start3A_841 : memref<100001x64xf32, #tpu.memory_space<hbm>>) target(%dma_start3A_835 : memref<64x64xf32, #tpu.memory_space<vmem>>) offsets(%dma_start3A_838 : memref<64xi32, #tpu.memory_space<vmem>>) semaphore(%arg16 : memref<!tpu.dma_semaphore, #tpu.memory_space<semaphore_mem>>)
      %dma_start3A_842 = arith.constant 1 : i32
      %dma_start3A_843 = arith.constant 2 : i32
      %dma_start3A_844 = arith.constant 1 : i32
      %dma_start3A_845 = arith.constant 128 : i32
      %dma_start3A_846 = arith.constant 0 : i32
      %dma_start3A_847 = tpu.memref_slice %arg12[%dma_start3A_844, %dma_start3A_845, %dma_start3A_846] : memref<2x576x64xf32, #tpu.memory_space<vmem>> -> memref<1x64x64xf32, #tpu.memory_space<vmem>>
      %dma_start3A_848 = tpu.memref_squeeze %dma_start3A_847 : memref<1x64x64xf32, #tpu.memory_space<vmem>> -> memref<64x64xf32, #tpu.memory_space<vmem>>
      %dma_start3A_849 = arith.constant 0 : i32
      %dma_start3A_850 = tpu.memref_slice %arg10[%dma_start3A_842, %dma_start3A_843, %dma_start3A_849] : memref<2x9x64xi32, #tpu.memory_space<vmem>> -> memref<1x1x64xi32, #tpu.memory_space<vmem>>
      %dma_start3A_851 = tpu.memref_squeeze %dma_start3A_850 : memref<1x1x64xi32, #tpu.memory_space<vmem>> -> memref<64xi32, #tpu.memory_space<vmem>>
      %dma_start3A_852 = arith.constant 0 : i32
      %dma_start3A_853 = arith.constant 0 : i32
      %dma_start3A_854 = tpu.memref_slice %arg5[%dma_start3A_852, %dma_start3A_853] : memref<100001x64xf32, #tpu.memory_space<hbm>> -> memref<100001x64xf32, #tpu.memory_space<hbm>>
      tpu.enqueue_indirect_dma source(%dma_start3A_854 : memref<100001x64xf32, #tpu.memory_space<hbm>>) target(%dma_start3A_848 : memref<64x64xf32, #tpu.memory_space<vmem>>) offsets(%dma_start3A_851 : memref<64xi32, #tpu.memory_space<vmem>>) semaphore(%arg16 : memref<!tpu.dma_semaphore, #tpu.memory_space<semaphore_mem>>)
      %dma_start3A_855 = arith.constant 1 : i32
      %dma_start3A_856 = arith.constant 3 : i32
      %dma_start3A_857 = arith.constant 1 : i32
      %dma_start3A_858 = arith.constant 192 : i32
      %dma_start3A_859 = arith.constant 0 : i32
      %dma_start3A_860 = tpu.memref_slice %arg12[%dma_start3A_857, %dma_start3A_858, %dma_start3A_859] : memref<2x576x64xf32, #tpu.memory_space<vmem>> -> memref<1x64x64xf32, #tpu.memory_space<vmem>>
      %dma_start3A_861 = tpu.memref_squeeze %dma_start3A_860 : memref<1x64x64xf32, #tpu.memory_space<vmem>> -> memref<64x64xf32, #tpu.memory_space<vmem>>
      %dma_start3A_862 = arith.constant 0 : i32
      %dma_start3A_863 = tpu.memref_slice %arg10[%dma_start3A_855, %dma_start3A_856, %dma_start3A_862] : memref<2x9x64xi32, #tpu.memory_space<vmem>> -> memref<1x1x64xi32, #tpu.memory_space<vmem>>
      %dma_start3A_864 = tpu.memref_squeeze %dma_start3A_863 : memref<1x1x64xi32, #tpu.memory_space<vmem>> -> memref<64xi32, #tpu.memory_space<vmem>>
      %dma_start3A_865 = arith.constant 0 : i32
      %dma_start3A_866 = arith.constant 0 : i32
      %dma_start3A_867 = tpu.memref_slice %arg5[%dma_start3A_865, %dma_start3A_866] : memref<100001x64xf32, #tpu.memory_space<hbm>> -> memref<100001x64xf32, #tpu.memory_space<hbm>>
      tpu.enqueue_indirect_dma source(%dma_start3A_867 : memref<100001x64xf32, #tpu.memory_space<hbm>>) target(%dma_start3A_861 : memref<64x64xf32, #tpu.memory_space<vmem>>) offsets(%dma_start3A_864 : memref<64xi32, #tpu.memory_space<vmem>>) semaphore(%arg16 : memref<!tpu.dma_semaphore, #tpu.memory_space<semaphore_mem>>)
      %dma_start3A_868 = arith.constant 1 : i32
      %dma_start3A_869 = arith.constant 4 : i32
      %dma_start3A_870 = arith.constant 1 : i32
      %dma_start3A_871 = arith.constant 256 : i32
      %dma_start3A_872 = arith.constant 0 : i32
      %dma_start3A_873 = tpu.memref_slice %arg12[%dma_start3A_870, %dma_start3A_871, %dma_start3A_872] : memref<2x576x64xf32, #tpu.memory_space<vmem>> -> memref<1x64x64xf32, #tpu.memory_space<vmem>>
      %dma_start3A_874 = tpu.memref_squeeze %dma_start3A_873 : memref<1x64x64xf32, #tpu.memory_space<vmem>> -> memref<64x64xf32, #tpu.memory_space<vmem>>
      %dma_start3A_875 = arith.constant 0 : i32
      %dma_start3A_876 = tpu.memref_slice %arg10[%dma_start3A_868, %dma_start3A_869, %dma_start3A_875] : memref<2x9x64xi32, #tpu.memory_space<vmem>> -> memref<1x1x64xi32, #tpu.memory_space<vmem>>
      %dma_start3A_877 = tpu.memref_squeeze %dma_start3A_876 : memref<1x1x64xi32, #tpu.memory_space<vmem>> -> memref<64xi32, #tpu.memory_space<vmem>>
      %dma_start3A_878 = arith.constant 0 : i32
      %dma_start3A_879 = arith.constant 0 : i32
      %dma_start3A_880 = tpu.memref_slice %arg5[%dma_start3A_878, %dma_start3A_879] : memref<100001x64xf32, #tpu.memory_space<hbm>> -> memref<100001x64xf32, #tpu.memory_space<hbm>>
      tpu.enqueue_indirect_dma source(%dma_start3A_880 : memref<100001x64xf32, #tpu.memory_space<hbm>>) target(%dma_start3A_874 : memref<64x64xf32, #tpu.memory_space<vmem>>) offsets(%dma_start3A_877 : memref<64xi32, #tpu.memory_space<vmem>>) semaphore(%arg16 : memref<!tpu.dma_semaphore, #tpu.memory_space<semaphore_mem>>)
      %dma_start3A_881 = arith.constant 1 : i32
      %dma_start3A_882 = arith.constant 5 : i32
      %dma_start3A_883 = arith.constant 1 : i32
      %dma_start3A_884 = arith.constant 320 : i32
      %dma_start3A_885 = arith.constant 0 : i32
      %dma_start3A_886 = tpu.memref_slice %arg12[%dma_start3A_883, %dma_start3A_884, %dma_start3A_885] : memref<2x576x64xf32, #tpu.memory_space<vmem>> -> memref<1x64x64xf32, #tpu.memory_space<vmem>>
      %dma_start3A_887 = tpu.memref_squeeze %dma_start3A_886 : memref<1x64x64xf32, #tpu.memory_space<vmem>> -> memref<64x64xf32, #tpu.memory_space<vmem>>
      %dma_start3A_888 = arith.constant 0 : i32
      %dma_start3A_889 = tpu.memref_slice %arg10[%dma_start3A_881, %dma_start3A_882, %dma_start3A_888] : memref<2x9x64xi32, #tpu.memory_space<vmem>> -> memref<1x1x64xi32, #tpu.memory_space<vmem>>
      %dma_start3A_890 = tpu.memref_squeeze %dma_start3A_889 : memref<1x1x64xi32, #tpu.memory_space<vmem>> -> memref<64xi32, #tpu.memory_space<vmem>>
      %dma_start3A_891 = arith.constant 0 : i32
      %dma_start3A_892 = arith.constant 0 : i32
      %dma_start3A_893 = tpu.memref_slice %arg5[%dma_start3A_891, %dma_start3A_892] : memref<100001x64xf32, #tpu.memory_space<hbm>> -> memref<100001x64xf32, #tpu.memory_space<hbm>>
      tpu.enqueue_indirect_dma source(%dma_start3A_893 : memref<100001x64xf32, #tpu.memory_space<hbm>>) target(%dma_start3A_887 : memref<64x64xf32, #tpu.memory_space<vmem>>) offsets(%dma_start3A_890 : memref<64xi32, #tpu.memory_space<vmem>>) semaphore(%arg16 : memref<!tpu.dma_semaphore, #tpu.memory_space<semaphore_mem>>)
      %dma_start3A_894 = arith.constant 1 : i32
      %dma_start3A_895 = arith.constant 6 : i32
      %dma_start3A_896 = arith.constant 1 : i32
      %dma_start3A_897 = arith.constant 384 : i32
      %dma_start3A_898 = arith.constant 0 : i32
      %dma_start3A_899 = tpu.memref_slice %arg12[%dma_start3A_896, %dma_start3A_897, %dma_start3A_898] : memref<2x576x64xf32, #tpu.memory_space<vmem>> -> memref<1x64x64xf32, #tpu.memory_space<vmem>>
      %dma_start3A_900 = tpu.memref_squeeze %dma_start3A_899 : memref<1x64x64xf32, #tpu.memory_space<vmem>> -> memref<64x64xf32, #tpu.memory_space<vmem>>
      %dma_start3A_901 = arith.constant 0 : i32
      %dma_start3A_902 = tpu.memref_slice %arg10[%dma_start3A_894, %dma_start3A_895, %dma_start3A_901] : memref<2x9x64xi32, #tpu.memory_space<vmem>> -> memref<1x1x64xi32, #tpu.memory_space<vmem>>
      %dma_start3A_903 = tpu.memref_squeeze %dma_start3A_902 : memref<1x1x64xi32, #tpu.memory_space<vmem>> -> memref<64xi32, #tpu.memory_space<vmem>>
      %dma_start3A_904 = arith.constant 0 : i32
      %dma_start3A_905 = arith.constant 0 : i32
      %dma_start3A_906 = tpu.memref_slice %arg5[%dma_start3A_904, %dma_start3A_905] : memref<100001x64xf32, #tpu.memory_space<hbm>> -> memref<100001x64xf32, #tpu.memory_space<hbm>>
      tpu.enqueue_indirect_dma source(%dma_start3A_906 : memref<100001x64xf32, #tpu.memory_space<hbm>>) target(%dma_start3A_900 : memref<64x64xf32, #tpu.memory_space<vmem>>) offsets(%dma_start3A_903 : memref<64xi32, #tpu.memory_space<vmem>>) semaphore(%arg16 : memref<!tpu.dma_semaphore, #tpu.memory_space<semaphore_mem>>)
      %dma_start3A_907 = arith.constant 1 : i32
      %dma_start3A_908 = arith.constant 7 : i32
      %dma_start3A_909 = arith.constant 1 : i32
      %dma_start3A_910 = arith.constant 448 : i32
      %dma_start3A_911 = arith.constant 0 : i32
      %dma_start3A_912 = tpu.memref_slice %arg12[%dma_start3A_909, %dma_start3A_910, %dma_start3A_911] : memref<2x576x64xf32, #tpu.memory_space<vmem>> -> memref<1x64x64xf32, #tpu.memory_space<vmem>>
      %dma_start3A_913 = tpu.memref_squeeze %dma_start3A_912 : memref<1x64x64xf32, #tpu.memory_space<vmem>> -> memref<64x64xf32, #tpu.memory_space<vmem>>
      %dma_start3A_914 = arith.constant 0 : i32
      %dma_start3A_915 = tpu.memref_slice %arg10[%dma_start3A_907, %dma_start3A_908, %dma_start3A_914] : memref<2x9x64xi32, #tpu.memory_space<vmem>> -> memref<1x1x64xi32, #tpu.memory_space<vmem>>
      %dma_start3A_916 = tpu.memref_squeeze %dma_start3A_915 : memref<1x1x64xi32, #tpu.memory_space<vmem>> -> memref<64xi32, #tpu.memory_space<vmem>>
      %dma_start3A_917 = arith.constant 0 : i32
      %dma_start3A_918 = arith.constant 0 : i32
      %dma_start3A_919 = tpu.memref_slice %arg5[%dma_start3A_917, %dma_start3A_918] : memref<100001x64xf32, #tpu.memory_space<hbm>> -> memref<100001x64xf32, #tpu.memory_space<hbm>>
      tpu.enqueue_indirect_dma source(%dma_start3A_919 : memref<100001x64xf32, #tpu.memory_space<hbm>>) target(%dma_start3A_913 : memref<64x64xf32, #tpu.memory_space<vmem>>) offsets(%dma_start3A_916 : memref<64xi32, #tpu.memory_space<vmem>>) semaphore(%arg16 : memref<!tpu.dma_semaphore, #tpu.memory_space<semaphore_mem>>)
      %dma_start3A_920 = arith.constant 1 : i32
      %dma_start3A_921 = arith.constant 8 : i32
      %dma_start3A_922 = arith.constant 1 : i32
      %dma_start3A_923 = arith.constant 512 : i32
      %dma_start3A_924 = arith.constant 0 : i32
      %dma_start3A_925 = tpu.memref_slice %arg12[%dma_start3A_922, %dma_start3A_923, %dma_start3A_924] : memref<2x576x64xf32, #tpu.memory_space<vmem>> -> memref<1x64x64xf32, #tpu.memory_space<vmem>>
      %dma_start3A_926 = tpu.memref_squeeze %dma_start3A_925 : memref<1x64x64xf32, #tpu.memory_space<vmem>> -> memref<64x64xf32, #tpu.memory_space<vmem>>
      %dma_start3A_927 = arith.constant 0 : i32
      %dma_start3A_928 = tpu.memref_slice %arg10[%dma_start3A_920, %dma_start3A_921, %dma_start3A_927] : memref<2x9x64xi32, #tpu.memory_space<vmem>> -> memref<1x1x64xi32, #tpu.memory_space<vmem>>
      %dma_start3A_929 = tpu.memref_squeeze %dma_start3A_928 : memref<1x1x64xi32, #tpu.memory_space<vmem>> -> memref<64xi32, #tpu.memory_space<vmem>>
      %dma_start3A_930 = arith.constant 0 : i32
      %dma_start3A_931 = arith.constant 0 : i32
      %dma_start3A_932 = tpu.memref_slice %arg5[%dma_start3A_930, %dma_start3A_931] : memref<100001x64xf32, #tpu.memory_space<hbm>> -> memref<100001x64xf32, #tpu.memory_space<hbm>>
      tpu.enqueue_indirect_dma source(%dma_start3A_932 : memref<100001x64xf32, #tpu.memory_space<hbm>>) target(%dma_start3A_926 : memref<64x64xf32, #tpu.memory_space<vmem>>) offsets(%dma_start3A_929 : memref<64xi32, #tpu.memory_space<vmem>>) semaphore(%arg16 : memref<!tpu.dma_semaphore, #tpu.memory_space<semaphore_mem>>)
      %dma_start3A_933 = arith.constant 1 : i32
      %dma_start3A_934 = arith.constant 0 : i32
      %dma_start3A_935 = arith.constant 1 : i32
      %dma_start3A_936 = arith.constant 0 : i32
      %dma_start3A_937 = arith.constant 0 : i32
      %dma_start3A_938 = arith.constant 0 : i32
      %dma_start3A_939 = tpu.memref_slice %arg13[%dma_start3A_935, %dma_start3A_936, %dma_start3A_937, %dma_start3A_938] : memref<2x2x64x64xf32, #tpu.memory_space<vmem>> -> memref<1x1x64x64xf32, #tpu.memory_space<vmem>>
      %dma_start3A_940 = tpu.memref_squeeze %dma_start3A_939 : memref<1x1x64x64xf32, #tpu.memory_space<vmem>> -> memref<64x64xf32, #tpu.memory_space<vmem>>
      %dma_start3A_941 = arith.constant 0 : i32
      %dma_start3A_942 = tpu.memref_slice %arg11[%dma_start3A_933, %dma_start3A_934, %dma_start3A_941] : memref<2x2x64xi32, #tpu.memory_space<vmem>> -> memref<1x1x64xi32, #tpu.memory_space<vmem>>
      %dma_start3A_943 = tpu.memref_squeeze %dma_start3A_942 : memref<1x1x64xi32, #tpu.memory_space<vmem>> -> memref<64xi32, #tpu.memory_space<vmem>>
      %dma_start3A_944 = arith.constant 0 : i32
      %dma_start3A_945 = arith.constant 0 : i32
      %dma_start3A_946 = tpu.memref_slice %arg6[%dma_start3A_944, %dma_start3A_945] : memref<512x64xf32, #tpu.memory_space<hbm>> -> memref<512x64xf32, #tpu.memory_space<hbm>>
      tpu.enqueue_indirect_dma source(%dma_start3A_946 : memref<512x64xf32, #tpu.memory_space<hbm>>) target(%dma_start3A_940 : memref<64x64xf32, #tpu.memory_space<vmem>>) offsets(%dma_start3A_943 : memref<64xi32, #tpu.memory_space<vmem>>) semaphore(%arg16 : memref<!tpu.dma_semaphore, #tpu.memory_space<semaphore_mem>>)
      %dma_start3A_947 = arith.constant 1 : i32
      %dma_start3A_948 = arith.constant 1 : i32
      %dma_start3A_949 = arith.constant 1 : i32
      %dma_start3A_950 = arith.constant 1 : i32
      %dma_start3A_951 = arith.constant 0 : i32
      %dma_start3A_952 = arith.constant 0 : i32
      %dma_start3A_953 = tpu.memref_slice %arg13[%dma_start3A_949, %dma_start3A_950, %dma_start3A_951, %dma_start3A_952] : memref<2x2x64x64xf32, #tpu.memory_space<vmem>> -> memref<1x1x64x64xf32, #tpu.memory_space<vmem>>
      %dma_start3A_954 = tpu.memref_squeeze %dma_start3A_953 : memref<1x1x64x64xf32, #tpu.memory_space<vmem>> -> memref<64x64xf32, #tpu.memory_space<vmem>>
      %dma_start3A_955 = arith.constant 0 : i32
      %dma_start3A_956 = tpu.memref_slice %arg11[%dma_start3A_947, %dma_start3A_948, %dma_start3A_955] : memref<2x2x64xi32, #tpu.memory_space<vmem>> -> memref<1x1x64xi32, #tpu.memory_space<vmem>>
      %dma_start3A_957 = tpu.memref_squeeze %dma_start3A_956 : memref<1x1x64xi32, #tpu.memory_space<vmem>> -> memref<64xi32, #tpu.memory_space<vmem>>
      %dma_start3A_958 = arith.constant 0 : i32
      %dma_start3A_959 = arith.constant 0 : i32
      %dma_start3A_960 = tpu.memref_slice %arg7[%dma_start3A_958, %dma_start3A_959] : memref<512x64xf32, #tpu.memory_space<hbm>> -> memref<512x64xf32, #tpu.memory_space<hbm>>
      tpu.enqueue_indirect_dma source(%dma_start3A_960 : memref<512x64xf32, #tpu.memory_space<hbm>>) target(%dma_start3A_954 : memref<64x64xf32, #tpu.memory_space<vmem>>) offsets(%dma_start3A_957 : memref<64xi32, #tpu.memory_space<vmem>>) semaphore(%arg16 : memref<!tpu.dma_semaphore, #tpu.memory_space<semaphore_mem>>)
      %dma_wait3A_961 = arith.constant 0 : i32
      %dma_wait3A_962 = arith.constant 0 : i32
      %dma_wait3A_963 = arith.constant 0 : i32
      %dma_wait3A_964 = arith.constant 0 : i32
      %dma_wait3A_965 = arith.constant 0 : i32
      %dma_wait3A_966 = tpu.memref_slice %arg12[%dma_wait3A_963, %dma_wait3A_964, %dma_wait3A_965] : memref<2x576x64xf32, #tpu.memory_space<vmem>> -> memref<1x64x64xf32, #tpu.memory_space<vmem>>
      %dma_wait3A_967 = tpu.memref_squeeze %dma_wait3A_966 : memref<1x64x64xf32, #tpu.memory_space<vmem>> -> memref<64x64xf32, #tpu.memory_space<vmem>>
      %dma_wait3A_968 = arith.constant 0 : i32
      %dma_wait3A_969 = tpu.memref_slice %arg10[%dma_wait3A_961, %dma_wait3A_962, %dma_wait3A_968] : memref<2x9x64xi32, #tpu.memory_space<vmem>> -> memref<1x1x64xi32, #tpu.memory_space<vmem>>
      %dma_wait3A_970 = tpu.memref_squeeze %dma_wait3A_969 : memref<1x1x64xi32, #tpu.memory_space<vmem>> -> memref<64xi32, #tpu.memory_space<vmem>>
      %dma_wait3A_971 = arith.constant 0 : i32
      %dma_wait3A_972 = arith.constant 0 : i32
      %dma_wait3A_973 = tpu.memref_slice %arg5[%dma_wait3A_971, %dma_wait3A_972] : memref<100001x64xf32, #tpu.memory_space<hbm>> -> memref<100001x64xf32, #tpu.memory_space<hbm>>
      tpu.wait_indirect_dma semaphore(%arg15 : memref<!tpu.dma_semaphore, #tpu.memory_space<semaphore_mem>>) src(%dma_wait3A_973 : memref<100001x64xf32, #tpu.memory_space<hbm>>) dst(%dma_wait3A_967 : memref<64x64xf32, #tpu.memory_space<vmem>>)
      %dma_wait3A_974 = arith.constant 0 : i32
      %dma_wait3A_975 = arith.constant 1 : i32
      %dma_wait3A_976 = arith.constant 0 : i32
      %dma_wait3A_977 = arith.constant 64 : i32
      %dma_wait3A_978 = arith.constant 0 : i32
      %dma_wait3A_979 = tpu.memref_slice %arg12[%dma_wait3A_976, %dma_wait3A_977, %dma_wait3A_978] : memref<2x576x64xf32, #tpu.memory_space<vmem>> -> memref<1x64x64xf32, #tpu.memory_space<vmem>>
      %dma_wait3A_980 = tpu.memref_squeeze %dma_wait3A_979 : memref<1x64x64xf32, #tpu.memory_space<vmem>> -> memref<64x64xf32, #tpu.memory_space<vmem>>
      %dma_wait3A_981 = arith.constant 0 : i32
      %dma_wait3A_982 = tpu.memref_slice %arg10[%dma_wait3A_974, %dma_wait3A_975, %dma_wait3A_981] : memref<2x9x64xi32, #tpu.memory_space<vmem>> -> memref<1x1x64xi32, #tpu.memory_space<vmem>>
      %dma_wait3A_983 = tpu.memref_squeeze %dma_wait3A_982 : memref<1x1x64xi32, #tpu.memory_space<vmem>> -> memref<64xi32, #tpu.memory_space<vmem>>
      %dma_wait3A_984 = arith.constant 0 : i32
      %dma_wait3A_985 = arith.constant 0 : i32
      %dma_wait3A_986 = tpu.memref_slice %arg5[%dma_wait3A_984, %dma_wait3A_985] : memref<100001x64xf32, #tpu.memory_space<hbm>> -> memref<100001x64xf32, #tpu.memory_space<hbm>>
      tpu.wait_indirect_dma semaphore(%arg15 : memref<!tpu.dma_semaphore, #tpu.memory_space<semaphore_mem>>) src(%dma_wait3A_986 : memref<100001x64xf32, #tpu.memory_space<hbm>>) dst(%dma_wait3A_980 : memref<64x64xf32, #tpu.memory_space<vmem>>)
      %dma_wait3A_987 = arith.constant 0 : i32
      %dma_wait3A_988 = arith.constant 2 : i32
      %dma_wait3A_989 = arith.constant 0 : i32
      %dma_wait3A_990 = arith.constant 128 : i32
      %dma_wait3A_991 = arith.constant 0 : i32
      %dma_wait3A_992 = tpu.memref_slice %arg12[%dma_wait3A_989, %dma_wait3A_990, %dma_wait3A_991] : memref<2x576x64xf32, #tpu.memory_space<vmem>> -> memref<1x64x64xf32, #tpu.memory_space<vmem>>
      %dma_wait3A_993 = tpu.memref_squeeze %dma_wait3A_992 : memref<1x64x64xf32, #tpu.memory_space<vmem>> -> memref<64x64xf32, #tpu.memory_space<vmem>>
      %dma_wait3A_994 = arith.constant 0 : i32
      %dma_wait3A_995 = tpu.memref_slice %arg10[%dma_wait3A_987, %dma_wait3A_988, %dma_wait3A_994] : memref<2x9x64xi32, #tpu.memory_space<vmem>> -> memref<1x1x64xi32, #tpu.memory_space<vmem>>
      %dma_wait3A_996 = tpu.memref_squeeze %dma_wait3A_995 : memref<1x1x64xi32, #tpu.memory_space<vmem>> -> memref<64xi32, #tpu.memory_space<vmem>>
      %dma_wait3A_997 = arith.constant 0 : i32
      %dma_wait3A_998 = arith.constant 0 : i32
      %dma_wait3A_999 = tpu.memref_slice %arg5[%dma_wait3A_997, %dma_wait3A_998] : memref<100001x64xf32, #tpu.memory_space<hbm>> -> memref<100001x64xf32, #tpu.memory_space<hbm>>
      tpu.wait_indirect_dma semaphore(%arg15 : memref<!tpu.dma_semaphore, #tpu.memory_space<semaphore_mem>>) src(%dma_wait3A_999 : memref<100001x64xf32, #tpu.memory_space<hbm>>) dst(%dma_wait3A_993 : memref<64x64xf32, #tpu.memory_space<vmem>>)
      %dma_wait3A_1000 = arith.constant 0 : i32
      %dma_wait3A_1001 = arith.constant 3 : i32
      %dma_wait3A_1002 = arith.constant 0 : i32
      %dma_wait3A_1003 = arith.constant 192 : i32
      %dma_wait3A_1004 = arith.constant 0 : i32
      %dma_wait3A_1005 = tpu.memref_slice %arg12[%dma_wait3A_1002, %dma_wait3A_1003, %dma_wait3A_1004] : memref<2x576x64xf32, #tpu.memory_space<vmem>> -> memref<1x64x64xf32, #tpu.memory_space<vmem>>
      %dma_wait3A_1006 = tpu.memref_squeeze %dma_wait3A_1005 : memref<1x64x64xf32, #tpu.memory_space<vmem>> -> memref<64x64xf32, #tpu.memory_space<vmem>>
      %dma_wait3A_1007 = arith.constant 0 : i32
      %dma_wait3A_1008 = tpu.memref_slice %arg10[%dma_wait3A_1000, %dma_wait3A_1001, %dma_wait3A_1007] : memref<2x9x64xi32, #tpu.memory_space<vmem>> -> memref<1x1x64xi32, #tpu.memory_space<vmem>>
      %dma_wait3A_1009 = tpu.memref_squeeze %dma_wait3A_1008 : memref<1x1x64xi32, #tpu.memory_space<vmem>> -> memref<64xi32, #tpu.memory_space<vmem>>
      %dma_wait3A_1010 = arith.constant 0 : i32
      %dma_wait3A_1011 = arith.constant 0 : i32
      %dma_wait3A_1012 = tpu.memref_slice %arg5[%dma_wait3A_1010, %dma_wait3A_1011] : memref<100001x64xf32, #tpu.memory_space<hbm>> -> memref<100001x64xf32, #tpu.memory_space<hbm>>
      tpu.wait_indirect_dma semaphore(%arg15 : memref<!tpu.dma_semaphore, #tpu.memory_space<semaphore_mem>>) src(%dma_wait3A_1012 : memref<100001x64xf32, #tpu.memory_space<hbm>>) dst(%dma_wait3A_1006 : memref<64x64xf32, #tpu.memory_space<vmem>>)
      %dma_wait3A_1013 = arith.constant 0 : i32
      %dma_wait3A_1014 = arith.constant 4 : i32
      %dma_wait3A_1015 = arith.constant 0 : i32
      %dma_wait3A_1016 = arith.constant 256 : i32
      %dma_wait3A_1017 = arith.constant 0 : i32
      %dma_wait3A_1018 = tpu.memref_slice %arg12[%dma_wait3A_1015, %dma_wait3A_1016, %dma_wait3A_1017] : memref<2x576x64xf32, #tpu.memory_space<vmem>> -> memref<1x64x64xf32, #tpu.memory_space<vmem>>
      %dma_wait3A_1019 = tpu.memref_squeeze %dma_wait3A_1018 : memref<1x64x64xf32, #tpu.memory_space<vmem>> -> memref<64x64xf32, #tpu.memory_space<vmem>>
      %dma_wait3A_1020 = arith.constant 0 : i32
      %dma_wait3A_1021 = tpu.memref_slice %arg10[%dma_wait3A_1013, %dma_wait3A_1014, %dma_wait3A_1020] : memref<2x9x64xi32, #tpu.memory_space<vmem>> -> memref<1x1x64xi32, #tpu.memory_space<vmem>>
      %dma_wait3A_1022 = tpu.memref_squeeze %dma_wait3A_1021 : memref<1x1x64xi32, #tpu.memory_space<vmem>> -> memref<64xi32, #tpu.memory_space<vmem>>
      %dma_wait3A_1023 = arith.constant 0 : i32
      %dma_wait3A_1024 = arith.constant 0 : i32
      %dma_wait3A_1025 = tpu.memref_slice %arg5[%dma_wait3A_1023, %dma_wait3A_1024] : memref<100001x64xf32, #tpu.memory_space<hbm>> -> memref<100001x64xf32, #tpu.memory_space<hbm>>
      tpu.wait_indirect_dma semaphore(%arg15 : memref<!tpu.dma_semaphore, #tpu.memory_space<semaphore_mem>>) src(%dma_wait3A_1025 : memref<100001x64xf32, #tpu.memory_space<hbm>>) dst(%dma_wait3A_1019 : memref<64x64xf32, #tpu.memory_space<vmem>>)
      %dma_wait3A_1026 = arith.constant 0 : i32
      %dma_wait3A_1027 = arith.constant 5 : i32
      %dma_wait3A_1028 = arith.constant 0 : i32
      %dma_wait3A_1029 = arith.constant 320 : i32
      %dma_wait3A_1030 = arith.constant 0 : i32
      %dma_wait3A_1031 = tpu.memref_slice %arg12[%dma_wait3A_1028, %dma_wait3A_1029, %dma_wait3A_1030] : memref<2x576x64xf32, #tpu.memory_space<vmem>> -> memref<1x64x64xf32, #tpu.memory_space<vmem>>
      %dma_wait3A_1032 = tpu.memref_squeeze %dma_wait3A_1031 : memref<1x64x64xf32, #tpu.memory_space<vmem>> -> memref<64x64xf32, #tpu.memory_space<vmem>>
      %dma_wait3A_1033 = arith.constant 0 : i32
      %dma_wait3A_1034 = tpu.memref_slice %arg10[%dma_wait3A_1026, %dma_wait3A_1027, %dma_wait3A_1033] : memref<2x9x64xi32, #tpu.memory_space<vmem>> -> memref<1x1x64xi32, #tpu.memory_space<vmem>>
      %dma_wait3A_1035 = tpu.memref_squeeze %dma_wait3A_1034 : memref<1x1x64xi32, #tpu.memory_space<vmem>> -> memref<64xi32, #tpu.memory_space<vmem>>
      %dma_wait3A_1036 = arith.constant 0 : i32
      %dma_wait3A_1037 = arith.constant 0 : i32
      %dma_wait3A_1038 = tpu.memref_slice %arg5[%dma_wait3A_1036, %dma_wait3A_1037] : memref<100001x64xf32, #tpu.memory_space<hbm>> -> memref<100001x64xf32, #tpu.memory_space<hbm>>
      tpu.wait_indirect_dma semaphore(%arg15 : memref<!tpu.dma_semaphore, #tpu.memory_space<semaphore_mem>>) src(%dma_wait3A_1038 : memref<100001x64xf32, #tpu.memory_space<hbm>>) dst(%dma_wait3A_1032 : memref<64x64xf32, #tpu.memory_space<vmem>>)
      %dma_wait3A_1039 = arith.constant 0 : i32
      %dma_wait3A_1040 = arith.constant 6 : i32
      %dma_wait3A_1041 = arith.constant 0 : i32
      %dma_wait3A_1042 = arith.constant 384 : i32
      %dma_wait3A_1043 = arith.constant 0 : i32
      %dma_wait3A_1044 = tpu.memref_slice %arg12[%dma_wait3A_1041, %dma_wait3A_1042, %dma_wait3A_1043] : memref<2x576x64xf32, #tpu.memory_space<vmem>> -> memref<1x64x64xf32, #tpu.memory_space<vmem>>
      %dma_wait3A_1045 = tpu.memref_squeeze %dma_wait3A_1044 : memref<1x64x64xf32, #tpu.memory_space<vmem>> -> memref<64x64xf32, #tpu.memory_space<vmem>>
      %dma_wait3A_1046 = arith.constant 0 : i32
      %dma_wait3A_1047 = tpu.memref_slice %arg10[%dma_wait3A_1039, %dma_wait3A_1040, %dma_wait3A_1046] : memref<2x9x64xi32, #tpu.memory_space<vmem>> -> memref<1x1x64xi32, #tpu.memory_space<vmem>>
      %dma_wait3A_1048 = tpu.memref_squeeze %dma_wait3A_1047 : memref<1x1x64xi32, #tpu.memory_space<vmem>> -> memref<64xi32, #tpu.memory_space<vmem>>
      %dma_wait3A_1049 = arith.constant 0 : i32
      %dma_wait3A_1050 = arith.constant 0 : i32
      %dma_wait3A_1051 = tpu.memref_slice %arg5[%dma_wait3A_1049, %dma_wait3A_1050] : memref<100001x64xf32, #tpu.memory_space<hbm>> -> memref<100001x64xf32, #tpu.memory_space<hbm>>
      tpu.wait_indirect_dma semaphore(%arg15 : memref<!tpu.dma_semaphore, #tpu.memory_space<semaphore_mem>>) src(%dma_wait3A_1051 : memref<100001x64xf32, #tpu.memory_space<hbm>>) dst(%dma_wait3A_1045 : memref<64x64xf32, #tpu.memory_space<vmem>>)
      %dma_wait3A_1052 = arith.constant 0 : i32
      %dma_wait3A_1053 = arith.constant 7 : i32
      %dma_wait3A_1054 = arith.constant 0 : i32
      %dma_wait3A_1055 = arith.constant 448 : i32
      %dma_wait3A_1056 = arith.constant 0 : i32
      %dma_wait3A_1057 = tpu.memref_slice %arg12[%dma_wait3A_1054, %dma_wait3A_1055, %dma_wait3A_1056] : memref<2x576x64xf32, #tpu.memory_space<vmem>> -> memref<1x64x64xf32, #tpu.memory_space<vmem>>
      %dma_wait3A_1058 = tpu.memref_squeeze %dma_wait3A_1057 : memref<1x64x64xf32, #tpu.memory_space<vmem>> -> memref<64x64xf32, #tpu.memory_space<vmem>>
      %dma_wait3A_1059 = arith.constant 0 : i32
      %dma_wait3A_1060 = tpu.memref_slice %arg10[%dma_wait3A_1052, %dma_wait3A_1053, %dma_wait3A_1059] : memref<2x9x64xi32, #tpu.memory_space<vmem>> -> memref<1x1x64xi32, #tpu.memory_space<vmem>>
      %dma_wait3A_1061 = tpu.memref_squeeze %dma_wait3A_1060 : memref<1x1x64xi32, #tpu.memory_space<vmem>> -> memref<64xi32, #tpu.memory_space<vmem>>
      %dma_wait3A_1062 = arith.constant 0 : i32
      %dma_wait3A_1063 = arith.constant 0 : i32
      %dma_wait3A_1064 = tpu.memref_slice %arg5[%dma_wait3A_1062, %dma_wait3A_1063] : memref<100001x64xf32, #tpu.memory_space<hbm>> -> memref<100001x64xf32, #tpu.memory_space<hbm>>
      tpu.wait_indirect_dma semaphore(%arg15 : memref<!tpu.dma_semaphore, #tpu.memory_space<semaphore_mem>>) src(%dma_wait3A_1064 : memref<100001x64xf32, #tpu.memory_space<hbm>>) dst(%dma_wait3A_1058 : memref<64x64xf32, #tpu.memory_space<vmem>>)
      %dma_wait3A_1065 = arith.constant 0 : i32
      %dma_wait3A_1066 = arith.constant 8 : i32
      %dma_wait3A_1067 = arith.constant 0 : i32
      %dma_wait3A_1068 = arith.constant 512 : i32
      %dma_wait3A_1069 = arith.constant 0 : i32
      %dma_wait3A_1070 = tpu.memref_slice %arg12[%dma_wait3A_1067, %dma_wait3A_1068, %dma_wait3A_1069] : memref<2x576x64xf32, #tpu.memory_space<vmem>> -> memref<1x64x64xf32, #tpu.memory_space<vmem>>
      %dma_wait3A_1071 = tpu.memref_squeeze %dma_wait3A_1070 : memref<1x64x64xf32, #tpu.memory_space<vmem>> -> memref<64x64xf32, #tpu.memory_space<vmem>>
      %dma_wait3A_1072 = arith.constant 0 : i32
      %dma_wait3A_1073 = tpu.memref_slice %arg10[%dma_wait3A_1065, %dma_wait3A_1066, %dma_wait3A_1072] : memref<2x9x64xi32, #tpu.memory_space<vmem>> -> memref<1x1x64xi32, #tpu.memory_space<vmem>>
      %dma_wait3A_1074 = tpu.memref_squeeze %dma_wait3A_1073 : memref<1x1x64xi32, #tpu.memory_space<vmem>> -> memref<64xi32, #tpu.memory_space<vmem>>
      %dma_wait3A_1075 = arith.constant 0 : i32
      %dma_wait3A_1076 = arith.constant 0 : i32
      %dma_wait3A_1077 = tpu.memref_slice %arg5[%dma_wait3A_1075, %dma_wait3A_1076] : memref<100001x64xf32, #tpu.memory_space<hbm>> -> memref<100001x64xf32, #tpu.memory_space<hbm>>
      tpu.wait_indirect_dma semaphore(%arg15 : memref<!tpu.dma_semaphore, #tpu.memory_space<semaphore_mem>>) src(%dma_wait3A_1077 : memref<100001x64xf32, #tpu.memory_space<hbm>>) dst(%dma_wait3A_1071 : memref<64x64xf32, #tpu.memory_space<vmem>>)
      %dma_wait3A_1078 = arith.constant 0 : i32
      %dma_wait3A_1079 = arith.constant 0 : i32
      %dma_wait3A_1080 = arith.constant 0 : i32
      %dma_wait3A_1081 = arith.constant 0 : i32
      %dma_wait3A_1082 = arith.constant 0 : i32
      %dma_wait3A_1083 = arith.constant 0 : i32
      %dma_wait3A_1084 = tpu.memref_slice %arg13[%dma_wait3A_1080, %dma_wait3A_1081, %dma_wait3A_1082, %dma_wait3A_1083] : memref<2x2x64x64xf32, #tpu.memory_space<vmem>> -> memref<1x1x64x64xf32, #tpu.memory_space<vmem>>
      %dma_wait3A_1085 = tpu.memref_squeeze %dma_wait3A_1084 : memref<1x1x64x64xf32, #tpu.memory_space<vmem>> -> memref<64x64xf32, #tpu.memory_space<vmem>>
      %dma_wait3A_1086 = arith.constant 0 : i32
      %dma_wait3A_1087 = tpu.memref_slice %arg11[%dma_wait3A_1078, %dma_wait3A_1079, %dma_wait3A_1086] : memref<2x2x64xi32, #tpu.memory_space<vmem>> -> memref<1x1x64xi32, #tpu.memory_space<vmem>>
      %dma_wait3A_1088 = tpu.memref_squeeze %dma_wait3A_1087 : memref<1x1x64xi32, #tpu.memory_space<vmem>> -> memref<64xi32, #tpu.memory_space<vmem>>
      %dma_wait3A_1089 = arith.constant 0 : i32
      %dma_wait3A_1090 = arith.constant 0 : i32
      %dma_wait3A_1091 = tpu.memref_slice %arg6[%dma_wait3A_1089, %dma_wait3A_1090] : memref<512x64xf32, #tpu.memory_space<hbm>> -> memref<512x64xf32, #tpu.memory_space<hbm>>
      tpu.wait_indirect_dma semaphore(%arg15 : memref<!tpu.dma_semaphore, #tpu.memory_space<semaphore_mem>>) src(%dma_wait3A_1091 : memref<512x64xf32, #tpu.memory_space<hbm>>) dst(%dma_wait3A_1085 : memref<64x64xf32, #tpu.memory_space<vmem>>)
      %dma_wait3A_1092 = arith.constant 0 : i32
      %dma_wait3A_1093 = arith.constant 1 : i32
      %dma_wait3A_1094 = arith.constant 0 : i32
      %dma_wait3A_1095 = arith.constant 1 : i32
      %dma_wait3A_1096 = arith.constant 0 : i32
      %dma_wait3A_1097 = arith.constant 0 : i32
      %dma_wait3A_1098 = tpu.memref_slice %arg13[%dma_wait3A_1094, %dma_wait3A_1095, %dma_wait3A_1096, %dma_wait3A_1097] : memref<2x2x64x64xf32, #tpu.memory_space<vmem>> -> memref<1x1x64x64xf32, #tpu.memory_space<vmem>>
      %dma_wait3A_1099 = tpu.memref_squeeze %dma_wait3A_1098 : memref<1x1x64x64xf32, #tpu.memory_space<vmem>> -> memref<64x64xf32, #tpu.memory_space<vmem>>
      %dma_wait3A_1100 = arith.constant 0 : i32
      %dma_wait3A_1101 = tpu.memref_slice %arg11[%dma_wait3A_1092, %dma_wait3A_1093, %dma_wait3A_1100] : memref<2x2x64xi32, #tpu.memory_space<vmem>> -> memref<1x1x64xi32, #tpu.memory_space<vmem>>
      %dma_wait3A_1102 = tpu.memref_squeeze %dma_wait3A_1101 : memref<1x1x64xi32, #tpu.memory_space<vmem>> -> memref<64xi32, #tpu.memory_space<vmem>>
      %dma_wait3A_1103 = arith.constant 0 : i32
      %dma_wait3A_1104 = arith.constant 0 : i32
      %dma_wait3A_1105 = tpu.memref_slice %arg7[%dma_wait3A_1103, %dma_wait3A_1104] : memref<512x64xf32, #tpu.memory_space<hbm>> -> memref<512x64xf32, #tpu.memory_space<hbm>>
      tpu.wait_indirect_dma semaphore(%arg15 : memref<!tpu.dma_semaphore, #tpu.memory_space<semaphore_mem>>) src(%dma_wait3A_1105 : memref<512x64xf32, #tpu.memory_space<hbm>>) dst(%dma_wait3A_1099 : memref<64x64xf32, #tpu.memory_space<vmem>>)
      %gt3A = arith.constant 0 : i32
      %gt3A_1106 = arith.cmpi sgt, %scan3A_488, %gt3A : i32
      %convert_element_type3A = arith.extui %gt3A_1106 : i1 to i32
      %cond3A = arith.constant 0 : i32
      %cond3A_1107 = arith.cmpi ne, %convert_element_type3A, %cond3A : i32
      scf.if %cond3A_1107 {
        %sub3A_1277 = arith.constant 1 : i32
        %sub3A_1278 = arith.subi %add3A_489, %sub3A_1277 : i32
        %dma_wait3A_1279 = arith.constant 0 : i32
        %dma_wait3A_1280 = arith.constant 0 : i32
        %dma_wait3A_1281 = tpu.memref_slice %arg9[%sub3A_1278, %dma_wait3A_1279, %dma_wait3A_1280] : memref<1024x129x64xf32, #tpu.memory_space<hbm>> -> memref<1x129x64xf32, #tpu.memory_space<hbm>>
        %dma_wait3A_1282 = tpu.memref_squeeze %dma_wait3A_1281 : memref<1x129x64xf32, #tpu.memory_space<hbm>> -> memref<129x64xf32, #tpu.memory_space<hbm>>
        %dma_wait3A_1283 = arith.constant 0 : i32
        %dma_wait3A_1284 = arith.constant 0 : i32
        %dma_wait3A_1285 = tpu.memref_slice %arg9[%sub3A_1278, %dma_wait3A_1283, %dma_wait3A_1284] : memref<1024x129x64xf32, #tpu.memory_space<hbm>> -> memref<1x129x64xf32, #tpu.memory_space<hbm>>
        %dma_wait3A_1286 = tpu.memref_squeeze %dma_wait3A_1285 : memref<1x129x64xf32, #tpu.memory_space<hbm>> -> memref<129x64xf32, #tpu.memory_space<hbm>>
        tpu.wait_dma2 semaphore(%arg17 : memref<!tpu.dma_semaphore, #tpu.memory_space<semaphore_mem>>) src(%arg14 : memref<129x64xf32, #tpu.memory_space<vmem>>) dst(%dma_wait3A_1286 : memref<129x64xf32, #tpu.memory_space<hbm>>)
      } else {
      }
      %scan3A_1108 = arith.constant 0 : i32
      %scan3A_1109 = arith.constant 0 : i32
      %scan3A_1110 = arith.constant 64 : i32
      %scan3A_1111 = arith.addi %scan3A_1109, %scan3A_1110 : i32
      %scan3A_1112 = arith.constant 2 : i32
      scf.for %scan3A_1277 = %scan3A_1109 to %scan3A_1111 step %scan3A_1112  : i32 {
        %add3A_1278 = arith.constant 0 : i32
        %add3A_1279 = arith.addi %add3A_1278, %scan3A_1277 : i32
        %get3A = arith.constant 0 : i32
        %get3A_1280 = arith.index_cast %get3A : i32 to index
        %get3A_1281 = arith.index_cast %add3A_1279 : i32 to index
        %get3A_1282 = arith.constant 0 : index
        %get3A_1283 = tpu.vector_load %arg12[%get3A_1280, %get3A_1281, %get3A_1282] {strides = array<i32>} : memref<2x576x64xf32, #tpu.memory_space<vmem>>, vector<1x1x16xf32>,
        %get3A_1284 = vector.shape_cast %get3A_1283 : vector<1x1x16xf32> to vector<16xf32>
        %add3A_1285 = arith.constant 64 : i32
        %add3A_1286 = arith.addi %add3A_1285, %scan3A_1277 : i32
        %get3A_1287 = arith.constant 0 : i32
        %get3A_1288 = arith.index_cast %get3A_1287 : i32 to index
        %get3A_1289 = arith.index_cast %add3A_1286 : i32 to index
        %get3A_1290 = arith.constant 0 : index
        %get3A_1291 = tpu.vector_load %arg12[%get3A_1288, %get3A_1289, %get3A_1290] {strides = array<i32>} : memref<2x576x64xf32, #tpu.memory_space<vmem>>, vector<1x1x16xf32>,
        %get3A_1292 = vector.shape_cast %get3A_1291 : vector<1x1x16xf32> to vector<16xf32>
        %add3A_1293 = arith.constant 128 : i32
        %add3A_1294 = arith.addi %add3A_1293, %scan3A_1277 : i32
        %get3A_1295 = arith.constant 0 : i32
        %get3A_1296 = arith.index_cast %get3A_1295 : i32 to index
        %get3A_1297 = arith.index_cast %add3A_1294 : i32 to index
        %get3A_1298 = arith.constant 0 : index
        %get3A_1299 = tpu.vector_load %arg12[%get3A_1296, %get3A_1297, %get3A_1298] {strides = array<i32>} : memref<2x576x64xf32, #tpu.memory_space<vmem>>, vector<1x1x16xf32>,
        %get3A_1300 = vector.shape_cast %get3A_1299 : vector<1x1x16xf32> to vector<16xf32>
        %add3A_1301 = arith.constant 192 : i32
        %add3A_1302 = arith.addi %add3A_1301, %scan3A_1277 : i32
        %get3A_1303 = arith.constant 0 : i32
        %get3A_1304 = arith.index_cast %get3A_1303 : i32 to index
        %get3A_1305 = arith.index_cast %add3A_1302 : i32 to index
        %get3A_1306 = arith.constant 0 : index
        %get3A_1307 = tpu.vector_load %arg12[%get3A_1304, %get3A_1305, %get3A_1306] {strides = array<i32>} : memref<2x576x64xf32, #tpu.memory_space<vmem>>, vector<1x1x16xf32>,
        %get3A_1308 = vector.shape_cast %get3A_1307 : vector<1x1x16xf32> to vector<16xf32>
        %add3A_1309 = arith.constant 256 : i32
        %add3A_1310 = arith.addi %add3A_1309, %scan3A_1277 : i32
        %get3A_1311 = arith.constant 0 : i32
        %get3A_1312 = arith.index_cast %get3A_1311 : i32 to index
        %get3A_1313 = arith.index_cast %add3A_1310 : i32 to index
        %get3A_1314 = arith.constant 0 : index
        %get3A_1315 = tpu.vector_load %arg12[%get3A_1312, %get3A_1313, %get3A_1314] {strides = array<i32>} : memref<2x576x64xf32, #tpu.memory_space<vmem>>, vector<1x1x16xf32>,
        %get3A_1316 = vector.shape_cast %get3A_1315 : vector<1x1x16xf32> to vector<16xf32>
        %add3A_1317 = arith.constant 320 : i32
        %add3A_1318 = arith.addi %add3A_1317, %scan3A_1277 : i32
        %get3A_1319 = arith.constant 0 : i32
        %get3A_1320 = arith.index_cast %get3A_1319 : i32 to index
        %get3A_1321 = arith.index_cast %add3A_1318 : i32 to index
        %get3A_1322 = arith.constant 0 : index
        %get3A_1323 = tpu.vector_load %arg12[%get3A_1320, %get3A_1321, %get3A_1322] {strides = array<i32>} : memref<2x576x64xf32, #tpu.memory_space<vmem>>, vector<1x1x16xf32>,
        %get3A_1324 = vector.shape_cast %get3A_1323 : vector<1x1x16xf32> to vector<16xf32>
        %add3A_1325 = arith.constant 384 : i32
        %add3A_1326 = arith.addi %add3A_1325, %scan3A_1277 : i32
        %get3A_1327 = arith.constant 0 : i32
        %get3A_1328 = arith.index_cast %get3A_1327 : i32 to index
        %get3A_1329 = arith.index_cast %add3A_1326 : i32 to index
        %get3A_1330 = arith.constant 0 : index
        %get3A_1331 = tpu.vector_load %arg12[%get3A_1328, %get3A_1329, %get3A_1330] {strides = array<i32>} : memref<2x576x64xf32, #tpu.memory_space<vmem>>, vector<1x1x16xf32>,
        %get3A_1332 = vector.shape_cast %get3A_1331 : vector<1x1x16xf32> to vector<16xf32>
        %add3A_1333 = arith.constant 448 : i32
        %add3A_1334 = arith.addi %add3A_1333, %scan3A_1277 : i32
        %get3A_1335 = arith.constant 0 : i32
        %get3A_1336 = arith.index_cast %get3A_1335 : i32 to index
        %get3A_1337 = arith.index_cast %add3A_1334 : i32 to index
        %get3A_1338 = arith.constant 0 : index
        %get3A_1339 = tpu.vector_load %arg12[%get3A_1336, %get3A_1337, %get3A_1338] {strides = array<i32>} : memref<2x576x64xf32, #tpu.memory_space<vmem>>, vector<1x1x16xf32>,
        %get3A_1340 = vector.shape_cast %get3A_1339 : vector<1x1x16xf32> to vector<16xf32>
        %add3A_1341 = arith.constant 512 : i32
        %add3A_1342 = arith.addi %add3A_1341, %scan3A_1277 : i32
        %get3A_1343 = arith.constant 0 : i32
        %get3A_1344 = arith.index_cast %get3A_1343 : i32 to index
        %get3A_1345 = arith.index_cast %add3A_1342 : i32 to index
        %get3A_1346 = arith.constant 0 : index
        %get3A_1347 = tpu.vector_load %arg12[%get3A_1344, %get3A_1345, %get3A_1346] {strides = array<i32>} : memref<2x576x64xf32, #tpu.memory_space<vmem>>, vector<1x1x16xf32>,
        %get3A_1348 = vector.shape_cast %get3A_1347 : vector<1x1x16xf32> to vector<16xf32>
        %get3A_1349 = arith.constant 0 : i32
        %get3A_1350 = arith.constant 0 : i32
        %get3A_1351 = arith.index_cast %get3A_1349 : i32 to index
        %get3A_1352 = arith.index_cast %get3A_1350 : i32 to index
        %get3A_1353 = arith.index_cast %scan3A_1277 : i32 to index
        %get3A_1354 = arith.constant 0 : index
        %get3A_1355 = tpu.vector_load %arg13[%get3A_1351, %get3A_1352, %get3A_1353, %get3A_1354] {strides = array<i32>} : memref<2x2x64x64xf32, #tpu.memory_space<vmem>>, vector<1x1x1x16xf32>,
        %get3A_1356 = vector.shape_cast %get3A_1355 : vector<1x1x1x16xf32> to vector<16xf32>
        %get3A_1357 = arith.constant 0 : i32
        %get3A_1358 = arith.constant 1 : i32
        %get3A_1359 = arith.index_cast %get3A_1357 : i32 to index
        %get3A_1360 = arith.index_cast %get3A_1358 : i32 to index
        %get3A_1361 = arith.index_cast %scan3A_1277 : i32 to index
        %get3A_1362 = arith.constant 0 : index
        %get3A_1363 = tpu.vector_load %arg13[%get3A_1359, %get3A_1360, %get3A_1361, %get3A_1362] {strides = array<i32>} : memref<2x2x64x64xf32, #tpu.memory_space<vmem>>, vector<1x1x1x16xf32>,
        %get3A_1364 = vector.shape_cast %get3A_1363 : vector<1x1x1x16xf32> to vector<16xf32>
        %add3A_1365 = arith.constant 0 : i32
        %add3A_1366 = arith.addi %add3A_1365, %scan3A_1277 : i32
        %get3A_1367 = arith.constant 0 : i32
        %get3A_1368 = arith.index_cast %get3A_1367 : i32 to index
        %get3A_1369 = arith.index_cast %add3A_1366 : i32 to index
        %get3A_1370 = arith.constant 16 : index
        %get3A_1371 = tpu.vector_load %arg12[%get3A_1368, %get3A_1369, %get3A_1370] {strides = array<i32>} : memref<2x576x64xf32, #tpu.memory_space<vmem>>, vector<1x1x16xf32>,
        %get3A_1372 = vector.shape_cast %get3A_1371 : vector<1x1x16xf32> to vector<16xf32>
        %add3A_1373 = arith.constant 64 : i32
        %add3A_1374 = arith.addi %add3A_1373, %scan3A_1277 : i32
        %get3A_1375 = arith.constant 0 : i32
        %get3A_1376 = arith.index_cast %get3A_1375 : i32 to index
        %get3A_1377 = arith.index_cast %add3A_1374 : i32 to index
        %get3A_1378 = arith.constant 16 : index
        %get3A_1379 = tpu.vector_load %arg12[%get3A_1376, %get3A_1377, %get3A_1378] {strides = array<i32>} : memref<2x576x64xf32, #tpu.memory_space<vmem>>, vector<1x1x16xf32>,
        %get3A_1380 = vector.shape_cast %get3A_1379 : vector<1x1x16xf32> to vector<16xf32>
        %add3A_1381 = arith.constant 128 : i32
        %add3A_1382 = arith.addi %add3A_1381, %scan3A_1277 : i32
        %get3A_1383 = arith.constant 0 : i32
        %get3A_1384 = arith.index_cast %get3A_1383 : i32 to index
        %get3A_1385 = arith.index_cast %add3A_1382 : i32 to index
        %get3A_1386 = arith.constant 16 : index
        %get3A_1387 = tpu.vector_load %arg12[%get3A_1384, %get3A_1385, %get3A_1386] {strides = array<i32>} : memref<2x576x64xf32, #tpu.memory_space<vmem>>, vector<1x1x16xf32>,
        %get3A_1388 = vector.shape_cast %get3A_1387 : vector<1x1x16xf32> to vector<16xf32>
        %add3A_1389 = arith.constant 192 : i32
        %add3A_1390 = arith.addi %add3A_1389, %scan3A_1277 : i32
        %get3A_1391 = arith.constant 0 : i32
        %get3A_1392 = arith.index_cast %get3A_1391 : i32 to index
        %get3A_1393 = arith.index_cast %add3A_1390 : i32 to index
        %get3A_1394 = arith.constant 16 : index
        %get3A_1395 = tpu.vector_load %arg12[%get3A_1392, %get3A_1393, %get3A_1394] {strides = array<i32>} : memref<2x576x64xf32, #tpu.memory_space<vmem>>, vector<1x1x16xf32>,
        %get3A_1396 = vector.shape_cast %get3A_1395 : vector<1x1x16xf32> to vector<16xf32>
        %add3A_1397 = arith.constant 256 : i32
        %add3A_1398 = arith.addi %add3A_1397, %scan3A_1277 : i32
        %get3A_1399 = arith.constant 0 : i32
        %get3A_1400 = arith.index_cast %get3A_1399 : i32 to index
        %get3A_1401 = arith.index_cast %add3A_1398 : i32 to index
        %get3A_1402 = arith.constant 16 : index
        %get3A_1403 = tpu.vector_load %arg12[%get3A_1400, %get3A_1401, %get3A_1402] {strides = array<i32>} : memref<2x576x64xf32, #tpu.memory_space<vmem>>, vector<1x1x16xf32>,
        %get3A_1404 = vector.shape_cast %get3A_1403 : vector<1x1x16xf32> to vector<16xf32>
        %add3A_1405 = arith.constant 320 : i32
        %add3A_1406 = arith.addi %add3A_1405, %scan3A_1277 : i32
        %get3A_1407 = arith.constant 0 : i32
        %get3A_1408 = arith.index_cast %get3A_1407 : i32 to index
        %get3A_1409 = arith.index_cast %add3A_1406 : i32 to index
        %get3A_1410 = arith.constant 16 : index
        %get3A_1411 = tpu.vector_load %arg12[%get3A_1408, %get3A_1409, %get3A_1410] {strides = array<i32>} : memref<2x576x64xf32, #tpu.memory_space<vmem>>, vector<1x1x16xf32>,
        %get3A_1412 = vector.shape_cast %get3A_1411 : vector<1x1x16xf32> to vector<16xf32>
        %add3A_1413 = arith.constant 384 : i32
        %add3A_1414 = arith.addi %add3A_1413, %scan3A_1277 : i32
        %get3A_1415 = arith.constant 0 : i32
        %get3A_1416 = arith.index_cast %get3A_1415 : i32 to index
        %get3A_1417 = arith.index_cast %add3A_1414 : i32 to index
        %get3A_1418 = arith.constant 16 : index
        %get3A_1419 = tpu.vector_load %arg12[%get3A_1416, %get3A_1417, %get3A_1418] {strides = array<i32>} : memref<2x576x64xf32, #tpu.memory_space<vmem>>, vector<1x1x16xf32>,
        %get3A_1420 = vector.shape_cast %get3A_1419 : vector<1x1x16xf32> to vector<16xf32>
        %add3A_1421 = arith.constant 448 : i32
        %add3A_1422 = arith.addi %add3A_1421, %scan3A_1277 : i32
        %get3A_1423 = arith.constant 0 : i32
        %get3A_1424 = arith.index_cast %get3A_1423 : i32 to index
        %get3A_1425 = arith.index_cast %add3A_1422 : i32 to index
        %get3A_1426 = arith.constant 16 : index
        %get3A_1427 = tpu.vector_load %arg12[%get3A_1424, %get3A_1425, %get3A_1426] {strides = array<i32>} : memref<2x576x64xf32, #tpu.memory_space<vmem>>, vector<1x1x16xf32>,
        %get3A_1428 = vector.shape_cast %get3A_1427 : vector<1x1x16xf32> to vector<16xf32>
        %add3A_1429 = arith.constant 512 : i32
        %add3A_1430 = arith.addi %add3A_1429, %scan3A_1277 : i32
        %get3A_1431 = arith.constant 0 : i32
        %get3A_1432 = arith.index_cast %get3A_1431 : i32 to index
        %get3A_1433 = arith.index_cast %add3A_1430 : i32 to index
        %get3A_1434 = arith.constant 16 : index
        %get3A_1435 = tpu.vector_load %arg12[%get3A_1432, %get3A_1433, %get3A_1434] {strides = array<i32>} : memref<2x576x64xf32, #tpu.memory_space<vmem>>, vector<1x1x16xf32>,
        %get3A_1436 = vector.shape_cast %get3A_1435 : vector<1x1x16xf32> to vector<16xf32>
        %get3A_1437 = arith.constant 0 : i32
        %get3A_1438 = arith.constant 0 : i32
        %get3A_1439 = arith.index_cast %get3A_1437 : i32 to index
        %get3A_1440 = arith.index_cast %get3A_1438 : i32 to index
        %get3A_1441 = arith.index_cast %scan3A_1277 : i32 to index
        %get3A_1442 = arith.constant 16 : index
        %get3A_1443 = tpu.vector_load %arg13[%get3A_1439, %get3A_1440, %get3A_1441, %get3A_1442] {strides = array<i32>} : memref<2x2x64x64xf32, #tpu.memory_space<vmem>>, vector<1x1x1x16xf32>,
        %get3A_1444 = vector.shape_cast %get3A_1443 : vector<1x1x1x16xf32> to vector<16xf32>
        %get3A_1445 = arith.constant 0 : i32
        %get3A_1446 = arith.constant 1 : i32
        %get3A_1447 = arith.index_cast %get3A_1445 : i32 to index
        %get3A_1448 = arith.index_cast %get3A_1446 : i32 to index
        %get3A_1449 = arith.index_cast %scan3A_1277 : i32 to index
        %get3A_1450 = arith.constant 16 : index
        %get3A_1451 = tpu.vector_load %arg13[%get3A_1447, %get3A_1448, %get3A_1449, %get3A_1450] {strides = array<i32>} : memref<2x2x64x64xf32, #tpu.memory_space<vmem>>, vector<1x1x1x16xf32>,
        %get3A_1452 = vector.shape_cast %get3A_1451 : vector<1x1x1x16xf32> to vector<16xf32>
        %add3A_1453 = arith.constant 0 : i32
        %add3A_1454 = arith.addi %add3A_1453, %scan3A_1277 : i32
        %get3A_1455 = arith.constant 0 : i32
        %get3A_1456 = arith.index_cast %get3A_1455 : i32 to index
        %get3A_1457 = arith.index_cast %add3A_1454 : i32 to index
        %get3A_1458 = arith.constant 32 : index
        %get3A_1459 = tpu.vector_load %arg12[%get3A_1456, %get3A_1457, %get3A_1458] {strides = array<i32>} : memref<2x576x64xf32, #tpu.memory_space<vmem>>, vector<1x1x16xf32>,
        %get3A_1460 = vector.shape_cast %get3A_1459 : vector<1x1x16xf32> to vector<16xf32>
        %add3A_1461 = arith.constant 64 : i32
        %add3A_1462 = arith.addi %add3A_1461, %scan3A_1277 : i32
        %get3A_1463 = arith.constant 0 : i32
        %get3A_1464 = arith.index_cast %get3A_1463 : i32 to index
        %get3A_1465 = arith.index_cast %add3A_1462 : i32 to index
        %get3A_1466 = arith.constant 32 : index
        %get3A_1467 = tpu.vector_load %arg12[%get3A_1464, %get3A_1465, %get3A_1466] {strides = array<i32>} : memref<2x576x64xf32, #tpu.memory_space<vmem>>, vector<1x1x16xf32>,
        %get3A_1468 = vector.shape_cast %get3A_1467 : vector<1x1x16xf32> to vector<16xf32>
        %add3A_1469 = arith.constant 128 : i32
        %add3A_1470 = arith.addi %add3A_1469, %scan3A_1277 : i32
        %get3A_1471 = arith.constant 0 : i32
        %get3A_1472 = arith.index_cast %get3A_1471 : i32 to index
        %get3A_1473 = arith.index_cast %add3A_1470 : i32 to index
        %get3A_1474 = arith.constant 32 : index
        %get3A_1475 = tpu.vector_load %arg12[%get3A_1472, %get3A_1473, %get3A_1474] {strides = array<i32>} : memref<2x576x64xf32, #tpu.memory_space<vmem>>, vector<1x1x16xf32>,
        %get3A_1476 = vector.shape_cast %get3A_1475 : vector<1x1x16xf32> to vector<16xf32>
        %add3A_1477 = arith.constant 192 : i32
        %add3A_1478 = arith.addi %add3A_1477, %scan3A_1277 : i32
        %get3A_1479 = arith.constant 0 : i32
        %get3A_1480 = arith.index_cast %get3A_1479 : i32 to index
        %get3A_1481 = arith.index_cast %add3A_1478 : i32 to index
        %get3A_1482 = arith.constant 32 : index
        %get3A_1483 = tpu.vector_load %arg12[%get3A_1480, %get3A_1481, %get3A_1482] {strides = array<i32>} : memref<2x576x64xf32, #tpu.memory_space<vmem>>, vector<1x1x16xf32>,
        %get3A_1484 = vector.shape_cast %get3A_1483 : vector<1x1x16xf32> to vector<16xf32>
        %add3A_1485 = arith.constant 256 : i32
        %add3A_1486 = arith.addi %add3A_1485, %scan3A_1277 : i32
        %get3A_1487 = arith.constant 0 : i32
        %get3A_1488 = arith.index_cast %get3A_1487 : i32 to index
        %get3A_1489 = arith.index_cast %add3A_1486 : i32 to index
        %get3A_1490 = arith.constant 32 : index
        %get3A_1491 = tpu.vector_load %arg12[%get3A_1488, %get3A_1489, %get3A_1490] {strides = array<i32>} : memref<2x576x64xf32, #tpu.memory_space<vmem>>, vector<1x1x16xf32>,
        %get3A_1492 = vector.shape_cast %get3A_1491 : vector<1x1x16xf32> to vector<16xf32>
        %add3A_1493 = arith.constant 320 : i32
        %add3A_1494 = arith.addi %add3A_1493, %scan3A_1277 : i32
        %get3A_1495 = arith.constant 0 : i32
        %get3A_1496 = arith.index_cast %get3A_1495 : i32 to index
        %get3A_1497 = arith.index_cast %add3A_1494 : i32 to index
        %get3A_1498 = arith.constant 32 : index
        %get3A_1499 = tpu.vector_load %arg12[%get3A_1496, %get3A_1497, %get3A_1498] {strides = array<i32>} : memref<2x576x64xf32, #tpu.memory_space<vmem>>, vector<1x1x16xf32>,
        %get3A_1500 = vector.shape_cast %get3A_1499 : vector<1x1x16xf32> to vector<16xf32>
        %add3A_1501 = arith.constant 384 : i32
        %add3A_1502 = arith.addi %add3A_1501, %scan3A_1277 : i32
        %get3A_1503 = arith.constant 0 : i32
        %get3A_1504 = arith.index_cast %get3A_1503 : i32 to index
        %get3A_1505 = arith.index_cast %add3A_1502 : i32 to index
        %get3A_1506 = arith.constant 32 : index
        %get3A_1507 = tpu.vector_load %arg12[%get3A_1504, %get3A_1505, %get3A_1506] {strides = array<i32>} : memref<2x576x64xf32, #tpu.memory_space<vmem>>, vector<1x1x16xf32>,
        %get3A_1508 = vector.shape_cast %get3A_1507 : vector<1x1x16xf32> to vector<16xf32>
        %add3A_1509 = arith.constant 448 : i32
        %add3A_1510 = arith.addi %add3A_1509, %scan3A_1277 : i32
        %get3A_1511 = arith.constant 0 : i32
        %get3A_1512 = arith.index_cast %get3A_1511 : i32 to index
        %get3A_1513 = arith.index_cast %add3A_1510 : i32 to index
        %get3A_1514 = arith.constant 32 : index
        %get3A_1515 = tpu.vector_load %arg12[%get3A_1512, %get3A_1513, %get3A_1514] {strides = array<i32>} : memref<2x576x64xf32, #tpu.memory_space<vmem>>, vector<1x1x16xf32>,
        %get3A_1516 = vector.shape_cast %get3A_1515 : vector<1x1x16xf32> to vector<16xf32>
        %add3A_1517 = arith.constant 512 : i32
        %add3A_1518 = arith.addi %add3A_1517, %scan3A_1277 : i32
        %get3A_1519 = arith.constant 0 : i32
        %get3A_1520 = arith.index_cast %get3A_1519 : i32 to index
        %get3A_1521 = arith.index_cast %add3A_1518 : i32 to index
        %get3A_1522 = arith.constant 32 : index
        %get3A_1523 = tpu.vector_load %arg12[%get3A_1520, %get3A_1521, %get3A_1522] {strides = array<i32>} : memref<2x576x64xf32, #tpu.memory_space<vmem>>, vector<1x1x16xf32>,
        %get3A_1524 = vector.shape_cast %get3A_1523 : vector<1x1x16xf32> to vector<16xf32>
        %get3A_1525 = arith.constant 0 : i32
        %get3A_1526 = arith.constant 0 : i32
        %get3A_1527 = arith.index_cast %get3A_1525 : i32 to index
        %get3A_1528 = arith.index_cast %get3A_1526 : i32 to index
        %get3A_1529 = arith.index_cast %scan3A_1277 : i32 to index
        %get3A_1530 = arith.constant 32 : index
        %get3A_1531 = tpu.vector_load %arg13[%get3A_1527, %get3A_1528, %get3A_1529, %get3A_1530] {strides = array<i32>} : memref<2x2x64x64xf32, #tpu.memory_space<vmem>>, vector<1x1x1x16xf32>,
        %get3A_1532 = vector.shape_cast %get3A_1531 : vector<1x1x1x16xf32> to vector<16xf32>
        %get3A_1533 = arith.constant 0 : i32
        %get3A_1534 = arith.constant 1 : i32
        %get3A_1535 = arith.index_cast %get3A_1533 : i32 to index
        %get3A_1536 = arith.index_cast %get3A_1534 : i32 to index
        %get3A_1537 = arith.index_cast %scan3A_1277 : i32 to index
        %get3A_1538 = arith.constant 32 : index
        %get3A_1539 = tpu.vector_load %arg13[%get3A_1535, %get3A_1536, %get3A_1537, %get3A_1538] {strides = array<i32>} : memref<2x2x64x64xf32, #tpu.memory_space<vmem>>, vector<1x1x1x16xf32>,
        %get3A_1540 = vector.shape_cast %get3A_1539 : vector<1x1x1x16xf32> to vector<16xf32>
        %add3A_1541 = arith.constant 0 : i32
        %add3A_1542 = arith.addi %add3A_1541, %scan3A_1277 : i32
        %get3A_1543 = arith.constant 0 : i32
        %get3A_1544 = arith.index_cast %get3A_1543 : i32 to index
        %get3A_1545 = arith.index_cast %add3A_1542 : i32 to index
        %get3A_1546 = arith.constant 48 : index
        %get3A_1547 = tpu.vector_load %arg12[%get3A_1544, %get3A_1545, %get3A_1546] {strides = array<i32>} : memref<2x576x64xf32, #tpu.memory_space<vmem>>, vector<1x1x16xf32>,
        %get3A_1548 = vector.shape_cast %get3A_1547 : vector<1x1x16xf32> to vector<16xf32>
        %add3A_1549 = arith.constant 64 : i32
        %add3A_1550 = arith.addi %add3A_1549, %scan3A_1277 : i32
        %get3A_1551 = arith.constant 0 : i32
        %get3A_1552 = arith.index_cast %get3A_1551 : i32 to index
        %get3A_1553 = arith.index_cast %add3A_1550 : i32 to index
        %get3A_1554 = arith.constant 48 : index
        %get3A_1555 = tpu.vector_load %arg12[%get3A_1552, %get3A_1553, %get3A_1554] {strides = array<i32>} : memref<2x576x64xf32, #tpu.memory_space<vmem>>, vector<1x1x16xf32>,
        %get3A_1556 = vector.shape_cast %get3A_1555 : vector<1x1x16xf32> to vector<16xf32>
        %add3A_1557 = arith.constant 128 : i32
        %add3A_1558 = arith.addi %add3A_1557, %scan3A_1277 : i32
        %get3A_1559 = arith.constant 0 : i32
        %get3A_1560 = arith.index_cast %get3A_1559 : i32 to index
        %get3A_1561 = arith.index_cast %add3A_1558 : i32 to index
        %get3A_1562 = arith.constant 48 : index
        %get3A_1563 = tpu.vector_load %arg12[%get3A_1560, %get3A_1561, %get3A_1562] {strides = array<i32>} : memref<2x576x64xf32, #tpu.memory_space<vmem>>, vector<1x1x16xf32>,
        %get3A_1564 = vector.shape_cast %get3A_1563 : vector<1x1x16xf32> to vector<16xf32>
        %add3A_1565 = arith.constant 192 : i32
        %add3A_1566 = arith.addi %add3A_1565, %scan3A_1277 : i32
        %get3A_1567 = arith.constant 0 : i32
        %get3A_1568 = arith.index_cast %get3A_1567 : i32 to index
        %get3A_1569 = arith.index_cast %add3A_1566 : i32 to index
        %get3A_1570 = arith.constant 48 : index
        %get3A_1571 = tpu.vector_load %arg12[%get3A_1568, %get3A_1569, %get3A_1570] {strides = array<i32>} : memref<2x576x64xf32, #tpu.memory_space<vmem>>, vector<1x1x16xf32>,
        %get3A_1572 = vector.shape_cast %get3A_1571 : vector<1x1x16xf32> to vector<16xf32>
        %add3A_1573 = arith.constant 256 : i32
        %add3A_1574 = arith.addi %add3A_1573, %scan3A_1277 : i32
        %get3A_1575 = arith.constant 0 : i32
        %get3A_1576 = arith.index_cast %get3A_1575 : i32 to index
        %get3A_1577 = arith.index_cast %add3A_1574 : i32 to index
        %get3A_1578 = arith.constant 48 : index
        %get3A_1579 = tpu.vector_load %arg12[%get3A_1576, %get3A_1577, %get3A_1578] {strides = array<i32>} : memref<2x576x64xf32, #tpu.memory_space<vmem>>, vector<1x1x16xf32>,
        %get3A_1580 = vector.shape_cast %get3A_1579 : vector<1x1x16xf32> to vector<16xf32>
        %add3A_1581 = arith.constant 320 : i32
        %add3A_1582 = arith.addi %add3A_1581, %scan3A_1277 : i32
        %get3A_1583 = arith.constant 0 : i32
        %get3A_1584 = arith.index_cast %get3A_1583 : i32 to index
        %get3A_1585 = arith.index_cast %add3A_1582 : i32 to index
        %get3A_1586 = arith.constant 48 : index
        %get3A_1587 = tpu.vector_load %arg12[%get3A_1584, %get3A_1585, %get3A_1586] {strides = array<i32>} : memref<2x576x64xf32, #tpu.memory_space<vmem>>, vector<1x1x16xf32>,
        %get3A_1588 = vector.shape_cast %get3A_1587 : vector<1x1x16xf32> to vector<16xf32>
        %add3A_1589 = arith.constant 384 : i32
        %add3A_1590 = arith.addi %add3A_1589, %scan3A_1277 : i32
        %get3A_1591 = arith.constant 0 : i32
        %get3A_1592 = arith.index_cast %get3A_1591 : i32 to index
        %get3A_1593 = arith.index_cast %add3A_1590 : i32 to index
        %get3A_1594 = arith.constant 48 : index
        %get3A_1595 = tpu.vector_load %arg12[%get3A_1592, %get3A_1593, %get3A_1594] {strides = array<i32>} : memref<2x576x64xf32, #tpu.memory_space<vmem>>, vector<1x1x16xf32>,
        %get3A_1596 = vector.shape_cast %get3A_1595 : vector<1x1x16xf32> to vector<16xf32>
        %add3A_1597 = arith.constant 448 : i32
        %add3A_1598 = arith.addi %add3A_1597, %scan3A_1277 : i32
        %get3A_1599 = arith.constant 0 : i32
        %get3A_1600 = arith.index_cast %get3A_1599 : i32 to index
        %get3A_1601 = arith.index_cast %add3A_1598 : i32 to index
        %get3A_1602 = arith.constant 48 : index
        %get3A_1603 = tpu.vector_load %arg12[%get3A_1600, %get3A_1601, %get3A_1602] {strides = array<i32>} : memref<2x576x64xf32, #tpu.memory_space<vmem>>, vector<1x1x16xf32>,
        %get3A_1604 = vector.shape_cast %get3A_1603 : vector<1x1x16xf32> to vector<16xf32>
        %add3A_1605 = arith.constant 512 : i32
        %add3A_1606 = arith.addi %add3A_1605, %scan3A_1277 : i32
        %get3A_1607 = arith.constant 0 : i32
        %get3A_1608 = arith.index_cast %get3A_1607 : i32 to index
        %get3A_1609 = arith.index_cast %add3A_1606 : i32 to index
        %get3A_1610 = arith.constant 48 : index
        %get3A_1611 = tpu.vector_load %arg12[%get3A_1608, %get3A_1609, %get3A_1610] {strides = array<i32>} : memref<2x576x64xf32, #tpu.memory_space<vmem>>, vector<1x1x16xf32>,
        %get3A_1612 = vector.shape_cast %get3A_1611 : vector<1x1x16xf32> to vector<16xf32>
        %get3A_1613 = arith.constant 0 : i32
        %get3A_1614 = arith.constant 0 : i32
        %get3A_1615 = arith.index_cast %get3A_1613 : i32 to index
        %get3A_1616 = arith.index_cast %get3A_1614 : i32 to index
        %get3A_1617 = arith.index_cast %scan3A_1277 : i32 to index
        %get3A_1618 = arith.constant 48 : index
        %get3A_1619 = tpu.vector_load %arg13[%get3A_1615, %get3A_1616, %get3A_1617, %get3A_1618] {strides = array<i32>} : memref<2x2x64x64xf32, #tpu.memory_space<vmem>>, vector<1x1x1x16xf32>,
        %get3A_1620 = vector.shape_cast %get3A_1619 : vector<1x1x1x16xf32> to vector<16xf32>
        %get3A_1621 = arith.constant 0 : i32
        %get3A_1622 = arith.constant 1 : i32
        %get3A_1623 = arith.index_cast %get3A_1621 : i32 to index
        %get3A_1624 = arith.index_cast %get3A_1622 : i32 to index
        %get3A_1625 = arith.index_cast %scan3A_1277 : i32 to index
        %get3A_1626 = arith.constant 48 : index
        %get3A_1627 = tpu.vector_load %arg13[%get3A_1623, %get3A_1624, %get3A_1625, %get3A_1626] {strides = array<i32>} : memref<2x2x64x64xf32, #tpu.memory_space<vmem>>, vector<1x1x1x16xf32>,
        %get3A_1628 = vector.shape_cast %get3A_1627 : vector<1x1x1x16xf32> to vector<16xf32>
        %add3A_1629 = arith.addf %get3A_1284, %get3A_1292 : vector<16xf32>
        %add3A_1630 = arith.addf %get3A_1300, %get3A_1308 : vector<16xf32>
        %add3A_1631 = arith.addf %get3A_1316, %get3A_1324 : vector<16xf32>
        %add3A_1632 = arith.addf %get3A_1332, %get3A_1340 : vector<16xf32>
        %add3A_1633 = arith.addf %get3A_1348, %get3A_1356 : vector<16xf32>
        %add3A_1634 = arith.addf %add3A_1629, %add3A_1630 : vector<16xf32>
        %add3A_1635 = arith.addf %add3A_1631, %add3A_1632 : vector<16xf32>
        %add3A_1636 = arith.addf %add3A_1633, %get3A_1364 : vector<16xf32>
        %add3A_1637 = arith.addf %add3A_1634, %add3A_1635 : vector<16xf32>
        %add3A_1638 = arith.addf %add3A_1637, %add3A_1636 : vector<16xf32>
        %add3A_1639 = arith.addf %get3A_1372, %get3A_1380 : vector<16xf32>
        %add3A_1640 = arith.addf %get3A_1388, %get3A_1396 : vector<16xf32>
        %add3A_1641 = arith.addf %get3A_1404, %get3A_1412 : vector<16xf32>
        %add3A_1642 = arith.addf %get3A_1420, %get3A_1428 : vector<16xf32>
        %add3A_1643 = arith.addf %get3A_1436, %get3A_1444 : vector<16xf32>
        %add3A_1644 = arith.addf %add3A_1639, %add3A_1640 : vector<16xf32>
        %add3A_1645 = arith.addf %add3A_1641, %add3A_1642 : vector<16xf32>
        %add3A_1646 = arith.addf %add3A_1643, %get3A_1452 : vector<16xf32>
        %add3A_1647 = arith.addf %add3A_1644, %add3A_1645 : vector<16xf32>
        %add3A_1648 = arith.addf %add3A_1647, %add3A_1646 : vector<16xf32>
        %add3A_1649 = arith.addf %get3A_1460, %get3A_1468 : vector<16xf32>
        %add3A_1650 = arith.addf %get3A_1476, %get3A_1484 : vector<16xf32>
        %add3A_1651 = arith.addf %get3A_1492, %get3A_1500 : vector<16xf32>
        %add3A_1652 = arith.addf %get3A_1508, %get3A_1516 : vector<16xf32>
        %add3A_1653 = arith.addf %get3A_1524, %get3A_1532 : vector<16xf32>
        %add3A_1654 = arith.addf %add3A_1649, %add3A_1650 : vector<16xf32>
        %add3A_1655 = arith.addf %add3A_1651, %add3A_1652 : vector<16xf32>
        %add3A_1656 = arith.addf %add3A_1653, %get3A_1540 : vector<16xf32>
        %add3A_1657 = arith.addf %add3A_1654, %add3A_1655 : vector<16xf32>
        %add3A_1658 = arith.addf %add3A_1657, %add3A_1656 : vector<16xf32>
        %add3A_1659 = arith.addf %get3A_1548, %get3A_1556 : vector<16xf32>
        %add3A_1660 = arith.addf %get3A_1564, %get3A_1572 : vector<16xf32>
        %add3A_1661 = arith.addf %get3A_1580, %get3A_1588 : vector<16xf32>
        %add3A_1662 = arith.addf %get3A_1596, %get3A_1604 : vector<16xf32>
        %add3A_1663 = arith.addf %get3A_1612, %get3A_1620 : vector<16xf32>
        %add3A_1664 = arith.addf %add3A_1659, %add3A_1660 : vector<16xf32>
        %add3A_1665 = arith.addf %add3A_1661, %add3A_1662 : vector<16xf32>
        %add3A_1666 = arith.addf %add3A_1663, %get3A_1628 : vector<16xf32>
        %add3A_1667 = arith.addf %add3A_1664, %add3A_1665 : vector<16xf32>
        %add3A_1668 = arith.addf %add3A_1667, %add3A_1666 : vector<16xf32>
        %add3A_1669 = arith.constant 1 : i32
        %add3A_1670 = arith.addi %add3A_1669, %scan3A_1277 : i32
        %swap3A = arith.index_cast %add3A_1670 : i32 to index
        %swap3A_1671 = arith.constant 0 : index
        %swap3A_1672 = tpu.vector_load %arg14[%swap3A, %swap3A_1671] {strides = array<i32>} : memref<129x64xf32, #tpu.memory_space<vmem>>, vector<1x16xf32>,
        %swap3A_1673 = vector.shape_cast %swap3A_1672 : vector<1x16xf32> to vector<16xf32>
        %swap3A_1674 = vector.shape_cast %add3A_1638 : vector<16xf32> to vector<1x16xf32>
        tpu.vector_store %arg14[%swap3A, %swap3A_1671], %swap3A_1674 {strides = array<i32>} : memref<129x64xf32, #tpu.memory_space<vmem>>, vector<1x16xf32>,
        %add3A_1675 = arith.constant 1 : i32
        %add3A_1676 = arith.addi %add3A_1675, %scan3A_1277 : i32
        %swap3A_1677 = arith.index_cast %add3A_1676 : i32 to index
        %swap3A_1678 = arith.constant 16 : index
        %swap3A_1679 = tpu.vector_load %arg14[%swap3A_1677, %swap3A_1678] {strides = array<i32>} : memref<129x64xf32, #tpu.memory_space<vmem>>, vector<1x16xf32>,
        %swap3A_1680 = vector.shape_cast %swap3A_1679 : vector<1x16xf32> to vector<16xf32>
        %swap3A_1681 = vector.shape_cast %add3A_1648 : vector<16xf32> to vector<1x16xf32>
        tpu.vector_store %arg14[%swap3A_1677, %swap3A_1678], %swap3A_1681 {strides = array<i32>} : memref<129x64xf32, #tpu.memory_space<vmem>>, vector<1x16xf32>,
        %add3A_1682 = arith.constant 1 : i32
        %add3A_1683 = arith.addi %add3A_1682, %scan3A_1277 : i32
        %swap3A_1684 = arith.index_cast %add3A_1683 : i32 to index
        %swap3A_1685 = arith.constant 32 : index
        %swap3A_1686 = tpu.vector_load %arg14[%swap3A_1684, %swap3A_1685] {strides = array<i32>} : memref<129x64xf32, #tpu.memory_space<vmem>>, vector<1x16xf32>,
        %swap3A_1687 = vector.shape_cast %swap3A_1686 : vector<1x16xf32> to vector<16xf32>
        %swap3A_1688 = vector.shape_cast %add3A_1658 : vector<16xf32> to vector<1x16xf32>
        tpu.vector_store %arg14[%swap3A_1684, %swap3A_1685], %swap3A_1688 {strides = array<i32>} : memref<129x64xf32, #tpu.memory_space<vmem>>, vector<1x16xf32>,
        %add3A_1689 = arith.constant 1 : i32
        %add3A_1690 = arith.addi %add3A_1689, %scan3A_1277 : i32
        %swap3A_1691 = arith.index_cast %add3A_1690 : i32 to index
        %swap3A_1692 = arith.constant 48 : index
        %swap3A_1693 = tpu.vector_load %arg14[%swap3A_1691, %swap3A_1692] {strides = array<i32>} : memref<129x64xf32, #tpu.memory_space<vmem>>, vector<1x16xf32>,
        %swap3A_1694 = vector.shape_cast %swap3A_1693 : vector<1x16xf32> to vector<16xf32>
        %swap3A_1695 = vector.shape_cast %add3A_1668 : vector<16xf32> to vector<1x16xf32>
        tpu.vector_store %arg14[%swap3A_1691, %swap3A_1692], %swap3A_1695 {strides = array<i32>} : memref<129x64xf32, #tpu.memory_space<vmem>>, vector<1x16xf32>,
        %scan3A_1696 = arith.constant 1 : i32
        %scan3A_1697 = arith.addi %scan3A_1277, %scan3A_1696 : i32
        %add3A_1698 = arith.constant 0 : i32
        %add3A_1699 = arith.addi %add3A_1698, %scan3A_1697 : i32
        %get3A_1700 = arith.constant 0 : i32
        %get3A_1701 = arith.index_cast %get3A_1700 : i32 to index
        %get3A_1702 = arith.index_cast %add3A_1699 : i32 to index
        %get3A_1703 = arith.constant 0 : index
        %get3A_1704 = tpu.vector_load %arg12[%get3A_1701, %get3A_1702, %get3A_1703] {strides = array<i32>} : memref<2x576x64xf32, #tpu.memory_space<vmem>>, vector<1x1x16xf32>,
        %get3A_1705 = vector.shape_cast %get3A_1704 : vector<1x1x16xf32> to vector<16xf32>
        %add3A_1706 = arith.constant 64 : i32
        %add3A_1707 = arith.addi %add3A_1706, %scan3A_1697 : i32
        %get3A_1708 = arith.constant 0 : i32
        %get3A_1709 = arith.index_cast %get3A_1708 : i32 to index
        %get3A_1710 = arith.index_cast %add3A_1707 : i32 to index
        %get3A_1711 = arith.constant 0 : index
        %get3A_1712 = tpu.vector_load %arg12[%get3A_1709, %get3A_1710, %get3A_1711] {strides = array<i32>} : memref<2x576x64xf32, #tpu.memory_space<vmem>>, vector<1x1x16xf32>,
        %get3A_1713 = vector.shape_cast %get3A_1712 : vector<1x1x16xf32> to vector<16xf32>
        %add3A_1714 = arith.constant 128 : i32
        %add3A_1715 = arith.addi %add3A_1714, %scan3A_1697 : i32
        %get3A_1716 = arith.constant 0 : i32
        %get3A_1717 = arith.index_cast %get3A_1716 : i32 to index
        %get3A_1718 = arith.index_cast %add3A_1715 : i32 to index
        %get3A_1719 = arith.constant 0 : index
        %get3A_1720 = tpu.vector_load %arg12[%get3A_1717, %get3A_1718, %get3A_1719] {strides = array<i32>} : memref<2x576x64xf32, #tpu.memory_space<vmem>>, vector<1x1x16xf32>,
        %get3A_1721 = vector.shape_cast %get3A_1720 : vector<1x1x16xf32> to vector<16xf32>
        %add3A_1722 = arith.constant 192 : i32
        %add3A_1723 = arith.addi %add3A_1722, %scan3A_1697 : i32
        %get3A_1724 = arith.constant 0 : i32
        %get3A_1725 = arith.index_cast %get3A_1724 : i32 to index
        %get3A_1726 = arith.index_cast %add3A_1723 : i32 to index
        %get3A_1727 = arith.constant 0 : index
        %get3A_1728 = tpu.vector_load %arg12[%get3A_1725, %get3A_1726, %get3A_1727] {strides = array<i32>} : memref<2x576x64xf32, #tpu.memory_space<vmem>>, vector<1x1x16xf32>,
        %get3A_1729 = vector.shape_cast %get3A_1728 : vector<1x1x16xf32> to vector<16xf32>
        %add3A_1730 = arith.constant 256 : i32
        %add3A_1731 = arith.addi %add3A_1730, %scan3A_1697 : i32
        %get3A_1732 = arith.constant 0 : i32
        %get3A_1733 = arith.index_cast %get3A_1732 : i32 to index
        %get3A_1734 = arith.index_cast %add3A_1731 : i32 to index
        %get3A_1735 = arith.constant 0 : index
        %get3A_1736 = tpu.vector_load %arg12[%get3A_1733, %get3A_1734, %get3A_1735] {strides = array<i32>} : memref<2x576x64xf32, #tpu.memory_space<vmem>>, vector<1x1x16xf32>,
        %get3A_1737 = vector.shape_cast %get3A_1736 : vector<1x1x16xf32> to vector<16xf32>
        %add3A_1738 = arith.constant 320 : i32
        %add3A_1739 = arith.addi %add3A_1738, %scan3A_1697 : i32
        %get3A_1740 = arith.constant 0 : i32
        %get3A_1741 = arith.index_cast %get3A_1740 : i32 to index
        %get3A_1742 = arith.index_cast %add3A_1739 : i32 to index
        %get3A_1743 = arith.constant 0 : index
        %get3A_1744 = tpu.vector_load %arg12[%get3A_1741, %get3A_1742, %get3A_1743] {strides = array<i32>} : memref<2x576x64xf32, #tpu.memory_space<vmem>>, vector<1x1x16xf32>,
        %get3A_1745 = vector.shape_cast %get3A_1744 : vector<1x1x16xf32> to vector<16xf32>
        %add3A_1746 = arith.constant 384 : i32
        %add3A_1747 = arith.addi %add3A_1746, %scan3A_1697 : i32
        %get3A_1748 = arith.constant 0 : i32
        %get3A_1749 = arith.index_cast %get3A_1748 : i32 to index
        %get3A_1750 = arith.index_cast %add3A_1747 : i32 to index
        %get3A_1751 = arith.constant 0 : index
        %get3A_1752 = tpu.vector_load %arg12[%get3A_1749, %get3A_1750, %get3A_1751] {strides = array<i32>} : memref<2x576x64xf32, #tpu.memory_space<vmem>>, vector<1x1x16xf32>,
        %get3A_1753 = vector.shape_cast %get3A_1752 : vector<1x1x16xf32> to vector<16xf32>
        %add3A_1754 = arith.constant 448 : i32
        %add3A_1755 = arith.addi %add3A_1754, %scan3A_1697 : i32
        %get3A_1756 = arith.constant 0 : i32
        %get3A_1757 = arith.index_cast %get3A_1756 : i32 to index
        %get3A_1758 = arith.index_cast %add3A_1755 : i32 to index
        %get3A_1759 = arith.constant 0 : index
        %get3A_1760 = tpu.vector_load %arg12[%get3A_1757, %get3A_1758, %get3A_1759] {strides = array<i32>} : memref<2x576x64xf32, #tpu.memory_space<vmem>>, vector<1x1x16xf32>,
        %get3A_1761 = vector.shape_cast %get3A_1760 : vector<1x1x16xf32> to vector<16xf32>
        %add3A_1762 = arith.constant 512 : i32
        %add3A_1763 = arith.addi %add3A_1762, %scan3A_1697 : i32
        %get3A_1764 = arith.constant 0 : i32
        %get3A_1765 = arith.index_cast %get3A_1764 : i32 to index
        %get3A_1766 = arith.index_cast %add3A_1763 : i32 to index
        %get3A_1767 = arith.constant 0 : index
        %get3A_1768 = tpu.vector_load %arg12[%get3A_1765, %get3A_1766, %get3A_1767] {strides = array<i32>} : memref<2x576x64xf32, #tpu.memory_space<vmem>>, vector<1x1x16xf32>,
        %get3A_1769 = vector.shape_cast %get3A_1768 : vector<1x1x16xf32> to vector<16xf32>
        %get3A_1770 = arith.constant 0 : i32
        %get3A_1771 = arith.constant 0 : i32
        %get3A_1772 = arith.index_cast %get3A_1770 : i32 to index
        %get3A_1773 = arith.index_cast %get3A_1771 : i32 to index
        %get3A_1774 = arith.index_cast %scan3A_1697 : i32 to index
        %get3A_1775 = arith.constant 0 : index
        %get3A_1776 = tpu.vector_load %arg13[%get3A_1772, %get3A_1773, %get3A_1774, %get3A_1775] {strides = array<i32>} : memref<2x2x64x64xf32, #tpu.memory_space<vmem>>, vector<1x1x1x16xf32>,
        %get3A_1777 = vector.shape_cast %get3A_1776 : vector<1x1x1x16xf32> to vector<16xf32>
        %get3A_1778 = arith.constant 0 : i32
        %get3A_1779 = arith.constant 1 : i32
        %get3A_1780 = arith.index_cast %get3A_1778 : i32 to index
        %get3A_1781 = arith.index_cast %get3A_1779 : i32 to index
        %get3A_1782 = arith.index_cast %scan3A_1697 : i32 to index
        %get3A_1783 = arith.constant 0 : index
        %get3A_1784 = tpu.vector_load %arg13[%get3A_1780, %get3A_1781, %get3A_1782, %get3A_1783] {strides = array<i32>} : memref<2x2x64x64xf32, #tpu.memory_space<vmem>>, vector<1x1x1x16xf32>,
        %get3A_1785 = vector.shape_cast %get3A_1784 : vector<1x1x1x16xf32> to vector<16xf32>
        %add3A_1786 = arith.constant 0 : i32
        %add3A_1787 = arith.addi %add3A_1786, %scan3A_1697 : i32
        %get3A_1788 = arith.constant 0 : i32
        %get3A_1789 = arith.index_cast %get3A_1788 : i32 to index
        %get3A_1790 = arith.index_cast %add3A_1787 : i32 to index
        %get3A_1791 = arith.constant 16 : index
        %get3A_1792 = tpu.vector_load %arg12[%get3A_1789, %get3A_1790, %get3A_1791] {strides = array<i32>} : memref<2x576x64xf32, #tpu.memory_space<vmem>>, vector<1x1x16xf32>,
        %get3A_1793 = vector.shape_cast %get3A_1792 : vector<1x1x16xf32> to vector<16xf32>
        %add3A_1794 = arith.constant 64 : i32
        %add3A_1795 = arith.addi %add3A_1794, %scan3A_1697 : i32
        %get3A_1796 = arith.constant 0 : i32
        %get3A_1797 = arith.index_cast %get3A_1796 : i32 to index
        %get3A_1798 = arith.index_cast %add3A_1795 : i32 to index
        %get3A_1799 = arith.constant 16 : index
        %get3A_1800 = tpu.vector_load %arg12[%get3A_1797, %get3A_1798, %get3A_1799] {strides = array<i32>} : memref<2x576x64xf32, #tpu.memory_space<vmem>>, vector<1x1x16xf32>,
        %get3A_1801 = vector.shape_cast %get3A_1800 : vector<1x1x16xf32> to vector<16xf32>
        %add3A_1802 = arith.constant 128 : i32
        %add3A_1803 = arith.addi %add3A_1802, %scan3A_1697 : i32
        %get3A_1804 = arith.constant 0 : i32
        %get3A_1805 = arith.index_cast %get3A_1804 : i32 to index
        %get3A_1806 = arith.index_cast %add3A_1803 : i32 to index
        %get3A_1807 = arith.constant 16 : index
        %get3A_1808 = tpu.vector_load %arg12[%get3A_1805, %get3A_1806, %get3A_1807] {strides = array<i32>} : memref<2x576x64xf32, #tpu.memory_space<vmem>>, vector<1x1x16xf32>,
        %get3A_1809 = vector.shape_cast %get3A_1808 : vector<1x1x16xf32> to vector<16xf32>
        %add3A_1810 = arith.constant 192 : i32
        %add3A_1811 = arith.addi %add3A_1810, %scan3A_1697 : i32
        %get3A_1812 = arith.constant 0 : i32
        %get3A_1813 = arith.index_cast %get3A_1812 : i32 to index
        %get3A_1814 = arith.index_cast %add3A_1811 : i32 to index
        %get3A_1815 = arith.constant 16 : index
        %get3A_1816 = tpu.vector_load %arg12[%get3A_1813, %get3A_1814, %get3A_1815] {strides = array<i32>} : memref<2x576x64xf32, #tpu.memory_space<vmem>>, vector<1x1x16xf32>,
        %get3A_1817 = vector.shape_cast %get3A_1816 : vector<1x1x16xf32> to vector<16xf32>
        %add3A_1818 = arith.constant 256 : i32
        %add3A_1819 = arith.addi %add3A_1818, %scan3A_1697 : i32
        %get3A_1820 = arith.constant 0 : i32
        %get3A_1821 = arith.index_cast %get3A_1820 : i32 to index
        %get3A_1822 = arith.index_cast %add3A_1819 : i32 to index
        %get3A_1823 = arith.constant 16 : index
        %get3A_1824 = tpu.vector_load %arg12[%get3A_1821, %get3A_1822, %get3A_1823] {strides = array<i32>} : memref<2x576x64xf32, #tpu.memory_space<vmem>>, vector<1x1x16xf32>,
        %get3A_1825 = vector.shape_cast %get3A_1824 : vector<1x1x16xf32> to vector<16xf32>
        %add3A_1826 = arith.constant 320 : i32
        %add3A_1827 = arith.addi %add3A_1826, %scan3A_1697 : i32
        %get3A_1828 = arith.constant 0 : i32
        %get3A_1829 = arith.index_cast %get3A_1828 : i32 to index
        %get3A_1830 = arith.index_cast %add3A_1827 : i32 to index
        %get3A_1831 = arith.constant 16 : index
        %get3A_1832 = tpu.vector_load %arg12[%get3A_1829, %get3A_1830, %get3A_1831] {strides = array<i32>} : memref<2x576x64xf32, #tpu.memory_space<vmem>>, vector<1x1x16xf32>,
        %get3A_1833 = vector.shape_cast %get3A_1832 : vector<1x1x16xf32> to vector<16xf32>
        %add3A_1834 = arith.constant 384 : i32
        %add3A_1835 = arith.addi %add3A_1834, %scan3A_1697 : i32
        %get3A_1836 = arith.constant 0 : i32
        %get3A_1837 = arith.index_cast %get3A_1836 : i32 to index
        %get3A_1838 = arith.index_cast %add3A_1835 : i32 to index
        %get3A_1839 = arith.constant 16 : index
        %get3A_1840 = tpu.vector_load %arg12[%get3A_1837, %get3A_1838, %get3A_1839] {strides = array<i32>} : memref<2x576x64xf32, #tpu.memory_space<vmem>>, vector<1x1x16xf32>,
        %get3A_1841 = vector.shape_cast %get3A_1840 : vector<1x1x16xf32> to vector<16xf32>
        %add3A_1842 = arith.constant 448 : i32
        %add3A_1843 = arith.addi %add3A_1842, %scan3A_1697 : i32
        %get3A_1844 = arith.constant 0 : i32
        %get3A_1845 = arith.index_cast %get3A_1844 : i32 to index
        %get3A_1846 = arith.index_cast %add3A_1843 : i32 to index
        %get3A_1847 = arith.constant 16 : index
        %get3A_1848 = tpu.vector_load %arg12[%get3A_1845, %get3A_1846, %get3A_1847] {strides = array<i32>} : memref<2x576x64xf32, #tpu.memory_space<vmem>>, vector<1x1x16xf32>,
        %get3A_1849 = vector.shape_cast %get3A_1848 : vector<1x1x16xf32> to vector<16xf32>
        %add3A_1850 = arith.constant 512 : i32
        %add3A_1851 = arith.addi %add3A_1850, %scan3A_1697 : i32
        %get3A_1852 = arith.constant 0 : i32
        %get3A_1853 = arith.index_cast %get3A_1852 : i32 to index
        %get3A_1854 = arith.index_cast %add3A_1851 : i32 to index
        %get3A_1855 = arith.constant 16 : index
        %get3A_1856 = tpu.vector_load %arg12[%get3A_1853, %get3A_1854, %get3A_1855] {strides = array<i32>} : memref<2x576x64xf32, #tpu.memory_space<vmem>>, vector<1x1x16xf32>,
        %get3A_1857 = vector.shape_cast %get3A_1856 : vector<1x1x16xf32> to vector<16xf32>
        %get3A_1858 = arith.constant 0 : i32
        %get3A_1859 = arith.constant 0 : i32
        %get3A_1860 = arith.index_cast %get3A_1858 : i32 to index
        %get3A_1861 = arith.index_cast %get3A_1859 : i32 to index
        %get3A_1862 = arith.index_cast %scan3A_1697 : i32 to index
        %get3A_1863 = arith.constant 16 : index
        %get3A_1864 = tpu.vector_load %arg13[%get3A_1860, %get3A_1861, %get3A_1862, %get3A_1863] {strides = array<i32>} : memref<2x2x64x64xf32, #tpu.memory_space<vmem>>, vector<1x1x1x16xf32>,
        %get3A_1865 = vector.shape_cast %get3A_1864 : vector<1x1x1x16xf32> to vector<16xf32>
        %get3A_1866 = arith.constant 0 : i32
        %get3A_1867 = arith.constant 1 : i32
        %get3A_1868 = arith.index_cast %get3A_1866 : i32 to index
        %get3A_1869 = arith.index_cast %get3A_1867 : i32 to index
        %get3A_1870 = arith.index_cast %scan3A_1697 : i32 to index
        %get3A_1871 = arith.constant 16 : index
        %get3A_1872 = tpu.vector_load %arg13[%get3A_1868, %get3A_1869, %get3A_1870, %get3A_1871] {strides = array<i32>} : memref<2x2x64x64xf32, #tpu.memory_space<vmem>>, vector<1x1x1x16xf32>,
        %get3A_1873 = vector.shape_cast %get3A_1872 : vector<1x1x1x16xf32> to vector<16xf32>
        %add3A_1874 = arith.constant 0 : i32
        %add3A_1875 = arith.addi %add3A_1874, %scan3A_1697 : i32
        %get3A_1876 = arith.constant 0 : i32
        %get3A_1877 = arith.index_cast %get3A_1876 : i32 to index
        %get3A_1878 = arith.index_cast %add3A_1875 : i32 to index
        %get3A_1879 = arith.constant 32 : index
        %get3A_1880 = tpu.vector_load %arg12[%get3A_1877, %get3A_1878, %get3A_1879] {strides = array<i32>} : memref<2x576x64xf32, #tpu.memory_space<vmem>>, vector<1x1x16xf32>,
        %get3A_1881 = vector.shape_cast %get3A_1880 : vector<1x1x16xf32> to vector<16xf32>
        %add3A_1882 = arith.constant 64 : i32
        %add3A_1883 = arith.addi %add3A_1882, %scan3A_1697 : i32
        %get3A_1884 = arith.constant 0 : i32
        %get3A_1885 = arith.index_cast %get3A_1884 : i32 to index
        %get3A_1886 = arith.index_cast %add3A_1883 : i32 to index
        %get3A_1887 = arith.constant 32 : index
        %get3A_1888 = tpu.vector_load %arg12[%get3A_1885, %get3A_1886, %get3A_1887] {strides = array<i32>} : memref<2x576x64xf32, #tpu.memory_space<vmem>>, vector<1x1x16xf32>,
        %get3A_1889 = vector.shape_cast %get3A_1888 : vector<1x1x16xf32> to vector<16xf32>
        %add3A_1890 = arith.constant 128 : i32
        %add3A_1891 = arith.addi %add3A_1890, %scan3A_1697 : i32
        %get3A_1892 = arith.constant 0 : i32
        %get3A_1893 = arith.index_cast %get3A_1892 : i32 to index
        %get3A_1894 = arith.index_cast %add3A_1891 : i32 to index
        %get3A_1895 = arith.constant 32 : index
        %get3A_1896 = tpu.vector_load %arg12[%get3A_1893, %get3A_1894, %get3A_1895] {strides = array<i32>} : memref<2x576x64xf32, #tpu.memory_space<vmem>>, vector<1x1x16xf32>,
        %get3A_1897 = vector.shape_cast %get3A_1896 : vector<1x1x16xf32> to vector<16xf32>
        %add3A_1898 = arith.constant 192 : i32
        %add3A_1899 = arith.addi %add3A_1898, %scan3A_1697 : i32
        %get3A_1900 = arith.constant 0 : i32
        %get3A_1901 = arith.index_cast %get3A_1900 : i32 to index
        %get3A_1902 = arith.index_cast %add3A_1899 : i32 to index
        %get3A_1903 = arith.constant 32 : index
        %get3A_1904 = tpu.vector_load %arg12[%get3A_1901, %get3A_1902, %get3A_1903] {strides = array<i32>} : memref<2x576x64xf32, #tpu.memory_space<vmem>>, vector<1x1x16xf32>,
        %get3A_1905 = vector.shape_cast %get3A_1904 : vector<1x1x16xf32> to vector<16xf32>
        %add3A_1906 = arith.constant 256 : i32
        %add3A_1907 = arith.addi %add3A_1906, %scan3A_1697 : i32
        %get3A_1908 = arith.constant 0 : i32
        %get3A_1909 = arith.index_cast %get3A_1908 : i32 to index
        %get3A_1910 = arith.index_cast %add3A_1907 : i32 to index
        %get3A_1911 = arith.constant 32 : index
        %get3A_1912 = tpu.vector_load %arg12[%get3A_1909, %get3A_1910, %get3A_1911] {strides = array<i32>} : memref<2x576x64xf32, #tpu.memory_space<vmem>>, vector<1x1x16xf32>,
        %get3A_1913 = vector.shape_cast %get3A_1912 : vector<1x1x16xf32> to vector<16xf32>
        %add3A_1914 = arith.constant 320 : i32
        %add3A_1915 = arith.addi %add3A_1914, %scan3A_1697 : i32
        %get3A_1916 = arith.constant 0 : i32
        %get3A_1917 = arith.index_cast %get3A_1916 : i32 to index
        %get3A_1918 = arith.index_cast %add3A_1915 : i32 to index
        %get3A_1919 = arith.constant 32 : index
        %get3A_1920 = tpu.vector_load %arg12[%get3A_1917, %get3A_1918, %get3A_1919] {strides = array<i32>} : memref<2x576x64xf32, #tpu.memory_space<vmem>>, vector<1x1x16xf32>,
        %get3A_1921 = vector.shape_cast %get3A_1920 : vector<1x1x16xf32> to vector<16xf32>
        %add3A_1922 = arith.constant 384 : i32
        %add3A_1923 = arith.addi %add3A_1922, %scan3A_1697 : i32
        %get3A_1924 = arith.constant 0 : i32
        %get3A_1925 = arith.index_cast %get3A_1924 : i32 to index
        %get3A_1926 = arith.index_cast %add3A_1923 : i32 to index
        %get3A_1927 = arith.constant 32 : index
        %get3A_1928 = tpu.vector_load %arg12[%get3A_1925, %get3A_1926, %get3A_1927] {strides = array<i32>} : memref<2x576x64xf32, #tpu.memory_space<vmem>>, vector<1x1x16xf32>,
        %get3A_1929 = vector.shape_cast %get3A_1928 : vector<1x1x16xf32> to vector<16xf32>
        %add3A_1930 = arith.constant 448 : i32
        %add3A_1931 = arith.addi %add3A_1930, %scan3A_1697 : i32
        %get3A_1932 = arith.constant 0 : i32
        %get3A_1933 = arith.index_cast %get3A_1932 : i32 to index
        %get3A_1934 = arith.index_cast %add3A_1931 : i32 to index
        %get3A_1935 = arith.constant 32 : index
        %get3A_1936 = tpu.vector_load %arg12[%get3A_1933, %get3A_1934, %get3A_1935] {strides = array<i32>} : memref<2x576x64xf32, #tpu.memory_space<vmem>>, vector<1x1x16xf32>,
        %get3A_1937 = vector.shape_cast %get3A_1936 : vector<1x1x16xf32> to vector<16xf32>
        %add3A_1938 = arith.constant 512 : i32
        %add3A_1939 = arith.addi %add3A_1938, %scan3A_1697 : i32
        %get3A_1940 = arith.constant 0 : i32
        %get3A_1941 = arith.index_cast %get3A_1940 : i32 to index
        %get3A_1942 = arith.index_cast %add3A_1939 : i32 to index
        %get3A_1943 = arith.constant 32 : index
        %get3A_1944 = tpu.vector_load %arg12[%get3A_1941, %get3A_1942, %get3A_1943] {strides = array<i32>} : memref<2x576x64xf32, #tpu.memory_space<vmem>>, vector<1x1x16xf32>,
        %get3A_1945 = vector.shape_cast %get3A_1944 : vector<1x1x16xf32> to vector<16xf32>
        %get3A_1946 = arith.constant 0 : i32
        %get3A_1947 = arith.constant 0 : i32
        %get3A_1948 = arith.index_cast %get3A_1946 : i32 to index
        %get3A_1949 = arith.index_cast %get3A_1947 : i32 to index
        %get3A_1950 = arith.index_cast %scan3A_1697 : i32 to index
        %get3A_1951 = arith.constant 32 : index
        %get3A_1952 = tpu.vector_load %arg13[%get3A_1948, %get3A_1949, %get3A_1950, %get3A_1951] {strides = array<i32>} : memref<2x2x64x64xf32, #tpu.memory_space<vmem>>, vector<1x1x1x16xf32>,
        %get3A_1953 = vector.shape_cast %get3A_1952 : vector<1x1x1x16xf32> to vector<16xf32>
        %get3A_1954 = arith.constant 0 : i32
        %get3A_1955 = arith.constant 1 : i32
        %get3A_1956 = arith.index_cast %get3A_1954 : i32 to index
        %get3A_1957 = arith.index_cast %get3A_1955 : i32 to index
        %get3A_1958 = arith.index_cast %scan3A_1697 : i32 to index
        %get3A_1959 = arith.constant 32 : index
        %get3A_1960 = tpu.vector_load %arg13[%get3A_1956, %get3A_1957, %get3A_1958, %get3A_1959] {strides = array<i32>} : memref<2x2x64x64xf32, #tpu.memory_space<vmem>>, vector<1x1x1x16xf32>,
        %get3A_1961 = vector.shape_cast %get3A_1960 : vector<1x1x1x16xf32> to vector<16xf32>
        %add3A_1962 = arith.constant 0 : i32
        %add3A_1963 = arith.addi %add3A_1962, %scan3A_1697 : i32
        %get3A_1964 = arith.constant 0 : i32
        %get3A_1965 = arith.index_cast %get3A_1964 : i32 to index
        %get3A_1966 = arith.index_cast %add3A_1963 : i32 to index
        %get3A_1967 = arith.constant 48 : index
        %get3A_1968 = tpu.vector_load %arg12[%get3A_1965, %get3A_1966, %get3A_1967] {strides = array<i32>} : memref<2x576x64xf32, #tpu.memory_space<vmem>>, vector<1x1x16xf32>,
        %get3A_1969 = vector.shape_cast %get3A_1968 : vector<1x1x16xf32> to vector<16xf32>
        %add3A_1970 = arith.constant 64 : i32
        %add3A_1971 = arith.addi %add3A_1970, %scan3A_1697 : i32
        %get3A_1972 = arith.constant 0 : i32
        %get3A_1973 = arith.index_cast %get3A_1972 : i32 to index
        %get3A_1974 = arith.index_cast %add3A_1971 : i32 to index
        %get3A_1975 = arith.constant 48 : index
        %get3A_1976 = tpu.vector_load %arg12[%get3A_1973, %get3A_1974, %get3A_1975] {strides = array<i32>} : memref<2x576x64xf32, #tpu.memory_space<vmem>>, vector<1x1x16xf32>,
        %get3A_1977 = vector.shape_cast %get3A_1976 : vector<1x1x16xf32> to vector<16xf32>
        %add3A_1978 = arith.constant 128 : i32
        %add3A_1979 = arith.addi %add3A_1978, %scan3A_1697 : i32
        %get3A_1980 = arith.constant 0 : i32
        %get3A_1981 = arith.index_cast %get3A_1980 : i32 to index
        %get3A_1982 = arith.index_cast %add3A_1979 : i32 to index
        %get3A_1983 = arith.constant 48 : index
        %get3A_1984 = tpu.vector_load %arg12[%get3A_1981, %get3A_1982, %get3A_1983] {strides = array<i32>} : memref<2x576x64xf32, #tpu.memory_space<vmem>>, vector<1x1x16xf32>,
        %get3A_1985 = vector.shape_cast %get3A_1984 : vector<1x1x16xf32> to vector<16xf32>
        %add3A_1986 = arith.constant 192 : i32
        %add3A_1987 = arith.addi %add3A_1986, %scan3A_1697 : i32
        %get3A_1988 = arith.constant 0 : i32
        %get3A_1989 = arith.index_cast %get3A_1988 : i32 to index
        %get3A_1990 = arith.index_cast %add3A_1987 : i32 to index
        %get3A_1991 = arith.constant 48 : index
        %get3A_1992 = tpu.vector_load %arg12[%get3A_1989, %get3A_1990, %get3A_1991] {strides = array<i32>} : memref<2x576x64xf32, #tpu.memory_space<vmem>>, vector<1x1x16xf32>,
        %get3A_1993 = vector.shape_cast %get3A_1992 : vector<1x1x16xf32> to vector<16xf32>
        %add3A_1994 = arith.constant 256 : i32
        %add3A_1995 = arith.addi %add3A_1994, %scan3A_1697 : i32
        %get3A_1996 = arith.constant 0 : i32
        %get3A_1997 = arith.index_cast %get3A_1996 : i32 to index
        %get3A_1998 = arith.index_cast %add3A_1995 : i32 to index
        %get3A_1999 = arith.constant 48 : index
        %get3A_2000 = tpu.vector_load %arg12[%get3A_1997, %get3A_1998, %get3A_1999] {strides = array<i32>} : memref<2x576x64xf32, #tpu.memory_space<vmem>>, vector<1x1x16xf32>,
        %get3A_2001 = vector.shape_cast %get3A_2000 : vector<1x1x16xf32> to vector<16xf32>
        %add3A_2002 = arith.constant 320 : i32
        %add3A_2003 = arith.addi %add3A_2002, %scan3A_1697 : i32
        %get3A_2004 = arith.constant 0 : i32
        %get3A_2005 = arith.index_cast %get3A_2004 : i32 to index
        %get3A_2006 = arith.index_cast %add3A_2003 : i32 to index
        %get3A_2007 = arith.constant 48 : index
        %get3A_2008 = tpu.vector_load %arg12[%get3A_2005, %get3A_2006, %get3A_2007] {strides = array<i32>} : memref<2x576x64xf32, #tpu.memory_space<vmem>>, vector<1x1x16xf32>,
        %get3A_2009 = vector.shape_cast %get3A_2008 : vector<1x1x16xf32> to vector<16xf32>
        %add3A_2010 = arith.constant 384 : i32
        %add3A_2011 = arith.addi %add3A_2010, %scan3A_1697 : i32
        %get3A_2012 = arith.constant 0 : i32
        %get3A_2013 = arith.index_cast %get3A_2012 : i32 to index
        %get3A_2014 = arith.index_cast %add3A_2011 : i32 to index
        %get3A_2015 = arith.constant 48 : index
        %get3A_2016 = tpu.vector_load %arg12[%get3A_2013, %get3A_2014, %get3A_2015] {strides = array<i32>} : memref<2x576x64xf32, #tpu.memory_space<vmem>>, vector<1x1x16xf32>,
        %get3A_2017 = vector.shape_cast %get3A_2016 : vector<1x1x16xf32> to vector<16xf32>
        %add3A_2018 = arith.constant 448 : i32
        %add3A_2019 = arith.addi %add3A_2018, %scan3A_1697 : i32
        %get3A_2020 = arith.constant 0 : i32
        %get3A_2021 = arith.index_cast %get3A_2020 : i32 to index
        %get3A_2022 = arith.index_cast %add3A_2019 : i32 to index
        %get3A_2023 = arith.constant 48 : index
        %get3A_2024 = tpu.vector_load %arg12[%get3A_2021, %get3A_2022, %get3A_2023] {strides = array<i32>} : memref<2x576x64xf32, #tpu.memory_space<vmem>>, vector<1x1x16xf32>,
        %get3A_2025 = vector.shape_cast %get3A_2024 : vector<1x1x16xf32> to vector<16xf32>
        %add3A_2026 = arith.constant 512 : i32
        %add3A_2027 = arith.addi %add3A_2026, %scan3A_1697 : i32
        %get3A_2028 = arith.constant 0 : i32
        %get3A_2029 = arith.index_cast %get3A_2028 : i32 to index
        %get3A_2030 = arith.index_cast %add3A_2027 : i32 to index
        %get3A_2031 = arith.constant 48 : index
        %get3A_2032 = tpu.vector_load %arg12[%get3A_2029, %get3A_2030, %get3A_2031] {strides = array<i32>} : memref<2x576x64xf32, #tpu.memory_space<vmem>>, vector<1x1x16xf32>,
        %get3A_2033 = vector.shape_cast %get3A_2032 : vector<1x1x16xf32> to vector<16xf32>
        %get3A_2034 = arith.constant 0 : i32
        %get3A_2035 = arith.constant 0 : i32
        %get3A_2036 = arith.index_cast %get3A_2034 : i32 to index
        %get3A_2037 = arith.index_cast %get3A_2035 : i32 to index
        %get3A_2038 = arith.index_cast %scan3A_1697 : i32 to index
        %get3A_2039 = arith.constant 48 : index
        %get3A_2040 = tpu.vector_load %arg13[%get3A_2036, %get3A_2037, %get3A_2038, %get3A_2039] {strides = array<i32>} : memref<2x2x64x64xf32, #tpu.memory_space<vmem>>, vector<1x1x1x16xf32>,
        %get3A_2041 = vector.shape_cast %get3A_2040 : vector<1x1x1x16xf32> to vector<16xf32>
        %get3A_2042 = arith.constant 0 : i32
        %get3A_2043 = arith.constant 1 : i32
        %get3A_2044 = arith.index_cast %get3A_2042 : i32 to index
        %get3A_2045 = arith.index_cast %get3A_2043 : i32 to index
        %get3A_2046 = arith.index_cast %scan3A_1697 : i32 to index
        %get3A_2047 = arith.constant 48 : index
        %get3A_2048 = tpu.vector_load %arg13[%get3A_2044, %get3A_2045, %get3A_2046, %get3A_2047] {strides = array<i32>} : memref<2x2x64x64xf32, #tpu.memory_space<vmem>>, vector<1x1x1x16xf32>,
        %get3A_2049 = vector.shape_cast %get3A_2048 : vector<1x1x1x16xf32> to vector<16xf32>
        %add3A_2050 = arith.addf %get3A_1705, %get3A_1713 : vector<16xf32>
        %add3A_2051 = arith.addf %get3A_1721, %get3A_1729 : vector<16xf32>
        %add3A_2052 = arith.addf %get3A_1737, %get3A_1745 : vector<16xf32>
        %add3A_2053 = arith.addf %get3A_1753, %get3A_1761 : vector<16xf32>
        %add3A_2054 = arith.addf %get3A_1769, %get3A_1777 : vector<16xf32>
        %add3A_2055 = arith.addf %add3A_2050, %add3A_2051 : vector<16xf32>
        %add3A_2056 = arith.addf %add3A_2052, %add3A_2053 : vector<16xf32>
        %add3A_2057 = arith.addf %add3A_2054, %get3A_1785 : vector<16xf32>
        %add3A_2058 = arith.addf %add3A_2055, %add3A_2056 : vector<16xf32>
        %add3A_2059 = arith.addf %add3A_2058, %add3A_2057 : vector<16xf32>
        %add3A_2060 = arith.addf %get3A_1793, %get3A_1801 : vector<16xf32>
        %add3A_2061 = arith.addf %get3A_1809, %get3A_1817 : vector<16xf32>
        %add3A_2062 = arith.addf %get3A_1825, %get3A_1833 : vector<16xf32>
        %add3A_2063 = arith.addf %get3A_1841, %get3A_1849 : vector<16xf32>
        %add3A_2064 = arith.addf %get3A_1857, %get3A_1865 : vector<16xf32>
        %add3A_2065 = arith.addf %add3A_2060, %add3A_2061 : vector<16xf32>
        %add3A_2066 = arith.addf %add3A_2062, %add3A_2063 : vector<16xf32>
        %add3A_2067 = arith.addf %add3A_2064, %get3A_1873 : vector<16xf32>
        %add3A_2068 = arith.addf %add3A_2065, %add3A_2066 : vector<16xf32>
        %add3A_2069 = arith.addf %add3A_2068, %add3A_2067 : vector<16xf32>
        %add3A_2070 = arith.addf %get3A_1881, %get3A_1889 : vector<16xf32>
        %add3A_2071 = arith.addf %get3A_1897, %get3A_1905 : vector<16xf32>
        %add3A_2072 = arith.addf %get3A_1913, %get3A_1921 : vector<16xf32>
        %add3A_2073 = arith.addf %get3A_1929, %get3A_1937 : vector<16xf32>
        %add3A_2074 = arith.addf %get3A_1945, %get3A_1953 : vector<16xf32>
        %add3A_2075 = arith.addf %add3A_2070, %add3A_2071 : vector<16xf32>
        %add3A_2076 = arith.addf %add3A_2072, %add3A_2073 : vector<16xf32>
        %add3A_2077 = arith.addf %add3A_2074, %get3A_1961 : vector<16xf32>
        %add3A_2078 = arith.addf %add3A_2075, %add3A_2076 : vector<16xf32>
        %add3A_2079 = arith.addf %add3A_2078, %add3A_2077 : vector<16xf32>
        %add3A_2080 = arith.addf %get3A_1969, %get3A_1977 : vector<16xf32>
        %add3A_2081 = arith.addf %get3A_1985, %get3A_1993 : vector<16xf32>
        %add3A_2082 = arith.addf %get3A_2001, %get3A_2009 : vector<16xf32>
        %add3A_2083 = arith.addf %get3A_2017, %get3A_2025 : vector<16xf32>
        %add3A_2084 = arith.addf %get3A_2033, %get3A_2041 : vector<16xf32>
        %add3A_2085 = arith.addf %add3A_2080, %add3A_2081 : vector<16xf32>
        %add3A_2086 = arith.addf %add3A_2082, %add3A_2083 : vector<16xf32>
        %add3A_2087 = arith.addf %add3A_2084, %get3A_2049 : vector<16xf32>
        %add3A_2088 = arith.addf %add3A_2085, %add3A_2086 : vector<16xf32>
        %add3A_2089 = arith.addf %add3A_2088, %add3A_2087 : vector<16xf32>
        %add3A_2090 = arith.constant 1 : i32
        %add3A_2091 = arith.addi %add3A_2090, %scan3A_1697 : i32
        %swap3A_2092 = arith.index_cast %add3A_2091 : i32 to index
        %swap3A_2093 = arith.constant 0 : index
        %swap3A_2094 = tpu.vector_load %arg14[%swap3A_2092, %swap3A_2093] {strides = array<i32>} : memref<129x64xf32, #tpu.memory_space<vmem>>, vector<1x16xf32>,
        %swap3A_2095 = vector.shape_cast %swap3A_2094 : vector<1x16xf32> to vector<16xf32>
        %swap3A_2096 = vector.shape_cast %add3A_2059 : vector<16xf32> to vector<1x16xf32>
        tpu.vector_store %arg14[%swap3A_2092, %swap3A_2093], %swap3A_2096 {strides = array<i32>} : memref<129x64xf32, #tpu.memory_space<vmem>>, vector<1x16xf32>,
        %add3A_2097 = arith.constant 1 : i32
        %add3A_2098 = arith.addi %add3A_2097, %scan3A_1697 : i32
        %swap3A_2099 = arith.index_cast %add3A_2098 : i32 to index
        %swap3A_2100 = arith.constant 16 : index
        %swap3A_2101 = tpu.vector_load %arg14[%swap3A_2099, %swap3A_2100] {strides = array<i32>} : memref<129x64xf32, #tpu.memory_space<vmem>>, vector<1x16xf32>,
        %swap3A_2102 = vector.shape_cast %swap3A_2101 : vector<1x16xf32> to vector<16xf32>
        %swap3A_2103 = vector.shape_cast %add3A_2069 : vector<16xf32> to vector<1x16xf32>
        tpu.vector_store %arg14[%swap3A_2099, %swap3A_2100], %swap3A_2103 {strides = array<i32>} : memref<129x64xf32, #tpu.memory_space<vmem>>, vector<1x16xf32>,
        %add3A_2104 = arith.constant 1 : i32
        %add3A_2105 = arith.addi %add3A_2104, %scan3A_1697 : i32
        %swap3A_2106 = arith.index_cast %add3A_2105 : i32 to index
        %swap3A_2107 = arith.constant 32 : index
        %swap3A_2108 = tpu.vector_load %arg14[%swap3A_2106, %swap3A_2107] {strides = array<i32>} : memref<129x64xf32, #tpu.memory_space<vmem>>, vector<1x16xf32>,
        %swap3A_2109 = vector.shape_cast %swap3A_2108 : vector<1x16xf32> to vector<16xf32>
        %swap3A_2110 = vector.shape_cast %add3A_2079 : vector<16xf32> to vector<1x16xf32>
        tpu.vector_store %arg14[%swap3A_2106, %swap3A_2107], %swap3A_2110 {strides = array<i32>} : memref<129x64xf32, #tpu.memory_space<vmem>>, vector<1x16xf32>,
        %add3A_2111 = arith.constant 1 : i32
        %add3A_2112 = arith.addi %add3A_2111, %scan3A_1697 : i32
        %swap3A_2113 = arith.index_cast %add3A_2112 : i32 to index
        %swap3A_2114 = arith.constant 48 : index
        %swap3A_2115 = tpu.vector_load %arg14[%swap3A_2113, %swap3A_2114] {strides = array<i32>} : memref<129x64xf32, #tpu.memory_space<vmem>>, vector<1x16xf32>,
        %swap3A_2116 = vector.shape_cast %swap3A_2115 : vector<1x16xf32> to vector<16xf32>
        %swap3A_2117 = vector.shape_cast %add3A_2089 : vector<16xf32> to vector<1x16xf32>
        tpu.vector_store %arg14[%swap3A_2113, %swap3A_2114], %swap3A_2117 {strides = array<i32>} : memref<129x64xf32, #tpu.memory_space<vmem>>, vector<1x16xf32>,
      }
      %scan3A_1113 = arith.constant 64 : i32
      %lt3A = arith.constant 31 : i32
      %lt3A_1114 = arith.cmpi slt, %scan3A_488, %lt3A : i32
      %convert_element_type3A_1115 = arith.extui %lt3A_1114 : i1 to i32
      %cond3A_1116 = arith.constant 0 : i32
      %cond3A_1117 = arith.cmpi ne, %convert_element_type3A_1115, %cond3A_1116 : i32
      scf.if %cond3A_1117 {
        %add3A_1277 = arith.constant 1 : i32
        %add3A_1278 = arith.addi %add3A_489, %add3A_1277 : i32
        %dma_start3A_1279 = arith.constant 0 : i32
        %dma_start3A_1280 = arith.constant 0 : i32
        %dma_start3A_1281 = arith.constant 0 : i32
        %dma_start3A_1282 = arith.constant 0 : i32
        %dma_start3A_1283 = tpu.memref_slice %arg10[%dma_start3A_1280, %dma_start3A_1281, %dma_start3A_1282] : memref<2x9x64xi32, #tpu.memory_space<vmem>> -> memref<1x1x64xi32, #tpu.memory_space<vmem>>
        %dma_start3A_1284 = tpu.memref_squeeze %dma_start3A_1283 : memref<1x1x64xi32, #tpu.memory_space<vmem>> -> memref<64xi32, #tpu.memory_space<vmem>>
        %dma_start3A_1285 = arith.constant 0 : i32
        %dma_start3A_1286 = tpu.memref_slice %arg2[%dma_start3A_1279, %add3A_1278, %dma_start3A_1285] : memref<9x1024x128xi32, #tpu.memory_space<hbm>> -> memref<1x1x64xi32, #tpu.memory_space<hbm>>
        %dma_start3A_1287 = tpu.memref_squeeze %dma_start3A_1286 : memref<1x1x64xi32, #tpu.memory_space<hbm>> -> memref<64xi32, #tpu.memory_space<hbm>>
        %dma_start3A_1288 = arith.constant 0 : i32
        %dma_start3A_1289 = tpu.memref_slice %arg10[%dma_start3A_1280, %dma_start3A_1281, %dma_start3A_1288] : memref<2x9x64xi32, #tpu.memory_space<vmem>> -> memref<1x1x64xi32, #tpu.memory_space<vmem>>
        %dma_start3A_1290 = tpu.memref_squeeze %dma_start3A_1289 : memref<1x1x64xi32, #tpu.memory_space<vmem>> -> memref<64xi32, #tpu.memory_space<vmem>>
        %dma_start3A_1291 = arith.constant 0 : i32
        %dma_start3A_1292 = tpu.memref_slice %arg2[%dma_start3A_1279, %add3A_1278, %dma_start3A_1291] : memref<9x1024x128xi32, #tpu.memory_space<hbm>> -> memref<1x1x64xi32, #tpu.memory_space<hbm>>
        %dma_start3A_1293 = tpu.memref_squeeze %dma_start3A_1292 : memref<1x1x64xi32, #tpu.memory_space<hbm>> -> memref<64xi32, #tpu.memory_space<hbm>>
        tpu.enqueue_dma source(%dma_start3A_1293 : memref<64xi32, #tpu.memory_space<hbm>>) target(%dma_start3A_1290 : memref<64xi32, #tpu.memory_space<vmem>>) target_semaphore(%arg18 : memref<!tpu.dma_semaphore, #tpu.memory_space<semaphore_mem>>)
        %dma_start3A_1294 = arith.constant 1 : i32
        %dma_start3A_1295 = arith.constant 0 : i32
        %dma_start3A_1296 = arith.constant 1 : i32
        %dma_start3A_1297 = arith.constant 0 : i32
        %dma_start3A_1298 = tpu.memref_slice %arg10[%dma_start3A_1295, %dma_start3A_1296, %dma_start3A_1297] : memref<2x9x64xi32, #tpu.memory_space<vmem>> -> memref<1x1x64xi32, #tpu.memory_space<vmem>>
        %dma_start3A_1299 = tpu.memref_squeeze %dma_start3A_1298 : memref<1x1x64xi32, #tpu.memory_space<vmem>> -> memref<64xi32, #tpu.memory_space<vmem>>
        %dma_start3A_1300 = arith.constant 0 : i32
        %dma_start3A_1301 = tpu.memref_slice %arg2[%dma_start3A_1294, %add3A_1278, %dma_start3A_1300] : memref<9x1024x128xi32, #tpu.memory_space<hbm>> -> memref<1x1x64xi32, #tpu.memory_space<hbm>>
        %dma_start3A_1302 = tpu.memref_squeeze %dma_start3A_1301 : memref<1x1x64xi32, #tpu.memory_space<hbm>> -> memref<64xi32, #tpu.memory_space<hbm>>
        %dma_start3A_1303 = arith.constant 0 : i32
        %dma_start3A_1304 = tpu.memref_slice %arg10[%dma_start3A_1295, %dma_start3A_1296, %dma_start3A_1303] : memref<2x9x64xi32, #tpu.memory_space<vmem>> -> memref<1x1x64xi32, #tpu.memory_space<vmem>>
        %dma_start3A_1305 = tpu.memref_squeeze %dma_start3A_1304 : memref<1x1x64xi32, #tpu.memory_space<vmem>> -> memref<64xi32, #tpu.memory_space<vmem>>
        %dma_start3A_1306 = arith.constant 0 : i32
        %dma_start3A_1307 = tpu.memref_slice %arg2[%dma_start3A_1294, %add3A_1278, %dma_start3A_1306] : memref<9x1024x128xi32, #tpu.memory_space<hbm>> -> memref<1x1x64xi32, #tpu.memory_space<hbm>>
        %dma_start3A_1308 = tpu.memref_squeeze %dma_start3A_1307 : memref<1x1x64xi32, #tpu.memory_space<hbm>> -> memref<64xi32, #tpu.memory_space<hbm>>
        tpu.enqueue_dma source(%dma_start3A_1308 : memref<64xi32, #tpu.memory_space<hbm>>) target(%dma_start3A_1305 : memref<64xi32, #tpu.memory_space<vmem>>) target_semaphore(%arg18 : memref<!tpu.dma_semaphore, #tpu.memory_space<semaphore_mem>>)
        %dma_start3A_1309 = arith.constant 2 : i32
        %dma_start3A_1310 = arith.constant 0 : i32
        %dma_start3A_1311 = arith.constant 2 : i32
        %dma_start3A_1312 = arith.constant 0 : i32
        %dma_start3A_1313 = tpu.memref_slice %arg10[%dma_start3A_1310, %dma_start3A_1311, %dma_start3A_1312] : memref<2x9x64xi32, #tpu.memory_space<vmem>> -> memref<1x1x64xi32, #tpu.memory_space<vmem>>
        %dma_start3A_1314 = tpu.memref_squeeze %dma_start3A_1313 : memref<1x1x64xi32, #tpu.memory_space<vmem>> -> memref<64xi32, #tpu.memory_space<vmem>>
        %dma_start3A_1315 = arith.constant 0 : i32
        %dma_start3A_1316 = tpu.memref_slice %arg2[%dma_start3A_1309, %add3A_1278, %dma_start3A_1315] : memref<9x1024x128xi32, #tpu.memory_space<hbm>> -> memref<1x1x64xi32, #tpu.memory_space<hbm>>
        %dma_start3A_1317 = tpu.memref_squeeze %dma_start3A_1316 : memref<1x1x64xi32, #tpu.memory_space<hbm>> -> memref<64xi32, #tpu.memory_space<hbm>>
        %dma_start3A_1318 = arith.constant 0 : i32
        %dma_start3A_1319 = tpu.memref_slice %arg10[%dma_start3A_1310, %dma_start3A_1311, %dma_start3A_1318] : memref<2x9x64xi32, #tpu.memory_space<vmem>> -> memref<1x1x64xi32, #tpu.memory_space<vmem>>
        %dma_start3A_1320 = tpu.memref_squeeze %dma_start3A_1319 : memref<1x1x64xi32, #tpu.memory_space<vmem>> -> memref<64xi32, #tpu.memory_space<vmem>>
        %dma_start3A_1321 = arith.constant 0 : i32
        %dma_start3A_1322 = tpu.memref_slice %arg2[%dma_start3A_1309, %add3A_1278, %dma_start3A_1321] : memref<9x1024x128xi32, #tpu.memory_space<hbm>> -> memref<1x1x64xi32, #tpu.memory_space<hbm>>
        %dma_start3A_1323 = tpu.memref_squeeze %dma_start3A_1322 : memref<1x1x64xi32, #tpu.memory_space<hbm>> -> memref<64xi32, #tpu.memory_space<hbm>>
        tpu.enqueue_dma source(%dma_start3A_1323 : memref<64xi32, #tpu.memory_space<hbm>>) target(%dma_start3A_1320 : memref<64xi32, #tpu.memory_space<vmem>>) target_semaphore(%arg18 : memref<!tpu.dma_semaphore, #tpu.memory_space<semaphore_mem>>)
        %dma_start3A_1324 = arith.constant 3 : i32
        %dma_start3A_1325 = arith.constant 0 : i32
        %dma_start3A_1326 = arith.constant 3 : i32
        %dma_start3A_1327 = arith.constant 0 : i32
        %dma_start3A_1328 = tpu.memref_slice %arg10[%dma_start3A_1325, %dma_start3A_1326, %dma_start3A_1327] : memref<2x9x64xi32, #tpu.memory_space<vmem>> -> memref<1x1x64xi32, #tpu.memory_space<vmem>>
        %dma_start3A_1329 = tpu.memref_squeeze %dma_start3A_1328 : memref<1x1x64xi32, #tpu.memory_space<vmem>> -> memref<64xi32, #tpu.memory_space<vmem>>
        %dma_start3A_1330 = arith.constant 0 : i32
        %dma_start3A_1331 = tpu.memref_slice %arg2[%dma_start3A_1324, %add3A_1278, %dma_start3A_1330] : memref<9x1024x128xi32, #tpu.memory_space<hbm>> -> memref<1x1x64xi32, #tpu.memory_space<hbm>>
        %dma_start3A_1332 = tpu.memref_squeeze %dma_start3A_1331 : memref<1x1x64xi32, #tpu.memory_space<hbm>> -> memref<64xi32, #tpu.memory_space<hbm>>
        %dma_start3A_1333 = arith.constant 0 : i32
        %dma_start3A_1334 = tpu.memref_slice %arg10[%dma_start3A_1325, %dma_start3A_1326, %dma_start3A_1333] : memref<2x9x64xi32, #tpu.memory_space<vmem>> -> memref<1x1x64xi32, #tpu.memory_space<vmem>>
        %dma_start3A_1335 = tpu.memref_squeeze %dma_start3A_1334 : memref<1x1x64xi32, #tpu.memory_space<vmem>> -> memref<64xi32, #tpu.memory_space<vmem>>
        %dma_start3A_1336 = arith.constant 0 : i32
        %dma_start3A_1337 = tpu.memref_slice %arg2[%dma_start3A_1324, %add3A_1278, %dma_start3A_1336] : memref<9x1024x128xi32, #tpu.memory_space<hbm>> -> memref<1x1x64xi32, #tpu.memory_space<hbm>>
        %dma_start3A_1338 = tpu.memref_squeeze %dma_start3A_1337 : memref<1x1x64xi32, #tpu.memory_space<hbm>> -> memref<64xi32, #tpu.memory_space<hbm>>
        tpu.enqueue_dma source(%dma_start3A_1338 : memref<64xi32, #tpu.memory_space<hbm>>) target(%dma_start3A_1335 : memref<64xi32, #tpu.memory_space<vmem>>) target_semaphore(%arg18 : memref<!tpu.dma_semaphore, #tpu.memory_space<semaphore_mem>>)
        %dma_start3A_1339 = arith.constant 4 : i32
        %dma_start3A_1340 = arith.constant 0 : i32
        %dma_start3A_1341 = arith.constant 4 : i32
        %dma_start3A_1342 = arith.constant 0 : i32
        %dma_start3A_1343 = tpu.memref_slice %arg10[%dma_start3A_1340, %dma_start3A_1341, %dma_start3A_1342] : memref<2x9x64xi32, #tpu.memory_space<vmem>> -> memref<1x1x64xi32, #tpu.memory_space<vmem>>
        %dma_start3A_1344 = tpu.memref_squeeze %dma_start3A_1343 : memref<1x1x64xi32, #tpu.memory_space<vmem>> -> memref<64xi32, #tpu.memory_space<vmem>>
        %dma_start3A_1345 = arith.constant 0 : i32
        %dma_start3A_1346 = tpu.memref_slice %arg2[%dma_start3A_1339, %add3A_1278, %dma_start3A_1345] : memref<9x1024x128xi32, #tpu.memory_space<hbm>> -> memref<1x1x64xi32, #tpu.memory_space<hbm>>
        %dma_start3A_1347 = tpu.memref_squeeze %dma_start3A_1346 : memref<1x1x64xi32, #tpu.memory_space<hbm>> -> memref<64xi32, #tpu.memory_space<hbm>>
        %dma_start3A_1348 = arith.constant 0 : i32
        %dma_start3A_1349 = tpu.memref_slice %arg10[%dma_start3A_1340, %dma_start3A_1341, %dma_start3A_1348] : memref<2x9x64xi32, #tpu.memory_space<vmem>> -> memref<1x1x64xi32, #tpu.memory_space<vmem>>
        %dma_start3A_1350 = tpu.memref_squeeze %dma_start3A_1349 : memref<1x1x64xi32, #tpu.memory_space<vmem>> -> memref<64xi32, #tpu.memory_space<vmem>>
        %dma_start3A_1351 = arith.constant 0 : i32
        %dma_start3A_1352 = tpu.memref_slice %arg2[%dma_start3A_1339, %add3A_1278, %dma_start3A_1351] : memref<9x1024x128xi32, #tpu.memory_space<hbm>> -> memref<1x1x64xi32, #tpu.memory_space<hbm>>
        %dma_start3A_1353 = tpu.memref_squeeze %dma_start3A_1352 : memref<1x1x64xi32, #tpu.memory_space<hbm>> -> memref<64xi32, #tpu.memory_space<hbm>>
        tpu.enqueue_dma source(%dma_start3A_1353 : memref<64xi32, #tpu.memory_space<hbm>>) target(%dma_start3A_1350 : memref<64xi32, #tpu.memory_space<vmem>>) target_semaphore(%arg18 : memref<!tpu.dma_semaphore, #tpu.memory_space<semaphore_mem>>)
        %dma_start3A_1354 = arith.constant 5 : i32
        %dma_start3A_1355 = arith.constant 0 : i32
        %dma_start3A_1356 = arith.constant 5 : i32
        %dma_start3A_1357 = arith.constant 0 : i32
        %dma_start3A_1358 = tpu.memref_slice %arg10[%dma_start3A_1355, %dma_start3A_1356, %dma_start3A_1357] : memref<2x9x64xi32, #tpu.memory_space<vmem>> -> memref<1x1x64xi32, #tpu.memory_space<vmem>>
        %dma_start3A_1359 = tpu.memref_squeeze %dma_start3A_1358 : memref<1x1x64xi32, #tpu.memory_space<vmem>> -> memref<64xi32, #tpu.memory_space<vmem>>
        %dma_start3A_1360 = arith.constant 0 : i32
        %dma_start3A_1361 = tpu.memref_slice %arg2[%dma_start3A_1354, %add3A_1278, %dma_start3A_1360] : memref<9x1024x128xi32, #tpu.memory_space<hbm>> -> memref<1x1x64xi32, #tpu.memory_space<hbm>>
        %dma_start3A_1362 = tpu.memref_squeeze %dma_start3A_1361 : memref<1x1x64xi32, #tpu.memory_space<hbm>> -> memref<64xi32, #tpu.memory_space<hbm>>
        %dma_start3A_1363 = arith.constant 0 : i32
        %dma_start3A_1364 = tpu.memref_slice %arg10[%dma_start3A_1355, %dma_start3A_1356, %dma_start3A_1363] : memref<2x9x64xi32, #tpu.memory_space<vmem>> -> memref<1x1x64xi32, #tpu.memory_space<vmem>>
        %dma_start3A_1365 = tpu.memref_squeeze %dma_start3A_1364 : memref<1x1x64xi32, #tpu.memory_space<vmem>> -> memref<64xi32, #tpu.memory_space<vmem>>
        %dma_start3A_1366 = arith.constant 0 : i32
        %dma_start3A_1367 = tpu.memref_slice %arg2[%dma_start3A_1354, %add3A_1278, %dma_start3A_1366] : memref<9x1024x128xi32, #tpu.memory_space<hbm>> -> memref<1x1x64xi32, #tpu.memory_space<hbm>>
        %dma_start3A_1368 = tpu.memref_squeeze %dma_start3A_1367 : memref<1x1x64xi32, #tpu.memory_space<hbm>> -> memref<64xi32, #tpu.memory_space<hbm>>
        tpu.enqueue_dma source(%dma_start3A_1368 : memref<64xi32, #tpu.memory_space<hbm>>) target(%dma_start3A_1365 : memref<64xi32, #tpu.memory_space<vmem>>) target_semaphore(%arg18 : memref<!tpu.dma_semaphore, #tpu.memory_space<semaphore_mem>>)
        %dma_start3A_1369 = arith.constant 6 : i32
        %dma_start3A_1370 = arith.constant 0 : i32
        %dma_start3A_1371 = arith.constant 6 : i32
        %dma_start3A_1372 = arith.constant 0 : i32
        %dma_start3A_1373 = tpu.memref_slice %arg10[%dma_start3A_1370, %dma_start3A_1371, %dma_start3A_1372] : memref<2x9x64xi32, #tpu.memory_space<vmem>> -> memref<1x1x64xi32, #tpu.memory_space<vmem>>
        %dma_start3A_1374 = tpu.memref_squeeze %dma_start3A_1373 : memref<1x1x64xi32, #tpu.memory_space<vmem>> -> memref<64xi32, #tpu.memory_space<vmem>>
        %dma_start3A_1375 = arith.constant 0 : i32
        %dma_start3A_1376 = tpu.memref_slice %arg2[%dma_start3A_1369, %add3A_1278, %dma_start3A_1375] : memref<9x1024x128xi32, #tpu.memory_space<hbm>> -> memref<1x1x64xi32, #tpu.memory_space<hbm>>
        %dma_start3A_1377 = tpu.memref_squeeze %dma_start3A_1376 : memref<1x1x64xi32, #tpu.memory_space<hbm>> -> memref<64xi32, #tpu.memory_space<hbm>>
        %dma_start3A_1378 = arith.constant 0 : i32
        %dma_start3A_1379 = tpu.memref_slice %arg10[%dma_start3A_1370, %dma_start3A_1371, %dma_start3A_1378] : memref<2x9x64xi32, #tpu.memory_space<vmem>> -> memref<1x1x64xi32, #tpu.memory_space<vmem>>
        %dma_start3A_1380 = tpu.memref_squeeze %dma_start3A_1379 : memref<1x1x64xi32, #tpu.memory_space<vmem>> -> memref<64xi32, #tpu.memory_space<vmem>>
        %dma_start3A_1381 = arith.constant 0 : i32
        %dma_start3A_1382 = tpu.memref_slice %arg2[%dma_start3A_1369, %add3A_1278, %dma_start3A_1381] : memref<9x1024x128xi32, #tpu.memory_space<hbm>> -> memref<1x1x64xi32, #tpu.memory_space<hbm>>
        %dma_start3A_1383 = tpu.memref_squeeze %dma_start3A_1382 : memref<1x1x64xi32, #tpu.memory_space<hbm>> -> memref<64xi32, #tpu.memory_space<hbm>>
        tpu.enqueue_dma source(%dma_start3A_1383 : memref<64xi32, #tpu.memory_space<hbm>>) target(%dma_start3A_1380 : memref<64xi32, #tpu.memory_space<vmem>>) target_semaphore(%arg18 : memref<!tpu.dma_semaphore, #tpu.memory_space<semaphore_mem>>)
        %dma_start3A_1384 = arith.constant 7 : i32
        %dma_start3A_1385 = arith.constant 0 : i32
        %dma_start3A_1386 = arith.constant 7 : i32
        %dma_start3A_1387 = arith.constant 0 : i32
        %dma_start3A_1388 = tpu.memref_slice %arg10[%dma_start3A_1385, %dma_start3A_1386, %dma_start3A_1387] : memref<2x9x64xi32, #tpu.memory_space<vmem>> -> memref<1x1x64xi32, #tpu.memory_space<vmem>>
        %dma_start3A_1389 = tpu.memref_squeeze %dma_start3A_1388 : memref<1x1x64xi32, #tpu.memory_space<vmem>> -> memref<64xi32, #tpu.memory_space<vmem>>
        %dma_start3A_1390 = arith.constant 0 : i32
        %dma_start3A_1391 = tpu.memref_slice %arg2[%dma_start3A_1384, %add3A_1278, %dma_start3A_1390] : memref<9x1024x128xi32, #tpu.memory_space<hbm>> -> memref<1x1x64xi32, #tpu.memory_space<hbm>>
        %dma_start3A_1392 = tpu.memref_squeeze %dma_start3A_1391 : memref<1x1x64xi32, #tpu.memory_space<hbm>> -> memref<64xi32, #tpu.memory_space<hbm>>
        %dma_start3A_1393 = arith.constant 0 : i32
        %dma_start3A_1394 = tpu.memref_slice %arg10[%dma_start3A_1385, %dma_start3A_1386, %dma_start3A_1393] : memref<2x9x64xi32, #tpu.memory_space<vmem>> -> memref<1x1x64xi32, #tpu.memory_space<vmem>>
        %dma_start3A_1395 = tpu.memref_squeeze %dma_start3A_1394 : memref<1x1x64xi32, #tpu.memory_space<vmem>> -> memref<64xi32, #tpu.memory_space<vmem>>
        %dma_start3A_1396 = arith.constant 0 : i32
        %dma_start3A_1397 = tpu.memref_slice %arg2[%dma_start3A_1384, %add3A_1278, %dma_start3A_1396] : memref<9x1024x128xi32, #tpu.memory_space<hbm>> -> memref<1x1x64xi32, #tpu.memory_space<hbm>>
        %dma_start3A_1398 = tpu.memref_squeeze %dma_start3A_1397 : memref<1x1x64xi32, #tpu.memory_space<hbm>> -> memref<64xi32, #tpu.memory_space<hbm>>
        tpu.enqueue_dma source(%dma_start3A_1398 : memref<64xi32, #tpu.memory_space<hbm>>) target(%dma_start3A_1395 : memref<64xi32, #tpu.memory_space<vmem>>) target_semaphore(%arg18 : memref<!tpu.dma_semaphore, #tpu.memory_space<semaphore_mem>>)
        %dma_start3A_1399 = arith.constant 8 : i32
        %dma_start3A_1400 = arith.constant 0 : i32
        %dma_start3A_1401 = arith.constant 8 : i32
        %dma_start3A_1402 = arith.constant 0 : i32
        %dma_start3A_1403 = tpu.memref_slice %arg10[%dma_start3A_1400, %dma_start3A_1401, %dma_start3A_1402] : memref<2x9x64xi32, #tpu.memory_space<vmem>> -> memref<1x1x64xi32, #tpu.memory_space<vmem>>
        %dma_start3A_1404 = tpu.memref_squeeze %dma_start3A_1403 : memref<1x1x64xi32, #tpu.memory_space<vmem>> -> memref<64xi32, #tpu.memory_space<vmem>>
        %dma_start3A_1405 = arith.constant 0 : i32
        %dma_start3A_1406 = tpu.memref_slice %arg2[%dma_start3A_1399, %add3A_1278, %dma_start3A_1405] : memref<9x1024x128xi32, #tpu.memory_space<hbm>> -> memref<1x1x64xi32, #tpu.memory_space<hbm>>
        %dma_start3A_1407 = tpu.memref_squeeze %dma_start3A_1406 : memref<1x1x64xi32, #tpu.memory_space<hbm>> -> memref<64xi32, #tpu.memory_space<hbm>>
        %dma_start3A_1408 = arith.constant 0 : i32
        %dma_start3A_1409 = tpu.memref_slice %arg10[%dma_start3A_1400, %dma_start3A_1401, %dma_start3A_1408] : memref<2x9x64xi32, #tpu.memory_space<vmem>> -> memref<1x1x64xi32, #tpu.memory_space<vmem>>
        %dma_start3A_1410 = tpu.memref_squeeze %dma_start3A_1409 : memref<1x1x64xi32, #tpu.memory_space<vmem>> -> memref<64xi32, #tpu.memory_space<vmem>>
        %dma_start3A_1411 = arith.constant 0 : i32
        %dma_start3A_1412 = tpu.memref_slice %arg2[%dma_start3A_1399, %add3A_1278, %dma_start3A_1411] : memref<9x1024x128xi32, #tpu.memory_space<hbm>> -> memref<1x1x64xi32, #tpu.memory_space<hbm>>
        %dma_start3A_1413 = tpu.memref_squeeze %dma_start3A_1412 : memref<1x1x64xi32, #tpu.memory_space<hbm>> -> memref<64xi32, #tpu.memory_space<hbm>>
        tpu.enqueue_dma source(%dma_start3A_1413 : memref<64xi32, #tpu.memory_space<hbm>>) target(%dma_start3A_1410 : memref<64xi32, #tpu.memory_space<vmem>>) target_semaphore(%arg18 : memref<!tpu.dma_semaphore, #tpu.memory_space<semaphore_mem>>)
        %dma_start3A_1414 = arith.constant 0 : i32
        %dma_start3A_1415 = arith.constant 0 : i32
        %dma_start3A_1416 = arith.constant 0 : i32
        %dma_start3A_1417 = tpu.memref_slice %arg11[%dma_start3A_1414, %dma_start3A_1415, %dma_start3A_1416] : memref<2x2x64xi32, #tpu.memory_space<vmem>> -> memref<1x1x64xi32, #tpu.memory_space<vmem>>
        %dma_start3A_1418 = tpu.memref_squeeze %dma_start3A_1417 : memref<1x1x64xi32, #tpu.memory_space<vmem>> -> memref<64xi32, #tpu.memory_space<vmem>>
        %dma_start3A_1419 = arith.constant 0 : i32
        %dma_start3A_1420 = tpu.memref_slice %arg3[%add3A_1278, %dma_start3A_1419] : memref<1024x128xi32, #tpu.memory_space<hbm>> -> memref<1x64xi32, #tpu.memory_space<hbm>>
        %dma_start3A_1421 = tpu.memref_squeeze %dma_start3A_1420 : memref<1x64xi32, #tpu.memory_space<hbm>> -> memref<64xi32, #tpu.memory_space<hbm>>
        %dma_start3A_1422 = arith.constant 0 : i32
        %dma_start3A_1423 = tpu.memref_slice %arg11[%dma_start3A_1414, %dma_start3A_1415, %dma_start3A_1422] : memref<2x2x64xi32, #tpu.memory_space<vmem>> -> memref<1x1x64xi32, #tpu.memory_space<vmem>>
        %dma_start3A_1424 = tpu.memref_squeeze %dma_start3A_1423 : memref<1x1x64xi32, #tpu.memory_space<vmem>> -> memref<64xi32, #tpu.memory_space<vmem>>
        %dma_start3A_1425 = arith.constant 0 : i32
        %dma_start3A_1426 = tpu.memref_slice %arg3[%add3A_1278, %dma_start3A_1425] : memref<1024x128xi32, #tpu.memory_space<hbm>> -> memref<1x64xi32, #tpu.memory_space<hbm>>
        %dma_start3A_1427 = tpu.memref_squeeze %dma_start3A_1426 : memref<1x64xi32, #tpu.memory_space<hbm>> -> memref<64xi32, #tpu.memory_space<hbm>>
        tpu.enqueue_dma source(%dma_start3A_1427 : memref<64xi32, #tpu.memory_space<hbm>>) target(%dma_start3A_1424 : memref<64xi32, #tpu.memory_space<vmem>>) target_semaphore(%arg18 : memref<!tpu.dma_semaphore, #tpu.memory_space<semaphore_mem>>)
        %dma_start3A_1428 = arith.constant 0 : i32
        %dma_start3A_1429 = arith.constant 1 : i32
        %dma_start3A_1430 = arith.constant 0 : i32
        %dma_start3A_1431 = tpu.memref_slice %arg11[%dma_start3A_1428, %dma_start3A_1429, %dma_start3A_1430] : memref<2x2x64xi32, #tpu.memory_space<vmem>> -> memref<1x1x64xi32, #tpu.memory_space<vmem>>
        %dma_start3A_1432 = tpu.memref_squeeze %dma_start3A_1431 : memref<1x1x64xi32, #tpu.memory_space<vmem>> -> memref<64xi32, #tpu.memory_space<vmem>>
        %dma_start3A_1433 = arith.constant 0 : i32
        %dma_start3A_1434 = tpu.memref_slice %arg4[%add3A_1278, %dma_start3A_1433] : memref<1024x128xi32, #tpu.memory_space<hbm>> -> memref<1x64xi32, #tpu.memory_space<hbm>>
        %dma_start3A_1435 = tpu.memref_squeeze %dma_start3A_1434 : memref<1x64xi32, #tpu.memory_space<hbm>> -> memref<64xi32, #tpu.memory_space<hbm>>
        %dma_start3A_1436 = arith.constant 0 : i32
        %dma_start3A_1437 = tpu.memref_slice %arg11[%dma_start3A_1428, %dma_start3A_1429, %dma_start3A_1436] : memref<2x2x64xi32, #tpu.memory_space<vmem>> -> memref<1x1x64xi32, #tpu.memory_space<vmem>>
        %dma_start3A_1438 = tpu.memref_squeeze %dma_start3A_1437 : memref<1x1x64xi32, #tpu.memory_space<vmem>> -> memref<64xi32, #tpu.memory_space<vmem>>
        %dma_start3A_1439 = arith.constant 0 : i32
        %dma_start3A_1440 = tpu.memref_slice %arg4[%add3A_1278, %dma_start3A_1439] : memref<1024x128xi32, #tpu.memory_space<hbm>> -> memref<1x64xi32, #tpu.memory_space<hbm>>
        %dma_start3A_1441 = tpu.memref_squeeze %dma_start3A_1440 : memref<1x64xi32, #tpu.memory_space<hbm>> -> memref<64xi32, #tpu.memory_space<hbm>>
        tpu.enqueue_dma source(%dma_start3A_1441 : memref<64xi32, #tpu.memory_space<hbm>>) target(%dma_start3A_1438 : memref<64xi32, #tpu.memory_space<vmem>>) target_semaphore(%arg18 : memref<!tpu.dma_semaphore, #tpu.memory_space<semaphore_mem>>)
        %dma_wait3A_1442 = arith.constant 0 : i32
        %dma_wait3A_1443 = arith.constant 0 : i32
        %dma_wait3A_1444 = arith.constant 0 : i32
        %dma_wait3A_1445 = arith.constant 0 : i32
        %dma_wait3A_1446 = tpu.memref_slice %arg10[%dma_wait3A_1443, %dma_wait3A_1444, %dma_wait3A_1445] : memref<2x9x64xi32, #tpu.memory_space<vmem>> -> memref<1x1x64xi32, #tpu.memory_space<vmem>>
        %dma_wait3A_1447 = tpu.memref_squeeze %dma_wait3A_1446 : memref<1x1x64xi32, #tpu.memory_space<vmem>> -> memref<64xi32, #tpu.memory_space<vmem>>
        %dma_wait3A_1448 = arith.constant 0 : i32
        %dma_wait3A_1449 = tpu.memref_slice %arg2[%dma_wait3A_1442, %add3A_1278, %dma_wait3A_1448] : memref<9x1024x128xi32, #tpu.memory_space<hbm>> -> memref<1x1x64xi32, #tpu.memory_space<hbm>>
        %dma_wait3A_1450 = tpu.memref_squeeze %dma_wait3A_1449 : memref<1x1x64xi32, #tpu.memory_space<hbm>> -> memref<64xi32, #tpu.memory_space<hbm>>
        %dma_wait3A_1451 = arith.constant 0 : i32
        %dma_wait3A_1452 = tpu.memref_slice %arg10[%dma_wait3A_1443, %dma_wait3A_1444, %dma_wait3A_1451] : memref<2x9x64xi32, #tpu.memory_space<vmem>> -> memref<1x1x64xi32, #tpu.memory_space<vmem>>
        %dma_wait3A_1453 = tpu.memref_squeeze %dma_wait3A_1452 : memref<1x1x64xi32, #tpu.memory_space<vmem>> -> memref<64xi32, #tpu.memory_space<vmem>>
        %dma_wait3A_1454 = arith.constant 0 : i32
        %dma_wait3A_1455 = tpu.memref_slice %arg2[%dma_wait3A_1442, %add3A_1278, %dma_wait3A_1454] : memref<9x1024x128xi32, #tpu.memory_space<hbm>> -> memref<1x1x64xi32, #tpu.memory_space<hbm>>
        %dma_wait3A_1456 = tpu.memref_squeeze %dma_wait3A_1455 : memref<1x1x64xi32, #tpu.memory_space<hbm>> -> memref<64xi32, #tpu.memory_space<hbm>>
        tpu.wait_dma2 semaphore(%arg18 : memref<!tpu.dma_semaphore, #tpu.memory_space<semaphore_mem>>) src(%dma_wait3A_1456 : memref<64xi32, #tpu.memory_space<hbm>>) dst(%dma_wait3A_1453 : memref<64xi32, #tpu.memory_space<vmem>>)
        %dma_wait3A_1457 = arith.constant 1 : i32
        %dma_wait3A_1458 = arith.constant 0 : i32
        %dma_wait3A_1459 = arith.constant 1 : i32
        %dma_wait3A_1460 = arith.constant 0 : i32
        %dma_wait3A_1461 = tpu.memref_slice %arg10[%dma_wait3A_1458, %dma_wait3A_1459, %dma_wait3A_1460] : memref<2x9x64xi32, #tpu.memory_space<vmem>> -> memref<1x1x64xi32, #tpu.memory_space<vmem>>
        %dma_wait3A_1462 = tpu.memref_squeeze %dma_wait3A_1461 : memref<1x1x64xi32, #tpu.memory_space<vmem>> -> memref<64xi32, #tpu.memory_space<vmem>>
        %dma_wait3A_1463 = arith.constant 0 : i32
        %dma_wait3A_1464 = tpu.memref_slice %arg2[%dma_wait3A_1457, %add3A_1278, %dma_wait3A_1463] : memref<9x1024x128xi32, #tpu.memory_space<hbm>> -> memref<1x1x64xi32, #tpu.memory_space<hbm>>
        %dma_wait3A_1465 = tpu.memref_squeeze %dma_wait3A_1464 : memref<1x1x64xi32, #tpu.memory_space<hbm>> -> memref<64xi32, #tpu.memory_space<hbm>>
        %dma_wait3A_1466 = arith.constant 0 : i32
        %dma_wait3A_1467 = tpu.memref_slice %arg10[%dma_wait3A_1458, %dma_wait3A_1459, %dma_wait3A_1466] : memref<2x9x64xi32, #tpu.memory_space<vmem>> -> memref<1x1x64xi32, #tpu.memory_space<vmem>>
        %dma_wait3A_1468 = tpu.memref_squeeze %dma_wait3A_1467 : memref<1x1x64xi32, #tpu.memory_space<vmem>> -> memref<64xi32, #tpu.memory_space<vmem>>
        %dma_wait3A_1469 = arith.constant 0 : i32
        %dma_wait3A_1470 = tpu.memref_slice %arg2[%dma_wait3A_1457, %add3A_1278, %dma_wait3A_1469] : memref<9x1024x128xi32, #tpu.memory_space<hbm>> -> memref<1x1x64xi32, #tpu.memory_space<hbm>>
        %dma_wait3A_1471 = tpu.memref_squeeze %dma_wait3A_1470 : memref<1x1x64xi32, #tpu.memory_space<hbm>> -> memref<64xi32, #tpu.memory_space<hbm>>
        tpu.wait_dma2 semaphore(%arg18 : memref<!tpu.dma_semaphore, #tpu.memory_space<semaphore_mem>>) src(%dma_wait3A_1471 : memref<64xi32, #tpu.memory_space<hbm>>) dst(%dma_wait3A_1468 : memref<64xi32, #tpu.memory_space<vmem>>)
        %dma_wait3A_1472 = arith.constant 2 : i32
        %dma_wait3A_1473 = arith.constant 0 : i32
        %dma_wait3A_1474 = arith.constant 2 : i32
        %dma_wait3A_1475 = arith.constant 0 : i32
        %dma_wait3A_1476 = tpu.memref_slice %arg10[%dma_wait3A_1473, %dma_wait3A_1474, %dma_wait3A_1475] : memref<2x9x64xi32, #tpu.memory_space<vmem>> -> memref<1x1x64xi32, #tpu.memory_space<vmem>>
        %dma_wait3A_1477 = tpu.memref_squeeze %dma_wait3A_1476 : memref<1x1x64xi32, #tpu.memory_space<vmem>> -> memref<64xi32, #tpu.memory_space<vmem>>
        %dma_wait3A_1478 = arith.constant 0 : i32
        %dma_wait3A_1479 = tpu.memref_slice %arg2[%dma_wait3A_1472, %add3A_1278, %dma_wait3A_1478] : memref<9x1024x128xi32, #tpu.memory_space<hbm>> -> memref<1x1x64xi32, #tpu.memory_space<hbm>>
        %dma_wait3A_1480 = tpu.memref_squeeze %dma_wait3A_1479 : memref<1x1x64xi32, #tpu.memory_space<hbm>> -> memref<64xi32, #tpu.memory_space<hbm>>
        %dma_wait3A_1481 = arith.constant 0 : i32
        %dma_wait3A_1482 = tpu.memref_slice %arg10[%dma_wait3A_1473, %dma_wait3A_1474, %dma_wait3A_1481] : memref<2x9x64xi32, #tpu.memory_space<vmem>> -> memref<1x1x64xi32, #tpu.memory_space<vmem>>
        %dma_wait3A_1483 = tpu.memref_squeeze %dma_wait3A_1482 : memref<1x1x64xi32, #tpu.memory_space<vmem>> -> memref<64xi32, #tpu.memory_space<vmem>>
        %dma_wait3A_1484 = arith.constant 0 : i32
        %dma_wait3A_1485 = tpu.memref_slice %arg2[%dma_wait3A_1472, %add3A_1278, %dma_wait3A_1484] : memref<9x1024x128xi32, #tpu.memory_space<hbm>> -> memref<1x1x64xi32, #tpu.memory_space<hbm>>
        %dma_wait3A_1486 = tpu.memref_squeeze %dma_wait3A_1485 : memref<1x1x64xi32, #tpu.memory_space<hbm>> -> memref<64xi32, #tpu.memory_space<hbm>>
        tpu.wait_dma2 semaphore(%arg18 : memref<!tpu.dma_semaphore, #tpu.memory_space<semaphore_mem>>) src(%dma_wait3A_1486 : memref<64xi32, #tpu.memory_space<hbm>>) dst(%dma_wait3A_1483 : memref<64xi32, #tpu.memory_space<vmem>>)
        %dma_wait3A_1487 = arith.constant 3 : i32
        %dma_wait3A_1488 = arith.constant 0 : i32
        %dma_wait3A_1489 = arith.constant 3 : i32
        %dma_wait3A_1490 = arith.constant 0 : i32
        %dma_wait3A_1491 = tpu.memref_slice %arg10[%dma_wait3A_1488, %dma_wait3A_1489, %dma_wait3A_1490] : memref<2x9x64xi32, #tpu.memory_space<vmem>> -> memref<1x1x64xi32, #tpu.memory_space<vmem>>
        %dma_wait3A_1492 = tpu.memref_squeeze %dma_wait3A_1491 : memref<1x1x64xi32, #tpu.memory_space<vmem>> -> memref<64xi32, #tpu.memory_space<vmem>>
        %dma_wait3A_1493 = arith.constant 0 : i32
        %dma_wait3A_1494 = tpu.memref_slice %arg2[%dma_wait3A_1487, %add3A_1278, %dma_wait3A_1493] : memref<9x1024x128xi32, #tpu.memory_space<hbm>> -> memref<1x1x64xi32, #tpu.memory_space<hbm>>
        %dma_wait3A_1495 = tpu.memref_squeeze %dma_wait3A_1494 : memref<1x1x64xi32, #tpu.memory_space<hbm>> -> memref<64xi32, #tpu.memory_space<hbm>>
        %dma_wait3A_1496 = arith.constant 0 : i32
        %dma_wait3A_1497 = tpu.memref_slice %arg10[%dma_wait3A_1488, %dma_wait3A_1489, %dma_wait3A_1496] : memref<2x9x64xi32, #tpu.memory_space<vmem>> -> memref<1x1x64xi32, #tpu.memory_space<vmem>>
        %dma_wait3A_1498 = tpu.memref_squeeze %dma_wait3A_1497 : memref<1x1x64xi32, #tpu.memory_space<vmem>> -> memref<64xi32, #tpu.memory_space<vmem>>
        %dma_wait3A_1499 = arith.constant 0 : i32
        %dma_wait3A_1500 = tpu.memref_slice %arg2[%dma_wait3A_1487, %add3A_1278, %dma_wait3A_1499] : memref<9x1024x128xi32, #tpu.memory_space<hbm>> -> memref<1x1x64xi32, #tpu.memory_space<hbm>>
        %dma_wait3A_1501 = tpu.memref_squeeze %dma_wait3A_1500 : memref<1x1x64xi32, #tpu.memory_space<hbm>> -> memref<64xi32, #tpu.memory_space<hbm>>
        tpu.wait_dma2 semaphore(%arg18 : memref<!tpu.dma_semaphore, #tpu.memory_space<semaphore_mem>>) src(%dma_wait3A_1501 : memref<64xi32, #tpu.memory_space<hbm>>) dst(%dma_wait3A_1498 : memref<64xi32, #tpu.memory_space<vmem>>)
        %dma_wait3A_1502 = arith.constant 4 : i32
        %dma_wait3A_1503 = arith.constant 0 : i32
        %dma_wait3A_1504 = arith.constant 4 : i32
        %dma_wait3A_1505 = arith.constant 0 : i32
        %dma_wait3A_1506 = tpu.memref_slice %arg10[%dma_wait3A_1503, %dma_wait3A_1504, %dma_wait3A_1505] : memref<2x9x64xi32, #tpu.memory_space<vmem>> -> memref<1x1x64xi32, #tpu.memory_space<vmem>>
        %dma_wait3A_1507 = tpu.memref_squeeze %dma_wait3A_1506 : memref<1x1x64xi32, #tpu.memory_space<vmem>> -> memref<64xi32, #tpu.memory_space<vmem>>
        %dma_wait3A_1508 = arith.constant 0 : i32
        %dma_wait3A_1509 = tpu.memref_slice %arg2[%dma_wait3A_1502, %add3A_1278, %dma_wait3A_1508] : memref<9x1024x128xi32, #tpu.memory_space<hbm>> -> memref<1x1x64xi32, #tpu.memory_space<hbm>>
        %dma_wait3A_1510 = tpu.memref_squeeze %dma_wait3A_1509 : memref<1x1x64xi32, #tpu.memory_space<hbm>> -> memref<64xi32, #tpu.memory_space<hbm>>
        %dma_wait3A_1511 = arith.constant 0 : i32
        %dma_wait3A_1512 = tpu.memref_slice %arg10[%dma_wait3A_1503, %dma_wait3A_1504, %dma_wait3A_1511] : memref<2x9x64xi32, #tpu.memory_space<vmem>> -> memref<1x1x64xi32, #tpu.memory_space<vmem>>
        %dma_wait3A_1513 = tpu.memref_squeeze %dma_wait3A_1512 : memref<1x1x64xi32, #tpu.memory_space<vmem>> -> memref<64xi32, #tpu.memory_space<vmem>>
        %dma_wait3A_1514 = arith.constant 0 : i32
        %dma_wait3A_1515 = tpu.memref_slice %arg2[%dma_wait3A_1502, %add3A_1278, %dma_wait3A_1514] : memref<9x1024x128xi32, #tpu.memory_space<hbm>> -> memref<1x1x64xi32, #tpu.memory_space<hbm>>
        %dma_wait3A_1516 = tpu.memref_squeeze %dma_wait3A_1515 : memref<1x1x64xi32, #tpu.memory_space<hbm>> -> memref<64xi32, #tpu.memory_space<hbm>>
        tpu.wait_dma2 semaphore(%arg18 : memref<!tpu.dma_semaphore, #tpu.memory_space<semaphore_mem>>) src(%dma_wait3A_1516 : memref<64xi32, #tpu.memory_space<hbm>>) dst(%dma_wait3A_1513 : memref<64xi32, #tpu.memory_space<vmem>>)
        %dma_wait3A_1517 = arith.constant 5 : i32
        %dma_wait3A_1518 = arith.constant 0 : i32
        %dma_wait3A_1519 = arith.constant 5 : i32
        %dma_wait3A_1520 = arith.constant 0 : i32
        %dma_wait3A_1521 = tpu.memref_slice %arg10[%dma_wait3A_1518, %dma_wait3A_1519, %dma_wait3A_1520] : memref<2x9x64xi32, #tpu.memory_space<vmem>> -> memref<1x1x64xi32, #tpu.memory_space<vmem>>
        %dma_wait3A_1522 = tpu.memref_squeeze %dma_wait3A_1521 : memref<1x1x64xi32, #tpu.memory_space<vmem>> -> memref<64xi32, #tpu.memory_space<vmem>>
        %dma_wait3A_1523 = arith.constant 0 : i32
        %dma_wait3A_1524 = tpu.memref_slice %arg2[%dma_wait3A_1517, %add3A_1278, %dma_wait3A_1523] : memref<9x1024x128xi32, #tpu.memory_space<hbm>> -> memref<1x1x64xi32, #tpu.memory_space<hbm>>
        %dma_wait3A_1525 = tpu.memref_squeeze %dma_wait3A_1524 : memref<1x1x64xi32, #tpu.memory_space<hbm>> -> memref<64xi32, #tpu.memory_space<hbm>>
        %dma_wait3A_1526 = arith.constant 0 : i32
        %dma_wait3A_1527 = tpu.memref_slice %arg10[%dma_wait3A_1518, %dma_wait3A_1519, %dma_wait3A_1526] : memref<2x9x64xi32, #tpu.memory_space<vmem>> -> memref<1x1x64xi32, #tpu.memory_space<vmem>>
        %dma_wait3A_1528 = tpu.memref_squeeze %dma_wait3A_1527 : memref<1x1x64xi32, #tpu.memory_space<vmem>> -> memref<64xi32, #tpu.memory_space<vmem>>
        %dma_wait3A_1529 = arith.constant 0 : i32
        %dma_wait3A_1530 = tpu.memref_slice %arg2[%dma_wait3A_1517, %add3A_1278, %dma_wait3A_1529] : memref<9x1024x128xi32, #tpu.memory_space<hbm>> -> memref<1x1x64xi32, #tpu.memory_space<hbm>>
        %dma_wait3A_1531 = tpu.memref_squeeze %dma_wait3A_1530 : memref<1x1x64xi32, #tpu.memory_space<hbm>> -> memref<64xi32, #tpu.memory_space<hbm>>
        tpu.wait_dma2 semaphore(%arg18 : memref<!tpu.dma_semaphore, #tpu.memory_space<semaphore_mem>>) src(%dma_wait3A_1531 : memref<64xi32, #tpu.memory_space<hbm>>) dst(%dma_wait3A_1528 : memref<64xi32, #tpu.memory_space<vmem>>)
        %dma_wait3A_1532 = arith.constant 6 : i32
        %dma_wait3A_1533 = arith.constant 0 : i32
        %dma_wait3A_1534 = arith.constant 6 : i32
        %dma_wait3A_1535 = arith.constant 0 : i32
        %dma_wait3A_1536 = tpu.memref_slice %arg10[%dma_wait3A_1533, %dma_wait3A_1534, %dma_wait3A_1535] : memref<2x9x64xi32, #tpu.memory_space<vmem>> -> memref<1x1x64xi32, #tpu.memory_space<vmem>>
        %dma_wait3A_1537 = tpu.memref_squeeze %dma_wait3A_1536 : memref<1x1x64xi32, #tpu.memory_space<vmem>> -> memref<64xi32, #tpu.memory_space<vmem>>
        %dma_wait3A_1538 = arith.constant 0 : i32
        %dma_wait3A_1539 = tpu.memref_slice %arg2[%dma_wait3A_1532, %add3A_1278, %dma_wait3A_1538] : memref<9x1024x128xi32, #tpu.memory_space<hbm>> -> memref<1x1x64xi32, #tpu.memory_space<hbm>>
        %dma_wait3A_1540 = tpu.memref_squeeze %dma_wait3A_1539 : memref<1x1x64xi32, #tpu.memory_space<hbm>> -> memref<64xi32, #tpu.memory_space<hbm>>
        %dma_wait3A_1541 = arith.constant 0 : i32
        %dma_wait3A_1542 = tpu.memref_slice %arg10[%dma_wait3A_1533, %dma_wait3A_1534, %dma_wait3A_1541] : memref<2x9x64xi32, #tpu.memory_space<vmem>> -> memref<1x1x64xi32, #tpu.memory_space<vmem>>
        %dma_wait3A_1543 = tpu.memref_squeeze %dma_wait3A_1542 : memref<1x1x64xi32, #tpu.memory_space<vmem>> -> memref<64xi32, #tpu.memory_space<vmem>>
        %dma_wait3A_1544 = arith.constant 0 : i32
        %dma_wait3A_1545 = tpu.memref_slice %arg2[%dma_wait3A_1532, %add3A_1278, %dma_wait3A_1544] : memref<9x1024x128xi32, #tpu.memory_space<hbm>> -> memref<1x1x64xi32, #tpu.memory_space<hbm>>
        %dma_wait3A_1546 = tpu.memref_squeeze %dma_wait3A_1545 : memref<1x1x64xi32, #tpu.memory_space<hbm>> -> memref<64xi32, #tpu.memory_space<hbm>>
        tpu.wait_dma2 semaphore(%arg18 : memref<!tpu.dma_semaphore, #tpu.memory_space<semaphore_mem>>) src(%dma_wait3A_1546 : memref<64xi32, #tpu.memory_space<hbm>>) dst(%dma_wait3A_1543 : memref<64xi32, #tpu.memory_space<vmem>>)
        %dma_wait3A_1547 = arith.constant 7 : i32
        %dma_wait3A_1548 = arith.constant 0 : i32
        %dma_wait3A_1549 = arith.constant 7 : i32
        %dma_wait3A_1550 = arith.constant 0 : i32
        %dma_wait3A_1551 = tpu.memref_slice %arg10[%dma_wait3A_1548, %dma_wait3A_1549, %dma_wait3A_1550] : memref<2x9x64xi32, #tpu.memory_space<vmem>> -> memref<1x1x64xi32, #tpu.memory_space<vmem>>
        %dma_wait3A_1552 = tpu.memref_squeeze %dma_wait3A_1551 : memref<1x1x64xi32, #tpu.memory_space<vmem>> -> memref<64xi32, #tpu.memory_space<vmem>>
        %dma_wait3A_1553 = arith.constant 0 : i32
        %dma_wait3A_1554 = tpu.memref_slice %arg2[%dma_wait3A_1547, %add3A_1278, %dma_wait3A_1553] : memref<9x1024x128xi32, #tpu.memory_space<hbm>> -> memref<1x1x64xi32, #tpu.memory_space<hbm>>
        %dma_wait3A_1555 = tpu.memref_squeeze %dma_wait3A_1554 : memref<1x1x64xi32, #tpu.memory_space<hbm>> -> memref<64xi32, #tpu.memory_space<hbm>>
        %dma_wait3A_1556 = arith.constant 0 : i32
        %dma_wait3A_1557 = tpu.memref_slice %arg10[%dma_wait3A_1548, %dma_wait3A_1549, %dma_wait3A_1556] : memref<2x9x64xi32, #tpu.memory_space<vmem>> -> memref<1x1x64xi32, #tpu.memory_space<vmem>>
        %dma_wait3A_1558 = tpu.memref_squeeze %dma_wait3A_1557 : memref<1x1x64xi32, #tpu.memory_space<vmem>> -> memref<64xi32, #tpu.memory_space<vmem>>
        %dma_wait3A_1559 = arith.constant 0 : i32
        %dma_wait3A_1560 = tpu.memref_slice %arg2[%dma_wait3A_1547, %add3A_1278, %dma_wait3A_1559] : memref<9x1024x128xi32, #tpu.memory_space<hbm>> -> memref<1x1x64xi32, #tpu.memory_space<hbm>>
        %dma_wait3A_1561 = tpu.memref_squeeze %dma_wait3A_1560 : memref<1x1x64xi32, #tpu.memory_space<hbm>> -> memref<64xi32, #tpu.memory_space<hbm>>
        tpu.wait_dma2 semaphore(%arg18 : memref<!tpu.dma_semaphore, #tpu.memory_space<semaphore_mem>>) src(%dma_wait3A_1561 : memref<64xi32, #tpu.memory_space<hbm>>) dst(%dma_wait3A_1558 : memref<64xi32, #tpu.memory_space<vmem>>)
        %dma_wait3A_1562 = arith.constant 8 : i32
        %dma_wait3A_1563 = arith.constant 0 : i32
        %dma_wait3A_1564 = arith.constant 8 : i32
        %dma_wait3A_1565 = arith.constant 0 : i32
        %dma_wait3A_1566 = tpu.memref_slice %arg10[%dma_wait3A_1563, %dma_wait3A_1564, %dma_wait3A_1565] : memref<2x9x64xi32, #tpu.memory_space<vmem>> -> memref<1x1x64xi32, #tpu.memory_space<vmem>>
        %dma_wait3A_1567 = tpu.memref_squeeze %dma_wait3A_1566 : memref<1x1x64xi32, #tpu.memory_space<vmem>> -> memref<64xi32, #tpu.memory_space<vmem>>
        %dma_wait3A_1568 = arith.constant 0 : i32
        %dma_wait3A_1569 = tpu.memref_slice %arg2[%dma_wait3A_1562, %add3A_1278, %dma_wait3A_1568] : memref<9x1024x128xi32, #tpu.memory_space<hbm>> -> memref<1x1x64xi32, #tpu.memory_space<hbm>>
        %dma_wait3A_1570 = tpu.memref_squeeze %dma_wait3A_1569 : memref<1x1x64xi32, #tpu.memory_space<hbm>> -> memref<64xi32, #tpu.memory_space<hbm>>
        %dma_wait3A_1571 = arith.constant 0 : i32
        %dma_wait3A_1572 = tpu.memref_slice %arg10[%dma_wait3A_1563, %dma_wait3A_1564, %dma_wait3A_1571] : memref<2x9x64xi32, #tpu.memory_space<vmem>> -> memref<1x1x64xi32, #tpu.memory_space<vmem>>
        %dma_wait3A_1573 = tpu.memref_squeeze %dma_wait3A_1572 : memref<1x1x64xi32, #tpu.memory_space<vmem>> -> memref<64xi32, #tpu.memory_space<vmem>>
        %dma_wait3A_1574 = arith.constant 0 : i32
        %dma_wait3A_1575 = tpu.memref_slice %arg2[%dma_wait3A_1562, %add3A_1278, %dma_wait3A_1574] : memref<9x1024x128xi32, #tpu.memory_space<hbm>> -> memref<1x1x64xi32, #tpu.memory_space<hbm>>
        %dma_wait3A_1576 = tpu.memref_squeeze %dma_wait3A_1575 : memref<1x1x64xi32, #tpu.memory_space<hbm>> -> memref<64xi32, #tpu.memory_space<hbm>>
        tpu.wait_dma2 semaphore(%arg18 : memref<!tpu.dma_semaphore, #tpu.memory_space<semaphore_mem>>) src(%dma_wait3A_1576 : memref<64xi32, #tpu.memory_space<hbm>>) dst(%dma_wait3A_1573 : memref<64xi32, #tpu.memory_space<vmem>>)
        %dma_wait3A_1577 = arith.constant 0 : i32
        %dma_wait3A_1578 = arith.constant 0 : i32
        %dma_wait3A_1579 = arith.constant 0 : i32
        %dma_wait3A_1580 = tpu.memref_slice %arg11[%dma_wait3A_1577, %dma_wait3A_1578, %dma_wait3A_1579] : memref<2x2x64xi32, #tpu.memory_space<vmem>> -> memref<1x1x64xi32, #tpu.memory_space<vmem>>
        %dma_wait3A_1581 = tpu.memref_squeeze %dma_wait3A_1580 : memref<1x1x64xi32, #tpu.memory_space<vmem>> -> memref<64xi32, #tpu.memory_space<vmem>>
        %dma_wait3A_1582 = arith.constant 0 : i32
        %dma_wait3A_1583 = tpu.memref_slice %arg3[%add3A_1278, %dma_wait3A_1582] : memref<1024x128xi32, #tpu.memory_space<hbm>> -> memref<1x64xi32, #tpu.memory_space<hbm>>
        %dma_wait3A_1584 = tpu.memref_squeeze %dma_wait3A_1583 : memref<1x64xi32, #tpu.memory_space<hbm>> -> memref<64xi32, #tpu.memory_space<hbm>>
        %dma_wait3A_1585 = arith.constant 0 : i32
        %dma_wait3A_1586 = tpu.memref_slice %arg11[%dma_wait3A_1577, %dma_wait3A_1578, %dma_wait3A_1585] : memref<2x2x64xi32, #tpu.memory_space<vmem>> -> memref<1x1x64xi32, #tpu.memory_space<vmem>>
        %dma_wait3A_1587 = tpu.memref_squeeze %dma_wait3A_1586 : memref<1x1x64xi32, #tpu.memory_space<vmem>> -> memref<64xi32, #tpu.memory_space<vmem>>
        %dma_wait3A_1588 = arith.constant 0 : i32
        %dma_wait3A_1589 = tpu.memref_slice %arg3[%add3A_1278, %dma_wait3A_1588] : memref<1024x128xi32, #tpu.memory_space<hbm>> -> memref<1x64xi32, #tpu.memory_space<hbm>>
        %dma_wait3A_1590 = tpu.memref_squeeze %dma_wait3A_1589 : memref<1x64xi32, #tpu.memory_space<hbm>> -> memref<64xi32, #tpu.memory_space<hbm>>
        tpu.wait_dma2 semaphore(%arg18 : memref<!tpu.dma_semaphore, #tpu.memory_space<semaphore_mem>>) src(%dma_wait3A_1590 : memref<64xi32, #tpu.memory_space<hbm>>) dst(%dma_wait3A_1587 : memref<64xi32, #tpu.memory_space<vmem>>)
        %dma_wait3A_1591 = arith.constant 0 : i32
        %dma_wait3A_1592 = arith.constant 1 : i32
        %dma_wait3A_1593 = arith.constant 0 : i32
        %dma_wait3A_1594 = tpu.memref_slice %arg11[%dma_wait3A_1591, %dma_wait3A_1592, %dma_wait3A_1593] : memref<2x2x64xi32, #tpu.memory_space<vmem>> -> memref<1x1x64xi32, #tpu.memory_space<vmem>>
        %dma_wait3A_1595 = tpu.memref_squeeze %dma_wait3A_1594 : memref<1x1x64xi32, #tpu.memory_space<vmem>> -> memref<64xi32, #tpu.memory_space<vmem>>
        %dma_wait3A_1596 = arith.constant 0 : i32
        %dma_wait3A_1597 = tpu.memref_slice %arg4[%add3A_1278, %dma_wait3A_1596] : memref<1024x128xi32, #tpu.memory_space<hbm>> -> memref<1x64xi32, #tpu.memory_space<hbm>>
        %dma_wait3A_1598 = tpu.memref_squeeze %dma_wait3A_1597 : memref<1x64xi32, #tpu.memory_space<hbm>> -> memref<64xi32, #tpu.memory_space<hbm>>
        %dma_wait3A_1599 = arith.constant 0 : i32
        %dma_wait3A_1600 = tpu.memref_slice %arg11[%dma_wait3A_1591, %dma_wait3A_1592, %dma_wait3A_1599] : memref<2x2x64xi32, #tpu.memory_space<vmem>> -> memref<1x1x64xi32, #tpu.memory_space<vmem>>
        %dma_wait3A_1601 = tpu.memref_squeeze %dma_wait3A_1600 : memref<1x1x64xi32, #tpu.memory_space<vmem>> -> memref<64xi32, #tpu.memory_space<vmem>>
        %dma_wait3A_1602 = arith.constant 0 : i32
        %dma_wait3A_1603 = tpu.memref_slice %arg4[%add3A_1278, %dma_wait3A_1602] : memref<1024x128xi32, #tpu.memory_space<hbm>> -> memref<1x64xi32, #tpu.memory_space<hbm>>
        %dma_wait3A_1604 = tpu.memref_squeeze %dma_wait3A_1603 : memref<1x64xi32, #tpu.memory_space<hbm>> -> memref<64xi32, #tpu.memory_space<hbm>>
        tpu.wait_dma2 semaphore(%arg18 : memref<!tpu.dma_semaphore, #tpu.memory_space<semaphore_mem>>) src(%dma_wait3A_1604 : memref<64xi32, #tpu.memory_space<hbm>>) dst(%dma_wait3A_1601 : memref<64xi32, #tpu.memory_space<vmem>>)
        %dma_start3A_1605 = arith.constant 0 : i32
        %dma_start3A_1606 = arith.constant 0 : i32
        %dma_start3A_1607 = arith.constant 0 : i32
        %dma_start3A_1608 = arith.constant 0 : i32
        %dma_start3A_1609 = arith.constant 0 : i32
        %dma_start3A_1610 = tpu.memref_slice %arg12[%dma_start3A_1607, %dma_start3A_1608, %dma_start3A_1609] : memref<2x576x64xf32, #tpu.memory_space<vmem>> -> memref<1x64x64xf32, #tpu.memory_space<vmem>>
        %dma_start3A_1611 = tpu.memref_squeeze %dma_start3A_1610 : memref<1x64x64xf32, #tpu.memory_space<vmem>> -> memref<64x64xf32, #tpu.memory_space<vmem>>
        %dma_start3A_1612 = arith.constant 0 : i32
        %dma_start3A_1613 = tpu.memref_slice %arg10[%dma_start3A_1605, %dma_start3A_1606, %dma_start3A_1612] : memref<2x9x64xi32, #tpu.memory_space<vmem>> -> memref<1x1x64xi32, #tpu.memory_space<vmem>>
        %dma_start3A_1614 = tpu.memref_squeeze %dma_start3A_1613 : memref<1x1x64xi32, #tpu.memory_space<vmem>> -> memref<64xi32, #tpu.memory_space<vmem>>
        %dma_start3A_1615 = arith.constant 0 : i32
        %dma_start3A_1616 = arith.constant 0 : i32
        %dma_start3A_1617 = tpu.memref_slice %arg5[%dma_start3A_1615, %dma_start3A_1616] : memref<100001x64xf32, #tpu.memory_space<hbm>> -> memref<100001x64xf32, #tpu.memory_space<hbm>>
        tpu.enqueue_indirect_dma source(%dma_start3A_1617 : memref<100001x64xf32, #tpu.memory_space<hbm>>) target(%dma_start3A_1611 : memref<64x64xf32, #tpu.memory_space<vmem>>) offsets(%dma_start3A_1614 : memref<64xi32, #tpu.memory_space<vmem>>) semaphore(%arg15 : memref<!tpu.dma_semaphore, #tpu.memory_space<semaphore_mem>>)
        %dma_start3A_1618 = arith.constant 0 : i32
        %dma_start3A_1619 = arith.constant 1 : i32
        %dma_start3A_1620 = arith.constant 0 : i32
        %dma_start3A_1621 = arith.constant 64 : i32
        %dma_start3A_1622 = arith.constant 0 : i32
        %dma_start3A_1623 = tpu.memref_slice %arg12[%dma_start3A_1620, %dma_start3A_1621, %dma_start3A_1622] : memref<2x576x64xf32, #tpu.memory_space<vmem>> -> memref<1x64x64xf32, #tpu.memory_space<vmem>>
        %dma_start3A_1624 = tpu.memref_squeeze %dma_start3A_1623 : memref<1x64x64xf32, #tpu.memory_space<vmem>> -> memref<64x64xf32, #tpu.memory_space<vmem>>
        %dma_start3A_1625 = arith.constant 0 : i32
        %dma_start3A_1626 = tpu.memref_slice %arg10[%dma_start3A_1618, %dma_start3A_1619, %dma_start3A_1625] : memref<2x9x64xi32, #tpu.memory_space<vmem>> -> memref<1x1x64xi32, #tpu.memory_space<vmem>>
        %dma_start3A_1627 = tpu.memref_squeeze %dma_start3A_1626 : memref<1x1x64xi32, #tpu.memory_space<vmem>> -> memref<64xi32, #tpu.memory_space<vmem>>
        %dma_start3A_1628 = arith.constant 0 : i32
        %dma_start3A_1629 = arith.constant 0 : i32
        %dma_start3A_1630 = tpu.memref_slice %arg5[%dma_start3A_1628, %dma_start3A_1629] : memref<100001x64xf32, #tpu.memory_space<hbm>> -> memref<100001x64xf32, #tpu.memory_space<hbm>>
        tpu.enqueue_indirect_dma source(%dma_start3A_1630 : memref<100001x64xf32, #tpu.memory_space<hbm>>) target(%dma_start3A_1624 : memref<64x64xf32, #tpu.memory_space<vmem>>) offsets(%dma_start3A_1627 : memref<64xi32, #tpu.memory_space<vmem>>) semaphore(%arg15 : memref<!tpu.dma_semaphore, #tpu.memory_space<semaphore_mem>>)
        %dma_start3A_1631 = arith.constant 0 : i32
        %dma_start3A_1632 = arith.constant 2 : i32
        %dma_start3A_1633 = arith.constant 0 : i32
        %dma_start3A_1634 = arith.constant 128 : i32
        %dma_start3A_1635 = arith.constant 0 : i32
        %dma_start3A_1636 = tpu.memref_slice %arg12[%dma_start3A_1633, %dma_start3A_1634, %dma_start3A_1635] : memref<2x576x64xf32, #tpu.memory_space<vmem>> -> memref<1x64x64xf32, #tpu.memory_space<vmem>>
        %dma_start3A_1637 = tpu.memref_squeeze %dma_start3A_1636 : memref<1x64x64xf32, #tpu.memory_space<vmem>> -> memref<64x64xf32, #tpu.memory_space<vmem>>
        %dma_start3A_1638 = arith.constant 0 : i32
        %dma_start3A_1639 = tpu.memref_slice %arg10[%dma_start3A_1631, %dma_start3A_1632, %dma_start3A_1638] : memref<2x9x64xi32, #tpu.memory_space<vmem>> -> memref<1x1x64xi32, #tpu.memory_space<vmem>>
        %dma_start3A_1640 = tpu.memref_squeeze %dma_start3A_1639 : memref<1x1x64xi32, #tpu.memory_space<vmem>> -> memref<64xi32, #tpu.memory_space<vmem>>
        %dma_start3A_1641 = arith.constant 0 : i32
        %dma_start3A_1642 = arith.constant 0 : i32
        %dma_start3A_1643 = tpu.memref_slice %arg5[%dma_start3A_1641, %dma_start3A_1642] : memref<100001x64xf32, #tpu.memory_space<hbm>> -> memref<100001x64xf32, #tpu.memory_space<hbm>>
        tpu.enqueue_indirect_dma source(%dma_start3A_1643 : memref<100001x64xf32, #tpu.memory_space<hbm>>) target(%dma_start3A_1637 : memref<64x64xf32, #tpu.memory_space<vmem>>) offsets(%dma_start3A_1640 : memref<64xi32, #tpu.memory_space<vmem>>) semaphore(%arg15 : memref<!tpu.dma_semaphore, #tpu.memory_space<semaphore_mem>>)
        %dma_start3A_1644 = arith.constant 0 : i32
        %dma_start3A_1645 = arith.constant 3 : i32
        %dma_start3A_1646 = arith.constant 0 : i32
        %dma_start3A_1647 = arith.constant 192 : i32
        %dma_start3A_1648 = arith.constant 0 : i32
        %dma_start3A_1649 = tpu.memref_slice %arg12[%dma_start3A_1646, %dma_start3A_1647, %dma_start3A_1648] : memref<2x576x64xf32, #tpu.memory_space<vmem>> -> memref<1x64x64xf32, #tpu.memory_space<vmem>>
        %dma_start3A_1650 = tpu.memref_squeeze %dma_start3A_1649 : memref<1x64x64xf32, #tpu.memory_space<vmem>> -> memref<64x64xf32, #tpu.memory_space<vmem>>
        %dma_start3A_1651 = arith.constant 0 : i32
        %dma_start3A_1652 = tpu.memref_slice %arg10[%dma_start3A_1644, %dma_start3A_1645, %dma_start3A_1651] : memref<2x9x64xi32, #tpu.memory_space<vmem>> -> memref<1x1x64xi32, #tpu.memory_space<vmem>>
        %dma_start3A_1653 = tpu.memref_squeeze %dma_start3A_1652 : memref<1x1x64xi32, #tpu.memory_space<vmem>> -> memref<64xi32, #tpu.memory_space<vmem>>
        %dma_start3A_1654 = arith.constant 0 : i32
        %dma_start3A_1655 = arith.constant 0 : i32
        %dma_start3A_1656 = tpu.memref_slice %arg5[%dma_start3A_1654, %dma_start3A_1655] : memref<100001x64xf32, #tpu.memory_space<hbm>> -> memref<100001x64xf32, #tpu.memory_space<hbm>>
        tpu.enqueue_indirect_dma source(%dma_start3A_1656 : memref<100001x64xf32, #tpu.memory_space<hbm>>) target(%dma_start3A_1650 : memref<64x64xf32, #tpu.memory_space<vmem>>) offsets(%dma_start3A_1653 : memref<64xi32, #tpu.memory_space<vmem>>) semaphore(%arg15 : memref<!tpu.dma_semaphore, #tpu.memory_space<semaphore_mem>>)
        %dma_start3A_1657 = arith.constant 0 : i32
        %dma_start3A_1658 = arith.constant 4 : i32
        %dma_start3A_1659 = arith.constant 0 : i32
        %dma_start3A_1660 = arith.constant 256 : i32
        %dma_start3A_1661 = arith.constant 0 : i32
        %dma_start3A_1662 = tpu.memref_slice %arg12[%dma_start3A_1659, %dma_start3A_1660, %dma_start3A_1661] : memref<2x576x64xf32, #tpu.memory_space<vmem>> -> memref<1x64x64xf32, #tpu.memory_space<vmem>>
        %dma_start3A_1663 = tpu.memref_squeeze %dma_start3A_1662 : memref<1x64x64xf32, #tpu.memory_space<vmem>> -> memref<64x64xf32, #tpu.memory_space<vmem>>
        %dma_start3A_1664 = arith.constant 0 : i32
        %dma_start3A_1665 = tpu.memref_slice %arg10[%dma_start3A_1657, %dma_start3A_1658, %dma_start3A_1664] : memref<2x9x64xi32, #tpu.memory_space<vmem>> -> memref<1x1x64xi32, #tpu.memory_space<vmem>>
        %dma_start3A_1666 = tpu.memref_squeeze %dma_start3A_1665 : memref<1x1x64xi32, #tpu.memory_space<vmem>> -> memref<64xi32, #tpu.memory_space<vmem>>
        %dma_start3A_1667 = arith.constant 0 : i32
        %dma_start3A_1668 = arith.constant 0 : i32
        %dma_start3A_1669 = tpu.memref_slice %arg5[%dma_start3A_1667, %dma_start3A_1668] : memref<100001x64xf32, #tpu.memory_space<hbm>> -> memref<100001x64xf32, #tpu.memory_space<hbm>>
        tpu.enqueue_indirect_dma source(%dma_start3A_1669 : memref<100001x64xf32, #tpu.memory_space<hbm>>) target(%dma_start3A_1663 : memref<64x64xf32, #tpu.memory_space<vmem>>) offsets(%dma_start3A_1666 : memref<64xi32, #tpu.memory_space<vmem>>) semaphore(%arg15 : memref<!tpu.dma_semaphore, #tpu.memory_space<semaphore_mem>>)
        %dma_start3A_1670 = arith.constant 0 : i32
        %dma_start3A_1671 = arith.constant 5 : i32
        %dma_start3A_1672 = arith.constant 0 : i32
        %dma_start3A_1673 = arith.constant 320 : i32
        %dma_start3A_1674 = arith.constant 0 : i32
        %dma_start3A_1675 = tpu.memref_slice %arg12[%dma_start3A_1672, %dma_start3A_1673, %dma_start3A_1674] : memref<2x576x64xf32, #tpu.memory_space<vmem>> -> memref<1x64x64xf32, #tpu.memory_space<vmem>>
        %dma_start3A_1676 = tpu.memref_squeeze %dma_start3A_1675 : memref<1x64x64xf32, #tpu.memory_space<vmem>> -> memref<64x64xf32, #tpu.memory_space<vmem>>
        %dma_start3A_1677 = arith.constant 0 : i32
        %dma_start3A_1678 = tpu.memref_slice %arg10[%dma_start3A_1670, %dma_start3A_1671, %dma_start3A_1677] : memref<2x9x64xi32, #tpu.memory_space<vmem>> -> memref<1x1x64xi32, #tpu.memory_space<vmem>>
        %dma_start3A_1679 = tpu.memref_squeeze %dma_start3A_1678 : memref<1x1x64xi32, #tpu.memory_space<vmem>> -> memref<64xi32, #tpu.memory_space<vmem>>
        %dma_start3A_1680 = arith.constant 0 : i32
        %dma_start3A_1681 = arith.constant 0 : i32
        %dma_start3A_1682 = tpu.memref_slice %arg5[%dma_start3A_1680, %dma_start3A_1681] : memref<100001x64xf32, #tpu.memory_space<hbm>> -> memref<100001x64xf32, #tpu.memory_space<hbm>>
        tpu.enqueue_indirect_dma source(%dma_start3A_1682 : memref<100001x64xf32, #tpu.memory_space<hbm>>) target(%dma_start3A_1676 : memref<64x64xf32, #tpu.memory_space<vmem>>) offsets(%dma_start3A_1679 : memref<64xi32, #tpu.memory_space<vmem>>) semaphore(%arg15 : memref<!tpu.dma_semaphore, #tpu.memory_space<semaphore_mem>>)
        %dma_start3A_1683 = arith.constant 0 : i32
        %dma_start3A_1684 = arith.constant 6 : i32
        %dma_start3A_1685 = arith.constant 0 : i32
        %dma_start3A_1686 = arith.constant 384 : i32
        %dma_start3A_1687 = arith.constant 0 : i32
        %dma_start3A_1688 = tpu.memref_slice %arg12[%dma_start3A_1685, %dma_start3A_1686, %dma_start3A_1687] : memref<2x576x64xf32, #tpu.memory_space<vmem>> -> memref<1x64x64xf32, #tpu.memory_space<vmem>>
        %dma_start3A_1689 = tpu.memref_squeeze %dma_start3A_1688 : memref<1x64x64xf32, #tpu.memory_space<vmem>> -> memref<64x64xf32, #tpu.memory_space<vmem>>
        %dma_start3A_1690 = arith.constant 0 : i32
        %dma_start3A_1691 = tpu.memref_slice %arg10[%dma_start3A_1683, %dma_start3A_1684, %dma_start3A_1690] : memref<2x9x64xi32, #tpu.memory_space<vmem>> -> memref<1x1x64xi32, #tpu.memory_space<vmem>>
        %dma_start3A_1692 = tpu.memref_squeeze %dma_start3A_1691 : memref<1x1x64xi32, #tpu.memory_space<vmem>> -> memref<64xi32, #tpu.memory_space<vmem>>
        %dma_start3A_1693 = arith.constant 0 : i32
        %dma_start3A_1694 = arith.constant 0 : i32
        %dma_start3A_1695 = tpu.memref_slice %arg5[%dma_start3A_1693, %dma_start3A_1694] : memref<100001x64xf32, #tpu.memory_space<hbm>> -> memref<100001x64xf32, #tpu.memory_space<hbm>>
        tpu.enqueue_indirect_dma source(%dma_start3A_1695 : memref<100001x64xf32, #tpu.memory_space<hbm>>) target(%dma_start3A_1689 : memref<64x64xf32, #tpu.memory_space<vmem>>) offsets(%dma_start3A_1692 : memref<64xi32, #tpu.memory_space<vmem>>) semaphore(%arg15 : memref<!tpu.dma_semaphore, #tpu.memory_space<semaphore_mem>>)
        %dma_start3A_1696 = arith.constant 0 : i32
        %dma_start3A_1697 = arith.constant 7 : i32
        %dma_start3A_1698 = arith.constant 0 : i32
        %dma_start3A_1699 = arith.constant 448 : i32
        %dma_start3A_1700 = arith.constant 0 : i32
        %dma_start3A_1701 = tpu.memref_slice %arg12[%dma_start3A_1698, %dma_start3A_1699, %dma_start3A_1700] : memref<2x576x64xf32, #tpu.memory_space<vmem>> -> memref<1x64x64xf32, #tpu.memory_space<vmem>>
        %dma_start3A_1702 = tpu.memref_squeeze %dma_start3A_1701 : memref<1x64x64xf32, #tpu.memory_space<vmem>> -> memref<64x64xf32, #tpu.memory_space<vmem>>
        %dma_start3A_1703 = arith.constant 0 : i32
        %dma_start3A_1704 = tpu.memref_slice %arg10[%dma_start3A_1696, %dma_start3A_1697, %dma_start3A_1703] : memref<2x9x64xi32, #tpu.memory_space<vmem>> -> memref<1x1x64xi32, #tpu.memory_space<vmem>>
        %dma_start3A_1705 = tpu.memref_squeeze %dma_start3A_1704 : memref<1x1x64xi32, #tpu.memory_space<vmem>> -> memref<64xi32, #tpu.memory_space<vmem>>
        %dma_start3A_1706 = arith.constant 0 : i32
        %dma_start3A_1707 = arith.constant 0 : i32
        %dma_start3A_1708 = tpu.memref_slice %arg5[%dma_start3A_1706, %dma_start3A_1707] : memref<100001x64xf32, #tpu.memory_space<hbm>> -> memref<100001x64xf32, #tpu.memory_space<hbm>>
        tpu.enqueue_indirect_dma source(%dma_start3A_1708 : memref<100001x64xf32, #tpu.memory_space<hbm>>) target(%dma_start3A_1702 : memref<64x64xf32, #tpu.memory_space<vmem>>) offsets(%dma_start3A_1705 : memref<64xi32, #tpu.memory_space<vmem>>) semaphore(%arg15 : memref<!tpu.dma_semaphore, #tpu.memory_space<semaphore_mem>>)
        %dma_start3A_1709 = arith.constant 0 : i32
        %dma_start3A_1710 = arith.constant 8 : i32
        %dma_start3A_1711 = arith.constant 0 : i32
        %dma_start3A_1712 = arith.constant 512 : i32
        %dma_start3A_1713 = arith.constant 0 : i32
        %dma_start3A_1714 = tpu.memref_slice %arg12[%dma_start3A_1711, %dma_start3A_1712, %dma_start3A_1713] : memref<2x576x64xf32, #tpu.memory_space<vmem>> -> memref<1x64x64xf32, #tpu.memory_space<vmem>>
        %dma_start3A_1715 = tpu.memref_squeeze %dma_start3A_1714 : memref<1x64x64xf32, #tpu.memory_space<vmem>> -> memref<64x64xf32, #tpu.memory_space<vmem>>
        %dma_start3A_1716 = arith.constant 0 : i32
        %dma_start3A_1717 = tpu.memref_slice %arg10[%dma_start3A_1709, %dma_start3A_1710, %dma_start3A_1716] : memref<2x9x64xi32, #tpu.memory_space<vmem>> -> memref<1x1x64xi32, #tpu.memory_space<vmem>>
        %dma_start3A_1718 = tpu.memref_squeeze %dma_start3A_1717 : memref<1x1x64xi32, #tpu.memory_space<vmem>> -> memref<64xi32, #tpu.memory_space<vmem>>
        %dma_start3A_1719 = arith.constant 0 : i32
        %dma_start3A_1720 = arith.constant 0 : i32
        %dma_start3A_1721 = tpu.memref_slice %arg5[%dma_start3A_1719, %dma_start3A_1720] : memref<100001x64xf32, #tpu.memory_space<hbm>> -> memref<100001x64xf32, #tpu.memory_space<hbm>>
        tpu.enqueue_indirect_dma source(%dma_start3A_1721 : memref<100001x64xf32, #tpu.memory_space<hbm>>) target(%dma_start3A_1715 : memref<64x64xf32, #tpu.memory_space<vmem>>) offsets(%dma_start3A_1718 : memref<64xi32, #tpu.memory_space<vmem>>) semaphore(%arg15 : memref<!tpu.dma_semaphore, #tpu.memory_space<semaphore_mem>>)
        %dma_start3A_1722 = arith.constant 0 : i32
        %dma_start3A_1723 = arith.constant 0 : i32
        %dma_start3A_1724 = arith.constant 0 : i32
        %dma_start3A_1725 = arith.constant 0 : i32
        %dma_start3A_1726 = arith.constant 0 : i32
        %dma_start3A_1727 = arith.constant 0 : i32
        %dma_start3A_1728 = tpu.memref_slice %arg13[%dma_start3A_1724, %dma_start3A_1725, %dma_start3A_1726, %dma_start3A_1727] : memref<2x2x64x64xf32, #tpu.memory_space<vmem>> -> memref<1x1x64x64xf32, #tpu.memory_space<vmem>>
        %dma_start3A_1729 = tpu.memref_squeeze %dma_start3A_1728 : memref<1x1x64x64xf32, #tpu.memory_space<vmem>> -> memref<64x64xf32, #tpu.memory_space<vmem>>
        %dma_start3A_1730 = arith.constant 0 : i32
        %dma_start3A_1731 = tpu.memref_slice %arg11[%dma_start3A_1722, %dma_start3A_1723, %dma_start3A_1730] : memref<2x2x64xi32, #tpu.memory_space<vmem>> -> memref<1x1x64xi32, #tpu.memory_space<vmem>>
        %dma_start3A_1732 = tpu.memref_squeeze %dma_start3A_1731 : memref<1x1x64xi32, #tpu.memory_space<vmem>> -> memref<64xi32, #tpu.memory_space<vmem>>
        %dma_start3A_1733 = arith.constant 0 : i32
        %dma_start3A_1734 = arith.constant 0 : i32
        %dma_start3A_1735 = tpu.memref_slice %arg6[%dma_start3A_1733, %dma_start3A_1734] : memref<512x64xf32, #tpu.memory_space<hbm>> -> memref<512x64xf32, #tpu.memory_space<hbm>>
        tpu.enqueue_indirect_dma source(%dma_start3A_1735 : memref<512x64xf32, #tpu.memory_space<hbm>>) target(%dma_start3A_1729 : memref<64x64xf32, #tpu.memory_space<vmem>>) offsets(%dma_start3A_1732 : memref<64xi32, #tpu.memory_space<vmem>>) semaphore(%arg15 : memref<!tpu.dma_semaphore, #tpu.memory_space<semaphore_mem>>)
        %dma_start3A_1736 = arith.constant 0 : i32
        %dma_start3A_1737 = arith.constant 1 : i32
        %dma_start3A_1738 = arith.constant 0 : i32
        %dma_start3A_1739 = arith.constant 1 : i32
        %dma_start3A_1740 = arith.constant 0 : i32
        %dma_start3A_1741 = arith.constant 0 : i32
        %dma_start3A_1742 = tpu.memref_slice %arg13[%dma_start3A_1738, %dma_start3A_1739, %dma_start3A_1740, %dma_start3A_1741] : memref<2x2x64x64xf32, #tpu.memory_space<vmem>> -> memref<1x1x64x64xf32, #tpu.memory_space<vmem>>
        %dma_start3A_1743 = tpu.memref_squeeze %dma_start3A_1742 : memref<1x1x64x64xf32, #tpu.memory_space<vmem>> -> memref<64x64xf32, #tpu.memory_space<vmem>>
        %dma_start3A_1744 = arith.constant 0 : i32
        %dma_start3A_1745 = tpu.memref_slice %arg11[%dma_start3A_1736, %dma_start3A_1737, %dma_start3A_1744] : memref<2x2x64xi32, #tpu.memory_space<vmem>> -> memref<1x1x64xi32, #tpu.memory_space<vmem>>
        %dma_start3A_1746 = tpu.memref_squeeze %dma_start3A_1745 : memref<1x1x64xi32, #tpu.memory_space<vmem>> -> memref<64xi32, #tpu.memory_space<vmem>>
        %dma_start3A_1747 = arith.constant 0 : i32
        %dma_start3A_1748 = arith.constant 0 : i32
        %dma_start3A_1749 = tpu.memref_slice %arg7[%dma_start3A_1747, %dma_start3A_1748] : memref<512x64xf32, #tpu.memory_space<hbm>> -> memref<512x64xf32, #tpu.memory_space<hbm>>
        tpu.enqueue_indirect_dma source(%dma_start3A_1749 : memref<512x64xf32, #tpu.memory_space<hbm>>) target(%dma_start3A_1743 : memref<64x64xf32, #tpu.memory_space<vmem>>) offsets(%dma_start3A_1746 : memref<64xi32, #tpu.memory_space<vmem>>) semaphore(%arg15 : memref<!tpu.dma_semaphore, #tpu.memory_space<semaphore_mem>>)
      } else {
      }
      %dma_wait3A_1118 = arith.constant 1 : i32
      %dma_wait3A_1119 = arith.constant 0 : i32
      %dma_wait3A_1120 = arith.constant 1 : i32
      %dma_wait3A_1121 = arith.constant 0 : i32
      %dma_wait3A_1122 = arith.constant 0 : i32
      %dma_wait3A_1123 = tpu.memref_slice %arg12[%dma_wait3A_1120, %dma_wait3A_1121, %dma_wait3A_1122] : memref<2x576x64xf32, #tpu.memory_space<vmem>> -> memref<1x64x64xf32, #tpu.memory_space<vmem>>
      %dma_wait3A_1124 = tpu.memref_squeeze %dma_wait3A_1123 : memref<1x64x64xf32, #tpu.memory_space<vmem>> -> memref<64x64xf32, #tpu.memory_space<vmem>>
      %dma_wait3A_1125 = arith.constant 0 : i32
      %dma_wait3A_1126 = tpu.memref_slice %arg10[%dma_wait3A_1118, %dma_wait3A_1119, %dma_wait3A_1125] : memref<2x9x64xi32, #tpu.memory_space<vmem>> -> memref<1x1x64xi32, #tpu.memory_space<vmem>>
      %dma_wait3A_1127 = tpu.memref_squeeze %dma_wait3A_1126 : memref<1x1x64xi32, #tpu.memory_space<vmem>> -> memref<64xi32, #tpu.memory_space<vmem>>
      %dma_wait3A_1128 = arith.constant 0 : i32
      %dma_wait3A_1129 = arith.constant 0 : i32
      %dma_wait3A_1130 = tpu.memref_slice %arg5[%dma_wait3A_1128, %dma_wait3A_1129] : memref<100001x64xf32, #tpu.memory_space<hbm>> -> memref<100001x64xf32, #tpu.memory_space<hbm>>
      tpu.wait_indirect_dma semaphore(%arg16 : memref<!tpu.dma_semaphore, #tpu.memory_space<semaphore_mem>>) src(%dma_wait3A_1130 : memref<100001x64xf32, #tpu.memory_space<hbm>>) dst(%dma_wait3A_1124 : memref<64x64xf32, #tpu.memory_space<vmem>>)
      %dma_wait3A_1131 = arith.constant 1 : i32
      %dma_wait3A_1132 = arith.constant 1 : i32
      %dma_wait3A_1133 = arith.constant 1 : i32
      %dma_wait3A_1134 = arith.constant 64 : i32
      %dma_wait3A_1135 = arith.constant 0 : i32
      %dma_wait3A_1136 = tpu.memref_slice %arg12[%dma_wait3A_1133, %dma_wait3A_1134, %dma_wait3A_1135] : memref<2x576x64xf32, #tpu.memory_space<vmem>> -> memref<1x64x64xf32, #tpu.memory_space<vmem>>
      %dma_wait3A_1137 = tpu.memref_squeeze %dma_wait3A_1136 : memref<1x64x64xf32, #tpu.memory_space<vmem>> -> memref<64x64xf32, #tpu.memory_space<vmem>>
      %dma_wait3A_1138 = arith.constant 0 : i32
      %dma_wait3A_1139 = tpu.memref_slice %arg10[%dma_wait3A_1131, %dma_wait3A_1132, %dma_wait3A_1138] : memref<2x9x64xi32, #tpu.memory_space<vmem>> -> memref<1x1x64xi32, #tpu.memory_space<vmem>>
      %dma_wait3A_1140 = tpu.memref_squeeze %dma_wait3A_1139 : memref<1x1x64xi32, #tpu.memory_space<vmem>> -> memref<64xi32, #tpu.memory_space<vmem>>
      %dma_wait3A_1141 = arith.constant 0 : i32
      %dma_wait3A_1142 = arith.constant 0 : i32
      %dma_wait3A_1143 = tpu.memref_slice %arg5[%dma_wait3A_1141, %dma_wait3A_1142] : memref<100001x64xf32, #tpu.memory_space<hbm>> -> memref<100001x64xf32, #tpu.memory_space<hbm>>
      tpu.wait_indirect_dma semaphore(%arg16 : memref<!tpu.dma_semaphore, #tpu.memory_space<semaphore_mem>>) src(%dma_wait3A_1143 : memref<100001x64xf32, #tpu.memory_space<hbm>>) dst(%dma_wait3A_1137 : memref<64x64xf32, #tpu.memory_space<vmem>>)
      %dma_wait3A_1144 = arith.constant 1 : i32
      %dma_wait3A_1145 = arith.constant 2 : i32
      %dma_wait3A_1146 = arith.constant 1 : i32
      %dma_wait3A_1147 = arith.constant 128 : i32
      %dma_wait3A_1148 = arith.constant 0 : i32
      %dma_wait3A_1149 = tpu.memref_slice %arg12[%dma_wait3A_1146, %dma_wait3A_1147, %dma_wait3A_1148] : memref<2x576x64xf32, #tpu.memory_space<vmem>> -> memref<1x64x64xf32, #tpu.memory_space<vmem>>
      %dma_wait3A_1150 = tpu.memref_squeeze %dma_wait3A_1149 : memref<1x64x64xf32, #tpu.memory_space<vmem>> -> memref<64x64xf32, #tpu.memory_space<vmem>>
      %dma_wait3A_1151 = arith.constant 0 : i32
      %dma_wait3A_1152 = tpu.memref_slice %arg10[%dma_wait3A_1144, %dma_wait3A_1145, %dma_wait3A_1151] : memref<2x9x64xi32, #tpu.memory_space<vmem>> -> memref<1x1x64xi32, #tpu.memory_space<vmem>>
      %dma_wait3A_1153 = tpu.memref_squeeze %dma_wait3A_1152 : memref<1x1x64xi32, #tpu.memory_space<vmem>> -> memref<64xi32, #tpu.memory_space<vmem>>
      %dma_wait3A_1154 = arith.constant 0 : i32
      %dma_wait3A_1155 = arith.constant 0 : i32
      %dma_wait3A_1156 = tpu.memref_slice %arg5[%dma_wait3A_1154, %dma_wait3A_1155] : memref<100001x64xf32, #tpu.memory_space<hbm>> -> memref<100001x64xf32, #tpu.memory_space<hbm>>
      tpu.wait_indirect_dma semaphore(%arg16 : memref<!tpu.dma_semaphore, #tpu.memory_space<semaphore_mem>>) src(%dma_wait3A_1156 : memref<100001x64xf32, #tpu.memory_space<hbm>>) dst(%dma_wait3A_1150 : memref<64x64xf32, #tpu.memory_space<vmem>>)
      %dma_wait3A_1157 = arith.constant 1 : i32
      %dma_wait3A_1158 = arith.constant 3 : i32
      %dma_wait3A_1159 = arith.constant 1 : i32
      %dma_wait3A_1160 = arith.constant 192 : i32
      %dma_wait3A_1161 = arith.constant 0 : i32
      %dma_wait3A_1162 = tpu.memref_slice %arg12[%dma_wait3A_1159, %dma_wait3A_1160, %dma_wait3A_1161] : memref<2x576x64xf32, #tpu.memory_space<vmem>> -> memref<1x64x64xf32, #tpu.memory_space<vmem>>
      %dma_wait3A_1163 = tpu.memref_squeeze %dma_wait3A_1162 : memref<1x64x64xf32, #tpu.memory_space<vmem>> -> memref<64x64xf32, #tpu.memory_space<vmem>>
      %dma_wait3A_1164 = arith.constant 0 : i32
      %dma_wait3A_1165 = tpu.memref_slice %arg10[%dma_wait3A_1157, %dma_wait3A_1158, %dma_wait3A_1164] : memref<2x9x64xi32, #tpu.memory_space<vmem>> -> memref<1x1x64xi32, #tpu.memory_space<vmem>>
      %dma_wait3A_1166 = tpu.memref_squeeze %dma_wait3A_1165 : memref<1x1x64xi32, #tpu.memory_space<vmem>> -> memref<64xi32, #tpu.memory_space<vmem>>
      %dma_wait3A_1167 = arith.constant 0 : i32
      %dma_wait3A_1168 = arith.constant 0 : i32
      %dma_wait3A_1169 = tpu.memref_slice %arg5[%dma_wait3A_1167, %dma_wait3A_1168] : memref<100001x64xf32, #tpu.memory_space<hbm>> -> memref<100001x64xf32, #tpu.memory_space<hbm>>
      tpu.wait_indirect_dma semaphore(%arg16 : memref<!tpu.dma_semaphore, #tpu.memory_space<semaphore_mem>>) src(%dma_wait3A_1169 : memref<100001x64xf32, #tpu.memory_space<hbm>>) dst(%dma_wait3A_1163 : memref<64x64xf32, #tpu.memory_space<vmem>>)
      %dma_wait3A_1170 = arith.constant 1 : i32
      %dma_wait3A_1171 = arith.constant 4 : i32
      %dma_wait3A_1172 = arith.constant 1 : i32
      %dma_wait3A_1173 = arith.constant 256 : i32
      %dma_wait3A_1174 = arith.constant 0 : i32
      %dma_wait3A_1175 = tpu.memref_slice %arg12[%dma_wait3A_1172, %dma_wait3A_1173, %dma_wait3A_1174] : memref<2x576x64xf32, #tpu.memory_space<vmem>> -> memref<1x64x64xf32, #tpu.memory_space<vmem>>
      %dma_wait3A_1176 = tpu.memref_squeeze %dma_wait3A_1175 : memref<1x64x64xf32, #tpu.memory_space<vmem>> -> memref<64x64xf32, #tpu.memory_space<vmem>>
      %dma_wait3A_1177 = arith.constant 0 : i32
      %dma_wait3A_1178 = tpu.memref_slice %arg10[%dma_wait3A_1170, %dma_wait3A_1171, %dma_wait3A_1177] : memref<2x9x64xi32, #tpu.memory_space<vmem>> -> memref<1x1x64xi32, #tpu.memory_space<vmem>>
      %dma_wait3A_1179 = tpu.memref_squeeze %dma_wait3A_1178 : memref<1x1x64xi32, #tpu.memory_space<vmem>> -> memref<64xi32, #tpu.memory_space<vmem>>
      %dma_wait3A_1180 = arith.constant 0 : i32
      %dma_wait3A_1181 = arith.constant 0 : i32
      %dma_wait3A_1182 = tpu.memref_slice %arg5[%dma_wait3A_1180, %dma_wait3A_1181] : memref<100001x64xf32, #tpu.memory_space<hbm>> -> memref<100001x64xf32, #tpu.memory_space<hbm>>
      tpu.wait_indirect_dma semaphore(%arg16 : memref<!tpu.dma_semaphore, #tpu.memory_space<semaphore_mem>>) src(%dma_wait3A_1182 : memref<100001x64xf32, #tpu.memory_space<hbm>>) dst(%dma_wait3A_1176 : memref<64x64xf32, #tpu.memory_space<vmem>>)
      %dma_wait3A_1183 = arith.constant 1 : i32
      %dma_wait3A_1184 = arith.constant 5 : i32
      %dma_wait3A_1185 = arith.constant 1 : i32
      %dma_wait3A_1186 = arith.constant 320 : i32
      %dma_wait3A_1187 = arith.constant 0 : i32
      %dma_wait3A_1188 = tpu.memref_slice %arg12[%dma_wait3A_1185, %dma_wait3A_1186, %dma_wait3A_1187] : memref<2x576x64xf32, #tpu.memory_space<vmem>> -> memref<1x64x64xf32, #tpu.memory_space<vmem>>
      %dma_wait3A_1189 = tpu.memref_squeeze %dma_wait3A_1188 : memref<1x64x64xf32, #tpu.memory_space<vmem>> -> memref<64x64xf32, #tpu.memory_space<vmem>>
      %dma_wait3A_1190 = arith.constant 0 : i32
      %dma_wait3A_1191 = tpu.memref_slice %arg10[%dma_wait3A_1183, %dma_wait3A_1184, %dma_wait3A_1190] : memref<2x9x64xi32, #tpu.memory_space<vmem>> -> memref<1x1x64xi32, #tpu.memory_space<vmem>>
      %dma_wait3A_1192 = tpu.memref_squeeze %dma_wait3A_1191 : memref<1x1x64xi32, #tpu.memory_space<vmem>> -> memref<64xi32, #tpu.memory_space<vmem>>
      %dma_wait3A_1193 = arith.constant 0 : i32
      %dma_wait3A_1194 = arith.constant 0 : i32
      %dma_wait3A_1195 = tpu.memref_slice %arg5[%dma_wait3A_1193, %dma_wait3A_1194] : memref<100001x64xf32, #tpu.memory_space<hbm>> -> memref<100001x64xf32, #tpu.memory_space<hbm>>
      tpu.wait_indirect_dma semaphore(%arg16 : memref<!tpu.dma_semaphore, #tpu.memory_space<semaphore_mem>>) src(%dma_wait3A_1195 : memref<100001x64xf32, #tpu.memory_space<hbm>>) dst(%dma_wait3A_1189 : memref<64x64xf32, #tpu.memory_space<vmem>>)
      %dma_wait3A_1196 = arith.constant 1 : i32
      %dma_wait3A_1197 = arith.constant 6 : i32
      %dma_wait3A_1198 = arith.constant 1 : i32
      %dma_wait3A_1199 = arith.constant 384 : i32
      %dma_wait3A_1200 = arith.constant 0 : i32
      %dma_wait3A_1201 = tpu.memref_slice %arg12[%dma_wait3A_1198, %dma_wait3A_1199, %dma_wait3A_1200] : memref<2x576x64xf32, #tpu.memory_space<vmem>> -> memref<1x64x64xf32, #tpu.memory_space<vmem>>
      %dma_wait3A_1202 = tpu.memref_squeeze %dma_wait3A_1201 : memref<1x64x64xf32, #tpu.memory_space<vmem>> -> memref<64x64xf32, #tpu.memory_space<vmem>>
      %dma_wait3A_1203 = arith.constant 0 : i32
      %dma_wait3A_1204 = tpu.memref_slice %arg10[%dma_wait3A_1196, %dma_wait3A_1197, %dma_wait3A_1203] : memref<2x9x64xi32, #tpu.memory_space<vmem>> -> memref<1x1x64xi32, #tpu.memory_space<vmem>>
      %dma_wait3A_1205 = tpu.memref_squeeze %dma_wait3A_1204 : memref<1x1x64xi32, #tpu.memory_space<vmem>> -> memref<64xi32, #tpu.memory_space<vmem>>
      %dma_wait3A_1206 = arith.constant 0 : i32
      %dma_wait3A_1207 = arith.constant 0 : i32
      %dma_wait3A_1208 = tpu.memref_slice %arg5[%dma_wait3A_1206, %dma_wait3A_1207] : memref<100001x64xf32, #tpu.memory_space<hbm>> -> memref<100001x64xf32, #tpu.memory_space<hbm>>
      tpu.wait_indirect_dma semaphore(%arg16 : memref<!tpu.dma_semaphore, #tpu.memory_space<semaphore_mem>>) src(%dma_wait3A_1208 : memref<100001x64xf32, #tpu.memory_space<hbm>>) dst(%dma_wait3A_1202 : memref<64x64xf32, #tpu.memory_space<vmem>>)
      %dma_wait3A_1209 = arith.constant 1 : i32
      %dma_wait3A_1210 = arith.constant 7 : i32
      %dma_wait3A_1211 = arith.constant 1 : i32
      %dma_wait3A_1212 = arith.constant 448 : i32
      %dma_wait3A_1213 = arith.constant 0 : i32
      %dma_wait3A_1214 = tpu.memref_slice %arg12[%dma_wait3A_1211, %dma_wait3A_1212, %dma_wait3A_1213] : memref<2x576x64xf32, #tpu.memory_space<vmem>> -> memref<1x64x64xf32, #tpu.memory_space<vmem>>
      %dma_wait3A_1215 = tpu.memref_squeeze %dma_wait3A_1214 : memref<1x64x64xf32, #tpu.memory_space<vmem>> -> memref<64x64xf32, #tpu.memory_space<vmem>>
      %dma_wait3A_1216 = arith.constant 0 : i32
      %dma_wait3A_1217 = tpu.memref_slice %arg10[%dma_wait3A_1209, %dma_wait3A_1210, %dma_wait3A_1216] : memref<2x9x64xi32, #tpu.memory_space<vmem>> -> memref<1x1x64xi32, #tpu.memory_space<vmem>>
      %dma_wait3A_1218 = tpu.memref_squeeze %dma_wait3A_1217 : memref<1x1x64xi32, #tpu.memory_space<vmem>> -> memref<64xi32, #tpu.memory_space<vmem>>
      %dma_wait3A_1219 = arith.constant 0 : i32
      %dma_wait3A_1220 = arith.constant 0 : i32
      %dma_wait3A_1221 = tpu.memref_slice %arg5[%dma_wait3A_1219, %dma_wait3A_1220] : memref<100001x64xf32, #tpu.memory_space<hbm>> -> memref<100001x64xf32, #tpu.memory_space<hbm>>
      tpu.wait_indirect_dma semaphore(%arg16 : memref<!tpu.dma_semaphore, #tpu.memory_space<semaphore_mem>>) src(%dma_wait3A_1221 : memref<100001x64xf32, #tpu.memory_space<hbm>>) dst(%dma_wait3A_1215 : memref<64x64xf32, #tpu.memory_space<vmem>>)
      %dma_wait3A_1222 = arith.constant 1 : i32
      %dma_wait3A_1223 = arith.constant 8 : i32
      %dma_wait3A_1224 = arith.constant 1 : i32
      %dma_wait3A_1225 = arith.constant 512 : i32
      %dma_wait3A_1226 = arith.constant 0 : i32
      %dma_wait3A_1227 = tpu.memref_slice %arg12[%dma_wait3A_1224, %dma_wait3A_1225, %dma_wait3A_1226] : memref<2x576x64xf32, #tpu.memory_space<vmem>> -> memref<1x64x64xf32, #tpu.memory_space<vmem>>
      %dma_wait3A_1228 = tpu.memref_squeeze %dma_wait3A_1227 : memref<1x64x64xf32, #tpu.memory_space<vmem>> -> memref<64x64xf32, #tpu.memory_space<vmem>>
      %dma_wait3A_1229 = arith.constant 0 : i32
      %dma_wait3A_1230 = tpu.memref_slice %arg10[%dma_wait3A_1222, %dma_wait3A_1223, %dma_wait3A_1229] : memref<2x9x64xi32, #tpu.memory_space<vmem>> -> memref<1x1x64xi32, #tpu.memory_space<vmem>>
      %dma_wait3A_1231 = tpu.memref_squeeze %dma_wait3A_1230 : memref<1x1x64xi32, #tpu.memory_space<vmem>> -> memref<64xi32, #tpu.memory_space<vmem>>
      %dma_wait3A_1232 = arith.constant 0 : i32
      %dma_wait3A_1233 = arith.constant 0 : i32
      %dma_wait3A_1234 = tpu.memref_slice %arg5[%dma_wait3A_1232, %dma_wait3A_1233] : memref<100001x64xf32, #tpu.memory_space<hbm>> -> memref<100001x64xf32, #tpu.memory_space<hbm>>
      tpu.wait_indirect_dma semaphore(%arg16 : memref<!tpu.dma_semaphore, #tpu.memory_space<semaphore_mem>>) src(%dma_wait3A_1234 : memref<100001x64xf32, #tpu.memory_space<hbm>>) dst(%dma_wait3A_1228 : memref<64x64xf32, #tpu.memory_space<vmem>>)
      %dma_wait3A_1235 = arith.constant 1 : i32
      %dma_wait3A_1236 = arith.constant 0 : i32
      %dma_wait3A_1237 = arith.constant 1 : i32
      %dma_wait3A_1238 = arith.constant 0 : i32
      %dma_wait3A_1239 = arith.constant 0 : i32
      %dma_wait3A_1240 = arith.constant 0 : i32
      %dma_wait3A_1241 = tpu.memref_slice %arg13[%dma_wait3A_1237, %dma_wait3A_1238, %dma_wait3A_1239, %dma_wait3A_1240] : memref<2x2x64x64xf32, #tpu.memory_space<vmem>> -> memref<1x1x64x64xf32, #tpu.memory_space<vmem>>
      %dma_wait3A_1242 = tpu.memref_squeeze %dma_wait3A_1241 : memref<1x1x64x64xf32, #tpu.memory_space<vmem>> -> memref<64x64xf32, #tpu.memory_space<vmem>>
      %dma_wait3A_1243 = arith.constant 0 : i32
      %dma_wait3A_1244 = tpu.memref_slice %arg11[%dma_wait3A_1235, %dma_wait3A_1236, %dma_wait3A_1243] : memref<2x2x64xi32, #tpu.memory_space<vmem>> -> memref<1x1x64xi32, #tpu.memory_space<vmem>>
      %dma_wait3A_1245 = tpu.memref_squeeze %dma_wait3A_1244 : memref<1x1x64xi32, #tpu.memory_space<vmem>> -> memref<64xi32, #tpu.memory_space<vmem>>
      %dma_wait3A_1246 = arith.constant 0 : i32
      %dma_wait3A_1247 = arith.constant 0 : i32
      %dma_wait3A_1248 = tpu.memref_slice %arg6[%dma_wait3A_1246, %dma_wait3A_1247] : memref<512x64xf32, #tpu.memory_space<hbm>> -> memref<512x64xf32, #tpu.memory_space<hbm>>
      tpu.wait_indirect_dma semaphore(%arg16 : memref<!tpu.dma_semaphore, #tpu.memory_space<semaphore_mem>>) src(%dma_wait3A_1248 : memref<512x64xf32, #tpu.memory_space<hbm>>) dst(%dma_wait3A_1242 : memref<64x64xf32, #tpu.memory_space<vmem>>)
      %dma_wait3A_1249 = arith.constant 1 : i32
      %dma_wait3A_1250 = arith.constant 1 : i32
      %dma_wait3A_1251 = arith.constant 1 : i32
      %dma_wait3A_1252 = arith.constant 1 : i32
      %dma_wait3A_1253 = arith.constant 0 : i32
      %dma_wait3A_1254 = arith.constant 0 : i32
      %dma_wait3A_1255 = tpu.memref_slice %arg13[%dma_wait3A_1251, %dma_wait3A_1252, %dma_wait3A_1253, %dma_wait3A_1254] : memref<2x2x64x64xf32, #tpu.memory_space<vmem>> -> memref<1x1x64x64xf32, #tpu.memory_space<vmem>>
      %dma_wait3A_1256 = tpu.memref_squeeze %dma_wait3A_1255 : memref<1x1x64x64xf32, #tpu.memory_space<vmem>> -> memref<64x64xf32, #tpu.memory_space<vmem>>
      %dma_wait3A_1257 = arith.constant 0 : i32
      %dma_wait3A_1258 = tpu.memref_slice %arg11[%dma_wait3A_1249, %dma_wait3A_1250, %dma_wait3A_1257] : memref<2x2x64xi32, #tpu.memory_space<vmem>> -> memref<1x1x64xi32, #tpu.memory_space<vmem>>
      %dma_wait3A_1259 = tpu.memref_squeeze %dma_wait3A_1258 : memref<1x1x64xi32, #tpu.memory_space<vmem>> -> memref<64xi32, #tpu.memory_space<vmem>>
      %dma_wait3A_1260 = arith.constant 0 : i32
      %dma_wait3A_1261 = arith.constant 0 : i32
      %dma_wait3A_1262 = tpu.memref_slice %arg7[%dma_wait3A_1260, %dma_wait3A_1261] : memref<512x64xf32, #tpu.memory_space<hbm>> -> memref<512x64xf32, #tpu.memory_space<hbm>>
      tpu.wait_indirect_dma semaphore(%arg16 : memref<!tpu.dma_semaphore, #tpu.memory_space<semaphore_mem>>) src(%dma_wait3A_1262 : memref<512x64xf32, #tpu.memory_space<hbm>>) dst(%dma_wait3A_1256 : memref<64x64xf32, #tpu.memory_space<vmem>>)
      %scan3A_1263 = arith.constant 0 : i32
      %scan3A_1264 = arith.constant 0 : i32
      %scan3A_1265 = arith.constant 64 : i32
      %scan3A_1266 = arith.addi %scan3A_1264, %scan3A_1265 : i32
      %scan3A_1267 = arith.constant 2 : i32
      scf.for %scan3A_1277 = %scan3A_1264 to %scan3A_1266 step %scan3A_1267  : i32 {
        %add3A_1278 = arith.constant 0 : i32
        %add3A_1279 = arith.addi %add3A_1278, %scan3A_1277 : i32
        %get3A = arith.constant 1 : i32
        %get3A_1280 = arith.index_cast %get3A : i32 to index
        %get3A_1281 = arith.index_cast %add3A_1279 : i32 to index
        %get3A_1282 = arith.constant 0 : index
        %get3A_1283 = tpu.vector_load %arg12[%get3A_1280, %get3A_1281, %get3A_1282] {strides = array<i32>} : memref<2x576x64xf32, #tpu.memory_space<vmem>>, vector<1x1x16xf32>,
        %get3A_1284 = vector.shape_cast %get3A_1283 : vector<1x1x16xf32> to vector<16xf32>
        %add3A_1285 = arith.constant 64 : i32
        %add3A_1286 = arith.addi %add3A_1285, %scan3A_1277 : i32
        %get3A_1287 = arith.constant 1 : i32
        %get3A_1288 = arith.index_cast %get3A_1287 : i32 to index
        %get3A_1289 = arith.index_cast %add3A_1286 : i32 to index
        %get3A_1290 = arith.constant 0 : index
        %get3A_1291 = tpu.vector_load %arg12[%get3A_1288, %get3A_1289, %get3A_1290] {strides = array<i32>} : memref<2x576x64xf32, #tpu.memory_space<vmem>>, vector<1x1x16xf32>,
        %get3A_1292 = vector.shape_cast %get3A_1291 : vector<1x1x16xf32> to vector<16xf32>
        %add3A_1293 = arith.constant 128 : i32
        %add3A_1294 = arith.addi %add3A_1293, %scan3A_1277 : i32
        %get3A_1295 = arith.constant 1 : i32
        %get3A_1296 = arith.index_cast %get3A_1295 : i32 to index
        %get3A_1297 = arith.index_cast %add3A_1294 : i32 to index
        %get3A_1298 = arith.constant 0 : index
        %get3A_1299 = tpu.vector_load %arg12[%get3A_1296, %get3A_1297, %get3A_1298] {strides = array<i32>} : memref<2x576x64xf32, #tpu.memory_space<vmem>>, vector<1x1x16xf32>,
        %get3A_1300 = vector.shape_cast %get3A_1299 : vector<1x1x16xf32> to vector<16xf32>
        %add3A_1301 = arith.constant 192 : i32
        %add3A_1302 = arith.addi %add3A_1301, %scan3A_1277 : i32
        %get3A_1303 = arith.constant 1 : i32
        %get3A_1304 = arith.index_cast %get3A_1303 : i32 to index
        %get3A_1305 = arith.index_cast %add3A_1302 : i32 to index
        %get3A_1306 = arith.constant 0 : index
        %get3A_1307 = tpu.vector_load %arg12[%get3A_1304, %get3A_1305, %get3A_1306] {strides = array<i32>} : memref<2x576x64xf32, #tpu.memory_space<vmem>>, vector<1x1x16xf32>,
        %get3A_1308 = vector.shape_cast %get3A_1307 : vector<1x1x16xf32> to vector<16xf32>
        %add3A_1309 = arith.constant 256 : i32
        %add3A_1310 = arith.addi %add3A_1309, %scan3A_1277 : i32
        %get3A_1311 = arith.constant 1 : i32
        %get3A_1312 = arith.index_cast %get3A_1311 : i32 to index
        %get3A_1313 = arith.index_cast %add3A_1310 : i32 to index
        %get3A_1314 = arith.constant 0 : index
        %get3A_1315 = tpu.vector_load %arg12[%get3A_1312, %get3A_1313, %get3A_1314] {strides = array<i32>} : memref<2x576x64xf32, #tpu.memory_space<vmem>>, vector<1x1x16xf32>,
        %get3A_1316 = vector.shape_cast %get3A_1315 : vector<1x1x16xf32> to vector<16xf32>
        %add3A_1317 = arith.constant 320 : i32
        %add3A_1318 = arith.addi %add3A_1317, %scan3A_1277 : i32
        %get3A_1319 = arith.constant 1 : i32
        %get3A_1320 = arith.index_cast %get3A_1319 : i32 to index
        %get3A_1321 = arith.index_cast %add3A_1318 : i32 to index
        %get3A_1322 = arith.constant 0 : index
        %get3A_1323 = tpu.vector_load %arg12[%get3A_1320, %get3A_1321, %get3A_1322] {strides = array<i32>} : memref<2x576x64xf32, #tpu.memory_space<vmem>>, vector<1x1x16xf32>,
        %get3A_1324 = vector.shape_cast %get3A_1323 : vector<1x1x16xf32> to vector<16xf32>
        %add3A_1325 = arith.constant 384 : i32
        %add3A_1326 = arith.addi %add3A_1325, %scan3A_1277 : i32
        %get3A_1327 = arith.constant 1 : i32
        %get3A_1328 = arith.index_cast %get3A_1327 : i32 to index
        %get3A_1329 = arith.index_cast %add3A_1326 : i32 to index
        %get3A_1330 = arith.constant 0 : index
        %get3A_1331 = tpu.vector_load %arg12[%get3A_1328, %get3A_1329, %get3A_1330] {strides = array<i32>} : memref<2x576x64xf32, #tpu.memory_space<vmem>>, vector<1x1x16xf32>,
        %get3A_1332 = vector.shape_cast %get3A_1331 : vector<1x1x16xf32> to vector<16xf32>
        %add3A_1333 = arith.constant 448 : i32
        %add3A_1334 = arith.addi %add3A_1333, %scan3A_1277 : i32
        %get3A_1335 = arith.constant 1 : i32
        %get3A_1336 = arith.index_cast %get3A_1335 : i32 to index
        %get3A_1337 = arith.index_cast %add3A_1334 : i32 to index
        %get3A_1338 = arith.constant 0 : index
        %get3A_1339 = tpu.vector_load %arg12[%get3A_1336, %get3A_1337, %get3A_1338] {strides = array<i32>} : memref<2x576x64xf32, #tpu.memory_space<vmem>>, vector<1x1x16xf32>,
        %get3A_1340 = vector.shape_cast %get3A_1339 : vector<1x1x16xf32> to vector<16xf32>
        %add3A_1341 = arith.constant 512 : i32
        %add3A_1342 = arith.addi %add3A_1341, %scan3A_1277 : i32
        %get3A_1343 = arith.constant 1 : i32
        %get3A_1344 = arith.index_cast %get3A_1343 : i32 to index
        %get3A_1345 = arith.index_cast %add3A_1342 : i32 to index
        %get3A_1346 = arith.constant 0 : index
        %get3A_1347 = tpu.vector_load %arg12[%get3A_1344, %get3A_1345, %get3A_1346] {strides = array<i32>} : memref<2x576x64xf32, #tpu.memory_space<vmem>>, vector<1x1x16xf32>,
        %get3A_1348 = vector.shape_cast %get3A_1347 : vector<1x1x16xf32> to vector<16xf32>
        %get3A_1349 = arith.constant 1 : i32
        %get3A_1350 = arith.constant 0 : i32
        %get3A_1351 = arith.index_cast %get3A_1349 : i32 to index
        %get3A_1352 = arith.index_cast %get3A_1350 : i32 to index
        %get3A_1353 = arith.index_cast %scan3A_1277 : i32 to index
        %get3A_1354 = arith.constant 0 : index
        %get3A_1355 = tpu.vector_load %arg13[%get3A_1351, %get3A_1352, %get3A_1353, %get3A_1354] {strides = array<i32>} : memref<2x2x64x64xf32, #tpu.memory_space<vmem>>, vector<1x1x1x16xf32>,
        %get3A_1356 = vector.shape_cast %get3A_1355 : vector<1x1x1x16xf32> to vector<16xf32>
        %get3A_1357 = arith.constant 1 : i32
        %get3A_1358 = arith.constant 1 : i32
        %get3A_1359 = arith.index_cast %get3A_1357 : i32 to index
        %get3A_1360 = arith.index_cast %get3A_1358 : i32 to index
        %get3A_1361 = arith.index_cast %scan3A_1277 : i32 to index
        %get3A_1362 = arith.constant 0 : index
        %get3A_1363 = tpu.vector_load %arg13[%get3A_1359, %get3A_1360, %get3A_1361, %get3A_1362] {strides = array<i32>} : memref<2x2x64x64xf32, #tpu.memory_space<vmem>>, vector<1x1x1x16xf32>,
        %get3A_1364 = vector.shape_cast %get3A_1363 : vector<1x1x1x16xf32> to vector<16xf32>
        %add3A_1365 = arith.constant 0 : i32
        %add3A_1366 = arith.addi %add3A_1365, %scan3A_1277 : i32
        %get3A_1367 = arith.constant 1 : i32
        %get3A_1368 = arith.index_cast %get3A_1367 : i32 to index
        %get3A_1369 = arith.index_cast %add3A_1366 : i32 to index
        %get3A_1370 = arith.constant 16 : index
        %get3A_1371 = tpu.vector_load %arg12[%get3A_1368, %get3A_1369, %get3A_1370] {strides = array<i32>} : memref<2x576x64xf32, #tpu.memory_space<vmem>>, vector<1x1x16xf32>,
        %get3A_1372 = vector.shape_cast %get3A_1371 : vector<1x1x16xf32> to vector<16xf32>
        %add3A_1373 = arith.constant 64 : i32
        %add3A_1374 = arith.addi %add3A_1373, %scan3A_1277 : i32
        %get3A_1375 = arith.constant 1 : i32
        %get3A_1376 = arith.index_cast %get3A_1375 : i32 to index
        %get3A_1377 = arith.index_cast %add3A_1374 : i32 to index
        %get3A_1378 = arith.constant 16 : index
        %get3A_1379 = tpu.vector_load %arg12[%get3A_1376, %get3A_1377, %get3A_1378] {strides = array<i32>} : memref<2x576x64xf32, #tpu.memory_space<vmem>>, vector<1x1x16xf32>,
        %get3A_1380 = vector.shape_cast %get3A_1379 : vector<1x1x16xf32> to vector<16xf32>
        %add3A_1381 = arith.constant 128 : i32
        %add3A_1382 = arith.addi %add3A_1381, %scan3A_1277 : i32
        %get3A_1383 = arith.constant 1 : i32
        %get3A_1384 = arith.index_cast %get3A_1383 : i32 to index
        %get3A_1385 = arith.index_cast %add3A_1382 : i32 to index
        %get3A_1386 = arith.constant 16 : index
        %get3A_1387 = tpu.vector_load %arg12[%get3A_1384, %get3A_1385, %get3A_1386] {strides = array<i32>} : memref<2x576x64xf32, #tpu.memory_space<vmem>>, vector<1x1x16xf32>,
        %get3A_1388 = vector.shape_cast %get3A_1387 : vector<1x1x16xf32> to vector<16xf32>
        %add3A_1389 = arith.constant 192 : i32
        %add3A_1390 = arith.addi %add3A_1389, %scan3A_1277 : i32
        %get3A_1391 = arith.constant 1 : i32
        %get3A_1392 = arith.index_cast %get3A_1391 : i32 to index
        %get3A_1393 = arith.index_cast %add3A_1390 : i32 to index
        %get3A_1394 = arith.constant 16 : index
        %get3A_1395 = tpu.vector_load %arg12[%get3A_1392, %get3A_1393, %get3A_1394] {strides = array<i32>} : memref<2x576x64xf32, #tpu.memory_space<vmem>>, vector<1x1x16xf32>,
        %get3A_1396 = vector.shape_cast %get3A_1395 : vector<1x1x16xf32> to vector<16xf32>
        %add3A_1397 = arith.constant 256 : i32
        %add3A_1398 = arith.addi %add3A_1397, %scan3A_1277 : i32
        %get3A_1399 = arith.constant 1 : i32
        %get3A_1400 = arith.index_cast %get3A_1399 : i32 to index
        %get3A_1401 = arith.index_cast %add3A_1398 : i32 to index
        %get3A_1402 = arith.constant 16 : index
        %get3A_1403 = tpu.vector_load %arg12[%get3A_1400, %get3A_1401, %get3A_1402] {strides = array<i32>} : memref<2x576x64xf32, #tpu.memory_space<vmem>>, vector<1x1x16xf32>,
        %get3A_1404 = vector.shape_cast %get3A_1403 : vector<1x1x16xf32> to vector<16xf32>
        %add3A_1405 = arith.constant 320 : i32
        %add3A_1406 = arith.addi %add3A_1405, %scan3A_1277 : i32
        %get3A_1407 = arith.constant 1 : i32
        %get3A_1408 = arith.index_cast %get3A_1407 : i32 to index
        %get3A_1409 = arith.index_cast %add3A_1406 : i32 to index
        %get3A_1410 = arith.constant 16 : index
        %get3A_1411 = tpu.vector_load %arg12[%get3A_1408, %get3A_1409, %get3A_1410] {strides = array<i32>} : memref<2x576x64xf32, #tpu.memory_space<vmem>>, vector<1x1x16xf32>,
        %get3A_1412 = vector.shape_cast %get3A_1411 : vector<1x1x16xf32> to vector<16xf32>
        %add3A_1413 = arith.constant 384 : i32
        %add3A_1414 = arith.addi %add3A_1413, %scan3A_1277 : i32
        %get3A_1415 = arith.constant 1 : i32
        %get3A_1416 = arith.index_cast %get3A_1415 : i32 to index
        %get3A_1417 = arith.index_cast %add3A_1414 : i32 to index
        %get3A_1418 = arith.constant 16 : index
        %get3A_1419 = tpu.vector_load %arg12[%get3A_1416, %get3A_1417, %get3A_1418] {strides = array<i32>} : memref<2x576x64xf32, #tpu.memory_space<vmem>>, vector<1x1x16xf32>,
        %get3A_1420 = vector.shape_cast %get3A_1419 : vector<1x1x16xf32> to vector<16xf32>
        %add3A_1421 = arith.constant 448 : i32
        %add3A_1422 = arith.addi %add3A_1421, %scan3A_1277 : i32
        %get3A_1423 = arith.constant 1 : i32
        %get3A_1424 = arith.index_cast %get3A_1423 : i32 to index
        %get3A_1425 = arith.index_cast %add3A_1422 : i32 to index
        %get3A_1426 = arith.constant 16 : index
        %get3A_1427 = tpu.vector_load %arg12[%get3A_1424, %get3A_1425, %get3A_1426] {strides = array<i32>} : memref<2x576x64xf32, #tpu.memory_space<vmem>>, vector<1x1x16xf32>,
        %get3A_1428 = vector.shape_cast %get3A_1427 : vector<1x1x16xf32> to vector<16xf32>
        %add3A_1429 = arith.constant 512 : i32
        %add3A_1430 = arith.addi %add3A_1429, %scan3A_1277 : i32
        %get3A_1431 = arith.constant 1 : i32
        %get3A_1432 = arith.index_cast %get3A_1431 : i32 to index
        %get3A_1433 = arith.index_cast %add3A_1430 : i32 to index
        %get3A_1434 = arith.constant 16 : index
        %get3A_1435 = tpu.vector_load %arg12[%get3A_1432, %get3A_1433, %get3A_1434] {strides = array<i32>} : memref<2x576x64xf32, #tpu.memory_space<vmem>>, vector<1x1x16xf32>,
        %get3A_1436 = vector.shape_cast %get3A_1435 : vector<1x1x16xf32> to vector<16xf32>
        %get3A_1437 = arith.constant 1 : i32
        %get3A_1438 = arith.constant 0 : i32
        %get3A_1439 = arith.index_cast %get3A_1437 : i32 to index
        %get3A_1440 = arith.index_cast %get3A_1438 : i32 to index
        %get3A_1441 = arith.index_cast %scan3A_1277 : i32 to index
        %get3A_1442 = arith.constant 16 : index
        %get3A_1443 = tpu.vector_load %arg13[%get3A_1439, %get3A_1440, %get3A_1441, %get3A_1442] {strides = array<i32>} : memref<2x2x64x64xf32, #tpu.memory_space<vmem>>, vector<1x1x1x16xf32>,
        %get3A_1444 = vector.shape_cast %get3A_1443 : vector<1x1x1x16xf32> to vector<16xf32>
        %get3A_1445 = arith.constant 1 : i32
        %get3A_1446 = arith.constant 1 : i32
        %get3A_1447 = arith.index_cast %get3A_1445 : i32 to index
        %get3A_1448 = arith.index_cast %get3A_1446 : i32 to index
        %get3A_1449 = arith.index_cast %scan3A_1277 : i32 to index
        %get3A_1450 = arith.constant 16 : index
        %get3A_1451 = tpu.vector_load %arg13[%get3A_1447, %get3A_1448, %get3A_1449, %get3A_1450] {strides = array<i32>} : memref<2x2x64x64xf32, #tpu.memory_space<vmem>>, vector<1x1x1x16xf32>,
        %get3A_1452 = vector.shape_cast %get3A_1451 : vector<1x1x1x16xf32> to vector<16xf32>
        %add3A_1453 = arith.constant 0 : i32
        %add3A_1454 = arith.addi %add3A_1453, %scan3A_1277 : i32
        %get3A_1455 = arith.constant 1 : i32
        %get3A_1456 = arith.index_cast %get3A_1455 : i32 to index
        %get3A_1457 = arith.index_cast %add3A_1454 : i32 to index
        %get3A_1458 = arith.constant 32 : index
        %get3A_1459 = tpu.vector_load %arg12[%get3A_1456, %get3A_1457, %get3A_1458] {strides = array<i32>} : memref<2x576x64xf32, #tpu.memory_space<vmem>>, vector<1x1x16xf32>,
        %get3A_1460 = vector.shape_cast %get3A_1459 : vector<1x1x16xf32> to vector<16xf32>
        %add3A_1461 = arith.constant 64 : i32
        %add3A_1462 = arith.addi %add3A_1461, %scan3A_1277 : i32
        %get3A_1463 = arith.constant 1 : i32
        %get3A_1464 = arith.index_cast %get3A_1463 : i32 to index
        %get3A_1465 = arith.index_cast %add3A_1462 : i32 to index
        %get3A_1466 = arith.constant 32 : index
        %get3A_1467 = tpu.vector_load %arg12[%get3A_1464, %get3A_1465, %get3A_1466] {strides = array<i32>} : memref<2x576x64xf32, #tpu.memory_space<vmem>>, vector<1x1x16xf32>,
        %get3A_1468 = vector.shape_cast %get3A_1467 : vector<1x1x16xf32> to vector<16xf32>
        %add3A_1469 = arith.constant 128 : i32
        %add3A_1470 = arith.addi %add3A_1469, %scan3A_1277 : i32
        %get3A_1471 = arith.constant 1 : i32
        %get3A_1472 = arith.index_cast %get3A_1471 : i32 to index
        %get3A_1473 = arith.index_cast %add3A_1470 : i32 to index
        %get3A_1474 = arith.constant 32 : index
        %get3A_1475 = tpu.vector_load %arg12[%get3A_1472, %get3A_1473, %get3A_1474] {strides = array<i32>} : memref<2x576x64xf32, #tpu.memory_space<vmem>>, vector<1x1x16xf32>,
        %get3A_1476 = vector.shape_cast %get3A_1475 : vector<1x1x16xf32> to vector<16xf32>
        %add3A_1477 = arith.constant 192 : i32
        %add3A_1478 = arith.addi %add3A_1477, %scan3A_1277 : i32
        %get3A_1479 = arith.constant 1 : i32
        %get3A_1480 = arith.index_cast %get3A_1479 : i32 to index
        %get3A_1481 = arith.index_cast %add3A_1478 : i32 to index
        %get3A_1482 = arith.constant 32 : index
        %get3A_1483 = tpu.vector_load %arg12[%get3A_1480, %get3A_1481, %get3A_1482] {strides = array<i32>} : memref<2x576x64xf32, #tpu.memory_space<vmem>>, vector<1x1x16xf32>,
        %get3A_1484 = vector.shape_cast %get3A_1483 : vector<1x1x16xf32> to vector<16xf32>
        %add3A_1485 = arith.constant 256 : i32
        %add3A_1486 = arith.addi %add3A_1485, %scan3A_1277 : i32
        %get3A_1487 = arith.constant 1 : i32
        %get3A_1488 = arith.index_cast %get3A_1487 : i32 to index
        %get3A_1489 = arith.index_cast %add3A_1486 : i32 to index
        %get3A_1490 = arith.constant 32 : index
        %get3A_1491 = tpu.vector_load %arg12[%get3A_1488, %get3A_1489, %get3A_1490] {strides = array<i32>} : memref<2x576x64xf32, #tpu.memory_space<vmem>>, vector<1x1x16xf32>,
        %get3A_1492 = vector.shape_cast %get3A_1491 : vector<1x1x16xf32> to vector<16xf32>
        %add3A_1493 = arith.constant 320 : i32
        %add3A_1494 = arith.addi %add3A_1493, %scan3A_1277 : i32
        %get3A_1495 = arith.constant 1 : i32
        %get3A_1496 = arith.index_cast %get3A_1495 : i32 to index
        %get3A_1497 = arith.index_cast %add3A_1494 : i32 to index
        %get3A_1498 = arith.constant 32 : index
        %get3A_1499 = tpu.vector_load %arg12[%get3A_1496, %get3A_1497, %get3A_1498] {strides = array<i32>} : memref<2x576x64xf32, #tpu.memory_space<vmem>>, vector<1x1x16xf32>,
        %get3A_1500 = vector.shape_cast %get3A_1499 : vector<1x1x16xf32> to vector<16xf32>
        %add3A_1501 = arith.constant 384 : i32
        %add3A_1502 = arith.addi %add3A_1501, %scan3A_1277 : i32
        %get3A_1503 = arith.constant 1 : i32
        %get3A_1504 = arith.index_cast %get3A_1503 : i32 to index
        %get3A_1505 = arith.index_cast %add3A_1502 : i32 to index
        %get3A_1506 = arith.constant 32 : index
        %get3A_1507 = tpu.vector_load %arg12[%get3A_1504, %get3A_1505, %get3A_1506] {strides = array<i32>} : memref<2x576x64xf32, #tpu.memory_space<vmem>>, vector<1x1x16xf32>,
        %get3A_1508 = vector.shape_cast %get3A_1507 : vector<1x1x16xf32> to vector<16xf32>
        %add3A_1509 = arith.constant 448 : i32
        %add3A_1510 = arith.addi %add3A_1509, %scan3A_1277 : i32
        %get3A_1511 = arith.constant 1 : i32
        %get3A_1512 = arith.index_cast %get3A_1511 : i32 to index
        %get3A_1513 = arith.index_cast %add3A_1510 : i32 to index
        %get3A_1514 = arith.constant 32 : index
        %get3A_1515 = tpu.vector_load %arg12[%get3A_1512, %get3A_1513, %get3A_1514] {strides = array<i32>} : memref<2x576x64xf32, #tpu.memory_space<vmem>>, vector<1x1x16xf32>,
        %get3A_1516 = vector.shape_cast %get3A_1515 : vector<1x1x16xf32> to vector<16xf32>
        %add3A_1517 = arith.constant 512 : i32
        %add3A_1518 = arith.addi %add3A_1517, %scan3A_1277 : i32
        %get3A_1519 = arith.constant 1 : i32
        %get3A_1520 = arith.index_cast %get3A_1519 : i32 to index
        %get3A_1521 = arith.index_cast %add3A_1518 : i32 to index
        %get3A_1522 = arith.constant 32 : index
        %get3A_1523 = tpu.vector_load %arg12[%get3A_1520, %get3A_1521, %get3A_1522] {strides = array<i32>} : memref<2x576x64xf32, #tpu.memory_space<vmem>>, vector<1x1x16xf32>,
        %get3A_1524 = vector.shape_cast %get3A_1523 : vector<1x1x16xf32> to vector<16xf32>
        %get3A_1525 = arith.constant 1 : i32
        %get3A_1526 = arith.constant 0 : i32
        %get3A_1527 = arith.index_cast %get3A_1525 : i32 to index
        %get3A_1528 = arith.index_cast %get3A_1526 : i32 to index
        %get3A_1529 = arith.index_cast %scan3A_1277 : i32 to index
        %get3A_1530 = arith.constant 32 : index
        %get3A_1531 = tpu.vector_load %arg13[%get3A_1527, %get3A_1528, %get3A_1529, %get3A_1530] {strides = array<i32>} : memref<2x2x64x64xf32, #tpu.memory_space<vmem>>, vector<1x1x1x16xf32>,
        %get3A_1532 = vector.shape_cast %get3A_1531 : vector<1x1x1x16xf32> to vector<16xf32>
        %get3A_1533 = arith.constant 1 : i32
        %get3A_1534 = arith.constant 1 : i32
        %get3A_1535 = arith.index_cast %get3A_1533 : i32 to index
        %get3A_1536 = arith.index_cast %get3A_1534 : i32 to index
        %get3A_1537 = arith.index_cast %scan3A_1277 : i32 to index
        %get3A_1538 = arith.constant 32 : index
        %get3A_1539 = tpu.vector_load %arg13[%get3A_1535, %get3A_1536, %get3A_1537, %get3A_1538] {strides = array<i32>} : memref<2x2x64x64xf32, #tpu.memory_space<vmem>>, vector<1x1x1x16xf32>,
        %get3A_1540 = vector.shape_cast %get3A_1539 : vector<1x1x1x16xf32> to vector<16xf32>
        %add3A_1541 = arith.constant 0 : i32
        %add3A_1542 = arith.addi %add3A_1541, %scan3A_1277 : i32
        %get3A_1543 = arith.constant 1 : i32
        %get3A_1544 = arith.index_cast %get3A_1543 : i32 to index
        %get3A_1545 = arith.index_cast %add3A_1542 : i32 to index
        %get3A_1546 = arith.constant 48 : index
        %get3A_1547 = tpu.vector_load %arg12[%get3A_1544, %get3A_1545, %get3A_1546] {strides = array<i32>} : memref<2x576x64xf32, #tpu.memory_space<vmem>>, vector<1x1x16xf32>,
        %get3A_1548 = vector.shape_cast %get3A_1547 : vector<1x1x16xf32> to vector<16xf32>
        %add3A_1549 = arith.constant 64 : i32
        %add3A_1550 = arith.addi %add3A_1549, %scan3A_1277 : i32
        %get3A_1551 = arith.constant 1 : i32
        %get3A_1552 = arith.index_cast %get3A_1551 : i32 to index
        %get3A_1553 = arith.index_cast %add3A_1550 : i32 to index
        %get3A_1554 = arith.constant 48 : index
        %get3A_1555 = tpu.vector_load %arg12[%get3A_1552, %get3A_1553, %get3A_1554] {strides = array<i32>} : memref<2x576x64xf32, #tpu.memory_space<vmem>>, vector<1x1x16xf32>,
        %get3A_1556 = vector.shape_cast %get3A_1555 : vector<1x1x16xf32> to vector<16xf32>
        %add3A_1557 = arith.constant 128 : i32
        %add3A_1558 = arith.addi %add3A_1557, %scan3A_1277 : i32
        %get3A_1559 = arith.constant 1 : i32
        %get3A_1560 = arith.index_cast %get3A_1559 : i32 to index
        %get3A_1561 = arith.index_cast %add3A_1558 : i32 to index
        %get3A_1562 = arith.constant 48 : index
        %get3A_1563 = tpu.vector_load %arg12[%get3A_1560, %get3A_1561, %get3A_1562] {strides = array<i32>} : memref<2x576x64xf32, #tpu.memory_space<vmem>>, vector<1x1x16xf32>,
        %get3A_1564 = vector.shape_cast %get3A_1563 : vector<1x1x16xf32> to vector<16xf32>
        %add3A_1565 = arith.constant 192 : i32
        %add3A_1566 = arith.addi %add3A_1565, %scan3A_1277 : i32
        %get3A_1567 = arith.constant 1 : i32
        %get3A_1568 = arith.index_cast %get3A_1567 : i32 to index
        %get3A_1569 = arith.index_cast %add3A_1566 : i32 to index
        %get3A_1570 = arith.constant 48 : index
        %get3A_1571 = tpu.vector_load %arg12[%get3A_1568, %get3A_1569, %get3A_1570] {strides = array<i32>} : memref<2x576x64xf32, #tpu.memory_space<vmem>>, vector<1x1x16xf32>,
        %get3A_1572 = vector.shape_cast %get3A_1571 : vector<1x1x16xf32> to vector<16xf32>
        %add3A_1573 = arith.constant 256 : i32
        %add3A_1574 = arith.addi %add3A_1573, %scan3A_1277 : i32
        %get3A_1575 = arith.constant 1 : i32
        %get3A_1576 = arith.index_cast %get3A_1575 : i32 to index
        %get3A_1577 = arith.index_cast %add3A_1574 : i32 to index
        %get3A_1578 = arith.constant 48 : index
        %get3A_1579 = tpu.vector_load %arg12[%get3A_1576, %get3A_1577, %get3A_1578] {strides = array<i32>} : memref<2x576x64xf32, #tpu.memory_space<vmem>>, vector<1x1x16xf32>,
        %get3A_1580 = vector.shape_cast %get3A_1579 : vector<1x1x16xf32> to vector<16xf32>
        %add3A_1581 = arith.constant 320 : i32
        %add3A_1582 = arith.addi %add3A_1581, %scan3A_1277 : i32
        %get3A_1583 = arith.constant 1 : i32
        %get3A_1584 = arith.index_cast %get3A_1583 : i32 to index
        %get3A_1585 = arith.index_cast %add3A_1582 : i32 to index
        %get3A_1586 = arith.constant 48 : index
        %get3A_1587 = tpu.vector_load %arg12[%get3A_1584, %get3A_1585, %get3A_1586] {strides = array<i32>} : memref<2x576x64xf32, #tpu.memory_space<vmem>>, vector<1x1x16xf32>,
        %get3A_1588 = vector.shape_cast %get3A_1587 : vector<1x1x16xf32> to vector<16xf32>
        %add3A_1589 = arith.constant 384 : i32
        %add3A_1590 = arith.addi %add3A_1589, %scan3A_1277 : i32
        %get3A_1591 = arith.constant 1 : i32
        %get3A_1592 = arith.index_cast %get3A_1591 : i32 to index
        %get3A_1593 = arith.index_cast %add3A_1590 : i32 to index
        %get3A_1594 = arith.constant 48 : index
        %get3A_1595 = tpu.vector_load %arg12[%get3A_1592, %get3A_1593, %get3A_1594] {strides = array<i32>} : memref<2x576x64xf32, #tpu.memory_space<vmem>>, vector<1x1x16xf32>,
        %get3A_1596 = vector.shape_cast %get3A_1595 : vector<1x1x16xf32> to vector<16xf32>
        %add3A_1597 = arith.constant 448 : i32
        %add3A_1598 = arith.addi %add3A_1597, %scan3A_1277 : i32
        %get3A_1599 = arith.constant 1 : i32
        %get3A_1600 = arith.index_cast %get3A_1599 : i32 to index
        %get3A_1601 = arith.index_cast %add3A_1598 : i32 to index
        %get3A_1602 = arith.constant 48 : index
        %get3A_1603 = tpu.vector_load %arg12[%get3A_1600, %get3A_1601, %get3A_1602] {strides = array<i32>} : memref<2x576x64xf32, #tpu.memory_space<vmem>>, vector<1x1x16xf32>,
        %get3A_1604 = vector.shape_cast %get3A_1603 : vector<1x1x16xf32> to vector<16xf32>
        %add3A_1605 = arith.constant 512 : i32
        %add3A_1606 = arith.addi %add3A_1605, %scan3A_1277 : i32
        %get3A_1607 = arith.constant 1 : i32
        %get3A_1608 = arith.index_cast %get3A_1607 : i32 to index
        %get3A_1609 = arith.index_cast %add3A_1606 : i32 to index
        %get3A_1610 = arith.constant 48 : index
        %get3A_1611 = tpu.vector_load %arg12[%get3A_1608, %get3A_1609, %get3A_1610] {strides = array<i32>} : memref<2x576x64xf32, #tpu.memory_space<vmem>>, vector<1x1x16xf32>,
        %get3A_1612 = vector.shape_cast %get3A_1611 : vector<1x1x16xf32> to vector<16xf32>
        %get3A_1613 = arith.constant 1 : i32
        %get3A_1614 = arith.constant 0 : i32
        %get3A_1615 = arith.index_cast %get3A_1613 : i32 to index
        %get3A_1616 = arith.index_cast %get3A_1614 : i32 to index
        %get3A_1617 = arith.index_cast %scan3A_1277 : i32 to index
        %get3A_1618 = arith.constant 48 : index
        %get3A_1619 = tpu.vector_load %arg13[%get3A_1615, %get3A_1616, %get3A_1617, %get3A_1618] {strides = array<i32>} : memref<2x2x64x64xf32, #tpu.memory_space<vmem>>, vector<1x1x1x16xf32>,
        %get3A_1620 = vector.shape_cast %get3A_1619 : vector<1x1x1x16xf32> to vector<16xf32>
        %get3A_1621 = arith.constant 1 : i32
        %get3A_1622 = arith.constant 1 : i32
        %get3A_1623 = arith.index_cast %get3A_1621 : i32 to index
        %get3A_1624 = arith.index_cast %get3A_1622 : i32 to index
        %get3A_1625 = arith.index_cast %scan3A_1277 : i32 to index
        %get3A_1626 = arith.constant 48 : index
        %get3A_1627 = tpu.vector_load %arg13[%get3A_1623, %get3A_1624, %get3A_1625, %get3A_1626] {strides = array<i32>} : memref<2x2x64x64xf32, #tpu.memory_space<vmem>>, vector<1x1x1x16xf32>,
        %get3A_1628 = vector.shape_cast %get3A_1627 : vector<1x1x1x16xf32> to vector<16xf32>
        %add3A_1629 = arith.addf %get3A_1284, %get3A_1292 : vector<16xf32>
        %add3A_1630 = arith.addf %get3A_1300, %get3A_1308 : vector<16xf32>
        %add3A_1631 = arith.addf %get3A_1316, %get3A_1324 : vector<16xf32>
        %add3A_1632 = arith.addf %get3A_1332, %get3A_1340 : vector<16xf32>
        %add3A_1633 = arith.addf %get3A_1348, %get3A_1356 : vector<16xf32>
        %add3A_1634 = arith.addf %add3A_1629, %add3A_1630 : vector<16xf32>
        %add3A_1635 = arith.addf %add3A_1631, %add3A_1632 : vector<16xf32>
        %add3A_1636 = arith.addf %add3A_1633, %get3A_1364 : vector<16xf32>
        %add3A_1637 = arith.addf %add3A_1634, %add3A_1635 : vector<16xf32>
        %add3A_1638 = arith.addf %add3A_1637, %add3A_1636 : vector<16xf32>
        %add3A_1639 = arith.addf %get3A_1372, %get3A_1380 : vector<16xf32>
        %add3A_1640 = arith.addf %get3A_1388, %get3A_1396 : vector<16xf32>
        %add3A_1641 = arith.addf %get3A_1404, %get3A_1412 : vector<16xf32>
        %add3A_1642 = arith.addf %get3A_1420, %get3A_1428 : vector<16xf32>
        %add3A_1643 = arith.addf %get3A_1436, %get3A_1444 : vector<16xf32>
        %add3A_1644 = arith.addf %add3A_1639, %add3A_1640 : vector<16xf32>
        %add3A_1645 = arith.addf %add3A_1641, %add3A_1642 : vector<16xf32>
        %add3A_1646 = arith.addf %add3A_1643, %get3A_1452 : vector<16xf32>
        %add3A_1647 = arith.addf %add3A_1644, %add3A_1645 : vector<16xf32>
        %add3A_1648 = arith.addf %add3A_1647, %add3A_1646 : vector<16xf32>
        %add3A_1649 = arith.addf %get3A_1460, %get3A_1468 : vector<16xf32>
        %add3A_1650 = arith.addf %get3A_1476, %get3A_1484 : vector<16xf32>
        %add3A_1651 = arith.addf %get3A_1492, %get3A_1500 : vector<16xf32>
        %add3A_1652 = arith.addf %get3A_1508, %get3A_1516 : vector<16xf32>
        %add3A_1653 = arith.addf %get3A_1524, %get3A_1532 : vector<16xf32>
        %add3A_1654 = arith.addf %add3A_1649, %add3A_1650 : vector<16xf32>
        %add3A_1655 = arith.addf %add3A_1651, %add3A_1652 : vector<16xf32>
        %add3A_1656 = arith.addf %add3A_1653, %get3A_1540 : vector<16xf32>
        %add3A_1657 = arith.addf %add3A_1654, %add3A_1655 : vector<16xf32>
        %add3A_1658 = arith.addf %add3A_1657, %add3A_1656 : vector<16xf32>
        %add3A_1659 = arith.addf %get3A_1548, %get3A_1556 : vector<16xf32>
        %add3A_1660 = arith.addf %get3A_1564, %get3A_1572 : vector<16xf32>
        %add3A_1661 = arith.addf %get3A_1580, %get3A_1588 : vector<16xf32>
        %add3A_1662 = arith.addf %get3A_1596, %get3A_1604 : vector<16xf32>
        %add3A_1663 = arith.addf %get3A_1612, %get3A_1620 : vector<16xf32>
        %add3A_1664 = arith.addf %add3A_1659, %add3A_1660 : vector<16xf32>
        %add3A_1665 = arith.addf %add3A_1661, %add3A_1662 : vector<16xf32>
        %add3A_1666 = arith.addf %add3A_1663, %get3A_1628 : vector<16xf32>
        %add3A_1667 = arith.addf %add3A_1664, %add3A_1665 : vector<16xf32>
        %add3A_1668 = arith.addf %add3A_1667, %add3A_1666 : vector<16xf32>
        %add3A_1669 = arith.constant 65 : i32
        %add3A_1670 = arith.addi %add3A_1669, %scan3A_1277 : i32
        %swap3A = arith.index_cast %add3A_1670 : i32 to index
        %swap3A_1671 = arith.constant 0 : index
        %swap3A_1672 = tpu.vector_load %arg14[%swap3A, %swap3A_1671] {strides = array<i32>} : memref<129x64xf32, #tpu.memory_space<vmem>>, vector<1x16xf32>,
        %swap3A_1673 = vector.shape_cast %swap3A_1672 : vector<1x16xf32> to vector<16xf32>
        %swap3A_1674 = vector.shape_cast %add3A_1638 : vector<16xf32> to vector<1x16xf32>
        tpu.vector_store %arg14[%swap3A, %swap3A_1671], %swap3A_1674 {strides = array<i32>} : memref<129x64xf32, #tpu.memory_space<vmem>>, vector<1x16xf32>,
        %add3A_1675 = arith.constant 65 : i32
        %add3A_1676 = arith.addi %add3A_1675, %scan3A_1277 : i32
        %swap3A_1677 = arith.index_cast %add3A_1676 : i32 to index
        %swap3A_1678 = arith.constant 16 : index
        %swap3A_1679 = tpu.vector_load %arg14[%swap3A_1677, %swap3A_1678] {strides = array<i32>} : memref<129x64xf32, #tpu.memory_space<vmem>>, vector<1x16xf32>,
        %swap3A_1680 = vector.shape_cast %swap3A_1679 : vector<1x16xf32> to vector<16xf32>
        %swap3A_1681 = vector.shape_cast %add3A_1648 : vector<16xf32> to vector<1x16xf32>
        tpu.vector_store %arg14[%swap3A_1677, %swap3A_1678], %swap3A_1681 {strides = array<i32>} : memref<129x64xf32, #tpu.memory_space<vmem>>, vector<1x16xf32>,
        %add3A_1682 = arith.constant 65 : i32
        %add3A_1683 = arith.addi %add3A_1682, %scan3A_1277 : i32
        %swap3A_1684 = arith.index_cast %add3A_1683 : i32 to index
        %swap3A_1685 = arith.constant 32 : index
        %swap3A_1686 = tpu.vector_load %arg14[%swap3A_1684, %swap3A_1685] {strides = array<i32>} : memref<129x64xf32, #tpu.memory_space<vmem>>, vector<1x16xf32>,
        %swap3A_1687 = vector.shape_cast %swap3A_1686 : vector<1x16xf32> to vector<16xf32>
        %swap3A_1688 = vector.shape_cast %add3A_1658 : vector<16xf32> to vector<1x16xf32>
        tpu.vector_store %arg14[%swap3A_1684, %swap3A_1685], %swap3A_1688 {strides = array<i32>} : memref<129x64xf32, #tpu.memory_space<vmem>>, vector<1x16xf32>,
        %add3A_1689 = arith.constant 65 : i32
        %add3A_1690 = arith.addi %add3A_1689, %scan3A_1277 : i32
        %swap3A_1691 = arith.index_cast %add3A_1690 : i32 to index
        %swap3A_1692 = arith.constant 48 : index
        %swap3A_1693 = tpu.vector_load %arg14[%swap3A_1691, %swap3A_1692] {strides = array<i32>} : memref<129x64xf32, #tpu.memory_space<vmem>>, vector<1x16xf32>,
        %swap3A_1694 = vector.shape_cast %swap3A_1693 : vector<1x16xf32> to vector<16xf32>
        %swap3A_1695 = vector.shape_cast %add3A_1668 : vector<16xf32> to vector<1x16xf32>
        tpu.vector_store %arg14[%swap3A_1691, %swap3A_1692], %swap3A_1695 {strides = array<i32>} : memref<129x64xf32, #tpu.memory_space<vmem>>, vector<1x16xf32>,
        %scan3A_1696 = arith.constant 1 : i32
        %scan3A_1697 = arith.addi %scan3A_1277, %scan3A_1696 : i32
        %add3A_1698 = arith.constant 0 : i32
        %add3A_1699 = arith.addi %add3A_1698, %scan3A_1697 : i32
        %get3A_1700 = arith.constant 1 : i32
        %get3A_1701 = arith.index_cast %get3A_1700 : i32 to index
        %get3A_1702 = arith.index_cast %add3A_1699 : i32 to index
        %get3A_1703 = arith.constant 0 : index
        %get3A_1704 = tpu.vector_load %arg12[%get3A_1701, %get3A_1702, %get3A_1703] {strides = array<i32>} : memref<2x576x64xf32, #tpu.memory_space<vmem>>, vector<1x1x16xf32>,
        %get3A_1705 = vector.shape_cast %get3A_1704 : vector<1x1x16xf32> to vector<16xf32>
        %add3A_1706 = arith.constant 64 : i32
        %add3A_1707 = arith.addi %add3A_1706, %scan3A_1697 : i32
        %get3A_1708 = arith.constant 1 : i32
        %get3A_1709 = arith.index_cast %get3A_1708 : i32 to index
        %get3A_1710 = arith.index_cast %add3A_1707 : i32 to index
        %get3A_1711 = arith.constant 0 : index
        %get3A_1712 = tpu.vector_load %arg12[%get3A_1709, %get3A_1710, %get3A_1711] {strides = array<i32>} : memref<2x576x64xf32, #tpu.memory_space<vmem>>, vector<1x1x16xf32>,
        %get3A_1713 = vector.shape_cast %get3A_1712 : vector<1x1x16xf32> to vector<16xf32>
        %add3A_1714 = arith.constant 128 : i32
        %add3A_1715 = arith.addi %add3A_1714, %scan3A_1697 : i32
        %get3A_1716 = arith.constant 1 : i32
        %get3A_1717 = arith.index_cast %get3A_1716 : i32 to index
        %get3A_1718 = arith.index_cast %add3A_1715 : i32 to index
        %get3A_1719 = arith.constant 0 : index
        %get3A_1720 = tpu.vector_load %arg12[%get3A_1717, %get3A_1718, %get3A_1719] {strides = array<i32>} : memref<2x576x64xf32, #tpu.memory_space<vmem>>, vector<1x1x16xf32>,
        %get3A_1721 = vector.shape_cast %get3A_1720 : vector<1x1x16xf32> to vector<16xf32>
        %add3A_1722 = arith.constant 192 : i32
        %add3A_1723 = arith.addi %add3A_1722, %scan3A_1697 : i32
        %get3A_1724 = arith.constant 1 : i32
        %get3A_1725 = arith.index_cast %get3A_1724 : i32 to index
        %get3A_1726 = arith.index_cast %add3A_1723 : i32 to index
        %get3A_1727 = arith.constant 0 : index
        %get3A_1728 = tpu.vector_load %arg12[%get3A_1725, %get3A_1726, %get3A_1727] {strides = array<i32>} : memref<2x576x64xf32, #tpu.memory_space<vmem>>, vector<1x1x16xf32>,
        %get3A_1729 = vector.shape_cast %get3A_1728 : vector<1x1x16xf32> to vector<16xf32>
        %add3A_1730 = arith.constant 256 : i32
        %add3A_1731 = arith.addi %add3A_1730, %scan3A_1697 : i32
        %get3A_1732 = arith.constant 1 : i32
        %get3A_1733 = arith.index_cast %get3A_1732 : i32 to index
        %get3A_1734 = arith.index_cast %add3A_1731 : i32 to index
        %get3A_1735 = arith.constant 0 : index
        %get3A_1736 = tpu.vector_load %arg12[%get3A_1733, %get3A_1734, %get3A_1735] {strides = array<i32>} : memref<2x576x64xf32, #tpu.memory_space<vmem>>, vector<1x1x16xf32>,
        %get3A_1737 = vector.shape_cast %get3A_1736 : vector<1x1x16xf32> to vector<16xf32>
        %add3A_1738 = arith.constant 320 : i32
        %add3A_1739 = arith.addi %add3A_1738, %scan3A_1697 : i32
        %get3A_1740 = arith.constant 1 : i32
        %get3A_1741 = arith.index_cast %get3A_1740 : i32 to index
        %get3A_1742 = arith.index_cast %add3A_1739 : i32 to index
        %get3A_1743 = arith.constant 0 : index
        %get3A_1744 = tpu.vector_load %arg12[%get3A_1741, %get3A_1742, %get3A_1743] {strides = array<i32>} : memref<2x576x64xf32, #tpu.memory_space<vmem>>, vector<1x1x16xf32>,
        %get3A_1745 = vector.shape_cast %get3A_1744 : vector<1x1x16xf32> to vector<16xf32>
        %add3A_1746 = arith.constant 384 : i32
        %add3A_1747 = arith.addi %add3A_1746, %scan3A_1697 : i32
        %get3A_1748 = arith.constant 1 : i32
        %get3A_1749 = arith.index_cast %get3A_1748 : i32 to index
        %get3A_1750 = arith.index_cast %add3A_1747 : i32 to index
        %get3A_1751 = arith.constant 0 : index
        %get3A_1752 = tpu.vector_load %arg12[%get3A_1749, %get3A_1750, %get3A_1751] {strides = array<i32>} : memref<2x576x64xf32, #tpu.memory_space<vmem>>, vector<1x1x16xf32>,
        %get3A_1753 = vector.shape_cast %get3A_1752 : vector<1x1x16xf32> to vector<16xf32>
        %add3A_1754 = arith.constant 448 : i32
        %add3A_1755 = arith.addi %add3A_1754, %scan3A_1697 : i32
        %get3A_1756 = arith.constant 1 : i32
        %get3A_1757 = arith.index_cast %get3A_1756 : i32 to index
        %get3A_1758 = arith.index_cast %add3A_1755 : i32 to index
        %get3A_1759 = arith.constant 0 : index
        %get3A_1760 = tpu.vector_load %arg12[%get3A_1757, %get3A_1758, %get3A_1759] {strides = array<i32>} : memref<2x576x64xf32, #tpu.memory_space<vmem>>, vector<1x1x16xf32>,
        %get3A_1761 = vector.shape_cast %get3A_1760 : vector<1x1x16xf32> to vector<16xf32>
        %add3A_1762 = arith.constant 512 : i32
        %add3A_1763 = arith.addi %add3A_1762, %scan3A_1697 : i32
        %get3A_1764 = arith.constant 1 : i32
        %get3A_1765 = arith.index_cast %get3A_1764 : i32 to index
        %get3A_1766 = arith.index_cast %add3A_1763 : i32 to index
        %get3A_1767 = arith.constant 0 : index
        %get3A_1768 = tpu.vector_load %arg12[%get3A_1765, %get3A_1766, %get3A_1767] {strides = array<i32>} : memref<2x576x64xf32, #tpu.memory_space<vmem>>, vector<1x1x16xf32>,
        %get3A_1769 = vector.shape_cast %get3A_1768 : vector<1x1x16xf32> to vector<16xf32>
        %get3A_1770 = arith.constant 1 : i32
        %get3A_1771 = arith.constant 0 : i32
        %get3A_1772 = arith.index_cast %get3A_1770 : i32 to index
        %get3A_1773 = arith.index_cast %get3A_1771 : i32 to index
        %get3A_1774 = arith.index_cast %scan3A_1697 : i32 to index
        %get3A_1775 = arith.constant 0 : index
        %get3A_1776 = tpu.vector_load %arg13[%get3A_1772, %get3A_1773, %get3A_1774, %get3A_1775] {strides = array<i32>} : memref<2x2x64x64xf32, #tpu.memory_space<vmem>>, vector<1x1x1x16xf32>,
        %get3A_1777 = vector.shape_cast %get3A_1776 : vector<1x1x1x16xf32> to vector<16xf32>
        %get3A_1778 = arith.constant 1 : i32
        %get3A_1779 = arith.constant 1 : i32
        %get3A_1780 = arith.index_cast %get3A_1778 : i32 to index
        %get3A_1781 = arith.index_cast %get3A_1779 : i32 to index
        %get3A_1782 = arith.index_cast %scan3A_1697 : i32 to index
        %get3A_1783 = arith.constant 0 : index
        %get3A_1784 = tpu.vector_load %arg13[%get3A_1780, %get3A_1781, %get3A_1782, %get3A_1783] {strides = array<i32>} : memref<2x2x64x64xf32, #tpu.memory_space<vmem>>, vector<1x1x1x16xf32>,
        %get3A_1785 = vector.shape_cast %get3A_1784 : vector<1x1x1x16xf32> to vector<16xf32>
        %add3A_1786 = arith.constant 0 : i32
        %add3A_1787 = arith.addi %add3A_1786, %scan3A_1697 : i32
        %get3A_1788 = arith.constant 1 : i32
        %get3A_1789 = arith.index_cast %get3A_1788 : i32 to index
        %get3A_1790 = arith.index_cast %add3A_1787 : i32 to index
        %get3A_1791 = arith.constant 16 : index
        %get3A_1792 = tpu.vector_load %arg12[%get3A_1789, %get3A_1790, %get3A_1791] {strides = array<i32>} : memref<2x576x64xf32, #tpu.memory_space<vmem>>, vector<1x1x16xf32>,
        %get3A_1793 = vector.shape_cast %get3A_1792 : vector<1x1x16xf32> to vector<16xf32>
        %add3A_1794 = arith.constant 64 : i32
        %add3A_1795 = arith.addi %add3A_1794, %scan3A_1697 : i32
        %get3A_1796 = arith.constant 1 : i32
        %get3A_1797 = arith.index_cast %get3A_1796 : i32 to index
        %get3A_1798 = arith.index_cast %add3A_1795 : i32 to index
        %get3A_1799 = arith.constant 16 : index
        %get3A_1800 = tpu.vector_load %arg12[%get3A_1797, %get3A_1798, %get3A_1799] {strides = array<i32>} : memref<2x576x64xf32, #tpu.memory_space<vmem>>, vector<1x1x16xf32>,
        %get3A_1801 = vector.shape_cast %get3A_1800 : vector<1x1x16xf32> to vector<16xf32>
        %add3A_1802 = arith.constant 128 : i32
        %add3A_1803 = arith.addi %add3A_1802, %scan3A_1697 : i32
        %get3A_1804 = arith.constant 1 : i32
        %get3A_1805 = arith.index_cast %get3A_1804 : i32 to index
        %get3A_1806 = arith.index_cast %add3A_1803 : i32 to index
        %get3A_1807 = arith.constant 16 : index
        %get3A_1808 = tpu.vector_load %arg12[%get3A_1805, %get3A_1806, %get3A_1807] {strides = array<i32>} : memref<2x576x64xf32, #tpu.memory_space<vmem>>, vector<1x1x16xf32>,
        %get3A_1809 = vector.shape_cast %get3A_1808 : vector<1x1x16xf32> to vector<16xf32>
        %add3A_1810 = arith.constant 192 : i32
        %add3A_1811 = arith.addi %add3A_1810, %scan3A_1697 : i32
        %get3A_1812 = arith.constant 1 : i32
        %get3A_1813 = arith.index_cast %get3A_1812 : i32 to index
        %get3A_1814 = arith.index_cast %add3A_1811 : i32 to index
        %get3A_1815 = arith.constant 16 : index
        %get3A_1816 = tpu.vector_load %arg12[%get3A_1813, %get3A_1814, %get3A_1815] {strides = array<i32>} : memref<2x576x64xf32, #tpu.memory_space<vmem>>, vector<1x1x16xf32>,
        %get3A_1817 = vector.shape_cast %get3A_1816 : vector<1x1x16xf32> to vector<16xf32>
        %add3A_1818 = arith.constant 256 : i32
        %add3A_1819 = arith.addi %add3A_1818, %scan3A_1697 : i32
        %get3A_1820 = arith.constant 1 : i32
        %get3A_1821 = arith.index_cast %get3A_1820 : i32 to index
        %get3A_1822 = arith.index_cast %add3A_1819 : i32 to index
        %get3A_1823 = arith.constant 16 : index
        %get3A_1824 = tpu.vector_load %arg12[%get3A_1821, %get3A_1822, %get3A_1823] {strides = array<i32>} : memref<2x576x64xf32, #tpu.memory_space<vmem>>, vector<1x1x16xf32>,
        %get3A_1825 = vector.shape_cast %get3A_1824 : vector<1x1x16xf32> to vector<16xf32>
        %add3A_1826 = arith.constant 320 : i32
        %add3A_1827 = arith.addi %add3A_1826, %scan3A_1697 : i32
        %get3A_1828 = arith.constant 1 : i32
        %get3A_1829 = arith.index_cast %get3A_1828 : i32 to index
        %get3A_1830 = arith.index_cast %add3A_1827 : i32 to index
        %get3A_1831 = arith.constant 16 : index
        %get3A_1832 = tpu.vector_load %arg12[%get3A_1829, %get3A_1830, %get3A_1831] {strides = array<i32>} : memref<2x576x64xf32, #tpu.memory_space<vmem>>, vector<1x1x16xf32>,
        %get3A_1833 = vector.shape_cast %get3A_1832 : vector<1x1x16xf32> to vector<16xf32>
        %add3A_1834 = arith.constant 384 : i32
        %add3A_1835 = arith.addi %add3A_1834, %scan3A_1697 : i32
        %get3A_1836 = arith.constant 1 : i32
        %get3A_1837 = arith.index_cast %get3A_1836 : i32 to index
        %get3A_1838 = arith.index_cast %add3A_1835 : i32 to index
        %get3A_1839 = arith.constant 16 : index
        %get3A_1840 = tpu.vector_load %arg12[%get3A_1837, %get3A_1838, %get3A_1839] {strides = array<i32>} : memref<2x576x64xf32, #tpu.memory_space<vmem>>, vector<1x1x16xf32>,
        %get3A_1841 = vector.shape_cast %get3A_1840 : vector<1x1x16xf32> to vector<16xf32>
        %add3A_1842 = arith.constant 448 : i32
        %add3A_1843 = arith.addi %add3A_1842, %scan3A_1697 : i32
        %get3A_1844 = arith.constant 1 : i32
        %get3A_1845 = arith.index_cast %get3A_1844 : i32 to index
        %get3A_1846 = arith.index_cast %add3A_1843 : i32 to index
        %get3A_1847 = arith.constant 16 : index
        %get3A_1848 = tpu.vector_load %arg12[%get3A_1845, %get3A_1846, %get3A_1847] {strides = array<i32>} : memref<2x576x64xf32, #tpu.memory_space<vmem>>, vector<1x1x16xf32>,
        %get3A_1849 = vector.shape_cast %get3A_1848 : vector<1x1x16xf32> to vector<16xf32>
        %add3A_1850 = arith.constant 512 : i32
        %add3A_1851 = arith.addi %add3A_1850, %scan3A_1697 : i32
        %get3A_1852 = arith.constant 1 : i32
        %get3A_1853 = arith.index_cast %get3A_1852 : i32 to index
        %get3A_1854 = arith.index_cast %add3A_1851 : i32 to index
        %get3A_1855 = arith.constant 16 : index
        %get3A_1856 = tpu.vector_load %arg12[%get3A_1853, %get3A_1854, %get3A_1855] {strides = array<i32>} : memref<2x576x64xf32, #tpu.memory_space<vmem>>, vector<1x1x16xf32>,
        %get3A_1857 = vector.shape_cast %get3A_1856 : vector<1x1x16xf32> to vector<16xf32>
        %get3A_1858 = arith.constant 1 : i32
        %get3A_1859 = arith.constant 0 : i32
        %get3A_1860 = arith.index_cast %get3A_1858 : i32 to index
        %get3A_1861 = arith.index_cast %get3A_1859 : i32 to index
        %get3A_1862 = arith.index_cast %scan3A_1697 : i32 to index
        %get3A_1863 = arith.constant 16 : index
        %get3A_1864 = tpu.vector_load %arg13[%get3A_1860, %get3A_1861, %get3A_1862, %get3A_1863] {strides = array<i32>} : memref<2x2x64x64xf32, #tpu.memory_space<vmem>>, vector<1x1x1x16xf32>,
        %get3A_1865 = vector.shape_cast %get3A_1864 : vector<1x1x1x16xf32> to vector<16xf32>
        %get3A_1866 = arith.constant 1 : i32
        %get3A_1867 = arith.constant 1 : i32
        %get3A_1868 = arith.index_cast %get3A_1866 : i32 to index
        %get3A_1869 = arith.index_cast %get3A_1867 : i32 to index
        %get3A_1870 = arith.index_cast %scan3A_1697 : i32 to index
        %get3A_1871 = arith.constant 16 : index
        %get3A_1872 = tpu.vector_load %arg13[%get3A_1868, %get3A_1869, %get3A_1870, %get3A_1871] {strides = array<i32>} : memref<2x2x64x64xf32, #tpu.memory_space<vmem>>, vector<1x1x1x16xf32>,
        %get3A_1873 = vector.shape_cast %get3A_1872 : vector<1x1x1x16xf32> to vector<16xf32>
        %add3A_1874 = arith.constant 0 : i32
        %add3A_1875 = arith.addi %add3A_1874, %scan3A_1697 : i32
        %get3A_1876 = arith.constant 1 : i32
        %get3A_1877 = arith.index_cast %get3A_1876 : i32 to index
        %get3A_1878 = arith.index_cast %add3A_1875 : i32 to index
        %get3A_1879 = arith.constant 32 : index
        %get3A_1880 = tpu.vector_load %arg12[%get3A_1877, %get3A_1878, %get3A_1879] {strides = array<i32>} : memref<2x576x64xf32, #tpu.memory_space<vmem>>, vector<1x1x16xf32>,
        %get3A_1881 = vector.shape_cast %get3A_1880 : vector<1x1x16xf32> to vector<16xf32>
        %add3A_1882 = arith.constant 64 : i32
        %add3A_1883 = arith.addi %add3A_1882, %scan3A_1697 : i32
        %get3A_1884 = arith.constant 1 : i32
        %get3A_1885 = arith.index_cast %get3A_1884 : i32 to index
        %get3A_1886 = arith.index_cast %add3A_1883 : i32 to index
        %get3A_1887 = arith.constant 32 : index
        %get3A_1888 = tpu.vector_load %arg12[%get3A_1885, %get3A_1886, %get3A_1887] {strides = array<i32>} : memref<2x576x64xf32, #tpu.memory_space<vmem>>, vector<1x1x16xf32>,
        %get3A_1889 = vector.shape_cast %get3A_1888 : vector<1x1x16xf32> to vector<16xf32>
        %add3A_1890 = arith.constant 128 : i32
        %add3A_1891 = arith.addi %add3A_1890, %scan3A_1697 : i32
        %get3A_1892 = arith.constant 1 : i32
        %get3A_1893 = arith.index_cast %get3A_1892 : i32 to index
        %get3A_1894 = arith.index_cast %add3A_1891 : i32 to index
        %get3A_1895 = arith.constant 32 : index
        %get3A_1896 = tpu.vector_load %arg12[%get3A_1893, %get3A_1894, %get3A_1895] {strides = array<i32>} : memref<2x576x64xf32, #tpu.memory_space<vmem>>, vector<1x1x16xf32>,
        %get3A_1897 = vector.shape_cast %get3A_1896 : vector<1x1x16xf32> to vector<16xf32>
        %add3A_1898 = arith.constant 192 : i32
        %add3A_1899 = arith.addi %add3A_1898, %scan3A_1697 : i32
        %get3A_1900 = arith.constant 1 : i32
        %get3A_1901 = arith.index_cast %get3A_1900 : i32 to index
        %get3A_1902 = arith.index_cast %add3A_1899 : i32 to index
        %get3A_1903 = arith.constant 32 : index
        %get3A_1904 = tpu.vector_load %arg12[%get3A_1901, %get3A_1902, %get3A_1903] {strides = array<i32>} : memref<2x576x64xf32, #tpu.memory_space<vmem>>, vector<1x1x16xf32>,
        %get3A_1905 = vector.shape_cast %get3A_1904 : vector<1x1x16xf32> to vector<16xf32>
        %add3A_1906 = arith.constant 256 : i32
        %add3A_1907 = arith.addi %add3A_1906, %scan3A_1697 : i32
        %get3A_1908 = arith.constant 1 : i32
        %get3A_1909 = arith.index_cast %get3A_1908 : i32 to index
        %get3A_1910 = arith.index_cast %add3A_1907 : i32 to index
        %get3A_1911 = arith.constant 32 : index
        %get3A_1912 = tpu.vector_load %arg12[%get3A_1909, %get3A_1910, %get3A_1911] {strides = array<i32>} : memref<2x576x64xf32, #tpu.memory_space<vmem>>, vector<1x1x16xf32>,
        %get3A_1913 = vector.shape_cast %get3A_1912 : vector<1x1x16xf32> to vector<16xf32>
        %add3A_1914 = arith.constant 320 : i32
        %add3A_1915 = arith.addi %add3A_1914, %scan3A_1697 : i32
        %get3A_1916 = arith.constant 1 : i32
        %get3A_1917 = arith.index_cast %get3A_1916 : i32 to index
        %get3A_1918 = arith.index_cast %add3A_1915 : i32 to index
        %get3A_1919 = arith.constant 32 : index
        %get3A_1920 = tpu.vector_load %arg12[%get3A_1917, %get3A_1918, %get3A_1919] {strides = array<i32>} : memref<2x576x64xf32, #tpu.memory_space<vmem>>, vector<1x1x16xf32>,
        %get3A_1921 = vector.shape_cast %get3A_1920 : vector<1x1x16xf32> to vector<16xf32>
        %add3A_1922 = arith.constant 384 : i32
        %add3A_1923 = arith.addi %add3A_1922, %scan3A_1697 : i32
        %get3A_1924 = arith.constant 1 : i32
        %get3A_1925 = arith.index_cast %get3A_1924 : i32 to index
        %get3A_1926 = arith.index_cast %add3A_1923 : i32 to index
        %get3A_1927 = arith.constant 32 : index
        %get3A_1928 = tpu.vector_load %arg12[%get3A_1925, %get3A_1926, %get3A_1927] {strides = array<i32>} : memref<2x576x64xf32, #tpu.memory_space<vmem>>, vector<1x1x16xf32>,
        %get3A_1929 = vector.shape_cast %get3A_1928 : vector<1x1x16xf32> to vector<16xf32>
        %add3A_1930 = arith.constant 448 : i32
        %add3A_1931 = arith.addi %add3A_1930, %scan3A_1697 : i32
        %get3A_1932 = arith.constant 1 : i32
        %get3A_1933 = arith.index_cast %get3A_1932 : i32 to index
        %get3A_1934 = arith.index_cast %add3A_1931 : i32 to index
        %get3A_1935 = arith.constant 32 : index
        %get3A_1936 = tpu.vector_load %arg12[%get3A_1933, %get3A_1934, %get3A_1935] {strides = array<i32>} : memref<2x576x64xf32, #tpu.memory_space<vmem>>, vector<1x1x16xf32>,
        %get3A_1937 = vector.shape_cast %get3A_1936 : vector<1x1x16xf32> to vector<16xf32>
        %add3A_1938 = arith.constant 512 : i32
        %add3A_1939 = arith.addi %add3A_1938, %scan3A_1697 : i32
        %get3A_1940 = arith.constant 1 : i32
        %get3A_1941 = arith.index_cast %get3A_1940 : i32 to index
        %get3A_1942 = arith.index_cast %add3A_1939 : i32 to index
        %get3A_1943 = arith.constant 32 : index
        %get3A_1944 = tpu.vector_load %arg12[%get3A_1941, %get3A_1942, %get3A_1943] {strides = array<i32>} : memref<2x576x64xf32, #tpu.memory_space<vmem>>, vector<1x1x16xf32>,
        %get3A_1945 = vector.shape_cast %get3A_1944 : vector<1x1x16xf32> to vector<16xf32>
        %get3A_1946 = arith.constant 1 : i32
        %get3A_1947 = arith.constant 0 : i32
        %get3A_1948 = arith.index_cast %get3A_1946 : i32 to index
        %get3A_1949 = arith.index_cast %get3A_1947 : i32 to index
        %get3A_1950 = arith.index_cast %scan3A_1697 : i32 to index
        %get3A_1951 = arith.constant 32 : index
        %get3A_1952 = tpu.vector_load %arg13[%get3A_1948, %get3A_1949, %get3A_1950, %get3A_1951] {strides = array<i32>} : memref<2x2x64x64xf32, #tpu.memory_space<vmem>>, vector<1x1x1x16xf32>,
        %get3A_1953 = vector.shape_cast %get3A_1952 : vector<1x1x1x16xf32> to vector<16xf32>
        %get3A_1954 = arith.constant 1 : i32
        %get3A_1955 = arith.constant 1 : i32
        %get3A_1956 = arith.index_cast %get3A_1954 : i32 to index
        %get3A_1957 = arith.index_cast %get3A_1955 : i32 to index
        %get3A_1958 = arith.index_cast %scan3A_1697 : i32 to index
        %get3A_1959 = arith.constant 32 : index
        %get3A_1960 = tpu.vector_load %arg13[%get3A_1956, %get3A_1957, %get3A_1958, %get3A_1959] {strides = array<i32>} : memref<2x2x64x64xf32, #tpu.memory_space<vmem>>, vector<1x1x1x16xf32>,
        %get3A_1961 = vector.shape_cast %get3A_1960 : vector<1x1x1x16xf32> to vector<16xf32>
        %add3A_1962 = arith.constant 0 : i32
        %add3A_1963 = arith.addi %add3A_1962, %scan3A_1697 : i32
        %get3A_1964 = arith.constant 1 : i32
        %get3A_1965 = arith.index_cast %get3A_1964 : i32 to index
        %get3A_1966 = arith.index_cast %add3A_1963 : i32 to index
        %get3A_1967 = arith.constant 48 : index
        %get3A_1968 = tpu.vector_load %arg12[%get3A_1965, %get3A_1966, %get3A_1967] {strides = array<i32>} : memref<2x576x64xf32, #tpu.memory_space<vmem>>, vector<1x1x16xf32>,
        %get3A_1969 = vector.shape_cast %get3A_1968 : vector<1x1x16xf32> to vector<16xf32>
        %add3A_1970 = arith.constant 64 : i32
        %add3A_1971 = arith.addi %add3A_1970, %scan3A_1697 : i32
        %get3A_1972 = arith.constant 1 : i32
        %get3A_1973 = arith.index_cast %get3A_1972 : i32 to index
        %get3A_1974 = arith.index_cast %add3A_1971 : i32 to index
        %get3A_1975 = arith.constant 48 : index
        %get3A_1976 = tpu.vector_load %arg12[%get3A_1973, %get3A_1974, %get3A_1975] {strides = array<i32>} : memref<2x576x64xf32, #tpu.memory_space<vmem>>, vector<1x1x16xf32>,
        %get3A_1977 = vector.shape_cast %get3A_1976 : vector<1x1x16xf32> to vector<16xf32>
        %add3A_1978 = arith.constant 128 : i32
        %add3A_1979 = arith.addi %add3A_1978, %scan3A_1697 : i32
        %get3A_1980 = arith.constant 1 : i32
        %get3A_1981 = arith.index_cast %get3A_1980 : i32 to index
        %get3A_1982 = arith.index_cast %add3A_1979 : i32 to index
        %get3A_1983 = arith.constant 48 : index
        %get3A_1984 = tpu.vector_load %arg12[%get3A_1981, %get3A_1982, %get3A_1983] {strides = array<i32>} : memref<2x576x64xf32, #tpu.memory_space<vmem>>, vector<1x1x16xf32>,
        %get3A_1985 = vector.shape_cast %get3A_1984 : vector<1x1x16xf32> to vector<16xf32>
        %add3A_1986 = arith.constant 192 : i32
        %add3A_1987 = arith.addi %add3A_1986, %scan3A_1697 : i32
        %get3A_1988 = arith.constant 1 : i32
        %get3A_1989 = arith.index_cast %get3A_1988 : i32 to index
        %get3A_1990 = arith.index_cast %add3A_1987 : i32 to index
        %get3A_1991 = arith.constant 48 : index
        %get3A_1992 = tpu.vector_load %arg12[%get3A_1989, %get3A_1990, %get3A_1991] {strides = array<i32>} : memref<2x576x64xf32, #tpu.memory_space<vmem>>, vector<1x1x16xf32>,
        %get3A_1993 = vector.shape_cast %get3A_1992 : vector<1x1x16xf32> to vector<16xf32>
        %add3A_1994 = arith.constant 256 : i32
        %add3A_1995 = arith.addi %add3A_1994, %scan3A_1697 : i32
        %get3A_1996 = arith.constant 1 : i32
        %get3A_1997 = arith.index_cast %get3A_1996 : i32 to index
        %get3A_1998 = arith.index_cast %add3A_1995 : i32 to index
        %get3A_1999 = arith.constant 48 : index
        %get3A_2000 = tpu.vector_load %arg12[%get3A_1997, %get3A_1998, %get3A_1999] {strides = array<i32>} : memref<2x576x64xf32, #tpu.memory_space<vmem>>, vector<1x1x16xf32>,
        %get3A_2001 = vector.shape_cast %get3A_2000 : vector<1x1x16xf32> to vector<16xf32>
        %add3A_2002 = arith.constant 320 : i32
        %add3A_2003 = arith.addi %add3A_2002, %scan3A_1697 : i32
        %get3A_2004 = arith.constant 1 : i32
        %get3A_2005 = arith.index_cast %get3A_2004 : i32 to index
        %get3A_2006 = arith.index_cast %add3A_2003 : i32 to index
        %get3A_2007 = arith.constant 48 : index
        %get3A_2008 = tpu.vector_load %arg12[%get3A_2005, %get3A_2006, %get3A_2007] {strides = array<i32>} : memref<2x576x64xf32, #tpu.memory_space<vmem>>, vector<1x1x16xf32>,
        %get3A_2009 = vector.shape_cast %get3A_2008 : vector<1x1x16xf32> to vector<16xf32>
        %add3A_2010 = arith.constant 384 : i32
        %add3A_2011 = arith.addi %add3A_2010, %scan3A_1697 : i32
        %get3A_2012 = arith.constant 1 : i32
        %get3A_2013 = arith.index_cast %get3A_2012 : i32 to index
        %get3A_2014 = arith.index_cast %add3A_2011 : i32 to index
        %get3A_2015 = arith.constant 48 : index
        %get3A_2016 = tpu.vector_load %arg12[%get3A_2013, %get3A_2014, %get3A_2015] {strides = array<i32>} : memref<2x576x64xf32, #tpu.memory_space<vmem>>, vector<1x1x16xf32>,
        %get3A_2017 = vector.shape_cast %get3A_2016 : vector<1x1x16xf32> to vector<16xf32>
        %add3A_2018 = arith.constant 448 : i32
        %add3A_2019 = arith.addi %add3A_2018, %scan3A_1697 : i32
        %get3A_2020 = arith.constant 1 : i32
        %get3A_2021 = arith.index_cast %get3A_2020 : i32 to index
        %get3A_2022 = arith.index_cast %add3A_2019 : i32 to index
        %get3A_2023 = arith.constant 48 : index
        %get3A_2024 = tpu.vector_load %arg12[%get3A_2021, %get3A_2022, %get3A_2023] {strides = array<i32>} : memref<2x576x64xf32, #tpu.memory_space<vmem>>, vector<1x1x16xf32>,
        %get3A_2025 = vector.shape_cast %get3A_2024 : vector<1x1x16xf32> to vector<16xf32>
        %add3A_2026 = arith.constant 512 : i32
        %add3A_2027 = arith.addi %add3A_2026, %scan3A_1697 : i32
        %get3A_2028 = arith.constant 1 : i32
        %get3A_2029 = arith.index_cast %get3A_2028 : i32 to index
        %get3A_2030 = arith.index_cast %add3A_2027 : i32 to index
        %get3A_2031 = arith.constant 48 : index
        %get3A_2032 = tpu.vector_load %arg12[%get3A_2029, %get3A_2030, %get3A_2031] {strides = array<i32>} : memref<2x576x64xf32, #tpu.memory_space<vmem>>, vector<1x1x16xf32>,
        %get3A_2033 = vector.shape_cast %get3A_2032 : vector<1x1x16xf32> to vector<16xf32>
        %get3A_2034 = arith.constant 1 : i32
        %get3A_2035 = arith.constant 0 : i32
        %get3A_2036 = arith.index_cast %get3A_2034 : i32 to index
        %get3A_2037 = arith.index_cast %get3A_2035 : i32 to index
        %get3A_2038 = arith.index_cast %scan3A_1697 : i32 to index
        %get3A_2039 = arith.constant 48 : index
        %get3A_2040 = tpu.vector_load %arg13[%get3A_2036, %get3A_2037, %get3A_2038, %get3A_2039] {strides = array<i32>} : memref<2x2x64x64xf32, #tpu.memory_space<vmem>>, vector<1x1x1x16xf32>,
        %get3A_2041 = vector.shape_cast %get3A_2040 : vector<1x1x1x16xf32> to vector<16xf32>
        %get3A_2042 = arith.constant 1 : i32
        %get3A_2043 = arith.constant 1 : i32
        %get3A_2044 = arith.index_cast %get3A_2042 : i32 to index
        %get3A_2045 = arith.index_cast %get3A_2043 : i32 to index
        %get3A_2046 = arith.index_cast %scan3A_1697 : i32 to index
        %get3A_2047 = arith.constant 48 : index
        %get3A_2048 = tpu.vector_load %arg13[%get3A_2044, %get3A_2045, %get3A_2046, %get3A_2047] {strides = array<i32>} : memref<2x2x64x64xf32, #tpu.memory_space<vmem>>, vector<1x1x1x16xf32>,
        %get3A_2049 = vector.shape_cast %get3A_2048 : vector<1x1x1x16xf32> to vector<16xf32>
        %add3A_2050 = arith.addf %get3A_1705, %get3A_1713 : vector<16xf32>
        %add3A_2051 = arith.addf %get3A_1721, %get3A_1729 : vector<16xf32>
        %add3A_2052 = arith.addf %get3A_1737, %get3A_1745 : vector<16xf32>
        %add3A_2053 = arith.addf %get3A_1753, %get3A_1761 : vector<16xf32>
        %add3A_2054 = arith.addf %get3A_1769, %get3A_1777 : vector<16xf32>
        %add3A_2055 = arith.addf %add3A_2050, %add3A_2051 : vector<16xf32>
        %add3A_2056 = arith.addf %add3A_2052, %add3A_2053 : vector<16xf32>
        %add3A_2057 = arith.addf %add3A_2054, %get3A_1785 : vector<16xf32>
        %add3A_2058 = arith.addf %add3A_2055, %add3A_2056 : vector<16xf32>
        %add3A_2059 = arith.addf %add3A_2058, %add3A_2057 : vector<16xf32>
        %add3A_2060 = arith.addf %get3A_1793, %get3A_1801 : vector<16xf32>
        %add3A_2061 = arith.addf %get3A_1809, %get3A_1817 : vector<16xf32>
        %add3A_2062 = arith.addf %get3A_1825, %get3A_1833 : vector<16xf32>
        %add3A_2063 = arith.addf %get3A_1841, %get3A_1849 : vector<16xf32>
        %add3A_2064 = arith.addf %get3A_1857, %get3A_1865 : vector<16xf32>
        %add3A_2065 = arith.addf %add3A_2060, %add3A_2061 : vector<16xf32>
        %add3A_2066 = arith.addf %add3A_2062, %add3A_2063 : vector<16xf32>
        %add3A_2067 = arith.addf %add3A_2064, %get3A_1873 : vector<16xf32>
        %add3A_2068 = arith.addf %add3A_2065, %add3A_2066 : vector<16xf32>
        %add3A_2069 = arith.addf %add3A_2068, %add3A_2067 : vector<16xf32>
        %add3A_2070 = arith.addf %get3A_1881, %get3A_1889 : vector<16xf32>
        %add3A_2071 = arith.addf %get3A_1897, %get3A_1905 : vector<16xf32>
        %add3A_2072 = arith.addf %get3A_1913, %get3A_1921 : vector<16xf32>
        %add3A_2073 = arith.addf %get3A_1929, %get3A_1937 : vector<16xf32>
        %add3A_2074 = arith.addf %get3A_1945, %get3A_1953 : vector<16xf32>
        %add3A_2075 = arith.addf %add3A_2070, %add3A_2071 : vector<16xf32>
        %add3A_2076 = arith.addf %add3A_2072, %add3A_2073 : vector<16xf32>
        %add3A_2077 = arith.addf %add3A_2074, %get3A_1961 : vector<16xf32>
        %add3A_2078 = arith.addf %add3A_2075, %add3A_2076 : vector<16xf32>
        %add3A_2079 = arith.addf %add3A_2078, %add3A_2077 : vector<16xf32>
        %add3A_2080 = arith.addf %get3A_1969, %get3A_1977 : vector<16xf32>
        %add3A_2081 = arith.addf %get3A_1985, %get3A_1993 : vector<16xf32>
        %add3A_2082 = arith.addf %get3A_2001, %get3A_2009 : vector<16xf32>
        %add3A_2083 = arith.addf %get3A_2017, %get3A_2025 : vector<16xf32>
        %add3A_2084 = arith.addf %get3A_2033, %get3A_2041 : vector<16xf32>
        %add3A_2085 = arith.addf %add3A_2080, %add3A_2081 : vector<16xf32>
        %add3A_2086 = arith.addf %add3A_2082, %add3A_2083 : vector<16xf32>
        %add3A_2087 = arith.addf %add3A_2084, %get3A_2049 : vector<16xf32>
        %add3A_2088 = arith.addf %add3A_2085, %add3A_2086 : vector<16xf32>
        %add3A_2089 = arith.addf %add3A_2088, %add3A_2087 : vector<16xf32>
        %add3A_2090 = arith.constant 65 : i32
        %add3A_2091 = arith.addi %add3A_2090, %scan3A_1697 : i32
        %swap3A_2092 = arith.index_cast %add3A_2091 : i32 to index
        %swap3A_2093 = arith.constant 0 : index
        %swap3A_2094 = tpu.vector_load %arg14[%swap3A_2092, %swap3A_2093] {strides = array<i32>} : memref<129x64xf32, #tpu.memory_space<vmem>>, vector<1x16xf32>,
        %swap3A_2095 = vector.shape_cast %swap3A_2094 : vector<1x16xf32> to vector<16xf32>
        %swap3A_2096 = vector.shape_cast %add3A_2059 : vector<16xf32> to vector<1x16xf32>
        tpu.vector_store %arg14[%swap3A_2092, %swap3A_2093], %swap3A_2096 {strides = array<i32>} : memref<129x64xf32, #tpu.memory_space<vmem>>, vector<1x16xf32>,
        %add3A_2097 = arith.constant 65 : i32
        %add3A_2098 = arith.addi %add3A_2097, %scan3A_1697 : i32
        %swap3A_2099 = arith.index_cast %add3A_2098 : i32 to index
        %swap3A_2100 = arith.constant 16 : index
        %swap3A_2101 = tpu.vector_load %arg14[%swap3A_2099, %swap3A_2100] {strides = array<i32>} : memref<129x64xf32, #tpu.memory_space<vmem>>, vector<1x16xf32>,
        %swap3A_2102 = vector.shape_cast %swap3A_2101 : vector<1x16xf32> to vector<16xf32>
        %swap3A_2103 = vector.shape_cast %add3A_2069 : vector<16xf32> to vector<1x16xf32>
        tpu.vector_store %arg14[%swap3A_2099, %swap3A_2100], %swap3A_2103 {strides = array<i32>} : memref<129x64xf32, #tpu.memory_space<vmem>>, vector<1x16xf32>,
        %add3A_2104 = arith.constant 65 : i32
        %add3A_2105 = arith.addi %add3A_2104, %scan3A_1697 : i32
        %swap3A_2106 = arith.index_cast %add3A_2105 : i32 to index
        %swap3A_2107 = arith.constant 32 : index
        %swap3A_2108 = tpu.vector_load %arg14[%swap3A_2106, %swap3A_2107] {strides = array<i32>} : memref<129x64xf32, #tpu.memory_space<vmem>>, vector<1x16xf32>,
        %swap3A_2109 = vector.shape_cast %swap3A_2108 : vector<1x16xf32> to vector<16xf32>
        %swap3A_2110 = vector.shape_cast %add3A_2079 : vector<16xf32> to vector<1x16xf32>
        tpu.vector_store %arg14[%swap3A_2106, %swap3A_2107], %swap3A_2110 {strides = array<i32>} : memref<129x64xf32, #tpu.memory_space<vmem>>, vector<1x16xf32>,
        %add3A_2111 = arith.constant 65 : i32
        %add3A_2112 = arith.addi %add3A_2111, %scan3A_1697 : i32
        %swap3A_2113 = arith.index_cast %add3A_2112 : i32 to index
        %swap3A_2114 = arith.constant 48 : index
        %swap3A_2115 = tpu.vector_load %arg14[%swap3A_2113, %swap3A_2114] {strides = array<i32>} : memref<129x64xf32, #tpu.memory_space<vmem>>, vector<1x16xf32>,
        %swap3A_2116 = vector.shape_cast %swap3A_2115 : vector<1x16xf32> to vector<16xf32>
        %swap3A_2117 = vector.shape_cast %add3A_2089 : vector<16xf32> to vector<1x16xf32>
        tpu.vector_store %arg14[%swap3A_2113, %swap3A_2114], %swap3A_2117 {strides = array<i32>} : memref<129x64xf32, #tpu.memory_space<vmem>>, vector<1x16xf32>,
      }
      %scan3A_1268 = arith.constant 64 : i32
      %dma_start3A_1269 = arith.constant 0 : i32
      %dma_start3A_1270 = arith.constant 0 : i32
      %dma_start3A_1271 = tpu.memref_slice %arg9[%add3A_489, %dma_start3A_1269, %dma_start3A_1270] : memref<1024x129x64xf32, #tpu.memory_space<hbm>> -> memref<1x129x64xf32, #tpu.memory_space<hbm>>
      %dma_start3A_1272 = tpu.memref_squeeze %dma_start3A_1271 : memref<1x129x64xf32, #tpu.memory_space<hbm>> -> memref<129x64xf32, #tpu.memory_space<hbm>>
      %dma_start3A_1273 = arith.constant 0 : i32
      %dma_start3A_1274 = arith.constant 0 : i32
      %dma_start3A_1275 = tpu.memref_slice %arg9[%add3A_489, %dma_start3A_1273, %dma_start3A_1274] : memref<1024x129x64xf32, #tpu.memory_space<hbm>> -> memref<1x129x64xf32, #tpu.memory_space<hbm>>
      %dma_start3A_1276 = tpu.memref_squeeze %dma_start3A_1275 : memref<1x129x64xf32, #tpu.memory_space<hbm>> -> memref<129x64xf32, #tpu.memory_space<hbm>>
      tpu.enqueue_dma source(%arg14 : memref<129x64xf32, #tpu.memory_space<vmem>>) target(%dma_start3A_1276 : memref<129x64xf32, #tpu.memory_space<hbm>>) target_semaphore(%arg17 : memref<!tpu.dma_semaphore, #tpu.memory_space<semaphore_mem>>)
    }
    %scan3A_476 = arith.constant 32 : i32
    %add3A_477 = arith.constant 32 : i32
    %add3A_478 = arith.addi %mul3A_2, %add3A_477 : i32
    %sub3A = arith.constant 1 : i32
    %sub3A_479 = arith.subi %add3A_478, %sub3A : i32
    %dma_wait3A_480 = arith.constant 0 : i32
    %dma_wait3A_481 = arith.constant 0 : i32
    %dma_wait3A_482 = tpu.memref_slice %arg9[%sub3A_479, %dma_wait3A_480, %dma_wait3A_481] : memref<1024x129x64xf32, #tpu.memory_space<hbm>> -> memref<1x129x64xf32, #tpu.memory_space<hbm>>
    %dma_wait3A_483 = tpu.memref_squeeze %dma_wait3A_482 : memref<1x129x64xf32, #tpu.memory_space<hbm>> -> memref<129x64xf32, #tpu.memory_space<hbm>>
    %dma_wait3A_484 = arith.constant 0 : i32
    %dma_wait3A_485 = arith.constant 0 : i32
    %dma_wait3A_486 = tpu.memref_slice %arg9[%sub3A_479, %dma_wait3A_484, %dma_wait3A_485] : memref<1024x129x64xf32, #tpu.memory_space<hbm>> -> memref<1x129x64xf32, #tpu.memory_space<hbm>>
    %dma_wait3A_487 = tpu.memref_squeeze %dma_wait3A_486 : memref<1x129x64xf32, #tpu.memory_space<hbm>> -> memref<129x64xf32, #tpu.memory_space<hbm>>
    tpu.wait_dma2 semaphore(%arg17 : memref<!tpu.dma_semaphore, #tpu.memory_space<semaphore_mem>>) src(%arg14 : memref<129x64xf32, #tpu.memory_space<vmem>>) dst(%dma_wait3A_487 : memref<129x64xf32, #tpu.memory_space<hbm>>)
    return
  }
}

</mosaic_0001>

<sc_bundles>
// kernel: kernel.3.cloned.1.call-start
scs
__scs_entry_jumppad:
0x0: {  	(pc) =	sbr.rel $0x88, $3  }
0x1: {  	(tag) =	ssettag $0x0;
	lr =	simm.s32 $0x1  }
0x2: {  	[smem:$0x3F9A] =	sst lr;
	_ =	strace $0xD0000000  }
0x3: {  	_ = 	snop  }
0x4: {  	_ = 	snop  }
0x5: {  	_ = 	snop  }
0x6: {  	_ = 	snop  }
0x7: {  	_ = 	snop  }
__scs_overlays_trampoline_lowered:
0x8: {  	[smem:$0x3FA9] =	sst s0  }
0x9: {  	[smem:$0x3FAA] =	sst s1  }
0xa: {  	[smem:$0x3FAB] =	sst s2  }
0xb: {  	[smem:$0x3FAC] =	sst s3  }
0xc: {  	[smem:$0x3FAD] =	sst s4  }
0xd: {  	[smem:$0x3FAE] =	sst s5  }
0xe: {  	[smem:$0x3FAF] =	sst s6  }
0xf: {  	[smem:$0x3FB0] =	sst s7  }
0x10: {  	[smem:$0x3FB1] =	sst s8  }
0x11: {  	[smem:$0x3FB2] =	sst s9;
	s0 =	simm.s32 @!p0 $0x0  }
0x12: {  	s1 =	sld [smem:$0x3F98];
	s0 =	simm.s32 @p0 $0x1  }
0x13: {  	[smem:$0x3FB3] =	sst s0;
	s0 =	simm.s32 @!p1 $0x0  }
0x14: {  	s2 =	sld [smem:$0x3F97];
	s0 =	simm.s32 @p1 $0x1  }
0x15: {  	[smem:$0x3FB4] =	sst s0;
	s0 =	simm.s32 @!p2 $0x0  }
0x16: {  	s3 =	sld [smem:$0x3FDB];
	s0 =	simm.s32 @p2 $0x1  }
0x17: {  	s4 =	simm.s32 $0x1BF5;
	[smem:$0x3FB6] =	sst s0  }
0x18: {  	s0 =	sld [smem:$0x3F99];
	_ =	swait.ge [sflag:s4], $0x0  }
0x19: {  	s7 =	sld [smem:$0x3F9A]  }
0x1a: {  	s8 =	sadd.s32 $0xFFFFE003, lr  }
0x1b: {  	s9 =	sadd.s32 $0xFFFFFEF7, lr;
	s5 =	simm.s32 $0xFFFFFFFF;
	p2 =	slt.u32 s8, $0xFFFFF086  }
0x1c: {  	p1 =	slt.u32 s9, $0xF7A;
	s5 =	simm.s32 @!p2 $0x0  }
0x1d: {  	s5 =	simm.s32 @p1 $0x1;
	p0 =	seq.s32 s7, s2  }
0x1e: {  	s7 =	smul.u32 @!p0 $0xF7A, s2;
	p2 =	seq.s32 @!p0 s5, $0x0  }
0x1f: {  	s9 =	smul.u32 $0xF7A, s1;
	s8 =	simm.s32 @!p0 $0x1BF5;
	p2 =	por !p2, p0  }
0x20: {  	[sflag:s8] =	ssyncset.s32 @!p0 $0xFFFFF086;
	s6 =	sadd.s32 @!p0 s3, s7;
	s7 =	simm.s32 @!p0 $0x108  }
0x21: {  	s3 =	sadd.s32 s3, s9;
	s6 =	sadd.s32 @!p0 $0x88, s6;
	s7 =	simm.s32 @p2 $0x1082  }
0x22: {  	[simem:s7], [sflag:s8] =	dma.local @!p0 [hbm:s6], $0xF7A  }
0x23: {  	s9 =	sor.u32 $0xD0000000, s2;
	s6 =	simm.s32 $0x108;
	_ =	swait.ge @!p0 [sflag:s8], $0x0  }
0x24: {  	s3 =	sadd.s32 $0x88, s3;
	s6 =	simm.s32 @!p1 $0x1082;
	[sflag:s4] =	ssyncset.s32 $0xFFFFF086  }
0x25: {  	[simem:s6], [sflag:s4] =	dma.local [hbm:s3], $0xF7A  }
0x26: {  	[smem:$0x3F9A] =	sst s1;
	(tag) =	ssettag s2;
	_ =	strace s9  }
0x27: {  	s1 =	sld [smem:$0x3FAA]  }
0x28: {  	s2 =	sld [smem:$0x3FAB]  }
0x29: {  	s4 =	sld [smem:$0x3FAD]  }
0x2a: {  	p0 =	seq.s32 s5, $0x0;
	s5 =	sld [smem:$0x3FAE]  }
0x2b: {  	s6 =	sld [smem:$0x3FAF]  }
0x2c: {  	s7 =	sld [smem:$0x3FB0]  }
0x2d: {  	s3 =	simm.s32 $0x108;
	s8 =	sld [smem:$0x3FB1]  }
0x2e: {  	s3 =	simm.s32 @!p0 $0x1082;
	s9 =	sld [smem:$0x3FB2]  }
0x2f: {  	lr =	sadd.s32 s0, s3;
	s0 =	sld [smem:$0x3FA9]  }
0x30: {  	s3 =	sld [smem:$0x3FAC]  }
0x31: {  	[smem:$0x3FB5] =	sst s10  }
0x32: {  	s10 =	sld [smem:$0x3FB3];
	_ =	sdelay $0x3  }
0x33: {  	p0 =	seq.s32 s10, $0x1;
	s10 =	sld [smem:$0x3FB5];
	_ =	sdelay $0x3  }
0x34: {  	[smem:$0x3FB5] =	sst s10  }
0x35: {  	s10 =	sld [smem:$0x3FB4];
	_ =	sdelay $0x3  }
0x36: {  	p1 =	seq.s32 s10, $0x1;
	s10 =	sld [smem:$0x3FB5];
	_ =	sdelay $0x3  }
0x37: {  	[smem:$0x3FB5] =	sst s10  }
0x38: {  	s10 =	sld [smem:$0x3FB6]  }
0x39: {  	_ = 	snop;
	(pc) =	sbr.ind lr, $3  }
0x3a: {  	_ = 	snop  }
0x3b: {  	_ = 	snop  }
0x3c: {  	p2 =	seq.s32 s10, $0x1;
	s10 =	sld [smem:$0x3FB5]  }
0x3d: {  	_ =	shalt  }
0x3e: {  	_ =	shalt  }
0x3f: {  	_ =	shalt  }
0x40: {  	_ =	shalt  }
0x41: {  	_ =	shalt  }
0x42: {  	_ =	shalt  }
0x43: {  	_ =	shalt  }
0x44: {  	_ =	shalt  }
0x45: {  	_ =	shalt  }
0x46: {  	_ =	shalt  }
0x47: {  	_ =	shalt  }
0x48: {  	_ =	shalt  }
0x49: {  	_ =	shalt  }
0x4a: {  	_ =	shalt  }
0x4b: {  	_ =	shalt  }
0x4c: {  	_ =	shalt  }
0x4d: {  	_ =	shalt  }
0x4e: {  	_ =	shalt  }
0x4f: {  	_ =	shalt  }
0x50: {  	_ =	shalt  }
0x51: {  	_ =	shalt  }
0x52: {  	_ =	shalt  }
0x53: {  	_ =	shalt  }
0x54: {  	_ =	shalt  }
0x55: {  	_ =	shalt  }
0x56: {  	_ =	shalt  }
0x57: {  	_ =	shalt  }
0x58: {  	_ =	shalt  }
0x59: {  	_ =	shalt  }
0x5a: {  	_ =	shalt  }
0x5b: {  	_ =	shalt  }
0x5c: {  	_ =	shalt  }
0x5d: {  	_ =	shalt  }
0x5e: {  	_ =	shalt  }
0x5f: {  	_ =	shalt  }
0x60: {  	_ =	shalt  }
0x61: {  	_ =	shalt  }
0x62: {  	_ =	shalt  }
0x63: {  	_ =	shalt  }
0x64: {  	_ =	shalt  }
0x65: {  	_ =	shalt  }
0x66: {  	_ =	shalt  }
0x67: {  	_ =	shalt  }
0x68: {  	_ =	shalt  }
0x69: {  	_ =	shalt  }
0x6a: {  	_ =	shalt  }
0x6b: {  	_ =	shalt  }
0x6c: {  	_ =	shalt  }
0x6d: {  	_ =	shalt  }
0x6e: {  	_ =	shalt  }
0x6f: {  	_ =	shalt  }
0x70: {  	_ =	shalt  }
0x71: {  	_ =	shalt  }
0x72: {  	_ =	shalt  }
0x73: {  	_ =	shalt  }
0x74: {  	_ =	shalt  }
0x75: {  	_ =	shalt  }
0x76: {  	_ =	shalt  }
0x77: {  	_ =	shalt  }
0x78: {  	_ =	shalt  }
0x79: {  	_ =	shalt  }
0x7a: {  	_ =	shalt  }
0x7b: {  	_ =	shalt  }
0x7c: {  	_ =	shalt  }
0x7d: {  	_ =	shalt  }
0x7e: {  	_ =	shalt  }
0x7f: {  	_ =	shalt  }
0x80: {  	_ =	shalt  }
0x81: {  	_ =	shalt  }
0x82: {  	_ =	shalt  }
0x83: {  	_ =	shalt  }
0x84: {  	_ =	shalt  }
0x85: {  	_ =	shalt  }
0x86: {  	_ =	shalt  }
0x87: {  	_ =	shalt  }
.Lfunc_end0:
.L_simem_size_0:
called_computation.1_lowered:
.L_overlay_start_0:
0x88: {  	s2 =	sld [smem:$0x3FD9]  }
0x89: {  	s3 =	sld [smem:$0x3FFE];
	_ =	sdelay $0x1  }
0x8a: {  	s1 =	srdreg.scid  }
0x8b: {  	s0 =	sand.u32 $0x1, s1  }
0x8c: {  	s17 =	sshll.u32 s0, $0xA;
	s2 =	sadd.s32 s3, s2  }
0x8d: {  	s2 =	sadd.s32 s2, s17  }
0x8e: {  	[smem:$0x3FC1] =	sst s2  }
0x8f: {  	_ = 	snop  }
0x90: {  	s2 =	sld [smem:$0x3FC9]  }
0x91: {  	s18 =	sld [smem:$0x3FC8]  }
0x92: {  	s4 =	sld [smem:$0x3FC7]  }
0x93: {  	s5 =	sld [smem:$0x3FC3]  }
0x94: {  	s6 =	sld [smem:$0x3FD0];
	(tm) =	ssettm $0x1  }
0x95: {  	s7 =	sld [smem:$0x3FFB];
	_ =	sdelay $0x3  }
0x96: {  	_ =	strace s7  }
0x97: {  	s7 =	sld [smem:$0x3FFC];
	_ =	sdelay $0x3  }
0x98: {  	_ =	strace s7  }
0x99: {  	s7 =	sld [smem:$0x3FFD];
	_ =	sdelay $0x3  }
0x9a: {  	_ =	strace s7  }
0x9b: {  	_ =	strace $0x8FFFFFFF  }
0x9c: {  	s19 =	sld [smem:$0x3FDB];
	_ =	sdelay $0x1  }
0x9d: {  	s8 =	simm.s32 $_scs_section_size  }
0x9e: {  	s9 =	simm.s32 $_size__tile_overlayer_lowered;
	s10 =	simm.s32 $_tile_overlayer_lowered  }
0x9f: {  	s22 =	simm.s32 $0x1BFF;
	s21 =	sshll.u32 s10, $0x1;
	s7 =	sadd.s32 s8, s19  }
0xa0: {  	s11 =	simm.s32 $0x0;
	s20 =	sshll.u32 s9, $0x1;
	s9 =	sadd.s32 s21, s7  }
0xa1: {  	[timem:s11], [sflag:s22] =	dma.local [hbm:s9], s20  }
0xa2: {  	_ =	swait.ge [sflag:s22], s20  }
0xa3: {  	s8 =	ssub.s32 $0x0, s20;
	[sflag:s22] =	ssyncset.done $0x0  }
0xa4: {  	[sflag:s22] =	ssyncadd.s32 s8;
	_ =	sdelay $0x1  }
0xa5: {  	s23 =	simm.s32 $0x1B8B  }
0xa6: {  	_ =	swait.ge [sflag:s23], $0x1  }
0xa7: {  	[sflag:s23] =	ssyncset.done $0x0  }
0xa8: {  	s25 =	simm.s32 $0x1B8E;
	s24 =	sld [smem:$0x3FFE];
	[sflag:s23] =	ssyncadd.s32 $0xFFFFFFFF  }
0xa9: {  	s26 =	simm.s32 $execute0_lowered;
	[smem:$0x3FD2] =	sst s25  }
0xaa: {  	s9 =	sshll.u32 s26, $0x1;
	_ =	strace $0x80000046;
	[dreg:$0x1] =	wrdreg $0xFFFFFFFF  }
0xab: {  	s28 =	simm.s32 $_size_execute0_lowered;
	s7 =	sadd.s32 s7, s9;
	[dreg:$0x0] =	wrdreg $0x0  }
0xac: {  	s9 =	sshll.u32 s28, $0x1;
	[dreg:$0x2] =	wrdreg s7  }
0xad: {  	[dreg:$0x3] =	wrdreg s9  }
0xae: {  	[dreg:$0x4] =	wrdreg $0xC0  }
0xaf: {  	_ =	task [dreg:s11], $0x5FFFF  }
0xb0: {  	[dreg:$0x1] =	wrdreg $0xFFFFFFFF  }
0xb1: {  	[dreg:$0x0] =	wrdreg $0x60  }
0xb2: {  	[dreg:$0x2] =	wrdreg s2  }
0xb3: {  	[dreg:$0x3] =	wrdreg s18  }
0xb4: {  	[dreg:$0x4] =	wrdreg s4  }
0xb5: {  	[dreg:$0x5] =	wrdreg s24  }
0xb6: {  	[dreg:$0x6] =	wrdreg s5  }
0xb7: {  	[dreg:$0x7] =	wrdreg s6  }
0xb8: {  	[dreg:$0x8] =	wrdreg $0x9  }
0xb9: {  	_ =	task.clear_ibuf [dreg:s11], $0x9FFFF;
	_ =	strace $0x90000046  }
0xba: {  	s29 =	simm.s32 $0x9;
	_ =	strace $0x80000048  }
0xbb: {  	_ =	swait.ge [sflag:s29], $0x1  }
0xbc: {  	[sflag:s29] =	ssyncadd.s32 $0xFFFFFFFF  }
0xbd: {  	_ =	strace $0x90000048  }
0xbe: {  	_ =	sfence  }
0xbf: {  	s30 =	sld [smem:$0x0];
	_ =	sdelay $0x2  }
0xc0: {  	s31 =	sshll.u32 s1, $0xD;
	s1 =	sshrl.u32 s1, $0x2  }
0xc1: {  	s3 =	sand.u32 $0x4000, s31;
	s1 =	sadd.s32 s1, s30  }
0xc2: {  	s0 =	sor.u32 s3, s0;
	s1 =	sshll.u32 s1, $0x11  }
0xc3: {  	s0 =	sor.u32 s1, s0  }
0xc4: {  	s0 =	sadd.s32 $0x8F2B, s0  }
0xc5: {  	[sflag:s0] =	ssyncadd.remote.s32 $0x1  }
0xc6: {  	_ =	sfence.sel $0xFFFF  }
0xc7: {  	[dreg:$0x0] =	wrdreg $0xFFFFFFFF;
	(pc) =	sbr.abs _section_cstart, $3  }
0xc8: {  	[dreg:$0x1] =	wrdreg $0xFFFFFFFF  }
0xc9: {  	_ =	task.clear_ibuf [dreg:s11], $0x2FFFF;
	_ =	strace $0x9FFFFFFF  }
0xca: {  	(tm) =	ssettm $0x7FFFFFFF  }
0xcb: {  	_ =	shalt  }
tec
execute0_lowered:
.L_overlay_start_1:
0x0: {  	(tag) =	ssettag $0x1  }
0x1: {  	s4 =	rddreg [dreg:$0x0]  }
0x2: {  	s5 =	rddreg [dreg:$0x1]  }
0x3: {  	s6 =	rddreg [dreg:$0x2]  }
0x4: {  	s0 =	rddreg [dreg:$0x3];
	s1 =	srdreg.scid;
	s7 =	simm.s32 $0x0  }
0x5: {  	s2 =	stileid.u32;
	s1 =	sand.u32 $0x1, s1;
	[smem:$0x7FF] =	sst s7  }
0x6: {  	s2 =	sshll.u32 s2, $0x6;
	s9 =	sadd.s32 $0x189400, s0;
	s24 =	sadd.s32 $0x4008, s4  }
0x7: {  	s25 =	sadd.s32 $0x8008, s4;
	_ =	strace $0x80000047;
	[dreg:$0x13] =	wrdreg s24  }
0x8: {  	s26 =	sadd.s32 $0xC008, s4;
	s3 =	sshll.u32 s1, $0x5;
	[dreg:$0x14] =	wrdreg s25  }
0x9: {  	s10 =	sadd.s32 $0x800, s0;
	[dreg:$0x16] =	wrdreg s26;
	s2 =	sor.u32 s3, s2  }
0xa: {  	s28 =	sadd.s32 $0x10008, s4;
	[dreg:$0x7] =	wrdreg s2;
	s2 =	sshll.u32 s2, $0x4  }
0xb: {  	s1 =	ssub.s32 $0x2, s1;
	[dreg:$0x17] =	wrdreg s28;
	s8 =	sadd.s32 s4, s2  }
0xc: {  	s11 =	sshrl.u32 s1, $0x1;
	s22 =	sadd.s32 s5, s2;
	[dreg:$0x8] =	wrdreg s8  }
0xd: {  	s13 =	ssub.s32 s1, s11;
	s23 =	sadd.s32 s6, s2;
	[dreg:$0x11] =	wrdreg s22  }
0xe: {  	s12 =	sadd.s32 $0x1800, s0;
	s0 =	smax.u32 s13, $0x1;
	[dreg:$0x12] =	wrdreg s23  }
0xf: {  	s29 =	sadd.s32 $0x14008, s4;
	s14 =	sadd.s32 $0x4000, s8;
	[dreg:$0x15] =	wrdreg s0  }
0x10: {  	s30 =	sadd.s32 $0x18008, s4;
	s15 =	sadd.s32 $0x8000, s8;
	[dreg:$0x9] =	wrdreg s14  }
0x11: {  	s31 =	sadd.s32 $0x1C008, s4;
	s16 =	sadd.s32 $0xC000, s8;
	[dreg:$0xa] =	wrdreg s15  }
0x12: {  	s25 =	simm.s32 $0x4;
	s17 =	sadd.s32 $0x10000, s8;
	[dreg:$0xb] =	wrdreg s16  }
0x13: {  	s13 =	simm.s32 $0x40;
	s18 =	sadd.s32 $0x14000, s8;
	[dreg:$0xc] =	wrdreg s17  }
0x14: {  	s2 =	simm.s32 $0x2;
	s19 =	sadd.s32 $0x18000, s8;
	[dreg:$0xd] =	wrdreg s18  }
0x15: {  	s20 =	sadd.s32 $0x1C000, s8;
	s21 =	sadd.s32 $0x20000, s8;
	[dreg:$0xe] =	wrdreg s19  }
0x16: {  	s0 =	sadd.s32 $0x20008, s4;
	s22 =	simm.s32 $0x1;
	[dreg:$0xf] =	wrdreg s20  }
0x17: {  	s4 =	simm.s32 $0x0;
	[dreg:$0x10] =	wrdreg s21;
	s15 =	simm.s32 $0x380  }
0x18: {  	s16 =	simm.s32 $0x3C0;
	s17 =	simm.s32 $0x400;
	s18 =	simm.s32 $0x440  }
0x19: {  	s19 =	simm.s32 $0x500;
	s20 =	simm.s32 $0x540;
	s21 =	simm.s32 $0x5  }
.LBB2_1:
0x1a: {  	[dreg:$0x18] =	wrdreg s4  }
0x1b: {  	s1 =	rddreg [dreg:$0x4];
	s3 =	simm.s32 $0x16580;
	s28 =	simm.s32 $0x6  }
0x1c: {  	[tilespmem:s3], [sflag:$0x6] =	stream.linear.gather [hbm4b:s1+s7], $0x40, $0x38;
	[tilespmem:$0x185C0] =	vst v63  }
0x1d: {  	_ =	swait.ge [sflag:s28], $0x40  }
0x1e: {  	[sflag:s28] =	ssyncset.done $0x0  }
0x1f: {  	s3 =	rddreg [dreg:$0x8];
	[sflag:s28] =	ssyncadd.s32 $0xFFFFFFC0  }
0x20: {  	[tilespmem:s7], [sflag:$0x4] =	stream.linear.gather [hbm4b:s3+s7], $0x40, $0x38;
	[tilespmem:$0x185C0] =	vst v63  }
0x21: {  	s4 =	rddreg [dreg:$0x9]  }
0x22: {  	[tilespmem:s13], [sflag:$0x4] =	stream.linear.gather [hbm4b:s4+s7], $0x40, $0x38;
	[tilespmem:$0x185C0] =	vst v63  }
0x23: {  	s5 =	rddreg [dreg:$0xa];
	s3 =	simm.s32 $0x80  }
0x24: {  	[tilespmem:s3], [sflag:$0x4] =	stream.linear.gather [hbm4b:s5+s7], $0x40, $0x38;
	[tilespmem:$0x185C0] =	vst v63  }
0x25: {  	s8 =	simm.s32 $0xC0;
	s6 =	rddreg [dreg:$0xb]  }
0x26: {  	[tilespmem:s8], [sflag:$0x4] =	stream.linear.gather [hbm4b:s6+s7], $0x40, $0x38;
	[tilespmem:$0x185C0] =	vst v63  }
0x27: {  	s23 =	simm.s32 $0x100;
	s11 =	rddreg [dreg:$0xc]  }
0x28: {  	[tilespmem:s23], [sflag:$0x4] =	stream.linear.gather [hbm4b:s11+s7], $0x40, $0x38;
	[tilespmem:$0x185C0] =	vst v63  }
0x29: {  	s14 =	rddreg [dreg:$0xd];
	s4 =	simm.s32 $0x140  }
0x2a: {  	[tilespmem:s4], [sflag:$0x4] =	stream.linear.gather [hbm4b:s14+s7], $0x40, $0x38;
	[tilespmem:$0x185C0] =	vst v63  }
0x2b: {  	s24 =	rddreg [dreg:$0xe];
	s11 =	simm.s32 $0x180  }
0x2c: {  	[tilespmem:s11], [sflag:$0x4] =	stream.linear.gather [hbm4b:s24+s7], $0x40, $0x38;
	[tilespmem:$0x185C0] =	vst v63  }
0x2d: {  	s26 =	rddreg [dreg:$0xf];
	s6 =	simm.s32 $0x1C0  }
0x2e: {  	[tilespmem:s6], [sflag:$0x4] =	stream.linear.gather [hbm4b:s26+s7], $0x40, $0x38;
	[tilespmem:$0x185C0] =	vst v63  }
0x2f: {  	s28 =	rddreg [dreg:$0x10];
	s5 =	simm.s32 $0x200  }
0x30: {  	[tilespmem:s5], [sflag:$0x4] =	stream.linear.gather [hbm4b:s28+s7], $0x40, $0x38;
	[tilespmem:$0x185C0] =	vst v63  }
0x31: {  	s14 =	rddreg [dreg:$0x11];
	s24 =	simm.s32 $0x480  }
0x32: {  	[tilespmem:s24], [sflag:$0x4] =	stream.linear.gather [hbm4b:s14+s7], $0x40, $0x38;
	[tilespmem:$0x185C0] =	vst v63  }
0x33: {  	s26 =	rddreg [dreg:$0x12];
	s14 =	simm.s32 $0x4C0  }
0x34: {  	[tilespmem:s14], [sflag:$0x4] =	stream.linear.gather [hbm4b:s26+s7], $0x40, $0x38;
	[tilespmem:$0x185C0] =	vst v63  }
0x35: {  	_ =	swait.ge [sflag:s25], $0x40  }
0x36: {  	[sflag:s25] =	ssyncset.done $0x0  }
0x37: {  	[sflag:s25] =	ssyncadd.s32 $0xFFFFFFC0  }
0x38: {  	_ =	swait.ge [sflag:s25], $0x40  }
0x39: {  	[sflag:s25] =	ssyncset.done $0x0  }
0x3a: {  	[sflag:s25] =	ssyncadd.s32 $0xFFFFFFC0  }
0x3b: {  	_ =	swait.ge [sflag:s25], $0x40  }
0x3c: {  	[sflag:s25] =	ssyncset.done $0x0  }
0x3d: {  	[sflag:s25] =	ssyncadd.s32 $0xFFFFFFC0  }
0x3e: {  	_ =	swait.ge [sflag:s25], $0x40  }
0x3f: {  	[sflag:s25] =	ssyncset.done $0x0  }
0x40: {  	[sflag:s25] =	ssyncadd.s32 $0xFFFFFFC0  }
0x41: {  	_ =	swait.ge [sflag:s25], $0x40  }
0x42: {  	[sflag:s25] =	ssyncset.done $0x0  }
0x43: {  	[sflag:s25] =	ssyncadd.s32 $0xFFFFFFC0  }
0x44: {  	_ =	swait.ge [sflag:s25], $0x40  }
0x45: {  	[sflag:s25] =	ssyncset.done $0x0  }
0x46: {  	[sflag:s25] =	ssyncadd.s32 $0xFFFFFFC0  }
0x47: {  	_ =	swait.ge [sflag:s25], $0x40  }
0x48: {  	[sflag:s25] =	ssyncset.done $0x0  }
0x49: {  	[sflag:s25] =	ssyncadd.s32 $0xFFFFFFC0  }
0x4a: {  	_ =	swait.ge [sflag:s25], $0x40  }
0x4b: {  	[sflag:s25] =	ssyncset.done $0x0  }
0x4c: {  	[sflag:s25] =	ssyncadd.s32 $0xFFFFFFC0  }
0x4d: {  	_ =	swait.ge [sflag:s25], $0x40  }
0x4e: {  	[sflag:s25] =	ssyncset.done $0x0  }
0x4f: {  	[sflag:s25] =	ssyncadd.s32 $0xFFFFFFC0  }
0x50: {  	_ =	swait.ge [sflag:s25], $0x40  }
0x51: {  	[sflag:s25] =	ssyncset.done $0x0  }
0x52: {  	[sflag:s25] =	ssyncadd.s32 $0xFFFFFFC0  }
0x53: {  	_ =	swait.ge [sflag:s25], $0x40  }
0x54: {  	[sflag:s25] =	ssyncset.done $0x0  }
0x55: {  	s28 =	simm.s32 $0x580;
	[sflag:s25] =	ssyncadd.s32 $0xFFFFFFC0  }
0x56: {  	[tilespmem:s28], [sflag:$0x1] =	stream.indirect.gather [hbm4b:s9+s13], $0x40, s7, s13, $0xb8;
	[tilespmem:$0x185C0] =	vst v63  }
0x57: {  	s26 =	simm.s32 $0x1580  }
0x58: {  	[tilespmem:s26], [sflag:$0x1] =	stream.indirect.gather [hbm4b:s9+s13], $0x40, s13, s13, $0xb8;
	[tilespmem:$0x185C0] =	vst v63  }
0x59: {  	s28 =	simm.s32 $0x2580  }
0x5a: {  	[tilespmem:s28], [sflag:$0x1] =	stream.indirect.gather [hbm4b:s9+s13], $0x40, s3, s13, $0xb8;
	[tilespmem:$0x185C0] =	vst v63  }
0x5b: {  	s26 =	simm.s32 $0x3580  }
0x5c: {  	[tilespmem:s26], [sflag:$0x1] =	stream.indirect.gather [hbm4b:s9+s13], $0x40, s8, s13, $0xb8;
	[tilespmem:$0x185C0] =	vst v63  }
0x5d: {  	s28 =	simm.s32 $0x4580  }
0x5e: {  	[tilespmem:s28], [sflag:$0x1] =	stream.indirect.gather [hbm4b:s9+s13], $0x40, s23, s13, $0xb8;
	[tilespmem:$0x185C0] =	vst v63  }
0x5f: {  	s3 =	simm.s32 $0x5580  }
0x60: {  	[tilespmem:s3], [sflag:$0x1] =	stream.indirect.gather [hbm4b:s9+s13], $0x40, s4, s13, $0xb8;
	[tilespmem:$0x185C0] =	vst v63  }
0x61: {  	s8 =	simm.s32 $0x6580  }
0x62: {  	[tilespmem:s8], [sflag:$0x1] =	stream.indirect.gather [hbm4b:s9+s13], $0x40, s11, s13, $0xb8;
	[tilespmem:$0x185C0] =	vst v63  }
0x63: {  	s11 =	simm.s32 $0x7580  }
0x64: {  	[tilespmem:s11], [sflag:$0x1] =	stream.indirect.gather [hbm4b:s9+s13], $0x40, s6, s13, $0xb8;
	[tilespmem:$0x185C0] =	vst v63  }
0x65: {  	s23 =	simm.s32 $0x8580  }
0x66: {  	[tilespmem:s23], [sflag:$0x1] =	stream.indirect.gather [hbm4b:s9+s13], $0x40, s5, s13, $0xb8;
	[tilespmem:$0x185C0] =	vst v63  }
0x67: {  	s26 =	simm.s32 $0x12580  }
0x68: {  	[tilespmem:s26], [sflag:$0x1] =	stream.indirect.gather [hbm4b:s10+s13], $0x40, s24, s13, $0xb8;
	[tilespmem:$0x185C0] =	vst v63  }
0x69: {  	s28 =	simm.s32 $0x13580;
	s3 =	simm.s32 $0x0  }
0x6a: {  	[tilespmem:s28], [sflag:$0x1] =	stream.indirect.gather [hbm4b:s12+s13], $0x40, s14, s13, $0xb8;
	[tilespmem:$0x185C0] =	vst v63  }
.LBB2_2:
0x6b: {  	s1 =	rddreg [dreg:$0x7]  }
0x6c: {  	s1 =	sor.u32 s1, s3  }
0x6d: {  	s8 =	sshll.u32 s1, $0x4  }
0x6e: {  	s24 =	rddreg [dreg:$0x0];
	s23 =	sor.u32 $0x8, s8  }
0x6f: {  	s4 =	simm.s32 $0x240;
	s5 =	rddreg [dreg:$0x13];
	s24 =	sadd.s32 s24, s23  }
0x70: {  	[tilespmem:s4], [sflag:$0x5] =	stream.linear.gather [hbm4b:s24+s7], $0x40, $0x38;
	[tilespmem:$0x185C0] =	vst v63  }
0x71: {  	s6 =	rddreg [dreg:$0x14];
	s24 =	sadd.s32 s8, s5;
	s5 =	simm.s32 $0x280  }
0x72: {  	[tilespmem:s5], [sflag:$0x5] =	stream.linear.gather [hbm4b:s24+s7], $0x40, $0x38;
	[tilespmem:$0x185C0] =	vst v63  }
0x73: {  	s11 =	rddreg [dreg:$0x16];
	s24 =	sadd.s32 s8, s6;
	s6 =	simm.s32 $0x2C0  }
0x74: {  	[tilespmem:s6], [sflag:$0x5] =	stream.linear.gather [hbm4b:s24+s7], $0x40, $0x38;
	[tilespmem:$0x185C0] =	vst v63  }
0x75: {  	s14 =	rddreg [dreg:$0x17];
	s24 =	sadd.s32 s8, s11;
	s11 =	simm.s32 $0x300  }
0x76: {  	[tilespmem:s11], [sflag:$0x5] =	stream.linear.gather [hbm4b:s24+s7], $0x40, $0x38;
	[tilespmem:$0x185C0] =	vst v63  }
0x77: {  	s24 =	sadd.s32 s8, s14;
	s14 =	simm.s32 $0x340  }
0x78: {  	[tilespmem:s14], [sflag:$0x5] =	stream.linear.gather [hbm4b:s24+s7], $0x40, $0x38;
	[tilespmem:$0x185C0] =	vst v63  }
0x79: {  	s26 =	sadd.s32 s8, s29  }
0x7a: {  	[tilespmem:s15], [sflag:$0x5] =	stream.linear.gather [hbm4b:s26+s7], $0x40, $0x38;
	[tilespmem:$0x185C0] =	vst v63  }
0x7b: {  	s28 =	sadd.s32 s8, s30  }
0x7c: {  	[tilespmem:s16], [sflag:$0x5] =	stream.linear.gather [hbm4b:s28+s7], $0x40, $0x38;
	[tilespmem:$0x185C0] =	vst v63  }
0x7d: {  	s26 =	sadd.s32 s8, s31  }
0x7e: {  	[tilespmem:s17], [sflag:$0x5] =	stream.linear.gather [hbm4b:s26+s7], $0x40, $0x38;
	[tilespmem:$0x185C0] =	vst v63  }
0x7f: {  	s28 =	sadd.s32 s8, s0;
	s26 =	rddreg [dreg:$0x1]  }
0x80: {  	[tilespmem:s18], [sflag:$0x5] =	stream.linear.gather [hbm4b:s28+s7], $0x40, $0x38;
	[tilespmem:$0x185C0] =	vst v63  }
0x81: {  	s24 =	sadd.s32 s26, s23;
	s28 =	rddreg [dreg:$0x2]  }
0x82: {  	[tilespmem:s19], [sflag:$0x5] =	stream.linear.gather [hbm4b:s24+s7], $0x40, $0x38;
	[tilespmem:$0x185C0] =	vst v63  }
0x83: {  	s23 =	sadd.s32 s28, s23  }
0x84: {  	[tilespmem:s20], [sflag:$0x5] =	stream.linear.gather [hbm4b:s23+s7], $0x40, $0x38;
	[tilespmem:$0x185C0] =	vst v63  }
0x85: {  	_ =	swait.ge [sflag:s21], $0x40  }
0x86: {  	[sflag:s21] =	ssyncset.done $0x0  }
0x87: {  	[sflag:s21] =	ssyncadd.s32 $0xFFFFFFC0  }
0x88: {  	_ =	swait.ge [sflag:s21], $0x40  }
0x89: {  	[sflag:s21] =	ssyncset.done $0x0  }
0x8a: {  	[sflag:s21] =	ssyncadd.s32 $0xFFFFFFC0  }
0x8b: {  	_ =	swait.ge [sflag:s21], $0x40  }
0x8c: {  	[sflag:s21] =	ssyncset.done $0x0  }
0x8d: {  	[sflag:s21] =	ssyncadd.s32 $0xFFFFFFC0  }
0x8e: {  	_ =	swait.ge [sflag:s21], $0x40  }
0x8f: {  	[sflag:s21] =	ssyncset.done $0x0  }
0x90: {  	[sflag:s21] =	ssyncadd.s32 $0xFFFFFFC0  }
0x91: {  	_ =	swait.ge [sflag:s21], $0x40  }
0x92: {  	[sflag:s21] =	ssyncset.done $0x0  }
0x93: {  	[sflag:s21] =	ssyncadd.s32 $0xFFFFFFC0  }
0x94: {  	_ =	swait.ge [sflag:s21], $0x40  }
0x95: {  	[sflag:s21] =	ssyncset.done $0x0  }
0x96: {  	[sflag:s21] =	ssyncadd.s32 $0xFFFFFFC0  }
0x97: {  	_ =	swait.ge [sflag:s21], $0x40  }
0x98: {  	[sflag:s21] =	ssyncset.done $0x0  }
0x99: {  	[sflag:s21] =	ssyncadd.s32 $0xFFFFFFC0  }
0x9a: {  	_ =	swait.ge [sflag:s21], $0x40  }
0x9b: {  	[sflag:s21] =	ssyncset.done $0x0  }
0x9c: {  	[sflag:s21] =	ssyncadd.s32 $0xFFFFFFC0  }
0x9d: {  	_ =	swait.ge [sflag:s21], $0x40  }
0x9e: {  	[sflag:s21] =	ssyncset.done $0x0  }
0x9f: {  	[sflag:s21] =	ssyncadd.s32 $0xFFFFFFC0  }
0xa0: {  	_ =	swait.ge [sflag:s21], $0x40  }
0xa1: {  	[sflag:s21] =	ssyncset.done $0x0  }
0xa2: {  	[sflag:s21] =	ssyncadd.s32 $0xFFFFFFC0  }
0xa3: {  	_ =	swait.ge [sflag:s21], $0x40  }
0xa4: {  	[sflag:s21] =	ssyncset.done $0x0  }
0xa5: {  	s24 =	simm.s32 $0x9580;
	[sflag:s21] =	ssyncadd.s32 $0xFFFFFFC0  }
0xa6: {  	[tilespmem:s24], [sflag:$0x2] =	stream.indirect.gather [hbm4b:s9+s13], $0x40, s4, s13, $0xb8;
	[tilespmem:$0x185C0] =	vst v63  }
0xa7: {  	s26 =	simm.s32 $0xA580  }
0xa8: {  	[tilespmem:s26], [sflag:$0x2] =	stream.indirect.gather [hbm4b:s9+s13], $0x40, s5, s13, $0xb8;
	[tilespmem:$0x185C0] =	vst v63  }
0xa9: {  	s28 =	simm.s32 $0xB580  }
0xaa: {  	[tilespmem:s28], [sflag:$0x2] =	stream.indirect.gather [hbm4b:s9+s13], $0x40, s6, s13, $0xb8;
	[tilespmem:$0x185C0] =	vst v63  }
0xab: {  	s5 =	simm.s32 $0xC580  }
0xac: {  	[tilespmem:s5], [sflag:$0x2] =	stream.indirect.gather [hbm4b:s9+s13], $0x40, s11, s13, $0xb8;
	[tilespmem:$0x185C0] =	vst v63  }
0xad: {  	s6 =	simm.s32 $0xD580  }
0xae: {  	[tilespmem:s6], [sflag:$0x2] =	stream.indirect.gather [hbm4b:s9+s13], $0x40, s14, s13, $0xb8;
	[tilespmem:$0x185C0] =	vst v63  }
0xaf: {  	s11 =	simm.s32 $0xE580  }
0xb0: {  	[tilespmem:s11], [sflag:$0x2] =	stream.indirect.gather [hbm4b:s9+s13], $0x40, s15, s13, $0xb8;
	[tilespmem:$0x185C0] =	vst v63  }
0xb1: {  	s14 =	simm.s32 $0xF580  }
0xb2: {  	[tilespmem:s14], [sflag:$0x2] =	stream.indirect.gather [hbm4b:s9+s13], $0x40, s16, s13, $0xb8;
	[tilespmem:$0x185C0] =	vst v63  }
0xb3: {  	s23 =	simm.s32 $0x10580  }
0xb4: {  	[tilespmem:s23], [sflag:$0x2] =	stream.indirect.gather [hbm4b:s9+s13], $0x40, s17, s13, $0xb8;
	[tilespmem:$0x185C0] =	vst v63  }
0xb5: {  	s24 =	simm.s32 $0x11580  }
0xb6: {  	[tilespmem:s24], [sflag:$0x2] =	stream.indirect.gather [hbm4b:s9+s13], $0x40, s18, s13, $0xb8;
	[tilespmem:$0x185C0] =	vst v63  }
0xb7: {  	s26 =	simm.s32 $0x14580  }
0xb8: {  	[tilespmem:s26], [sflag:$0x2] =	stream.indirect.gather [hbm4b:s10+s13], $0x40, s19, s13, $0xb8;
	[tilespmem:$0x185C0] =	vst v63  }
0xb9: {  	s28 =	simm.s32 $0x15580  }
0xba: {  	[tilespmem:s28], [sflag:$0x2] =	stream.indirect.gather [hbm4b:s12+s13], $0x40, s20, s13, $0xb8;
	[tilespmem:$0x185C0] =	vst v63  }
0xbb: {  	_ =	swait.ge [sflag:s22], $0x1000  }
0xbc: {  	[sflag:s22] =	ssyncset.done $0x0  }
0xbd: {  	[sflag:s22] =	ssyncadd.s32 $0xFFFFF000  }
0xbe: {  	_ =	swait.ge [sflag:s22], $0x1000  }
0xbf: {  	[sflag:s22] =	ssyncset.done $0x0  }
0xc0: {  	[sflag:s22] =	ssyncadd.s32 $0xFFFFF000  }
0xc1: {  	_ =	swait.ge [sflag:s22], $0x1000  }
0xc2: {  	[sflag:s22] =	ssyncset.done $0x0  }
0xc3: {  	[sflag:s22] =	ssyncadd.s32 $0xFFFFF000  }
0xc4: {  	_ =	swait.ge [sflag:s22], $0x1000  }
0xc5: {  	[sflag:s22] =	ssyncset.done $0x0  }
0xc6: {  	[sflag:s22] =	ssyncadd.s32 $0xFFFFF000  }
0xc7: {  	_ =	swait.ge [sflag:s22], $0x1000  }
0xc8: {  	[sflag:s22] =	ssyncset.done $0x0  }
0xc9: {  	[sflag:s22] =	ssyncadd.s32 $0xFFFFF000  }
0xca: {  	_ =	swait.ge [sflag:s22], $0x1000  }
0xcb: {  	[sflag:s22] =	ssyncset.done $0x0  }
0xcc: {  	[sflag:s22] =	ssyncadd.s32 $0xFFFFF000  }
0xcd: {  	_ =	swait.ge [sflag:s22], $0x1000  }
0xce: {  	[sflag:s22] =	ssyncset.done $0x0  }
0xcf: {  	[sflag:s22] =	ssyncadd.s32 $0xFFFFF000  }
0xd0: {  	_ =	swait.ge [sflag:s22], $0x1000  }
0xd1: {  	[sflag:s22] =	ssyncset.done $0x0  }
0xd2: {  	[sflag:s22] =	ssyncadd.s32 $0xFFFFF000  }
0xd3: {  	_ =	swait.ge [sflag:s22], $0x1000  }
0xd4: {  	[sflag:s22] =	ssyncset.done $0x0  }
0xd5: {  	[sflag:s22] =	ssyncadd.s32 $0xFFFFF000  }
0xd6: {  	_ =	swait.ge [sflag:s22], $0x1000  }
0xd7: {  	[sflag:s22] =	ssyncset.done $0x0  }
0xd8: {  	[sflag:s22] =	ssyncadd.s32 $0xFFFFF000  }
0xd9: {  	_ =	swait.ge [sflag:s22], $0x1000  }
0xda: {  	p0 =	seq.s32 s3, $0x0;
	[sflag:s22] =	ssyncset.done $0x0  }
0xdb: {  	s23 =	simm.s32 @!p0 $0x3;
	[sflag:s22] =	ssyncadd.s32 $0xFFFFF000  }
0xdc: {  	_ =	swait.ge @!p0 [sflag:s23], $0x2040  }
0xdd: {  	[sflag:s23] =	ssyncset.done @!p0 $0x0  }
0xde: {  	[sflag:s23] =	ssyncadd.s32 @!p0 $0xFFFFDFC0;
	s23 =	simm.s32 $0x0  }
0xdf: {  	v0 =	vld [tilespmem:s23+$0x85F0]  }
0xe0: {  	v1 =	vld [tilespmem:s23+$0x5F0]  }
0xe1: {  	v2 =	vld [tilespmem:s23+$0x15F0]  }
0xe2: {  	v3 =	vld [tilespmem:s23+$0x25F0]  }
0xe3: {  	v4 =	vld [tilespmem:s23+$0x35F0]  }
0xe4: {  	v5 =	vld [tilespmem:s23+$0x45F0]  }
0xe5: {  	v6 =	vld [tilespmem:s23+$0x55F0]  }
0xe6: {  	v7 =	vld [tilespmem:s23+$0x65F0]  }
0xe7: {  	v8 =	vld [tilespmem:s23+$0x75F0]  }
0xe8: {  	v9 =	vld [tilespmem:s23+$0x125F0]  }
0xe9: {  	v10 =	vld [tilespmem:s23+$0x580]  }
0xea: {  	v11 =	vld [tilespmem:s23+$0x1580]  }
0xeb: {  	v12 =	vld [tilespmem:s23+$0x135F0]  }
0xec: {  	v13 =	vld [tilespmem:s23+$0x4590]  }
0xed: {  	v14 =	vld [tilespmem:s23+$0x5590]  }
0xee: {  	v15 =	vld [tilespmem:s23+$0x6590]  }
0xef: {  	v16 =	vld [tilespmem:s23+$0x7590]  }
0xf0: {  	v17 =	vld [tilespmem:s23+$0x5A0]  }
0xf1: {  	v18 =	vld [tilespmem:s23+$0x15A0]  }
0xf2: {  	v19 =	vld [tilespmem:s23+$0x25A0]  }
0xf3: {  	v20 =	vld [tilespmem:s23+$0x35A0]  }
0xf4: {  	v21 =	vld [tilespmem:s23+$0x45A0]  }
0xf5: {  	v22 =	vld [tilespmem:s23+$0x55A0]  }
0xf6: {  	v23 =	vld [tilespmem:s23+$0x65A0]  }
0xf7: {  	v24 =	vld [tilespmem:s23+$0x75A0]  }
0xf8: {  	v25 =	vld [tilespmem:s23+$0x5B0]  }
0xf9: {  	v26 =	vld [tilespmem:s23+$0x15B0]  }
0xfa: {  	v27 =	vld [tilespmem:s23+$0x25B0]  }
0xfb: {  	v28 =	vld [tilespmem:s23+$0x35B0]  }
0xfc: {  	v29 =	vld [tilespmem:s23+$0x45B0]  }
0xfd: {  	v30 =	vld [tilespmem:s23+$0x55B0]  }
0xfe: {  	v31 =	vld [tilespmem:s23+$0x65B0]  }
0xff: {  	v32 =	vld [tilespmem:s23+$0x75B0]  }
0x100: {  	v33 =	vld [tilespmem:s23+$0x5C0]  }
0x101: {  	v34 =	vld [tilespmem:s23+$0x15C0]  }
0x102: {  	v35 =	vld [tilespmem:s23+$0x25C0]  }
0x103: {  	v36 =	vld [tilespmem:s23+$0x35C0]  }
0x104: {  	v37 =	vld [tilespmem:s23+$0x45C0]  }
0x105: {  	v38 =	vld [tilespmem:s23+$0x55C0]  }
0x106: {  	v39 =	vld [tilespmem:s23+$0x65C0]  }
0x107: {  	v40 =	vld [tilespmem:s23+$0x75C0]  }
0x108: {  	v41 =	vld [tilespmem:s23+$0x5D0]  }
0x109: {  	v42 =	vld [tilespmem:s23+$0x15D0]  }
0x10a: {  	v43 =	vld [tilespmem:s23+$0x25D0]  }
0x10b: {  	v44 =	vld [tilespmem:s23+$0x35D0]  }
0x10c: {  	v45 =	vld [tilespmem:s23+$0x45D0]  }
0x10d: {  	v46 =	vld [tilespmem:s23+$0x55D0]  }
0x10e: {  	v52 =	vld [tilespmem:s23+$0x85A0]  }
0x10f: {  	v55 =	vld [tilespmem:s23+$0x125A0]  }
0x110: {  	v57 =	vld [tilespmem:s23+$0x125B0]  }
0x111: {  	v59 =	vld [tilespmem:s23+$0x85C0]  }
0x112: {  	v60 =	vld [tilespmem:s23+$0x125C0]  }
0x113: {  	v62 =	vld [tilespmem:s23+$0x85D0]  }
0x114: {  	v1 =	vadd.f32 v2, v1;
	v2 =	vadd.f32 v4, v3;
	v3 =	vld [tilespmem:s23+$0x2580]  }
0x115: {  	v4 =	vadd.f32 v6, v5;
	v5 =	vadd.f32 v8, v7;
	v6 =	vld [tilespmem:s23+$0x3580]  }
0x116: {  	v0 =	vadd.f32 v9, v0;
	v7 =	vld [tilespmem:s23+$0x4580]  }
0x117: {  	v1 =	vadd.f32 v2, v1;
	v2 =	vadd.f32 v5, v4;
	v4 =	vld [tilespmem:s23+$0x5580]  }
0x118: {  	v50 =	vadd.f32 v34, v33;
	v51 =	vadd.f32 v36, v35;
	v5 =	vld [tilespmem:s23+$0x6580]  }
0x119: {  	v0 =	vadd.f32 v12, v0;
	v1 =	vadd.f32 v2, v1;
	v2 =	vld [tilespmem:s23+$0x7580]  }
0x11a: {  	v8 =	vld [tilespmem:s23+$0x590];
	v53 =	vadd.f32 v38, v37;
	v54 =	vadd.f32 v40, v39  }
0x11b: {  	v9 =	vld [tilespmem:s23+$0x2590];
	v58 =	vadd.f32 v42, v41;
	v0 =	vadd.f32 v0, v1  }
0x11c: {  	v61 =	vadd.f32 v46, v45;
	v56 =	vadd.f32 v54, v53;
	v1 =	vld [tilespmem:s23+$0x1590]  }
0x11d: {  	v12 =	vld [tilespmem:s23+$0x3590];
	v3 =	vadd.f32 v6, v3;
	[tilespmem:s23+$0x16630] =	vst v0;
	v0 =	vadd.f32 v11, v10  }
0x11e: {  	v6 =	vld [tilespmem:s23+$0x65D0];
	v4 =	vadd.f32 v4, v7;
	v2 =	vadd.f32 v2, v5  }
0x11f: {  	v7 =	vld [tilespmem:s23+$0x5E0];
	v0 =	vadd.f32 v3, v0;
	v3 =	vadd.f32 v14, v13  }
0x120: {  	v10 =	vld [tilespmem:s23+$0x15E0];
	v13 =	vadd.f32 v20, v19;
	v19 =	vadd.f32 v32, v31  }
0x121: {  	v11 =	vld [tilespmem:s23+$0x45E0];
	v2 =	vadd.f32 v2, v4;
	v1 =	vadd.f32 v1, v8  }
0x122: {  	v5 =	vld [tilespmem:s23+$0x75D0];
	v4 =	vadd.f32 v16, v15;
	v15 =	vadd.f32 v22, v21  }
0x123: {  	v14 =	vld [tilespmem:s23+$0x55E0];
	v0 =	vadd.f32 v2, v0;
	v2 =	vadd.f32 v12, v9  }
0x124: {  	v8 =	vld [tilespmem:s23+$0x25E0];
	v16 =	vadd.f32 v24, v23;
	v12 =	vadd.f32 v18, v17  }
0x125: {  	v9 =	vld [tilespmem:s23+$0x35E0];
	v1 =	vadd.f32 v2, v1;
	v2 =	vadd.f32 v4, v3  }
0x126: {  	v20 =	vld [tilespmem:s23+$0x12590];
	v3 =	vadd.f32 v13, v12;
	v4 =	vadd.f32 v16, v15  }
0x127: {  	v17 =	vld [tilespmem:s23+$0x65E0];
	v5 =	vadd.f32 v5, v6;
	v13 =	vadd.f32 v26, v25  }
0x128: {  	v18 =	vld [tilespmem:s23+$0x75E0];
	v1 =	vadd.f32 v2, v1;
	v2 =	vadd.f32 v4, v3  }
0x129: {  	v12 =	vld [tilespmem:s23+$0x8580];
	v3 =	vadd.f32 v28, v27;
	v4 =	vadd.f32 v30, v29  }
0x12a: {  	v6 =	vadd.f32 v10, v7;
	v15 =	vld [tilespmem:s23+$0x12580];
	v7 =	vadd.f32 v9, v8  }
0x12b: {  	v16 =	vld [tilespmem:s23+$0x8590];
	v3 =	vadd.f32 v3, v13;
	v4 =	vadd.f32 v19, v4  }
0x12c: {  	v8 =	vld [tilespmem:s23+$0x125D0];
	v9 =	vadd.f32 v14, v11;
	v19 =	vadd.f32 v51, v50  }
0x12d: {  	v10 =	vadd.f32 v18, v17;
	v14 =	vld [tilespmem:s23+$0x85E0];
	v3 =	vadd.f32 v4, v3  }
0x12e: {  	v18 =	vld [tilespmem:s23+$0x125E0];
	v4 =	vadd.f32 v56, v19;
	v19 =	vadd.f32 v44, v43  }
0x12f: {  	v5 =	vadd.f32 v5, v61;
	v13 =	vld [tilespmem:s23+$0x85B0];
	v6 =	vadd.f32 v7, v6  }
0x130: {  	v7 =	vadd.f32 v10, v9;
	v11 =	vadd.f32 v19, v58;
	v19 =	vld [tilespmem:s23+$0x13580]  }
0x131: {  	v17 =	vld [tilespmem:s23+$0x13590];
	v63 =	vadd.f32 v15, v12;
	v9 =	vadd.f32 v20, v16  }
0x132: {  	v15 =	vld [tilespmem:s23+$0x135A0];
	v10 =	vadd.f32 v55, v52;
	v12 =	vadd.f32 v60, v59  }
0x133: {  	v16 =	vld [tilespmem:s23+$0x135B0];
	v6 =	vadd.f32 v7, v6;
	v7 =	vadd.f32 v8, v62  }
0x134: {  	v5 =	vadd.f32 v5, v11;
	v11 =	vadd.f32 v57, v13;
	v13 =	vld [tilespmem:s23+$0x135C0]  }
0x135: {  	s24 =	simm.s32 $0x0;
	s26 =	simm.s32 $0x200;
	v8 =	vadd.f32 v18, v14;
	v14 =	vld [tilespmem:s23+$0x135D0];
	v18 =	vadd.f32 v19, v63  }
.LBB2_3:
0x136: {  	s28 =	sshra.s32 s26, $0x2;
	v9 =	vadd.f32 v17, v9;
	v17 =	vld [tilespmem:s23+$0x135E0]  }
0x137: {  	v19 =	vld [tilespmem:s28+$0x85F0];
	v0 =	vadd.f32 v18, v0;
	v10 =	vadd.f32 v15, v10  }
0x138: {  	v15 =	vld [tilespmem:s28+$0x5F0];
	v1 =	vadd.f32 v9, v1;
	v9 =	vadd.f32 v16, v11  }
0x139: {  	v11 =	vld [tilespmem:s28+$0x15F0];
	v2 =	vadd.f32 v10, v2;
	[tilespmem:s23+$0x165C0] =	vst v0;
	v0 =	vadd.f32 v13, v12  }
0x13a: {  	v10 =	vld [tilespmem:s28+$0x25F0];
	v3 =	vadd.f32 v9, v3;
	[tilespmem:s23+$0x165D0] =	vst v1;
	v1 =	vadd.f32 v14, v7  }
0x13b: {  	v7 =	vld [tilespmem:s28+$0x35F0];
	[tilespmem:s23+$0x165E0] =	vst v2;
	v0 =	vadd.f32 v0, v4;
	v2 =	vadd.f32 v17, v8  }
0x13c: {  	v4 =	vld [tilespmem:s28+$0x45F0];
	[tilespmem:s23+$0x165F0] =	vst v3;
	v1 =	vadd.f32 v1, v5  }
0x13d: {  	v3 =	vld [tilespmem:s28+$0x55F0];
	v2 =	vadd.f32 v2, v6;
	[tilespmem:s23+$0x16600] =	vst v0  }
0x13e: {  	s24 =	sadd.s32 $0x2, s24;
	v0 =	vld [tilespmem:s28+$0x65F0];
	[tilespmem:s23+$0x16610] =	vst v1  }
0x13f: {  	p0 =	slt.u32 s24, $0x3E;
	v1 =	vld [tilespmem:s28+$0x75F0];
	[tilespmem:s23+$0x16620] =	vst v2;
	s23 =	smov.u32 s28  }
0x140: {  	v2 =	vld [tilespmem:s23+$0x125F0]  }
0x141: {  	v5 =	vld [tilespmem:s23+$0x580]  }
0x142: {  	v6 =	vld [tilespmem:s23+$0x1580]  }
0x143: {  	v9 =	vadd.f32 v11, v15;
	v7 =	vadd.f32 v7, v10;
	v8 =	vld [tilespmem:s23+$0x135F0]  }
0x144: {  	v3 =	vadd.f32 v3, v4;
	v10 =	vld [tilespmem:s23+$0x2580];
	v0 =	vadd.f32 v1, v0  }
0x145: {  	v1 =	vld [tilespmem:s23+$0x3580];
	v2 =	vadd.f32 v2, v19  }
0x146: {  	v7 =	vadd.f32 v7, v9;
	v4 =	vld [tilespmem:s23+$0x4580];
	v0 =	vadd.f32 v0, v3  }
0x147: {  	v3 =	vld [tilespmem:s23+$0x5580];
	v5 =	vadd.f32 v6, v5  }
0x148: {  	v6 =	vld [tilespmem:s23+$0x6580];
	v2 =	vadd.f32 v8, v2;
	v0 =	vadd.f32 v0, v7  }
0x149: {  	v7 =	vld [tilespmem:s23+$0x7580]  }
0x14a: {  	v8 =	vld [tilespmem:s23+$0x590];
	v1 =	vadd.f32 v1, v10;
	v0 =	vadd.f32 v2, v0  }
0x14b: {  	v2 =	vld [tilespmem:s23+$0x1590]  }
0x14c: {  	v9 =	vld [tilespmem:s23+$0x2590];
	v3 =	vadd.f32 v3, v4;
	v1 =	vadd.f32 v1, v5;
	[tilespmem:s23+$0x16630] =	vst v0  }
0x14d: {  	v4 =	vld [tilespmem:s23+$0x3590]  }
0x14e: {  	v5 =	vld [tilespmem:s23+$0x4590];
	v0 =	vadd.f32 v7, v6  }
0x14f: {  	v6 =	vld [tilespmem:s23+$0x5590]  }
0x150: {  	v7 =	vld [tilespmem:s23+$0x6590];
	v0 =	vadd.f32 v0, v3;
	v2 =	vadd.f32 v2, v8  }
0x151: {  	v3 =	vld [tilespmem:s23+$0x7590]  }
0x152: {  	v8 =	vld [tilespmem:s23+$0x5A0];
	v0 =	vadd.f32 v0, v1;
	v1 =	vadd.f32 v4, v9  }
0x153: {  	v4 =	vld [tilespmem:s23+$0x15A0]  }
0x154: {  	v9 =	vld [tilespmem:s23+$0x25A0];
	v5 =	vadd.f32 v6, v5;
	v1 =	vadd.f32 v1, v2  }
0x155: {  	v2 =	vld [tilespmem:s23+$0x35A0]  }
0x156: {  	v6 =	vld [tilespmem:s23+$0x45A0];
	v3 =	vadd.f32 v3, v7  }
0x157: {  	v7 =	vld [tilespmem:s23+$0x55A0]  }
0x158: {  	v10 =	vld [tilespmem:s23+$0x65A0];
	v3 =	vadd.f32 v3, v5;
	v4 =	vadd.f32 v4, v8  }
0x159: {  	v5 =	vld [tilespmem:s23+$0x75A0]  }
0x15a: {  	v8 =	vld [tilespmem:s23+$0x5B0];
	v1 =	vadd.f32 v3, v1;
	v2 =	vadd.f32 v2, v9  }
0x15b: {  	v3 =	vld [tilespmem:s23+$0x15B0]  }
0x15c: {  	v9 =	vld [tilespmem:s23+$0x25B0];
	v6 =	vadd.f32 v7, v6;
	v2 =	vadd.f32 v2, v4  }
0x15d: {  	v4 =	vld [tilespmem:s23+$0x35B0]  }
0x15e: {  	v7 =	vld [tilespmem:s23+$0x45B0];
	v5 =	vadd.f32 v5, v10  }
0x15f: {  	v10 =	vld [tilespmem:s23+$0x55B0]  }
0x160: {  	v11 =	vld [tilespmem:s23+$0x65B0];
	v5 =	vadd.f32 v5, v6;
	v3 =	vadd.f32 v3, v8  }
0x161: {  	v6 =	vld [tilespmem:s23+$0x75B0]  }
0x162: {  	v2 =	vadd.f32 v5, v2;
	v4 =	vadd.f32 v4, v9;
	v5 =	vld [tilespmem:s23+$0x5C0]  }
0x163: {  	v8 =	vld [tilespmem:s23+$0x15C0]  }
0x164: {  	v7 =	vadd.f32 v10, v7;
	v3 =	vadd.f32 v4, v3;
	v4 =	vld [tilespmem:s23+$0x25C0]  }
0x165: {  	v9 =	vld [tilespmem:s23+$0x35C0]  }
0x166: {  	v6 =	vadd.f32 v6, v11;
	v10 =	vld [tilespmem:s23+$0x45C0]  }
0x167: {  	v11 =	vld [tilespmem:s23+$0x55C0]  }
0x168: {  	v6 =	vadd.f32 v6, v7;
	v7 =	vld [tilespmem:s23+$0x65C0];
	v5 =	vadd.f32 v8, v5  }
0x169: {  	v8 =	vld [tilespmem:s23+$0x75C0]  }
0x16a: {  	v3 =	vadd.f32 v6, v3;
	v6 =	vld [tilespmem:s23+$0x5D0];
	v4 =	vadd.f32 v9, v4  }
0x16b: {  	v9 =	vld [tilespmem:s23+$0x15D0]  }
0x16c: {  	v12 =	vld [tilespmem:s23+$0x25D0];
	v10 =	vadd.f32 v11, v10;
	v4 =	vadd.f32 v4, v5  }
0x16d: {  	v5 =	vld [tilespmem:s23+$0x35D0]  }
0x16e: {  	v11 =	vld [tilespmem:s23+$0x45D0];
	v7 =	vadd.f32 v8, v7  }
0x16f: {  	v8 =	vld [tilespmem:s23+$0x55D0]  }
0x170: {  	v13 =	vld [tilespmem:s23+$0x65D0];
	v7 =	vadd.f32 v7, v10;
	v6 =	vadd.f32 v9, v6  }
0x171: {  	v9 =	vld [tilespmem:s23+$0x75D0]  }
0x172: {  	v10 =	vld [tilespmem:s23+$0x5E0];
	v4 =	vadd.f32 v7, v4;
	v5 =	vadd.f32 v5, v12  }
0x173: {  	v7 =	vld [tilespmem:s23+$0x15E0]  }
0x174: {  	v12 =	vld [tilespmem:s23+$0x25E0];
	v8 =	vadd.f32 v8, v11;
	v5 =	vadd.f32 v5, v6  }
0x175: {  	v6 =	vld [tilespmem:s23+$0x35E0]  }
0x176: {  	v11 =	vld [tilespmem:s23+$0x45E0];
	v9 =	vadd.f32 v9, v13  }
0x177: {  	v13 =	vld [tilespmem:s23+$0x55E0]  }
0x178: {  	v14 =	vld [tilespmem:s23+$0x65E0];
	v8 =	vadd.f32 v9, v8;
	v7 =	vadd.f32 v7, v10  }
0x179: {  	v9 =	vld [tilespmem:s23+$0x75E0]  }
0x17a: {  	v10 =	vld [tilespmem:s23+$0x8580];
	v5 =	vadd.f32 v8, v5;
	v6 =	vadd.f32 v6, v12  }
0x17b: {  	v8 =	vld [tilespmem:s23+$0x12580]  }
0x17c: {  	v12 =	vld [tilespmem:s23+$0x8590];
	v11 =	vadd.f32 v13, v11;
	v6 =	vadd.f32 v6, v7  }
0x17d: {  	v7 =	vld [tilespmem:s23+$0x12590]  }
0x17e: {  	v13 =	vld [tilespmem:s23+$0x85A0];
	v9 =	vadd.f32 v9, v14  }
0x17f: {  	v14 =	vld [tilespmem:s23+$0x125A0]  }
0x180: {  	v15 =	vld [tilespmem:s23+$0x85B0];
	v18 =	vadd.f32 v8, v10;
	v8 =	vadd.f32 v9, v11  }
0x181: {  	v11 =	vld [tilespmem:s23+$0x125B0]  }
0x182: {  	v9 =	vadd.f32 v7, v12;
	v7 =	vld [tilespmem:s23+$0x85C0];
	v6 =	vadd.f32 v8, v6  }
0x183: {  	v8 =	vld [tilespmem:s23+$0x125C0]  }
0x184: {  	v10 =	vadd.f32 v14, v13;
	v13 =	vld [tilespmem:s23+$0x85D0]  }
0x185: {  	v14 =	vld [tilespmem:s23+$0x125D0]  }
0x186: {  	v11 =	vadd.f32 v11, v15;
	v19 =	vld [tilespmem:s23+$0x85E0]  }
0x187: {  	v20 =	vld [tilespmem:s23+$0x125E0]  }
0x188: {  	v21 =	vld [tilespmem:s23+$0x13580];
	v12 =	vadd.f32 v8, v7  }
.Ltmp0:
0x189: {  	v17 =	vld [tilespmem:s23+$0x13590];
	(pc) =	sbr.rel @p0 .LBB2_3-.Ltmp0, $4  }
0x18a: {  	v15 =	vld [tilespmem:s23+$0x135A0];
	v7 =	vadd.f32 v14, v13  }
0x18b: {  	v16 =	vld [tilespmem:s23+$0x135B0]  }
0x18c: {  	v13 =	vld [tilespmem:s23+$0x135C0];
	v8 =	vadd.f32 v20, v19  }
0x18d: {  	s26 =	sadd.s32 $0x200, s26;
	v18 =	vadd.f32 v21, v18;
	v14 =	vld [tilespmem:s23+$0x135D0]  }
0x18e: {  	v9 =	vadd.f32 v17, v9;
	v59 =	vld [tilespmem:s23+$0x135E0]  }
0x18f: {  	v0 =	vadd.f32 v18, v0;
	v10 =	vadd.f32 v15, v10  }
0x190: {  	v1 =	vadd.f32 v9, v1;
	v60 =	vadd.f32 v16, v11  }
0x191: {  	v2 =	vadd.f32 v10, v2;
	[tilespmem:s23+$0x165C0] =	vst v0;
	v61 =	vadd.f32 v13, v12  }
0x192: {  	p0 =	seq.s32 s3, $0x1F;
	v3 =	vadd.f32 v60, v3;
	[tilespmem:s23+$0x165D0] =	vst v1;
	v62 =	vadd.f32 v14, v7  }
.Ltmp1:
0x193: {  	[tilespmem:s23+$0x165E0] =	vst v2;
	v0 =	vadd.f32 v61, v4;
	v63 =	vadd.f32 v59, v8;
	(pc) =	sbr.rel @p0 .LBB2_6-.Ltmp1, $4  }
0x194: {  	[tilespmem:s23+$0x165F0] =	vst v3;
	v1 =	vadd.f32 v62, v5  }
0x195: {  	v2 =	vadd.f32 v63, v6;
	[tilespmem:s23+$0x16600] =	vst v0  }
0x196: {  	[tilespmem:s23+$0x16610] =	vst v1  }
0x197: {  	[tilespmem:s23+$0x16620] =	vst v2  }
0x198: {  	s8 =	sand.u32 $0x1FFFFFF0, s8  }
0x199: {  	s26 =	rddreg [dreg:$0x0];
	s23 =	sadd.s32 $0x10, s8  }
0x19a: {  	s8 =	sadd.s32 s26, s8;
	s24 =	sadd.s32 s26, s23  }
0x19b: {  	[tilespmem:s7], [sflag:$0x4] =	stream.linear.gather [hbm4b:s24+s7], $0x40, $0x38;
	[tilespmem:$0x185C0] =	vst v63  }
0x19c: {  	s4 =	sadd.s32 $0x4010, s8  }
0x19d: {  	[tilespmem:s13], [sflag:$0x4] =	stream.linear.gather [hbm4b:s4+s7], $0x40, $0x38;
	[tilespmem:$0x185C0] =	vst v63  }
0x19e: {  	s5 =	sadd.s32 $0x8010, s8;
	s26 =	simm.s32 $0x80  }
0x19f: {  	[tilespmem:s26], [sflag:$0x4] =	stream.linear.gather [hbm4b:s5+s7], $0x40, $0x38;
	[tilespmem:$0x185C0] =	vst v63  }
0x1a0: {  	s28 =	simm.s32 $0xC0;
	s6 =	sadd.s32 $0xC010, s8  }
0x1a1: {  	[tilespmem:s28], [sflag:$0x4] =	stream.linear.gather [hbm4b:s6+s7], $0x40, $0x38;
	[tilespmem:$0x185C0] =	vst v63  }
0x1a2: {  	s11 =	sadd.s32 $0x10010, s8;
	s4 =	simm.s32 $0x100  }
0x1a3: {  	[tilespmem:s4], [sflag:$0x4] =	stream.linear.gather [hbm4b:s11+s7], $0x40, $0x38;
	[tilespmem:$0x185C0] =	vst v63  }
0x1a4: {  	s14 =	sadd.s32 $0x14010, s8;
	s11 =	simm.s32 $0x140  }
0x1a5: {  	[tilespmem:s11], [sflag:$0x4] =	stream.linear.gather [hbm4b:s14+s7], $0x40, $0x38;
	[tilespmem:$0x185C0] =	vst v63  }
0x1a6: {  	s5 =	sadd.s32 $0x18010, s8;
	s6 =	simm.s32 $0x180  }
0x1a7: {  	[tilespmem:s6], [sflag:$0x4] =	stream.linear.gather [hbm4b:s5+s7], $0x40, $0x38;
	[tilespmem:$0x185C0] =	vst v63  }
0x1a8: {  	s14 =	sadd.s32 $0x1C010, s8;
	s5 =	simm.s32 $0x1C0  }
0x1a9: {  	[tilespmem:s5], [sflag:$0x4] =	stream.linear.gather [hbm4b:s14+s7], $0x40, $0x38;
	[tilespmem:$0x185C0] =	vst v63  }
0x1aa: {  	s24 =	simm.s32 $0x200;
	s8 =	sadd.s32 $0x20010, s8;
	s14 =	rddreg [dreg:$0x1]  }
0x1ab: {  	[tilespmem:s24], [sflag:$0x4] =	stream.linear.gather [hbm4b:s8+s7], $0x40, $0x38;
	[tilespmem:$0x185C0] =	vst v63  }
0x1ac: {  	s8 =	sadd.s32 s14, s23;
	s14 =	simm.s32 $0x480  }
0x1ad: {  	[tilespmem:s14], [sflag:$0x4] =	stream.linear.gather [hbm4b:s8+s7], $0x40, $0x38;
	[tilespmem:$0x185C0] =	vst v63  }
0x1ae: {  	s8 =	rddreg [dreg:$0x2]  }
0x1af: {  	s8 =	sadd.s32 s8, s23;
	s23 =	simm.s32 $0x4C0  }
0x1b0: {  	[tilespmem:s23], [sflag:$0x4] =	stream.linear.gather [hbm4b:s8+s7], $0x40, $0x38;
	[tilespmem:$0x185C0] =	vst v63  }
0x1b1: {  	_ =	swait.ge [sflag:s25], $0x40  }
0x1b2: {  	[sflag:s25] =	ssyncset.done $0x0  }
0x1b3: {  	[sflag:s25] =	ssyncadd.s32 $0xFFFFFFC0  }
0x1b4: {  	_ =	swait.ge [sflag:s25], $0x40  }
0x1b5: {  	[sflag:s25] =	ssyncset.done $0x0  }
0x1b6: {  	[sflag:s25] =	ssyncadd.s32 $0xFFFFFFC0  }
0x1b7: {  	_ =	swait.ge [sflag:s25], $0x40  }
0x1b8: {  	[sflag:s25] =	ssyncset.done $0x0  }
0x1b9: {  	[sflag:s25] =	ssyncadd.s32 $0xFFFFFFC0  }
0x1ba: {  	_ =	swait.ge [sflag:s25], $0x40  }
0x1bb: {  	[sflag:s25] =	ssyncset.done $0x0  }
0x1bc: {  	[sflag:s25] =	ssyncadd.s32 $0xFFFFFFC0  }
0x1bd: {  	_ =	swait.ge [sflag:s25], $0x40  }
0x1be: {  	[sflag:s25] =	ssyncset.done $0x0  }
0x1bf: {  	[sflag:s25] =	ssyncadd.s32 $0xFFFFFFC0  }
0x1c0: {  	_ =	swait.ge [sflag:s25], $0x40  }
0x1c1: {  	[sflag:s25] =	ssyncset.done $0x0  }
0x1c2: {  	[sflag:s25] =	ssyncadd.s32 $0xFFFFFFC0  }
0x1c3: {  	_ =	swait.ge [sflag:s25], $0x40  }
0x1c4: {  	[sflag:s25] =	ssyncset.done $0x0  }
0x1c5: {  	[sflag:s25] =	ssyncadd.s32 $0xFFFFFFC0  }
0x1c6: {  	_ =	swait.ge [sflag:s25], $0x40  }
0x1c7: {  	[sflag:s25] =	ssyncset.done $0x0  }
0x1c8: {  	[sflag:s25] =	ssyncadd.s32 $0xFFFFFFC0  }
0x1c9: {  	_ =	swait.ge [sflag:s25], $0x40  }
0x1ca: {  	[sflag:s25] =	ssyncset.done $0x0  }
0x1cb: {  	[sflag:s25] =	ssyncadd.s32 $0xFFFFFFC0  }
0x1cc: {  	_ =	swait.ge [sflag:s25], $0x40  }
0x1cd: {  	[sflag:s25] =	ssyncset.done $0x0  }
0x1ce: {  	[sflag:s25] =	ssyncadd.s32 $0xFFFFFFC0  }
0x1cf: {  	_ =	swait.ge [sflag:s25], $0x40  }
0x1d0: {  	[sflag:s25] =	ssyncset.done $0x0  }
0x1d1: {  	s8 =	simm.s32 $0x580;
	[sflag:s25] =	ssyncadd.s32 $0xFFFFFFC0  }
0x1d2: {  	[tilespmem:s8], [sflag:$0x1] =	stream.indirect.gather [hbm4b:s9+s13], $0x40, s7, s13, $0xb8;
	[tilespmem:$0x185C0] =	vst v63  }
0x1d3: {  	s8 =	simm.s32 $0x1580  }
0x1d4: {  	[tilespmem:s8], [sflag:$0x1] =	stream.indirect.gather [hbm4b:s9+s13], $0x40, s13, s13, $0xb8;
	[tilespmem:$0x185C0] =	vst v63  }
0x1d5: {  	s8 =	simm.s32 $0x2580  }
0x1d6: {  	[tilespmem:s8], [sflag:$0x1] =	stream.indirect.gather [hbm4b:s9+s13], $0x40, s26, s13, $0xb8;
	[tilespmem:$0x185C0] =	vst v63  }
0x1d7: {  	s26 =	simm.s32 $0x3580  }
0x1d8: {  	[tilespmem:s26], [sflag:$0x1] =	stream.indirect.gather [hbm4b:s9+s13], $0x40, s28, s13, $0xb8;
	[tilespmem:$0x185C0] =	vst v63  }
0x1d9: {  	s28 =	simm.s32 $0x4580  }
0x1da: {  	[tilespmem:s28], [sflag:$0x1] =	stream.indirect.gather [hbm4b:s9+s13], $0x40, s4, s13, $0xb8;
	[tilespmem:$0x185C0] =	vst v63  }
0x1db: {  	s26 =	simm.s32 $0x5580  }
0x1dc: {  	[tilespmem:s26], [sflag:$0x1] =	stream.indirect.gather [hbm4b:s9+s13], $0x40, s11, s13, $0xb8;
	[tilespmem:$0x185C0] =	vst v63  }
0x1dd: {  	s28 =	simm.s32 $0x6580  }
0x1de: {  	[tilespmem:s28], [sflag:$0x1] =	stream.indirect.gather [hbm4b:s9+s13], $0x40, s6, s13, $0xb8;
	[tilespmem:$0x185C0] =	vst v63  }
0x1df: {  	s8 =	simm.s32 $0x7580  }
0x1e0: {  	[tilespmem:s8], [sflag:$0x1] =	stream.indirect.gather [hbm4b:s9+s13], $0x40, s5, s13, $0xb8;
	[tilespmem:$0x185C0] =	vst v63  }
0x1e1: {  	s11 =	simm.s32 $0x8580  }
0x1e2: {  	[tilespmem:s11], [sflag:$0x1] =	stream.indirect.gather [hbm4b:s9+s13], $0x40, s24, s13, $0xb8;
	[tilespmem:$0x185C0] =	vst v63  }
0x1e3: {  	s26 =	simm.s32 $0x12580  }
0x1e4: {  	[tilespmem:s26], [sflag:$0x1] =	stream.indirect.gather [hbm4b:s10+s13], $0x40, s14, s13, $0xb8;
	[tilespmem:$0x185C0] =	vst v63  }
0x1e5: {  	s28 =	simm.s32 $0x13580  }
0x1e6: {  	[tilespmem:s28], [sflag:$0x1] =	stream.indirect.gather [hbm4b:s12+s13], $0x40, s23, s13, $0xb8;
	[tilespmem:$0x185C0] =	vst v63  }
.LBB2_6:
0x1e7: {  	_ =	swait.ge [sflag:s2], $0x1000  }
0x1e8: {  	[sflag:s2] =	ssyncset.done $0x0  }
0x1e9: {  	[sflag:s2] =	ssyncadd.s32 $0xFFFFF000  }
0x1ea: {  	_ =	swait.ge [sflag:s2], $0x1000  }
0x1eb: {  	[sflag:s2] =	ssyncset.done $0x0  }
0x1ec: {  	[sflag:s2] =	ssyncadd.s32 $0xFFFFF000  }
0x1ed: {  	_ =	swait.ge [sflag:s2], $0x1000  }
0x1ee: {  	[sflag:s2] =	ssyncset.done $0x0  }
0x1ef: {  	[sflag:s2] =	ssyncadd.s32 $0xFFFFF000  }
0x1f0: {  	_ =	swait.ge [sflag:s2], $0x1000  }
0x1f1: {  	[sflag:s2] =	ssyncset.done $0x0  }
0x1f2: {  	[sflag:s2] =	ssyncadd.s32 $0xFFFFF000  }
0x1f3: {  	_ =	swait.ge [sflag:s2], $0x1000  }
0x1f4: {  	[sflag:s2] =	ssyncset.done $0x0  }
0x1f5: {  	[sflag:s2] =	ssyncadd.s32 $0xFFFFF000  }
0x1f6: {  	_ =	swait.ge [sflag:s2], $0x1000  }
0x1f7: {  	[sflag:s2] =	ssyncset.done $0x0  }
0x1f8: {  	[sflag:s2] =	ssyncadd.s32 $0xFFFFF000  }
0x1f9: {  	_ =	swait.ge [sflag:s2], $0x1000  }
0x1fa: {  	[sflag:s2] =	ssyncset.done $0x0  }
0x1fb: {  	[sflag:s2] =	ssyncadd.s32 $0xFFFFF000  }
0x1fc: {  	_ =	swait.ge [sflag:s2], $0x1000  }
0x1fd: {  	[sflag:s2] =	ssyncset.done $0x0  }
0x1fe: {  	[sflag:s2] =	ssyncadd.s32 $0xFFFFF000  }
0x1ff: {  	_ =	swait.ge [sflag:s2], $0x1000  }
0x200: {  	[sflag:s2] =	ssyncset.done $0x0  }
0x201: {  	[sflag:s2] =	ssyncadd.s32 $0xFFFFF000  }
0x202: {  	_ =	swait.ge [sflag:s2], $0x1000  }
0x203: {  	[sflag:s2] =	ssyncset.done $0x0  }
0x204: {  	[sflag:s2] =	ssyncadd.s32 $0xFFFFF000  }
0x205: {  	_ =	swait.ge [sflag:s2], $0x1000  }
0x206: {  	[sflag:s2] =	ssyncset.done $0x0  }
0x207: {  	s8 =	simm.s32 $0x0;
	[sflag:s2] =	ssyncadd.s32 $0xFFFFF000  }
0x208: {  	v0 =	vld [tilespmem:s8+$0x115F0]  }
0x209: {  	v1 =	vld [tilespmem:s8+$0x95F0]  }
0x20a: {  	v2 =	vld [tilespmem:s8+$0xA5F0]  }
0x20b: {  	v3 =	vld [tilespmem:s8+$0xB5F0]  }
0x20c: {  	v4 =	vld [tilespmem:s8+$0xC5F0]  }
0x20d: {  	v5 =	vld [tilespmem:s8+$0xD5F0]  }
0x20e: {  	v6 =	vld [tilespmem:s8+$0xE5F0]  }
0x20f: {  	v7 =	vld [tilespmem:s8+$0xF5F0]  }
0x210: {  	v8 =	vld [tilespmem:s8+$0x105F0]  }
0x211: {  	v9 =	vld [tilespmem:s8+$0x145F0]  }
0x212: {  	v10 =	vld [tilespmem:s8+$0x9580]  }
0x213: {  	v11 =	vld [tilespmem:s8+$0xA580]  }
0x214: {  	v12 =	vld [tilespmem:s8+$0x155F0]  }
0x215: {  	v13 =	vld [tilespmem:s8+$0xD590]  }
0x216: {  	v14 =	vld [tilespmem:s8+$0xE590]  }
0x217: {  	v15 =	vld [tilespmem:s8+$0xF590]  }
0x218: {  	v16 =	vld [tilespmem:s8+$0x10590]  }
0x219: {  	v17 =	vld [tilespmem:s8+$0x95A0]  }
0x21a: {  	v18 =	vld [tilespmem:s8+$0xA5A0]  }
0x21b: {  	v19 =	vld [tilespmem:s8+$0xB5A0]  }
0x21c: {  	v20 =	vld [tilespmem:s8+$0xC5A0]  }
0x21d: {  	v21 =	vld [tilespmem:s8+$0xD5A0]  }
0x21e: {  	v22 =	vld [tilespmem:s8+$0xE5A0]  }
0x21f: {  	v23 =	vld [tilespmem:s8+$0xF5A0]  }
0x220: {  	v24 =	vld [tilespmem:s8+$0x105A0]  }
0x221: {  	v25 =	vld [tilespmem:s8+$0x95B0]  }
0x222: {  	v26 =	vld [tilespmem:s8+$0xA5B0]  }
0x223: {  	v27 =	vld [tilespmem:s8+$0xB5B0]  }
0x224: {  	v28 =	vld [tilespmem:s8+$0xC5B0]  }
0x225: {  	v29 =	vld [tilespmem:s8+$0xD5B0]  }
0x226: {  	v30 =	vld [tilespmem:s8+$0xE5B0]  }
0x227: {  	v31 =	vld [tilespmem:s8+$0xF5B0]  }
0x228: {  	v32 =	vld [tilespmem:s8+$0x105B0]  }
0x229: {  	v33 =	vld [tilespmem:s8+$0x95C0]  }
0x22a: {  	v34 =	vld [tilespmem:s8+$0xA5C0]  }
0x22b: {  	v35 =	vld [tilespmem:s8+$0xB5C0]  }
0x22c: {  	v36 =	vld [tilespmem:s8+$0xC5C0]  }
0x22d: {  	v37 =	vld [tilespmem:s8+$0xD5C0]  }
0x22e: {  	v38 =	vld [tilespmem:s8+$0xE5C0]  }
0x22f: {  	v39 =	vld [tilespmem:s8+$0xF5C0]  }
0x230: {  	v40 =	vld [tilespmem:s8+$0x105C0]  }
0x231: {  	v41 =	vld [tilespmem:s8+$0x95D0]  }
0x232: {  	v42 =	vld [tilespmem:s8+$0xA5D0]  }
0x233: {  	v43 =	vld [tilespmem:s8+$0xB5D0]  }
0x234: {  	v44 =	vld [tilespmem:s8+$0xC5D0]  }
0x235: {  	v45 =	vld [tilespmem:s8+$0xD5D0]  }
0x236: {  	v46 =	vld [tilespmem:s8+$0xE5D0]  }
0x237: {  	v52 =	vld [tilespmem:s8+$0x115A0]  }
0x238: {  	v55 =	vld [tilespmem:s8+$0x145A0]  }
0x239: {  	v57 =	vld [tilespmem:s8+$0x145B0]  }
0x23a: {  	v59 =	vld [tilespmem:s8+$0x115C0]  }
0x23b: {  	v60 =	vld [tilespmem:s8+$0x145C0]  }
0x23c: {  	v62 =	vld [tilespmem:s8+$0x115D0]  }
0x23d: {  	v1 =	vadd.f32 v2, v1;
	v2 =	vadd.f32 v4, v3;
	v3 =	vld [tilespmem:s8+$0xB580]  }
0x23e: {  	v4 =	vadd.f32 v6, v5;
	v5 =	vadd.f32 v8, v7;
	v6 =	vld [tilespmem:s8+$0xC580]  }
0x23f: {  	v0 =	vadd.f32 v9, v0;
	v7 =	vld [tilespmem:s8+$0xD580]  }
0x240: {  	v1 =	vadd.f32 v2, v1;
	v2 =	vadd.f32 v5, v4;
	v4 =	vld [tilespmem:s8+$0xE580]  }
0x241: {  	v50 =	vadd.f32 v34, v33;
	v51 =	vadd.f32 v36, v35;
	v5 =	vld [tilespmem:s8+$0xF580]  }
0x242: {  	v0 =	vadd.f32 v12, v0;
	v1 =	vadd.f32 v2, v1;
	v2 =	vld [tilespmem:s8+$0x10580]  }
0x243: {  	v8 =	vld [tilespmem:s8+$0x9590];
	v53 =	vadd.f32 v38, v37;
	v54 =	vadd.f32 v40, v39  }
0x244: {  	v9 =	vld [tilespmem:s8+$0xB590];
	v58 =	vadd.f32 v42, v41;
	v0 =	vadd.f32 v0, v1  }
0x245: {  	v61 =	vadd.f32 v46, v45;
	v56 =	vadd.f32 v54, v53;
	v1 =	vld [tilespmem:s8+$0xA590]  }
0x246: {  	v12 =	vld [tilespmem:s8+$0xC590];
	v3 =	vadd.f32 v6, v3;
	[tilespmem:s8+$0x17630] =	vst v0;
	v0 =	vadd.f32 v11, v10  }
0x247: {  	v6 =	vld [tilespmem:s8+$0xF5D0];
	v4 =	vadd.f32 v4, v7;
	v2 =	vadd.f32 v2, v5  }
0x248: {  	v7 =	vld [tilespmem:s8+$0x95E0];
	v0 =	vadd.f32 v3, v0;
	v3 =	vadd.f32 v14, v13  }
0x249: {  	v10 =	vld [tilespmem:s8+$0xA5E0];
	v13 =	vadd.f32 v20, v19;
	v19 =	vadd.f32 v32, v31  }
0x24a: {  	v11 =	vld [tilespmem:s8+$0xD5E0];
	v2 =	vadd.f32 v2, v4;
	v1 =	vadd.f32 v1, v8  }
0x24b: {  	v5 =	vld [tilespmem:s8+$0x105D0];
	v4 =	vadd.f32 v16, v15;
	v15 =	vadd.f32 v22, v21  }
0x24c: {  	v14 =	vld [tilespmem:s8+$0xE5E0];
	v0 =	vadd.f32 v2, v0;
	v2 =	vadd.f32 v12, v9  }
0x24d: {  	v8 =	vld [tilespmem:s8+$0xB5E0];
	v16 =	vadd.f32 v24, v23;
	v12 =	vadd.f32 v18, v17  }
0x24e: {  	v9 =	vld [tilespmem:s8+$0xC5E0];
	v1 =	vadd.f32 v2, v1;
	v2 =	vadd.f32 v4, v3  }
0x24f: {  	v20 =	vld [tilespmem:s8+$0x14590];
	v3 =	vadd.f32 v13, v12;
	v4 =	vadd.f32 v16, v15  }
0x250: {  	v17 =	vld [tilespmem:s8+$0xF5E0];
	v5 =	vadd.f32 v5, v6;
	v13 =	vadd.f32 v26, v25  }
0x251: {  	v18 =	vld [tilespmem:s8+$0x105E0];
	v1 =	vadd.f32 v2, v1;
	v2 =	vadd.f32 v4, v3  }
0x252: {  	v12 =	vld [tilespmem:s8+$0x11580];
	v3 =	vadd.f32 v28, v27;
	v4 =	vadd.f32 v30, v29  }
0x253: {  	v6 =	vadd.f32 v10, v7;
	v15 =	vld [tilespmem:s8+$0x14580];
	v7 =	vadd.f32 v9, v8  }
0x254: {  	v16 =	vld [tilespmem:s8+$0x11590];
	v3 =	vadd.f32 v3, v13;
	v4 =	vadd.f32 v19, v4  }
0x255: {  	v8 =	vld [tilespmem:s8+$0x145D0];
	v9 =	vadd.f32 v14, v11;
	v19 =	vadd.f32 v51, v50  }
0x256: {  	v10 =	vadd.f32 v18, v17;
	v14 =	vld [tilespmem:s8+$0x115E0];
	v3 =	vadd.f32 v4, v3  }
0x257: {  	v18 =	vld [tilespmem:s8+$0x145E0];
	v4 =	vadd.f32 v56, v19;
	v19 =	vadd.f32 v44, v43  }
0x258: {  	v5 =	vadd.f32 v5, v61;
	v13 =	vld [tilespmem:s8+$0x115B0];
	v6 =	vadd.f32 v7, v6  }
0x259: {  	v7 =	vadd.f32 v10, v9;
	v11 =	vadd.f32 v19, v58;
	v19 =	vld [tilespmem:s8+$0x15580]  }
0x25a: {  	v17 =	vld [tilespmem:s8+$0x15590];
	v63 =	vadd.f32 v15, v12;
	v9 =	vadd.f32 v20, v16  }
0x25b: {  	v15 =	vld [tilespmem:s8+$0x155A0];
	v10 =	vadd.f32 v55, v52;
	v12 =	vadd.f32 v60, v59  }
0x25c: {  	v16 =	vld [tilespmem:s8+$0x155B0];
	v6 =	vadd.f32 v7, v6;
	v7 =	vadd.f32 v8, v62  }
0x25d: {  	v5 =	vadd.f32 v5, v11;
	v11 =	vadd.f32 v57, v13;
	v13 =	vld [tilespmem:s8+$0x155C0]  }
0x25e: {  	s23 =	simm.s32 $0x0;
	s24 =	simm.s32 $0x200;
	v8 =	vadd.f32 v18, v14;
	v14 =	vld [tilespmem:s8+$0x155D0];
	v18 =	vadd.f32 v19, v63  }
.LBB2_7:
0x25f: {  	s26 =	sshra.s32 s24, $0x2;
	v9 =	vadd.f32 v17, v9;
	v17 =	vld [tilespmem:s8+$0x155E0]  }
0x260: {  	v19 =	vld [tilespmem:s26+$0x115F0];
	v0 =	vadd.f32 v18, v0;
	v10 =	vadd.f32 v15, v10  }
0x261: {  	v15 =	vld [tilespmem:s26+$0x95F0];
	v1 =	vadd.f32 v9, v1;
	v9 =	vadd.f32 v16, v11  }
0x262: {  	v11 =	vld [tilespmem:s26+$0xA5F0];
	v2 =	vadd.f32 v10, v2;
	[tilespmem:s8+$0x175C0] =	vst v0;
	v0 =	vadd.f32 v13, v12  }
0x263: {  	v10 =	vld [tilespmem:s26+$0xB5F0];
	v3 =	vadd.f32 v9, v3;
	[tilespmem:s8+$0x175D0] =	vst v1;
	v1 =	vadd.f32 v14, v7  }
0x264: {  	v7 =	vld [tilespmem:s26+$0xC5F0];
	[tilespmem:s8+$0x175E0] =	vst v2;
	v0 =	vadd.f32 v0, v4;
	v2 =	vadd.f32 v17, v8  }
0x265: {  	v4 =	vld [tilespmem:s26+$0xD5F0];
	[tilespmem:s8+$0x175F0] =	vst v3;
	v1 =	vadd.f32 v1, v5  }
0x266: {  	v3 =	vld [tilespmem:s26+$0xE5F0];
	v2 =	vadd.f32 v2, v6;
	[tilespmem:s8+$0x17600] =	vst v0  }
0x267: {  	s23 =	sadd.s32 $0x2, s23;
	v0 =	vld [tilespmem:s26+$0xF5F0];
	[tilespmem:s8+$0x17610] =	vst v1  }
0x268: {  	p0 =	slt.u32 s23, $0x3E;
	v1 =	vld [tilespmem:s26+$0x105F0];
	[tilespmem:s8+$0x17620] =	vst v2;
	s8 =	smov.u32 s26  }
0x269: {  	v2 =	vld [tilespmem:s8+$0x145F0]  }
0x26a: {  	v5 =	vld [tilespmem:s8+$0x9580]  }
0x26b: {  	v6 =	vld [tilespmem:s8+$0xA580]  }
0x26c: {  	v9 =	vadd.f32 v11, v15;
	v7 =	vadd.f32 v7, v10;
	v8 =	vld [tilespmem:s8+$0x155F0]  }
0x26d: {  	v3 =	vadd.f32 v3, v4;
	v10 =	vld [tilespmem:s8+$0xB580];
	v0 =	vadd.f32 v1, v0  }
0x26e: {  	v1 =	vld [tilespmem:s8+$0xC580];
	v2 =	vadd.f32 v2, v19  }
0x26f: {  	v7 =	vadd.f32 v7, v9;
	v4 =	vld [tilespmem:s8+$0xD580];
	v0 =	vadd.f32 v0, v3  }
0x270: {  	v3 =	vld [tilespmem:s8+$0xE580];
	v5 =	vadd.f32 v6, v5  }
0x271: {  	v6 =	vld [tilespmem:s8+$0xF580];
	v2 =	vadd.f32 v8, v2;
	v0 =	vadd.f32 v0, v7  }
0x272: {  	v7 =	vld [tilespmem:s8+$0x10580]  }
0x273: {  	v8 =	vld [tilespmem:s8+$0x9590];
	v1 =	vadd.f32 v1, v10;
	v0 =	vadd.f32 v2, v0  }
0x274: {  	v2 =	vld [tilespmem:s8+$0xA590]  }
0x275: {  	v9 =	vld [tilespmem:s8+$0xB590];
	v3 =	vadd.f32 v3, v4;
	v1 =	vadd.f32 v1, v5;
	[tilespmem:s8+$0x17630] =	vst v0  }
0x276: {  	v4 =	vld [tilespmem:s8+$0xC590]  }
0x277: {  	v5 =	vld [tilespmem:s8+$0xD590];
	v0 =	vadd.f32 v7, v6  }
0x278: {  	v6 =	vld [tilespmem:s8+$0xE590]  }
0x279: {  	v7 =	vld [tilespmem:s8+$0xF590];
	v0 =	vadd.f32 v0, v3;
	v2 =	vadd.f32 v2, v8  }
0x27a: {  	v3 =	vld [tilespmem:s8+$0x10590]  }
0x27b: {  	v8 =	vld [tilespmem:s8+$0x95A0];
	v0 =	vadd.f32 v0, v1;
	v1 =	vadd.f32 v4, v9  }
0x27c: {  	v4 =	vld [tilespmem:s8+$0xA5A0]  }
0x27d: {  	v9 =	vld [tilespmem:s8+$0xB5A0];
	v5 =	vadd.f32 v6, v5;
	v1 =	vadd.f32 v1, v2  }
0x27e: {  	v2 =	vld [tilespmem:s8+$0xC5A0]  }
0x27f: {  	v6 =	vld [tilespmem:s8+$0xD5A0];
	v3 =	vadd.f32 v3, v7  }
0x280: {  	v7 =	vld [tilespmem:s8+$0xE5A0]  }
0x281: {  	v10 =	vld [tilespmem:s8+$0xF5A0];
	v3 =	vadd.f32 v3, v5;
	v4 =	vadd.f32 v4, v8  }
0x282: {  	v5 =	vld [tilespmem:s8+$0x105A0]  }
0x283: {  	v8 =	vld [tilespmem:s8+$0x95B0];
	v1 =	vadd.f32 v3, v1;
	v2 =	vadd.f32 v2, v9  }
0x284: {  	v3 =	vld [tilespmem:s8+$0xA5B0]  }
0x285: {  	v9 =	vld [tilespmem:s8+$0xB5B0];
	v6 =	vadd.f32 v7, v6;
	v2 =	vadd.f32 v2, v4  }
0x286: {  	v4 =	vld [tilespmem:s8+$0xC5B0]  }
0x287: {  	v7 =	vld [tilespmem:s8+$0xD5B0];
	v5 =	vadd.f32 v5, v10  }
0x288: {  	v10 =	vld [tilespmem:s8+$0xE5B0]  }
0x289: {  	v11 =	vld [tilespmem:s8+$0xF5B0];
	v5 =	vadd.f32 v5, v6;
	v3 =	vadd.f32 v3, v8  }
0x28a: {  	v6 =	vld [tilespmem:s8+$0x105B0]  }
0x28b: {  	v2 =	vadd.f32 v5, v2;
	v4 =	vadd.f32 v4, v9;
	v5 =	vld [tilespmem:s8+$0x95C0]  }
0x28c: {  	v8 =	vld [tilespmem:s8+$0xA5C0]  }
0x28d: {  	v7 =	vadd.f32 v10, v7;
	v3 =	vadd.f32 v4, v3;
	v4 =	vld [tilespmem:s8+$0xB5C0]  }
0x28e: {  	v9 =	vld [tilespmem:s8+$0xC5C0]  }
0x28f: {  	v6 =	vadd.f32 v6, v11;
	v10 =	vld [tilespmem:s8+$0xD5C0]  }
0x290: {  	v11 =	vld [tilespmem:s8+$0xE5C0]  }
0x291: {  	v6 =	vadd.f32 v6, v7;
	v7 =	vld [tilespmem:s8+$0xF5C0];
	v5 =	vadd.f32 v8, v5  }
0x292: {  	v8 =	vld [tilespmem:s8+$0x105C0]  }
0x293: {  	v3 =	vadd.f32 v6, v3;
	v6 =	vld [tilespmem:s8+$0x95D0];
	v4 =	vadd.f32 v9, v4  }
0x294: {  	v9 =	vld [tilespmem:s8+$0xA5D0]  }
0x295: {  	v12 =	vld [tilespmem:s8+$0xB5D0];
	v10 =	vadd.f32 v11, v10;
	v4 =	vadd.f32 v4, v5  }
0x296: {  	v5 =	vld [tilespmem:s8+$0xC5D0]  }
0x297: {  	v11 =	vld [tilespmem:s8+$0xD5D0];
	v7 =	vadd.f32 v8, v7  }
0x298: {  	v8 =	vld [tilespmem:s8+$0xE5D0]  }
0x299: {  	v13 =	vld [tilespmem:s8+$0xF5D0];
	v7 =	vadd.f32 v7, v10;
	v6 =	vadd.f32 v9, v6  }
0x29a: {  	v9 =	vld [tilespmem:s8+$0x105D0]  }
0x29b: {  	v10 =	vld [tilespmem:s8+$0x95E0];
	v4 =	vadd.f32 v7, v4;
	v5 =	vadd.f32 v5, v12  }
0x29c: {  	v7 =	vld [tilespmem:s8+$0xA5E0]  }
0x29d: {  	v12 =	vld [tilespmem:s8+$0xB5E0];
	v8 =	vadd.f32 v8, v11;
	v5 =	vadd.f32 v5, v6  }
0x29e: {  	v6 =	vld [tilespmem:s8+$0xC5E0]  }
0x29f: {  	v11 =	vld [tilespmem:s8+$0xD5E0];
	v9 =	vadd.f32 v9, v13  }
0x2a0: {  	v13 =	vld [tilespmem:s8+$0xE5E0]  }
0x2a1: {  	v14 =	vld [tilespmem:s8+$0xF5E0];
	v8 =	vadd.f32 v9, v8;
	v7 =	vadd.f32 v7, v10  }
0x2a2: {  	v9 =	vld [tilespmem:s8+$0x105E0]  }
0x2a3: {  	v10 =	vld [tilespmem:s8+$0x11580];
	v5 =	vadd.f32 v8, v5;
	v6 =	vadd.f32 v6, v12  }
0x2a4: {  	v8 =	vld [tilespmem:s8+$0x14580]  }
0x2a5: {  	v12 =	vld [tilespmem:s8+$0x11590];
	v11 =	vadd.f32 v13, v11;
	v6 =	vadd.f32 v6, v7  }
0x2a6: {  	v7 =	vld [tilespmem:s8+$0x14590]  }
0x2a7: {  	v13 =	vld [tilespmem:s8+$0x115A0];
	v9 =	vadd.f32 v9, v14  }
0x2a8: {  	v14 =	vld [tilespmem:s8+$0x145A0]  }
0x2a9: {  	v15 =	vld [tilespmem:s8+$0x115B0];
	v18 =	vadd.f32 v8, v10;
	v8 =	vadd.f32 v9, v11  }
0x2aa: {  	v11 =	vld [tilespmem:s8+$0x145B0]  }
0x2ab: {  	v9 =	vadd.f32 v7, v12;
	v7 =	vld [tilespmem:s8+$0x115C0];
	v6 =	vadd.f32 v8, v6  }
0x2ac: {  	v8 =	vld [tilespmem:s8+$0x145C0]  }
0x2ad: {  	v10 =	vadd.f32 v14, v13;
	v13 =	vld [tilespmem:s8+$0x115D0]  }
0x2ae: {  	v14 =	vld [tilespmem:s8+$0x145D0]  }
0x2af: {  	v11 =	vadd.f32 v11, v15;
	v19 =	vld [tilespmem:s8+$0x115E0]  }
0x2b0: {  	v20 =	vld [tilespmem:s8+$0x145E0]  }
0x2b1: {  	v21 =	vld [tilespmem:s8+$0x15580];
	v12 =	vadd.f32 v8, v7  }
.Ltmp2:
0x2b2: {  	v17 =	vld [tilespmem:s8+$0x15590];
	(pc) =	sbr.rel @p0 .LBB2_7-.Ltmp2, $4  }
0x2b3: {  	v15 =	vld [tilespmem:s8+$0x155A0];
	v7 =	vadd.f32 v14, v13  }
0x2b4: {  	v16 =	vld [tilespmem:s8+$0x155B0]  }
0x2b5: {  	v13 =	vld [tilespmem:s8+$0x155C0];
	v8 =	vadd.f32 v20, v19  }
0x2b6: {  	s24 =	sadd.s32 $0x200, s24;
	v18 =	vadd.f32 v21, v18;
	v14 =	vld [tilespmem:s8+$0x155D0]  }
0x2b7: {  	v9 =	vadd.f32 v17, v9;
	v59 =	vld [tilespmem:s8+$0x155E0]  }
0x2b8: {  	v0 =	vadd.f32 v18, v0;
	v10 =	vadd.f32 v15, v10  }
0x2b9: {  	v1 =	vadd.f32 v9, v1;
	v60 =	vadd.f32 v16, v11  }
0x2ba: {  	v2 =	vadd.f32 v10, v2;
	[tilespmem:s8+$0x175C0] =	vst v0;
	v61 =	vadd.f32 v13, v12  }
0x2bb: {  	s3 =	sadd.s32 $0x1, s3;
	v3 =	vadd.f32 v60, v3;
	[tilespmem:s8+$0x175D0] =	vst v1;
	v62 =	vadd.f32 v14, v7  }
0x2bc: {  	p0 =	sne.s32 s3, $0x20;
	[tilespmem:s8+$0x175E0] =	vst v2;
	v0 =	vadd.f32 v61, v4;
	v63 =	vadd.f32 v59, v8  }
.Ltmp3:
0x2bd: {  	[tilespmem:s8+$0x175F0] =	vst v3;
	v1 =	vadd.f32 v62, v5;
	(pc) =	sbr.rel @p0 .LBB2_2-.Ltmp3, $4  }
0x2be: {  	s1 =	smul.u32 $0x408, s1;
	v2 =	vadd.f32 v63, v6;
	[tilespmem:s8+$0x17600] =	vst v0  }
0x2bf: {  	s26 =	rddreg [dreg:$0x5];
	[tilespmem:s8+$0x17610] =	vst v1  }
0x2c0: {  	s28 =	simm.s32 $0x16580;
	s1 =	sadd.s32 s26, s1;
	[tilespmem:s8+$0x17620] =	vst v2  }
0x2c1: {  	[hbm4b:s1+s7] =	stream.linear.scatter [tilespmem:s28], [sflag:$0x3], $0x2040, $0x38;
	[tilespmem:$0x185C0] =	vst v63  }
0x2c2: {  	s3 =	simm.s32 $0x3  }
0x2c3: {  	_ =	swait.ge [sflag:s3], $0x2040  }
0x2c4: {  	s4 =	rddreg [dreg:$0x18]  }
0x2c5: {  	s1 =	rddreg [dreg:$0x15];
	s4 =	sadd.s32 $0x1, s4  }
0x2c6: {  	p0 =	sne.s32 s4, s1  }
.Ltmp4:
0x2c7: {  	_ = 	snop;
	(pc) =	sbr.rel @p0 .LBB2_1-.Ltmp4, $3  }
0x2c8: {  	_ =	sdelay $0x1  }
0x2c9: {  	[sflag:s3] =	ssyncset.done $0x0  }
0x2ca: {  	[sflag:s3] =	ssyncadd.s32 $0xFFFFDFC0  }
0x2cb: {  	_ =	sfence.sel $0x180000  }
0x2cc: {  	[bflag:$0x0] =	sbarrier.arrive $0xFFFF  }
0x2cd: {  	_ =	strace $0x90000047  }
0x2ce: {  	s0 =	stileid.u32;
	[bflag:$0x2] =	sbarrier.arrive $0xFFFF  }
0x2cf: {  	p0 =	sne.s32 s0, $0x0;
	s0 =	rddreg [dreg:$0x6]  }
0x2d0: {  	s0 =	sadd.s32 @!p0 $0x100000, s0  }
0x2d1: {  	[sflag:s0] =	ssyncadd.tile.s32 @!p0 $0x1;
	_ =	shalt  }
.Lfunc_end2:
_tile_overlayer_lowered:
.L_overlay_start_2:
0x2d2: {  	(tag) =	ssettag $0x2  }
0x2d3: {  	s0 =	rddreg [dreg:$0x0];
	s2 =	stileid.u32  }
0x2d4: {  	s1 =	rddreg [dreg:$0x1];
	p0 =	sne.s32 s2, $0x0  }
0x2d5: {  	s3 =	rddreg [dreg:$0x2];
	[bflag:$0x3] =	sbarrier.arrive $0xFFFF;
	s2 =	simm.s32 @!p0 $0x1C06  }
0x2d6: {  	[timem:s3], [sflag:s2] =	dma.local @!p0 [hbm:s0], s1  }
0x2d7: {  	s0 =	simm.s32 @!p0 $0x6  }
0x2d8: {  	_ =	swait.ge @!p0 [sflag:s0], s1  }
0x2d9: {  	s1 =	ssub.s32 @!p0 $0x0, s1;
	[sflag:s0] =	ssyncset.done @!p0 $0x0  }
0x2da: {  	[sflag:s0] =	ssyncadd.s32 @!p0 s1  }
0x2db: {  	[bflag:$0x3] =	sbarrier.arrive $0xFFFF  }
0x2dc: {  	_ =	shalt  }

// kernel: sparse-core-data-format-call.cloned.1.call-start
scs
called_computation_lowered:
.L_overlay_start_0:
0x0: {  	s2 =	sld [smem:$0x3FD9]  }
0x1: {  	s3 =	sld [smem:$0x3FFE];
	_ =	sdelay $0x1  }
0x2: {  	s1 =	srdreg.scid  }
0x3: {  	s0 =	sand.u32 $0x1, s1  }
0x4: {  	s18 =	sshll.u32 s0, $0xA;
	s2 =	sadd.s32 s3, s2  }
0x5: {  	s2 =	sadd.s32 s2, s18  }
0x6: {  	[smem:$0x3FC1] =	sst s2  }
0x7: {  	_ = 	snop  }
0x8: {  	s2 =	sld [smem:$0x3FD0];
	(tm) =	ssettm $0x1  }
0x9: {  	s19 =	sld [smem:$0x3FFB];
	_ =	sdelay $0x3  }
0xa: {  	_ =	strace s19  }
0xb: {  	s3 =	sld [smem:$0x3FFC];
	_ =	sdelay $0x3  }
0xc: {  	_ =	strace s3  }
0xd: {  	s3 =	sld [smem:$0x3FFD];
	_ =	sdelay $0x3  }
0xe: {  	_ =	strace s3  }
0xf: {  	_ =	strace $0x8FFFFFFF  }
0x10: {  	s20 =	sld [smem:$0x3FDB];
	_ =	sdelay $0x1  }
0x11: {  	s4 =	simm.s32 $_scs_section_size  }
0x12: {  	s5 =	simm.s32 $_size__tile_overlayer_lowered;
	s6 =	simm.s32 $_tile_overlayer_lowered  }
0x13: {  	s23 =	simm.s32 $0x1BFF;
	s22 =	sshll.u32 s6, $0x1;
	s3 =	sadd.s32 s4, s20  }
0x14: {  	s7 =	simm.s32 $0x0;
	s21 =	sshll.u32 s5, $0x1;
	s5 =	sadd.s32 s22, s3  }
0x15: {  	[timem:s7], [sflag:s23] =	dma.local [hbm:s5], s21  }
0x16: {  	_ =	swait.ge [sflag:s23], s21  }
0x17: {  	s4 =	ssub.s32 $0x0, s21;
	[sflag:s23] =	ssyncset.done $0x0  }
0x18: {  	[sflag:s23] =	ssyncadd.s32 s4;
	_ =	sdelay $0x1  }
0x19: {  	s24 =	simm.s32 $0x1B8B  }
0x1a: {  	_ =	swait.ge [sflag:s24], $0x1  }
0x1b: {  	[sflag:s24] =	ssyncset.done $0x0  }
0x1c: {  	s26 =	simm.s32 $0x1B8E;
	s25 =	sld [smem:$0x3FFE];
	[sflag:s24] =	ssyncadd.s32 $0xFFFFFFFF  }
0x1d: {  	s27 =	simm.s32 $execute0_lowered;
	[smem:$0x3FD2] =	sst s26  }
0x1e: {  	s5 =	sshll.u32 s27, $0x1;
	_ =	strace $0x80000049;
	[dreg:$0x1] =	wrdreg $0xFFFFFFFF  }
0x1f: {  	s28 =	simm.s32 $_size_execute0_lowered;
	s3 =	sadd.s32 s3, s5;
	[dreg:$0x0] =	wrdreg $0x0  }
0x20: {  	s5 =	sshll.u32 s28, $0x1;
	[dreg:$0x2] =	wrdreg s3  }
0x21: {  	[dreg:$0x3] =	wrdreg s5  }
0x22: {  	[dreg:$0x4] =	wrdreg $0xC0  }
0x23: {  	_ =	task [dreg:s7], $0x5FFFF  }
0x24: {  	[dreg:$0x1] =	wrdreg $0xFFFFFFFF  }
0x25: {  	[dreg:$0x0] =	wrdreg $0x60  }
0x26: {  	[dreg:$0x2] =	wrdreg s25  }
0x27: {  	[dreg:$0x3] =	wrdreg s2  }
0x28: {  	[dreg:$0x4] =	wrdreg $0x9  }
0x29: {  	_ =	task.clear_ibuf [dreg:s7], $0x5FFFF;
	_ =	strace $0x90000049  }
0x2a: {  	s29 =	simm.s32 $0x9;
	_ =	strace $0x8000004B  }
0x2b: {  	_ =	swait.ge [sflag:s29], $0x1  }
0x2c: {  	[sflag:s29] =	ssyncadd.s32 $0xFFFFFFFF  }
0x2d: {  	_ =	strace $0x9000004B  }
0x2e: {  	_ =	sfence  }
0x2f: {  	s30 =	sld [smem:$0x0];
	_ =	sdelay $0x2  }
0x30: {  	s31 =	sshll.u32 s1, $0xD;
	s1 =	sshrl.u32 s1, $0x2  }
0x31: {  	s3 =	sand.u32 $0x4000, s31;
	s1 =	sadd.s32 s1, s30  }
0x32: {  	s0 =	sor.u32 s3, s0;
	s1 =	sshll.u32 s1, $0x11  }
0x33: {  	s0 =	sor.u32 s1, s0  }
0x34: {  	s0 =	sadd.s32 $0x8F2B, s0  }
0x35: {  	[sflag:s0] =	ssyncadd.remote.s32 $0x1  }
0x36: {  	_ =	sfence.sel $0xFFFF  }
0x37: {  	[dreg:$0x0] =	wrdreg $0xFFFFFFFF;
	(pc) =	sbr.abs _section_cstart, $3  }
0x38: {  	[dreg:$0x1] =	wrdreg $0xFFFFFFFF  }
0x39: {  	_ =	task.clear_ibuf [dreg:s7], $0x2FFFF;
	_ =	strace $0x9FFFFFFF  }
0x3a: {  	(tm) =	ssettm $0x7FFFFFFF  }
0x3b: {  	_ =	shalt  }
tec
execute0_lowered:
.L_overlay_start_1:
0x0: {  	(tag) =	ssettag $0x1  }
0x1: {  	s0 =	stileid.u32  }
0x2: {  	s7 =	rddreg [dreg:$0x0];
	s1 =	srdreg.scid  }
0x3: {  	s2 =	rddreg [dreg:$0x1];
	s31 =	simm.s32 $0x2;
	s13 =	simm.s32 $0x0  }
0x4: {  	s14 =	simm.s32 $0x0;
	s3 =	sshll.u32 s0, $0x7;
	s4 =	sshll.u32 s1, $0x4  }
0x5: {  	s12 =	simm.s32 $0x0;
	s3 =	sand.u32 $0x380, s3;
	s4 =	sand.u32 $0x10, s4  }
0x6: {  	s1 =	rddreg [dreg:$0x2];
	s5 =	ssub.s32 $0x400, s3;
	s4 =	sor.u32 s0, s4  }
0x7: {  	_ =	strace $0x8000004A;
	s6 =	sand.u32 $0x380, s5;
	s4 =	sshrl.u32 s4, $0x3  }
0x8: {  	s8 =	sshrl.u32 s5, $0xA;
	p0 =	sne.s32 s6, $0x0;
	s6 =	simm.s32 $0x1  }
.Ltmp0:
0x9: {  	s9 =	ssub.s32 $0x84, s4;
	s6 =	simm.s32 @!p0 $0x0;
	(pc) =	sbr.rel .LBB1_1-.Ltmp0, $4  }
0xa: {  	s5 =	simm.s32 $0x1;
	s30 =	sshrl.u32 s9, $0x2;
	s6 =	sadd.s32 s6, s8  }
0xb: {  	s7 =	sadd.s32 $0x800, s7;
	[sflag:s5] =	ssyncpa.u1 $0x0;
	s6 =	smul.u32 s30, s6  }
0xc: {  	s11 =	smov.u32 s3;
	s10 =	smov.u32 s4;
	[sflag:s31] =	ssyncpa.u1 $0x0  }
0xd: {  	p0 =	por $0x0, $0x0;
	s9 =	simm.s32 $0x2000;
	s8 =	sadd.s32 $0x1, s6  }
.LBB1_4:
0xe: {  	s17 =	sand.u32 $0x1F80, s14;
	s13 =	sshll.u32 s13, $0xD  }
0xf: {  	[tilespmem:s16+$0x810 ss:$0x81] =	vst.msk $0xffff, v2;
	s18 =	sshrl.u32 s14, $0x3;
	s31 =	sand.u32 $0x7, s14;
	s17 =	sadd.s32 s2, s17  }
0x10: {  	[tilespmem:s16+$0x1020 ss:$0x81] =	vst.msk $0xffff, v0;
	s18 =	sand.u32 $0xF, s18;
	s14 =	sshll.u32 s31, $0x12;
	s13 =	sadd.s32 s13, s17  }
0x11: {  	[tilespmem:s16+$0x0 ss:$0x81] =	vst.msk $0xffff, v1;
	s14 =	sor.u32 $0x400, s14;
	s13 =	sadd.s32 s18, s13  }
0x12: {  	[hbm4b:s13+s14] =	stream.strided.scatter [tilespmem:s15], [sflag:$0x2], $0x2000, s9, s14, $0x20;
	[tilespmem:$0x8080] =	vst v63  }
.LBB1_5:
0x13: {  	s15 =	sadd.s32 $0x4, s10  }
0x14: {  	s13 =	sadd.s32 $0x400, s11;
	s17 =	smov.u32 s11;
	p2 =	sgt.s32 s15, $0x80  }
0x15: {  	s17 =	smov.u32 @p2 s13  }
0x16: {  	s15 =	smov.u32 @p2 s4;
	p2 =	sgt.s32 s17, $0x3FF  }
0x17: {  	s17 =	smov.u32 @p2 s3;
	p2 =	sne.s32 s12, s8  }
.Ltmp1:
0x18: {  	p1 =	slt.u32 s12, $0x2;
	(pc) =	sbr.rel @!p2 .LBB1_6-.Ltmp1, $4  }
0x19: {  	s16 =	simm.s32 @!p1 $0x2  }
0x1a: {  	s14 =	smov.u32 s11;
	p0 =	por !p0, !p0;
	_ =	swait.ge @!p1 [sflag:s16], $0x2000  }
0x1b: {  	s13 =	smov.u32 s10;
	[sflag:s16] =	ssyncset.done @!p1 $0x0;
	s10 =	smov.u32 s15  }
0x1c: {  	s12 =	sadd.s32 $0x1, s12;
	[sflag:s16] =	ssyncadd.s32 @!p1 $0xFFFFE000;
	s11 =	smov.u32 s17  }
.LBB1_1:
0x1d: {  	p1 =	sge.u32 s12, s6  }
0x1e: {  	s15 =	sand.u32 @!p1 $0x1FFFFFF, s10  }
0x1f: {  	s16 =	smulhi.u32 @!p1 $0x1E1E1E2, s15;
	_ =	sdelay $0x1  }
0x20: {  	s16 =	smul.u32 @!p1 $0x88, s16  }
0x21: {  	s17 =	sxor.u32 @!p1 $0xFFFFFFFF, s12;
	s18 =	smul.u32 @!p1 $0x880, s11  }
0x22: {  	s31 =	sadd.s32 $0xFFFFFFFF, s12;
	s17 =	sshll.u32 @!p1 s17, $0xD;
	s15 =	ssub.s32 @!p1 s15, s16  }
0x23: {  	s16 =	sand.u32 @!p1 $0x2000, s17;
	s17 =	sadd.s32 @!p1 s7, s18;
	s15 =	sshll.u32 @!p1 s15, $0x4  }
0x24: {  	s18 =	simm.s32 @!p1 $0x4400;
	s15 =	sadd.s32 @!p1 s15, s17;
	s17 =	simm.s32 @!p1 $0x40  }
0x25: {  	[tilespmem:s16], [sflag:$0x1] =	stream.strided.gather @!p1 [hbm4b:s15+s17], $0x2000, s18, s17, $0x38;
	[tilespmem:$0x8080] =	vst v63  }
0x26: {  	p1 =	sge.u32 s31, s6  }
.Ltmp2:
0x27: {  	_ = 	snop;
	(pc) =	sbr.rel @p1 .LBB1_5-.Ltmp2, $1  }
0x28: {  	_ =	sdelay $0x3  }
0x29: {  	s15 =	simm.s32 $0x1  }
0x2a: {  	_ =	swait.ge [sflag:s5], $0x2000;
	s15 =	simm.s32 @!p0 $0x0  }
0x2b: {  	[sflag:s5] =	ssyncset.done $0x0;
	s16 =	sshll.u32 s15, $0xD  }
0x2c: {  	[sflag:s5] =	ssyncadd.s32 $0xFFFFE000;
	s19 =	sor.u32 $0x20, s16  }
0x2d: {  	s15 =	smul.u32 $0x8100, s15;
	v3 =	vld [tilespmem:s19+$0x10]  }
0x2e: {  	s30 =	sand.u32 $0x1, s12;
	v2 =	vld [tilespmem:s19+$0xFFFFFFF0]  }
0x2f: {  	s16 =	smul.u32 $0x8100, s30;
	s15 =	sshrl.u32 s15, $0x2;
	v0 =	vld [tilespmem:s19+$0x0]  }
0x30: {  	v1 =	vld [tilespmem:s19+$0xFFFFFFE0];
	s17 =	sor.u32 $0x4000, s15  }
0x31: {  	s31 =	sshrl.u32 s16, $0x2;
	s16 =	sadd.s32 $0x0, s17  }
0x32: {  	s18 =	simm.s32 $0x4;
	s19 =	sadd.s32 $0x40, s19;
	s15 =	sor.u32 $0x4000, s31;
	[tilespmem:s16+$0x1830 ss:$0x81] =	vst.msk $0xffff, v3  }
.LBB1_3:
0x33: {  	v3 =	vld [tilespmem:s19+$0x10];
	p1 =	sne.s32 s18, $0x1FC;
	[tilespmem:s16+$0x810 ss:$0x81] =	vst.msk $0xffff, v2;
	s20 =	smov.u32 s18;
	s18 =	sadd.s32 $0x4, s18  }
.Ltmp3:
0x34: {  	v2 =	vld [tilespmem:s19+$0xFFFFFFF0];
	[tilespmem:s16+$0x1020 ss:$0x81] =	vst.msk $0xffff, v0;
	(pc) =	sbr.rel @p1 .LBB1_3-.Ltmp3, $4  }
0x35: {  	v0 =	vld [tilespmem:s19+$0x0];
	[tilespmem:s16+$0x0 ss:$0x81] =	vst.msk $0xffff, v1  }
0x36: {  	s16 =	sshra.s32 s20, $0x2;
	v1 =	vld [tilespmem:s19+$0xFFFFFFE0]  }
0x37: {  	s16 =	sadd.s32 s16, s17  }
0x38: {  	s19 =	sadd.s32 $0x40, s19;
	[tilespmem:s16+$0x1830 ss:$0x81] =	vst.msk $0xffff, v3  }
.Ltmp4:
0x39: {  	_ = 	snop;
	(pc) =	sbr.rel .LBB1_4-.Ltmp4, $1  }
0x3a: {  	_ =	sdelay $0x3  }
.LBB1_6:
0x3b: {  	_ =	sfence.sel $0x180000  }
0x3c: {  	s2 =	simm.s32 $0x1;
	[bflag:$0x0] =	sbarrier.arrive $0xFFFF  }
0x3d: {  	s31 =	simm.s32 $0x2;
	[sflag:s2] =	ssyncpa.u1 $0x1  }
0x3e: {  	[sflag:s31] =	ssyncpa.u1 $0x1  }
0x3f: {  	p0 =	sne.s32 s0, $0x0;
	_ =	strace $0x9000004A  }
0x40: {  	s0 =	sadd.s32 @!p0 $0x100000, s1;
	[bflag:$0x2] =	sbarrier.arrive $0xFFFF  }
0x41: {  	[sflag:s0] =	ssyncadd.tile.s32 @!p0 $0x1;
	_ =	shalt  }
.Lfunc_end1:
_tile_overlayer_lowered:
.L_overlay_start_2:
0x42: {  	(tag) =	ssettag $0x2  }
0x43: {  	s0 =	rddreg [dreg:$0x0];
	s2 =	stileid.u32  }
0x44: {  	s1 =	rddreg [dreg:$0x1];
	p0 =	sne.s32 s2, $0x0  }
0x45: {  	s3 =	rddreg [dreg:$0x2];
	[bflag:$0x3] =	sbarrier.arrive $0xFFFF;
	s2 =	simm.s32 @!p0 $0x1C01  }
0x46: {  	[timem:s3], [sflag:s2] =	dma.local @!p0 [hbm:s0], s1  }
0x47: {  	s0 =	simm.s32 @!p0 $0x1  }
0x48: {  	_ =	swait.ge @!p0 [sflag:s0], s1  }
0x49: {  	s1 =	ssub.s32 @!p0 $0x0, s1;
	[sflag:s0] =	ssyncset.done @!p0 $0x0  }
0x4a: {  	[sflag:s0] =	ssyncadd.s32 @!p0 s1  }
0x4b: {  	[bflag:$0x3] =	sbarrier.arrive $0xFFFF  }
0x4c: {  	_ =	shalt  }

</sc_bundles>
